<compile_context>
chip_gen: v7x
topology: tpu7x:2x2x1
jax: 0.10.2.dev20260603
libtpu: 0.0.44.dev20260713+nightly
codegen_flags: <defaults>
</compile_context>

<pallas_src>
import functools

import jax
import jax.numpy as jnp
from jax import lax
from jax.experimental import pallas as pl
from jax.experimental.pallas import tpu as pltpu
from jax.experimental.pallas import tpu_sc as plsc

_NQ = 23
_DIM = 2 ** _NQ
_Q = _DIM // 4
_HALF = _DIM // 2
_NC = 2
_NS = 16
_NW = _NC * _NS
_BLEND_W = _Q // _NW
_CH = 8192
_NCHUNK = _BLEND_W // _CH
_CPC = _HALF // _NC
_SCH = 65536
_NSCH = _CPC // _SCH
_LANES = 16
_UNROLL = 8

_mesh = plsc.VectorSubcoreMesh(core_axis_name="c", subcore_axis_name="s")


@functools.partial(
    pl.kernel,
    mesh=_mesh,
    out_type=jax.ShapeDtypeStruct((_DIM,), jnp.float32),
    scratch_types=[
        pltpu.VMEM((4, _LANES), jnp.float32),
        pltpu.VMEM((_CH,), jnp.float32),
        pltpu.VMEM((_CH,), jnp.float32),
        pltpu.VMEM((_CH,), jnp.float32),
        pltpu.VMEM((_CH,), jnp.float32),
        pltpu.VMEM((_CH,), jnp.float32),
        pltpu.VMEM((_CH,), jnp.float32),
        pltpu.VMEM((_CH,), jnp.float32),
        pltpu.VMEM((_CH,), jnp.float32),
        pltpu.VMEM_SHARED((8, _SCH), jnp.float32),
        pltpu.SemaphoreType.DMA,
        pltpu.SemaphoreType.DMA,
        pltpu.SemaphoreType.DMA,
        pltpu.SemaphoreType.DMA,
        pltpu.SemaphoreType.DMA,
        pltpu.SemaphoreType.DMA,
        pltpu.SemaphoreType.DMA,
        pltpu.SemaphoreType.DMA,
    ],
)
def _cgate(state_hbm, u_hbm, out_hbm, u_v,
           a0b0, a0b1, a1b0, a1b1, o0b0, o0b1, o1b0, o1b1, s_v,
           si0, si1, so0, so1, ci0, ci1, co0, co1):
    a0_v = (a0b0, a0b1)
    a1_v = (a1b0, a1b1)
    o0_v = (o0b0, o0b1)
    o1_v = (o1b0, o1b1)
    si = (si0, si1)
    so = (so0, so1)
    ci = (ci0, ci1)
    co = (co0, co1)
    cid = lax.axis_index("c")
    sid = lax.axis_index("s")
    wid = sid * _NC + cid

    pltpu.sync_copy(u_hbm, u_v)
    u00 = u_v[0]
    u01 = u_v[1]
    u10 = u_v[2]
    u11 = u_v[3]

    base = wid * _BLEND_W
    cbase = cid * _CPC

    def off0(k):
        return 2 * _Q + base + k * _CH

    def off1(k):
        return 3 * _Q + base + k * _CH

    def cp_in(t, j):
        g = 4 * j + t
        row = 2 * t + (j & 1)
        return pltpu.make_async_copy(
            state_hbm.at[pl.ds(cbase + g * _SCH, _SCH)], s_v.at[row],
            ci[j & 1])

    def cp_out(t, j):
        g = 4 * j + t
        row = 2 * t + (j & 1)
        return pltpu.make_async_copy(
            s_v.at[row], out_hbm.at[pl.ds(cbase + g * _SCH, _SCH)],
            co[j & 1])

    _NJOB = _NSCH // 4

    h_in = {}
    h_out = {}

    def start_in(k):
        b = k & 1
        h_in[k] = (
            pltpu.async_copy(state_hbm.at[pl.ds(off0(k), _CH)],
                             a0_v[b], si[b]),
            pltpu.async_copy(state_hbm.at[pl.ds(off1(k), _CH)],
                             a1_v[b], si[b]),
        )

    for t, sv in ((0, 0), (1, 4), (2, 8), (3, 12)):
        @pl.when(sid == sv)
        def _():
            cp_in(t, 0).start()

    start_in(0)
    start_in(1)

    for k in range(_NCHUNK):
        b = k & 1
        if k >= 2:
            for h in h_out[k - 2]:
                h.wait()
        for h in h_in[k]:
            h.wait()

        a0b = a0_v[b]
        a1b = a1_v[b]
        o0b = o0_v[b]
        o1b = o1_v[b]

        @plsc.parallel_loop(0, _CH // _LANES, unroll=_UNROLL)
        def body(i):
            sl = pl.ds(i * _LANES, _LANES)
            a0 = a0b[sl]
            a1 = a1b[sl]
            o0b[sl] = u00 * a0 + u01 * a1
            o1b[sl] = u10 * a0 + u11 * a1

        h_out[k] = (
            pltpu.async_copy(o0b, out_hbm.at[pl.ds(off0(k), _CH)], so[b]),
            pltpu.async_copy(o1b, out_hbm.at[pl.ds(off1(k), _CH)], so[b]),
        )
        if k + 2 < _NCHUNK:
            start_in(k + 2)

        j = k
        if j < _NJOB:
            for t, sv in ((0, 0), (1, 4), (2, 8), (3, 12)):
                @pl.when(sid == sv)
                def _():
                    if j >= 1:
                        cp_out(t, j - 1).wait()
                    if j + 1 < _NJOB:
                        cp_in(t, j + 1).start()
                    cp_in(t, j).wait()
                    cp_out(t, j).start()

    for k in (_NCHUNK - 2, _NCHUNK - 1):
        for h in h_out[k]:
            h.wait()

    for t, sv in ((0, 0), (1, 4), (2, 8), (3, 12)):
        @pl.when(sid == sv)
        def _():
            cp_out(t, _NJOB - 1).wait()


def kernel(state, U):
    u_rows = jnp.tile(U.astype(jnp.float32).reshape(4, 1), (1, _LANES))
    return _cgate(state, u_rows)

# --- scband reference (transcript-rebuilt; emitter-appended) ---
"""Pipeline reference for scband-built-controlled-31662498906409 (READ-ONLY COPY).

The authoritative reference and input builder live on the scoring server;
editing this copy changes nothing except your own understanding.
"""

import jax, jax.numpy as jnp
import numpy as np

NUM_QUBITS = 23
CONTROL = 0
TARGET = 1
DIM = 2 ** NUM_QUBITS


def _insert_zero_bit(x, pos):
    low = x & ((1 << pos) - 1)
    high = (x >> pos) << (pos + 1)
    return high | low


def setup_inputs(seed: int = 0) -> dict:
    key = jax.random.key(seed)
    k1, k2 = jax.random.split(key)
    state = jax.random.normal(k1, (DIM,), dtype=jnp.float32)
    U = jax.random.normal(k2, (2, 2), dtype=jnp.float32)
    return {"state": state, "U": U}


def reference(state, U):
    # Controlled single-qubit gate applied to a 2^n statevector.
    # Bit convention from the torch module: qubit q maps to bit (n - q - 1).
    n = NUM_QUBITS
    cbit = n - CONTROL - 1
    tbit = n - TARGET - 1
    base = jnp.arange(DIM // 4, dtype=jnp.int32)
    # insert zero bits at the target and control positions (tbit < cbit)
    idx = _insert_zero_bit(_insert_zero_bit(base, tbit), cbit)
    idx0 = idx | (1 << cbit)          # control bit = 1, target bit = 0
    idx1 = idx0 | (1 << tbit)         # control bit = 1, target bit = 1
    a0 = jnp.take(state, idx0)
    a1 = jnp.take(state, idx1)
    new0 = U[0, 0] * a0 + U[0, 1] * a1
    new1 = U[1, 0] * a0 + U[1, 1] * a1
    out = state.at[idx0].set(new0).at[idx1].set(new1)
    return out

if __name__ == "__main__":
    import jax
    _d = setup_inputs()
    print(jax.jit(kernel)(*tuple(_d.values())))

</pallas_src>

<mosaic_0001>
#map = affine_map<(d0, d1) -> (0)>
#map1 = affine_map<(d0, d1) -> (0, 0)>
module attributes {stable_mosaic.version = 14 : i64} {
  func.func @_cgate(%arg0: i32, %arg1: i32, %arg2: memref<8388608xf32, #tpu.memory_space<hbm>>, %arg3: memref<4x16xf32, #tpu.memory_space<hbm>>, %arg4: memref<8388608xf32, #tpu.memory_space<hbm>>, %arg5: memref<4x16xf32, #tpu.memory_space<vmem>>, %arg6: memref<8192xf32, #tpu.memory_space<vmem>>, %arg7: memref<8192xf32, #tpu.memory_space<vmem>>, %arg8: memref<8192xf32, #tpu.memory_space<vmem>>, %arg9: memref<8192xf32, #tpu.memory_space<vmem>>, %arg10: memref<8192xf32, #tpu.memory_space<vmem>>, %arg11: memref<8192xf32, #tpu.memory_space<vmem>>, %arg12: memref<8192xf32, #tpu.memory_space<vmem>>, %arg13: memref<8192xf32, #tpu.memory_space<vmem>>, %arg14: memref<8x65536xf32, #tpu.memory_space<vmem_shared>>, %arg15: memref<!tpu.dma_semaphore, #tpu.memory_space<semaphore_mem>>, %arg16: memref<!tpu.dma_semaphore, #tpu.memory_space<semaphore_mem>>, %arg17: memref<!tpu.dma_semaphore, #tpu.memory_space<semaphore_mem>>, %arg18: memref<!tpu.dma_semaphore, #tpu.memory_space<semaphore_mem>>, %arg19: memref<!tpu.dma_semaphore, #tpu.memory_space<semaphore_mem>>, %arg20: memref<!tpu.dma_semaphore, #tpu.memory_space<semaphore_mem>>, %arg21: memref<!tpu.dma_semaphore, #tpu.memory_space<semaphore_mem>>, %arg22: memref<!tpu.dma_semaphore, #tpu.memory_space<semaphore_mem>>) attributes {dimension_semantics = [#tpu.dimension_semantics<core_parallel>, #tpu.dimension_semantics<subcore_parallel>], iteration_bounds = array<i64: 2, 16>, scalar_prefetch = 0 : i64, scratch_operands = 18 : i64, tpu.core_type = #tpu.core_type<sc_vector_subcore>, window_params = [{transform_indices = #map}, {transform_indices = #map1}, {transform_indices = #map}]} {
    %mul3A = arith.constant 2 : i32
    %mul3A_0 = arith.muli %arg1, %mul3A : i32
    %add3A = arith.addi %mul3A_0, %arg0 : i32
    "tpu.region"() ({
      %run_scoped3A = tpu.sem_alloc : memref<!tpu.dma_semaphore, #tpu.memory_space<semaphore_mem>>
      tpu.enqueue_dma source(%arg3 : memref<4x16xf32, #tpu.memory_space<hbm>>) target(%arg5 : memref<4x16xf32, #tpu.memory_space<vmem>>) target_semaphore(%run_scoped3A : memref<!tpu.dma_semaphore, #tpu.memory_space<semaphore_mem>>)
      tpu.wait_dma2 semaphore(%run_scoped3A : memref<!tpu.dma_semaphore, #tpu.memory_space<semaphore_mem>>) src(%arg3 : memref<4x16xf32, #tpu.memory_space<hbm>>) dst(%arg5 : memref<4x16xf32, #tpu.memory_space<vmem>>)
      tpu.yield
    }) : () -> ()
    %get3A = arith.constant 0 : i32
    %get3A_1 = arith.index_cast %get3A : i32 to index
    %get3A_2 = arith.constant 0 : index
    %get3A_3 = tpu.vector_load %arg5[%get3A_1, %get3A_2] {strides = array<i32>} : memref<4x16xf32, #tpu.memory_space<vmem>>, vector<1x16xf32>,
    %get3A_4 = vector.shape_cast %get3A_3 : vector<1x16xf32> to vector<16xf32>
    %get3A_5 = arith.constant 1 : i32
    %get3A_6 = arith.index_cast %get3A_5 : i32 to index
    %get3A_7 = arith.constant 0 : index
    %get3A_8 = tpu.vector_load %arg5[%get3A_6, %get3A_7] {strides = array<i32>} : memref<4x16xf32, #tpu.memory_space<vmem>>, vector<1x16xf32>,
    %get3A_9 = vector.shape_cast %get3A_8 : vector<1x16xf32> to vector<16xf32>
    %get3A_10 = arith.constant 2 : i32
    %get3A_11 = arith.index_cast %get3A_10 : i32 to index
    %get3A_12 = arith.constant 0 : index
    %get3A_13 = tpu.vector_load %arg5[%get3A_11, %get3A_12] {strides = array<i32>} : memref<4x16xf32, #tpu.memory_space<vmem>>, vector<1x16xf32>,
    %get3A_14 = vector.shape_cast %get3A_13 : vector<1x16xf32> to vector<16xf32>
    %get3A_15 = arith.constant 3 : i32
    %get3A_16 = arith.index_cast %get3A_15 : i32 to index
    %get3A_17 = arith.constant 0 : index
    %get3A_18 = tpu.vector_load %arg5[%get3A_16, %get3A_17] {strides = array<i32>} : memref<4x16xf32, #tpu.memory_space<vmem>>, vector<1x16xf32>,
    %get3A_19 = vector.shape_cast %get3A_18 : vector<1x16xf32> to vector<16xf32>
    %mul3A_20 = arith.constant 65536 : i32
    %mul3A_21 = arith.muli %add3A, %mul3A_20 : i32
    %mul3A_22 = arith.constant 2097152 : i32
    %mul3A_23 = arith.muli %arg0, %mul3A_22 : i32
    %eq3A = arith.constant 0 : i32
    %eq3A_24 = arith.cmpi eq, %arg1, %eq3A : i32
    %convert_element_type3A = arith.extui %eq3A_24 : i1 to i32
    %cond3A = arith.constant 0 : i32
    %cond3A_25 = arith.cmpi ne, %convert_element_type3A, %cond3A : i32
    scf.if %cond3A_25 {
      %add3A_498 = arith.constant 0 : i32
      %add3A_499 = arith.addi %mul3A_23, %add3A_498 : i32
      %dma_start3A_500 = arith.constant 0 : i32
      %dma_start3A_501 = arith.constant 0 : i32
      %dma_start3A_502 = tpu.memref_slice %arg14[%dma_start3A_500, %dma_start3A_501] : memref<8x65536xf32, #tpu.memory_space<vmem_shared>> -> memref<1x65536xf32, #tpu.memory_space<vmem_shared>>
      %dma_start3A_503 = tpu.memref_squeeze %dma_start3A_502 : memref<1x65536xf32, #tpu.memory_space<vmem_shared>> -> memref<65536xf32, #tpu.memory_space<vmem_shared>>
      %dma_start3A_504 = tpu.memref_slice %arg2[%add3A_499] : memref<8388608xf32, #tpu.memory_space<hbm>> -> memref<65536xf32, #tpu.memory_space<hbm>>
      tpu.enqueue_dma source(%dma_start3A_504 : memref<65536xf32, #tpu.memory_space<hbm>>) target(%dma_start3A_503 : memref<65536xf32, #tpu.memory_space<vmem_shared>>) target_semaphore(%arg19 : memref<!tpu.dma_semaphore, #tpu.memory_space<semaphore_mem>>)
    } else {
    }
    %eq3A_26 = arith.constant 4 : i32
    %eq3A_27 = arith.cmpi eq, %arg1, %eq3A_26 : i32
    %convert_element_type3A_28 = arith.extui %eq3A_27 : i1 to i32
    %cond3A_29 = arith.constant 0 : i32
    %cond3A_30 = arith.cmpi ne, %convert_element_type3A_28, %cond3A_29 : i32
    scf.if %cond3A_30 {
      %add3A_498 = arith.constant 65536 : i32
      %add3A_499 = arith.addi %mul3A_23, %add3A_498 : i32
      %dma_start3A_500 = arith.constant 2 : i32
      %dma_start3A_501 = arith.constant 0 : i32
      %dma_start3A_502 = tpu.memref_slice %arg14[%dma_start3A_500, %dma_start3A_501] : memref<8x65536xf32, #tpu.memory_space<vmem_shared>> -> memref<1x65536xf32, #tpu.memory_space<vmem_shared>>
      %dma_start3A_503 = tpu.memref_squeeze %dma_start3A_502 : memref<1x65536xf32, #tpu.memory_space<vmem_shared>> -> memref<65536xf32, #tpu.memory_space<vmem_shared>>
      %dma_start3A_504 = tpu.memref_slice %arg2[%add3A_499] : memref<8388608xf32, #tpu.memory_space<hbm>> -> memref<65536xf32, #tpu.memory_space<hbm>>
      tpu.enqueue_dma source(%dma_start3A_504 : memref<65536xf32, #tpu.memory_space<hbm>>) target(%dma_start3A_503 : memref<65536xf32, #tpu.memory_space<vmem_shared>>) target_semaphore(%arg19 : memref<!tpu.dma_semaphore, #tpu.memory_space<semaphore_mem>>)
    } else {
    }
    %eq3A_31 = arith.constant 8 : i32
    %eq3A_32 = arith.cmpi eq, %arg1, %eq3A_31 : i32
    %convert_element_type3A_33 = arith.extui %eq3A_32 : i1 to i32
    %cond3A_34 = arith.constant 0 : i32
    %cond3A_35 = arith.cmpi ne, %convert_element_type3A_33, %cond3A_34 : i32
    scf.if %cond3A_35 {
      %add3A_498 = arith.constant 131072 : i32
      %add3A_499 = arith.addi %mul3A_23, %add3A_498 : i32
      %dma_start3A_500 = arith.constant 4 : i32
      %dma_start3A_501 = arith.constant 0 : i32
      %dma_start3A_502 = tpu.memref_slice %arg14[%dma_start3A_500, %dma_start3A_501] : memref<8x65536xf32, #tpu.memory_space<vmem_shared>> -> memref<1x65536xf32, #tpu.memory_space<vmem_shared>>
      %dma_start3A_503 = tpu.memref_squeeze %dma_start3A_502 : memref<1x65536xf32, #tpu.memory_space<vmem_shared>> -> memref<65536xf32, #tpu.memory_space<vmem_shared>>
      %dma_start3A_504 = tpu.memref_slice %arg2[%add3A_499] : memref<8388608xf32, #tpu.memory_space<hbm>> -> memref<65536xf32, #tpu.memory_space<hbm>>
      tpu.enqueue_dma source(%dma_start3A_504 : memref<65536xf32, #tpu.memory_space<hbm>>) target(%dma_start3A_503 : memref<65536xf32, #tpu.memory_space<vmem_shared>>) target_semaphore(%arg19 : memref<!tpu.dma_semaphore, #tpu.memory_space<semaphore_mem>>)
    } else {
    }
    %eq3A_36 = arith.constant 12 : i32
    %eq3A_37 = arith.cmpi eq, %arg1, %eq3A_36 : i32
    %convert_element_type3A_38 = arith.extui %eq3A_37 : i1 to i32
    %cond3A_39 = arith.constant 0 : i32
    %cond3A_40 = arith.cmpi ne, %convert_element_type3A_38, %cond3A_39 : i32
    scf.if %cond3A_40 {
      %add3A_498 = arith.constant 196608 : i32
      %add3A_499 = arith.addi %mul3A_23, %add3A_498 : i32
      %dma_start3A_500 = arith.constant 6 : i32
      %dma_start3A_501 = arith.constant 0 : i32
      %dma_start3A_502 = tpu.memref_slice %arg14[%dma_start3A_500, %dma_start3A_501] : memref<8x65536xf32, #tpu.memory_space<vmem_shared>> -> memref<1x65536xf32, #tpu.memory_space<vmem_shared>>
      %dma_start3A_503 = tpu.memref_squeeze %dma_start3A_502 : memref<1x65536xf32, #tpu.memory_space<vmem_shared>> -> memref<65536xf32, #tpu.memory_space<vmem_shared>>
      %dma_start3A_504 = tpu.memref_slice %arg2[%add3A_499] : memref<8388608xf32, #tpu.memory_space<hbm>> -> memref<65536xf32, #tpu.memory_space<hbm>>
      tpu.enqueue_dma source(%dma_start3A_504 : memref<65536xf32, #tpu.memory_space<hbm>>) target(%dma_start3A_503 : memref<65536xf32, #tpu.memory_space<vmem_shared>>) target_semaphore(%arg19 : memref<!tpu.dma_semaphore, #tpu.memory_space<semaphore_mem>>)
    } else {
    }
    %add3A_41 = arith.constant 4194304 : i32
    %add3A_42 = arith.addi %add3A_41, %mul3A_21 : i32
    %add3A_43 = arith.constant 0 : i32
    %add3A_44 = arith.addi %add3A_42, %add3A_43 : i32
    %dma_start3A = tpu.memref_slice %arg2[%add3A_44] : memref<8388608xf32, #tpu.memory_space<hbm>> -> memref<8192xf32, #tpu.memory_space<hbm>>
    %dma_start3A_45 = tpu.memref_slice %arg2[%add3A_44] : memref<8388608xf32, #tpu.memory_space<hbm>> -> memref<8192xf32, #tpu.memory_space<hbm>>
    tpu.enqueue_dma source(%dma_start3A_45 : memref<8192xf32, #tpu.memory_space<hbm>>) target(%arg6 : memref<8192xf32, #tpu.memory_space<vmem>>) target_semaphore(%arg15 : memref<!tpu.dma_semaphore, #tpu.memory_space<semaphore_mem>>)
    %add3A_46 = arith.constant 6291456 : i32
    %add3A_47 = arith.addi %add3A_46, %mul3A_21 : i32
    %add3A_48 = arith.constant 0 : i32
    %add3A_49 = arith.addi %add3A_47, %add3A_48 : i32
    %dma_start3A_50 = tpu.memref_slice %arg2[%add3A_49] : memref<8388608xf32, #tpu.memory_space<hbm>> -> memref<8192xf32, #tpu.memory_space<hbm>>
    %dma_start3A_51 = tpu.memref_slice %arg2[%add3A_49] : memref<8388608xf32, #tpu.memory_space<hbm>> -> memref<8192xf32, #tpu.memory_space<hbm>>
    tpu.enqueue_dma source(%dma_start3A_51 : memref<8192xf32, #tpu.memory_space<hbm>>) target(%arg8 : memref<8192xf32, #tpu.memory_space<vmem>>) target_semaphore(%arg15 : memref<!tpu.dma_semaphore, #tpu.memory_space<semaphore_mem>>)
    %add3A_52 = arith.constant 4194304 : i32
    %add3A_53 = arith.addi %add3A_52, %mul3A_21 : i32
    %add3A_54 = arith.constant 8192 : i32
    %add3A_55 = arith.addi %add3A_53, %add3A_54 : i32
    %dma_start3A_56 = tpu.memref_slice %arg2[%add3A_55] : memref<8388608xf32, #tpu.memory_space<hbm>> -> memref<8192xf32, #tpu.memory_space<hbm>>
    %dma_start3A_57 = tpu.memref_slice %arg2[%add3A_55] : memref<8388608xf32, #tpu.memory_space<hbm>> -> memref<8192xf32, #tpu.memory_space<hbm>>
    tpu.enqueue_dma source(%dma_start3A_57 : memref<8192xf32, #tpu.memory_space<hbm>>) target(%arg7 : memref<8192xf32, #tpu.memory_space<vmem>>) target_semaphore(%arg16 : memref<!tpu.dma_semaphore, #tpu.memory_space<semaphore_mem>>)
    %add3A_58 = arith.constant 6291456 : i32
    %add3A_59 = arith.addi %add3A_58, %mul3A_21 : i32
    %add3A_60 = arith.constant 8192 : i32
    %add3A_61 = arith.addi %add3A_59, %add3A_60 : i32
    %dma_start3A_62 = tpu.memref_slice %arg2[%add3A_61] : memref<8388608xf32, #tpu.memory_space<hbm>> -> memref<8192xf32, #tpu.memory_space<hbm>>
    %dma_start3A_63 = tpu.memref_slice %arg2[%add3A_61] : memref<8388608xf32, #tpu.memory_space<hbm>> -> memref<8192xf32, #tpu.memory_space<hbm>>
    tpu.enqueue_dma source(%dma_start3A_63 : memref<8192xf32, #tpu.memory_space<hbm>>) target(%arg9 : memref<8192xf32, #tpu.memory_space<vmem>>) target_semaphore(%arg16 : memref<!tpu.dma_semaphore, #tpu.memory_space<semaphore_mem>>)
    %dma_wait3A = tpu.memref_slice %arg2[%add3A_44] : memref<8388608xf32, #tpu.memory_space<hbm>> -> memref<8192xf32, #tpu.memory_space<hbm>>
    %dma_wait3A_64 = tpu.memref_slice %arg2[%add3A_44] : memref<8388608xf32, #tpu.memory_space<hbm>> -> memref<8192xf32, #tpu.memory_space<hbm>>
    tpu.wait_dma2 semaphore(%arg15 : memref<!tpu.dma_semaphore, #tpu.memory_space<semaphore_mem>>) src(%dma_wait3A_64 : memref<8192xf32, #tpu.memory_space<hbm>>) dst(%arg6 : memref<8192xf32, #tpu.memory_space<vmem>>)
    %dma_wait3A_65 = tpu.memref_slice %arg2[%add3A_49] : memref<8388608xf32, #tpu.memory_space<hbm>> -> memref<8192xf32, #tpu.memory_space<hbm>>
    %dma_wait3A_66 = tpu.memref_slice %arg2[%add3A_49] : memref<8388608xf32, #tpu.memory_space<hbm>> -> memref<8192xf32, #tpu.memory_space<hbm>>
    tpu.wait_dma2 semaphore(%arg15 : memref<!tpu.dma_semaphore, #tpu.memory_space<semaphore_mem>>) src(%dma_wait3A_66 : memref<8192xf32, #tpu.memory_space<hbm>>) dst(%arg8 : memref<8192xf32, #tpu.memory_space<vmem>>)
    %parallel_loop3A = arith.constant 0 : i32
    %parallel_loop3A_67 = arith.constant 512 : i32
    %parallel_loop3A_68 = arith.constant 1 : i32
    scf.for %parallel_loop3A_498 = %parallel_loop3A to %parallel_loop3A_67 step %parallel_loop3A_68  : i32 {
      %parallel_loop3A_499 = arith.constant 16 : i32
      %parallel_loop3A_500 = arith.muli %parallel_loop3A_498, %parallel_loop3A_499 : i32
      %parallel_loop3A_501 = arith.index_cast %parallel_loop3A_500 : i32 to index
      %parallel_loop3A_502 = tpu.vector_load %arg6[%parallel_loop3A_501] {strides = array<i32>} : memref<8192xf32, #tpu.memory_space<vmem>>, vector<16xf32>,
      %parallel_loop3A_503 = vector.shape_cast %parallel_loop3A_502 : vector<16xf32> to vector<16xf32>
      %parallel_loop3A_504 = arith.index_cast %parallel_loop3A_500 : i32 to index
      %parallel_loop3A_505 = tpu.vector_load %arg8[%parallel_loop3A_504] {strides = array<i32>} : memref<8192xf32, #tpu.memory_space<vmem>>, vector<16xf32>,
      %parallel_loop3A_506 = vector.shape_cast %parallel_loop3A_505 : vector<16xf32> to vector<16xf32>
      %parallel_loop3A_507 = arith.mulf %get3A_4, %parallel_loop3A_503 : vector<16xf32>
      %parallel_loop3A_508 = arith.mulf %get3A_9, %parallel_loop3A_506 : vector<16xf32>
      %parallel_loop3A_509 = arith.addf %parallel_loop3A_507, %parallel_loop3A_508 : vector<16xf32>
      %parallel_loop3A_510 = arith.index_cast %parallel_loop3A_500 : i32 to index
      %parallel_loop3A_511 = tpu.vector_load %arg10[%parallel_loop3A_510] {strides = array<i32>} : memref<8192xf32, #tpu.memory_space<vmem>>, vector<16xf32>,
      %parallel_loop3A_512 = vector.shape_cast %parallel_loop3A_511 : vector<16xf32> to vector<16xf32>
      %parallel_loop3A_513 = vector.shape_cast %parallel_loop3A_509 : vector<16xf32> to vector<16xf32>
      tpu.vector_store %arg10[%parallel_loop3A_510], %parallel_loop3A_513 {strides = array<i32>} : memref<8192xf32, #tpu.memory_space<vmem>>, vector<16xf32>,
      %parallel_loop3A_514 = arith.mulf %get3A_14, %parallel_loop3A_503 : vector<16xf32>
      %parallel_loop3A_515 = arith.mulf %get3A_19, %parallel_loop3A_506 : vector<16xf32>
      %parallel_loop3A_516 = arith.addf %parallel_loop3A_514, %parallel_loop3A_515 : vector<16xf32>
      %parallel_loop3A_517 = arith.index_cast %parallel_loop3A_500 : i32 to index
      %parallel_loop3A_518 = tpu.vector_load %arg12[%parallel_loop3A_517] {strides = array<i32>} : memref<8192xf32, #tpu.memory_space<vmem>>, vector<16xf32>,
      %parallel_loop3A_519 = vector.shape_cast %parallel_loop3A_518 : vector<16xf32> to vector<16xf32>
      %parallel_loop3A_520 = vector.shape_cast %parallel_loop3A_516 : vector<16xf32> to vector<16xf32>
      tpu.vector_store %arg12[%parallel_loop3A_517], %parallel_loop3A_520 {strides = array<i32>} : memref<8192xf32, #tpu.memory_space<vmem>>, vector<16xf32>,
    } {sc.loop_unroll_factor = 8 : i64, sc.parallel_access}
    %add3A_69 = arith.constant 4194304 : i32
    %add3A_70 = arith.addi %add3A_69, %mul3A_21 : i32
    %add3A_71 = arith.constant 0 : i32
    %add3A_72 = arith.addi %add3A_70, %add3A_71 : i32
    %dma_start3A_73 = tpu.memref_slice %arg4[%add3A_72] : memref<8388608xf32, #tpu.memory_space<hbm>> -> memref<8192xf32, #tpu.memory_space<hbm>>
    %dma_start3A_74 = tpu.memref_slice %arg4[%add3A_72] : memref<8388608xf32, #tpu.memory_space<hbm>> -> memref<8192xf32, #tpu.memory_space<hbm>>
    tpu.enqueue_dma source(%arg10 : memref<8192xf32, #tpu.memory_space<vmem>>) target(%dma_start3A_74 : memref<8192xf32, #tpu.memory_space<hbm>>) target_semaphore(%arg17 : memref<!tpu.dma_semaphore, #tpu.memory_space<semaphore_mem>>)
    %add3A_75 = arith.constant 6291456 : i32
    %add3A_76 = arith.addi %add3A_75, %mul3A_21 : i32
    %add3A_77 = arith.constant 0 : i32
    %add3A_78 = arith.addi %add3A_76, %add3A_77 : i32
    %dma_start3A_79 = tpu.memref_slice %arg4[%add3A_78] : memref<8388608xf32, #tpu.memory_space<hbm>> -> memref<8192xf32, #tpu.memory_space<hbm>>
    %dma_start3A_80 = tpu.memref_slice %arg4[%add3A_78] : memref<8388608xf32, #tpu.memory_space<hbm>> -> memref<8192xf32, #tpu.memory_space<hbm>>
    tpu.enqueue_dma source(%arg12 : memref<8192xf32, #tpu.memory_space<vmem>>) target(%dma_start3A_80 : memref<8192xf32, #tpu.memory_space<hbm>>) target_semaphore(%arg17 : memref<!tpu.dma_semaphore, #tpu.memory_space<semaphore_mem>>)
    %add3A_81 = arith.constant 4194304 : i32
    %add3A_82 = arith.addi %add3A_81, %mul3A_21 : i32
    %add3A_83 = arith.constant 16384 : i32
    %add3A_84 = arith.addi %add3A_82, %add3A_83 : i32
    %dma_start3A_85 = tpu.memref_slice %arg2[%add3A_84] : memref<8388608xf32, #tpu.memory_space<hbm>> -> memref<8192xf32, #tpu.memory_space<hbm>>
    %dma_start3A_86 = tpu.memref_slice %arg2[%add3A_84] : memref<8388608xf32, #tpu.memory_space<hbm>> -> memref<8192xf32, #tpu.memory_space<hbm>>
    tpu.enqueue_dma source(%dma_start3A_86 : memref<8192xf32, #tpu.memory_space<hbm>>) target(%arg6 : memref<8192xf32, #tpu.memory_space<vmem>>) target_semaphore(%arg15 : memref<!tpu.dma_semaphore, #tpu.memory_space<semaphore_mem>>)
    %add3A_87 = arith.constant 6291456 : i32
    %add3A_88 = arith.addi %add3A_87, %mul3A_21 : i32
    %add3A_89 = arith.constant 16384 : i32
    %add3A_90 = arith.addi %add3A_88, %add3A_89 : i32
    %dma_start3A_91 = tpu.memref_slice %arg2[%add3A_90] : memref<8388608xf32, #tpu.memory_space<hbm>> -> memref<8192xf32, #tpu.memory_space<hbm>>
    %dma_start3A_92 = tpu.memref_slice %arg2[%add3A_90] : memref<8388608xf32, #tpu.memory_space<hbm>> -> memref<8192xf32, #tpu.memory_space<hbm>>
    tpu.enqueue_dma source(%dma_start3A_92 : memref<8192xf32, #tpu.memory_space<hbm>>) target(%arg8 : memref<8192xf32, #tpu.memory_space<vmem>>) target_semaphore(%arg15 : memref<!tpu.dma_semaphore, #tpu.memory_space<semaphore_mem>>)
    %eq3A_93 = arith.constant 0 : i32
    %eq3A_94 = arith.cmpi eq, %arg1, %eq3A_93 : i32
    %convert_element_type3A_95 = arith.extui %eq3A_94 : i1 to i32
    %cond3A_96 = arith.constant 0 : i32
    %cond3A_97 = arith.cmpi ne, %convert_element_type3A_95, %cond3A_96 : i32
    scf.if %cond3A_97 {
      %add3A_498 = arith.constant 262144 : i32
      %add3A_499 = arith.addi %mul3A_23, %add3A_498 : i32
      %dma_start3A_500 = arith.constant 1 : i32
      %dma_start3A_501 = arith.constant 0 : i32
      %dma_start3A_502 = tpu.memref_slice %arg14[%dma_start3A_500, %dma_start3A_501] : memref<8x65536xf32, #tpu.memory_space<vmem_shared>> -> memref<1x65536xf32, #tpu.memory_space<vmem_shared>>
      %dma_start3A_503 = tpu.memref_squeeze %dma_start3A_502 : memref<1x65536xf32, #tpu.memory_space<vmem_shared>> -> memref<65536xf32, #tpu.memory_space<vmem_shared>>
      %dma_start3A_504 = tpu.memref_slice %arg2[%add3A_499] : memref<8388608xf32, #tpu.memory_space<hbm>> -> memref<65536xf32, #tpu.memory_space<hbm>>
      tpu.enqueue_dma source(%dma_start3A_504 : memref<65536xf32, #tpu.memory_space<hbm>>) target(%dma_start3A_503 : memref<65536xf32, #tpu.memory_space<vmem_shared>>) target_semaphore(%arg20 : memref<!tpu.dma_semaphore, #tpu.memory_space<semaphore_mem>>)
      %add3A_505 = arith.constant 0 : i32
      %add3A_506 = arith.addi %mul3A_23, %add3A_505 : i32
      %dma_wait3A_507 = arith.constant 0 : i32
      %dma_wait3A_508 = arith.constant 0 : i32
      %dma_wait3A_509 = tpu.memref_slice %arg14[%dma_wait3A_507, %dma_wait3A_508] : memref<8x65536xf32, #tpu.memory_space<vmem_shared>> -> memref<1x65536xf32, #tpu.memory_space<vmem_shared>>
      %dma_wait3A_510 = tpu.memref_squeeze %dma_wait3A_509 : memref<1x65536xf32, #tpu.memory_space<vmem_shared>> -> memref<65536xf32, #tpu.memory_space<vmem_shared>>
      %dma_wait3A_511 = tpu.memref_slice %arg2[%add3A_506] : memref<8388608xf32, #tpu.memory_space<hbm>> -> memref<65536xf32, #tpu.memory_space<hbm>>
      tpu.wait_dma2 semaphore(%arg19 : memref<!tpu.dma_semaphore, #tpu.memory_space<semaphore_mem>>) src(%dma_wait3A_511 : memref<65536xf32, #tpu.memory_space<hbm>>) dst(%dma_wait3A_510 : memref<65536xf32, #tpu.memory_space<vmem_shared>>)
      %add3A_512 = arith.constant 0 : i32
      %add3A_513 = arith.addi %mul3A_23, %add3A_512 : i32
      %dma_start3A_514 = arith.constant 0 : i32
      %dma_start3A_515 = tpu.memref_slice %arg4[%add3A_513] : memref<8388608xf32, #tpu.memory_space<hbm>> -> memref<65536xf32, #tpu.memory_space<hbm>>
      %dma_start3A_516 = arith.constant 0 : i32
      %dma_start3A_517 = tpu.memref_slice %arg14[%dma_start3A_514, %dma_start3A_516] : memref<8x65536xf32, #tpu.memory_space<vmem_shared>> -> memref<1x65536xf32, #tpu.memory_space<vmem_shared>>
      %dma_start3A_518 = tpu.memref_squeeze %dma_start3A_517 : memref<1x65536xf32, #tpu.memory_space<vmem_shared>> -> memref<65536xf32, #tpu.memory_space<vmem_shared>>
      tpu.enqueue_dma source(%dma_start3A_518 : memref<65536xf32, #tpu.memory_space<vmem_shared>>) target(%dma_start3A_515 : memref<65536xf32, #tpu.memory_space<hbm>>) target_semaphore(%arg21 : memref<!tpu.dma_semaphore, #tpu.memory_space<semaphore_mem>>)
    } else {
    }
    %eq3A_98 = arith.constant 4 : i32
    %eq3A_99 = arith.cmpi eq, %arg1, %eq3A_98 : i32
    %convert_element_type3A_100 = arith.extui %eq3A_99 : i1 to i32
    %cond3A_101 = arith.constant 0 : i32
    %cond3A_102 = arith.cmpi ne, %convert_element_type3A_100, %cond3A_101 : i32
    scf.if %cond3A_102 {
      %add3A_498 = arith.constant 327680 : i32
      %add3A_499 = arith.addi %mul3A_23, %add3A_498 : i32
      %dma_start3A_500 = arith.constant 3 : i32
      %dma_start3A_501 = arith.constant 0 : i32
      %dma_start3A_502 = tpu.memref_slice %arg14[%dma_start3A_500, %dma_start3A_501] : memref<8x65536xf32, #tpu.memory_space<vmem_shared>> -> memref<1x65536xf32, #tpu.memory_space<vmem_shared>>
      %dma_start3A_503 = tpu.memref_squeeze %dma_start3A_502 : memref<1x65536xf32, #tpu.memory_space<vmem_shared>> -> memref<65536xf32, #tpu.memory_space<vmem_shared>>
      %dma_start3A_504 = tpu.memref_slice %arg2[%add3A_499] : memref<8388608xf32, #tpu.memory_space<hbm>> -> memref<65536xf32, #tpu.memory_space<hbm>>
      tpu.enqueue_dma source(%dma_start3A_504 : memref<65536xf32, #tpu.memory_space<hbm>>) target(%dma_start3A_503 : memref<65536xf32, #tpu.memory_space<vmem_shared>>) target_semaphore(%arg20 : memref<!tpu.dma_semaphore, #tpu.memory_space<semaphore_mem>>)
      %add3A_505 = arith.constant 65536 : i32
      %add3A_506 = arith.addi %mul3A_23, %add3A_505 : i32
      %dma_wait3A_507 = arith.constant 2 : i32
      %dma_wait3A_508 = arith.constant 0 : i32
      %dma_wait3A_509 = tpu.memref_slice %arg14[%dma_wait3A_507, %dma_wait3A_508] : memref<8x65536xf32, #tpu.memory_space<vmem_shared>> -> memref<1x65536xf32, #tpu.memory_space<vmem_shared>>
      %dma_wait3A_510 = tpu.memref_squeeze %dma_wait3A_509 : memref<1x65536xf32, #tpu.memory_space<vmem_shared>> -> memref<65536xf32, #tpu.memory_space<vmem_shared>>
      %dma_wait3A_511 = tpu.memref_slice %arg2[%add3A_506] : memref<8388608xf32, #tpu.memory_space<hbm>> -> memref<65536xf32, #tpu.memory_space<hbm>>
      tpu.wait_dma2 semaphore(%arg19 : memref<!tpu.dma_semaphore, #tpu.memory_space<semaphore_mem>>) src(%dma_wait3A_511 : memref<65536xf32, #tpu.memory_space<hbm>>) dst(%dma_wait3A_510 : memref<65536xf32, #tpu.memory_space<vmem_shared>>)
      %add3A_512 = arith.constant 65536 : i32
      %add3A_513 = arith.addi %mul3A_23, %add3A_512 : i32
      %dma_start3A_514 = arith.constant 2 : i32
      %dma_start3A_515 = tpu.memref_slice %arg4[%add3A_513] : memref<8388608xf32, #tpu.memory_space<hbm>> -> memref<65536xf32, #tpu.memory_space<hbm>>
      %dma_start3A_516 = arith.constant 0 : i32
      %dma_start3A_517 = tpu.memref_slice %arg14[%dma_start3A_514, %dma_start3A_516] : memref<8x65536xf32, #tpu.memory_space<vmem_shared>> -> memref<1x65536xf32, #tpu.memory_space<vmem_shared>>
      %dma_start3A_518 = tpu.memref_squeeze %dma_start3A_517 : memref<1x65536xf32, #tpu.memory_space<vmem_shared>> -> memref<65536xf32, #tpu.memory_space<vmem_shared>>
      tpu.enqueue_dma source(%dma_start3A_518 : memref<65536xf32, #tpu.memory_space<vmem_shared>>) target(%dma_start3A_515 : memref<65536xf32, #tpu.memory_space<hbm>>) target_semaphore(%arg21 : memref<!tpu.dma_semaphore, #tpu.memory_space<semaphore_mem>>)
    } else {
    }
    %eq3A_103 = arith.constant 8 : i32
    %eq3A_104 = arith.cmpi eq, %arg1, %eq3A_103 : i32
    %convert_element_type3A_105 = arith.extui %eq3A_104 : i1 to i32
    %cond3A_106 = arith.constant 0 : i32
    %cond3A_107 = arith.cmpi ne, %convert_element_type3A_105, %cond3A_106 : i32
    scf.if %cond3A_107 {
      %add3A_498 = arith.constant 393216 : i32
      %add3A_499 = arith.addi %mul3A_23, %add3A_498 : i32
      %dma_start3A_500 = arith.constant 5 : i32
      %dma_start3A_501 = arith.constant 0 : i32
      %dma_start3A_502 = tpu.memref_slice %arg14[%dma_start3A_500, %dma_start3A_501] : memref<8x65536xf32, #tpu.memory_space<vmem_shared>> -> memref<1x65536xf32, #tpu.memory_space<vmem_shared>>
      %dma_start3A_503 = tpu.memref_squeeze %dma_start3A_502 : memref<1x65536xf32, #tpu.memory_space<vmem_shared>> -> memref<65536xf32, #tpu.memory_space<vmem_shared>>
      %dma_start3A_504 = tpu.memref_slice %arg2[%add3A_499] : memref<8388608xf32, #tpu.memory_space<hbm>> -> memref<65536xf32, #tpu.memory_space<hbm>>
      tpu.enqueue_dma source(%dma_start3A_504 : memref<65536xf32, #tpu.memory_space<hbm>>) target(%dma_start3A_503 : memref<65536xf32, #tpu.memory_space<vmem_shared>>) target_semaphore(%arg20 : memref<!tpu.dma_semaphore, #tpu.memory_space<semaphore_mem>>)
      %add3A_505 = arith.constant 131072 : i32
      %add3A_506 = arith.addi %mul3A_23, %add3A_505 : i32
      %dma_wait3A_507 = arith.constant 4 : i32
      %dma_wait3A_508 = arith.constant 0 : i32
      %dma_wait3A_509 = tpu.memref_slice %arg14[%dma_wait3A_507, %dma_wait3A_508] : memref<8x65536xf32, #tpu.memory_space<vmem_shared>> -> memref<1x65536xf32, #tpu.memory_space<vmem_shared>>
      %dma_wait3A_510 = tpu.memref_squeeze %dma_wait3A_509 : memref<1x65536xf32, #tpu.memory_space<vmem_shared>> -> memref<65536xf32, #tpu.memory_space<vmem_shared>>
      %dma_wait3A_511 = tpu.memref_slice %arg2[%add3A_506] : memref<8388608xf32, #tpu.memory_space<hbm>> -> memref<65536xf32, #tpu.memory_space<hbm>>
      tpu.wait_dma2 semaphore(%arg19 : memref<!tpu.dma_semaphore, #tpu.memory_space<semaphore_mem>>) src(%dma_wait3A_511 : memref<65536xf32, #tpu.memory_space<hbm>>) dst(%dma_wait3A_510 : memref<65536xf32, #tpu.memory_space<vmem_shared>>)
      %add3A_512 = arith.constant 131072 : i32
      %add3A_513 = arith.addi %mul3A_23, %add3A_512 : i32
      %dma_start3A_514 = arith.constant 4 : i32
      %dma_start3A_515 = tpu.memref_slice %arg4[%add3A_513] : memref<8388608xf32, #tpu.memory_space<hbm>> -> memref<65536xf32, #tpu.memory_space<hbm>>
      %dma_start3A_516 = arith.constant 0 : i32
      %dma_start3A_517 = tpu.memref_slice %arg14[%dma_start3A_514, %dma_start3A_516] : memref<8x65536xf32, #tpu.memory_space<vmem_shared>> -> memref<1x65536xf32, #tpu.memory_space<vmem_shared>>
      %dma_start3A_518 = tpu.memref_squeeze %dma_start3A_517 : memref<1x65536xf32, #tpu.memory_space<vmem_shared>> -> memref<65536xf32, #tpu.memory_space<vmem_shared>>
      tpu.enqueue_dma source(%dma_start3A_518 : memref<65536xf32, #tpu.memory_space<vmem_shared>>) target(%dma_start3A_515 : memref<65536xf32, #tpu.memory_space<hbm>>) target_semaphore(%arg21 : memref<!tpu.dma_semaphore, #tpu.memory_space<semaphore_mem>>)
    } else {
    }
    %eq3A_108 = arith.constant 12 : i32
    %eq3A_109 = arith.cmpi eq, %arg1, %eq3A_108 : i32
    %convert_element_type3A_110 = arith.extui %eq3A_109 : i1 to i32
    %cond3A_111 = arith.constant 0 : i32
    %cond3A_112 = arith.cmpi ne, %convert_element_type3A_110, %cond3A_111 : i32
    scf.if %cond3A_112 {
      %add3A_498 = arith.constant 458752 : i32
      %add3A_499 = arith.addi %mul3A_23, %add3A_498 : i32
      %dma_start3A_500 = arith.constant 7 : i32
      %dma_start3A_501 = arith.constant 0 : i32
      %dma_start3A_502 = tpu.memref_slice %arg14[%dma_start3A_500, %dma_start3A_501] : memref<8x65536xf32, #tpu.memory_space<vmem_shared>> -> memref<1x65536xf32, #tpu.memory_space<vmem_shared>>
      %dma_start3A_503 = tpu.memref_squeeze %dma_start3A_502 : memref<1x65536xf32, #tpu.memory_space<vmem_shared>> -> memref<65536xf32, #tpu.memory_space<vmem_shared>>
      %dma_start3A_504 = tpu.memref_slice %arg2[%add3A_499] : memref<8388608xf32, #tpu.memory_space<hbm>> -> memref<65536xf32, #tpu.memory_space<hbm>>
      tpu.enqueue_dma source(%dma_start3A_504 : memref<65536xf32, #tpu.memory_space<hbm>>) target(%dma_start3A_503 : memref<65536xf32, #tpu.memory_space<vmem_shared>>) target_semaphore(%arg20 : memref<!tpu.dma_semaphore, #tpu.memory_space<semaphore_mem>>)
      %add3A_505 = arith.constant 196608 : i32
      %add3A_506 = arith.addi %mul3A_23, %add3A_505 : i32
      %dma_wait3A_507 = arith.constant 6 : i32
      %dma_wait3A_508 = arith.constant 0 : i32
      %dma_wait3A_509 = tpu.memref_slice %arg14[%dma_wait3A_507, %dma_wait3A_508] : memref<8x65536xf32, #tpu.memory_space<vmem_shared>> -> memref<1x65536xf32, #tpu.memory_space<vmem_shared>>
      %dma_wait3A_510 = tpu.memref_squeeze %dma_wait3A_509 : memref<1x65536xf32, #tpu.memory_space<vmem_shared>> -> memref<65536xf32, #tpu.memory_space<vmem_shared>>
      %dma_wait3A_511 = tpu.memref_slice %arg2[%add3A_506] : memref<8388608xf32, #tpu.memory_space<hbm>> -> memref<65536xf32, #tpu.memory_space<hbm>>
      tpu.wait_dma2 semaphore(%arg19 : memref<!tpu.dma_semaphore, #tpu.memory_space<semaphore_mem>>) src(%dma_wait3A_511 : memref<65536xf32, #tpu.memory_space<hbm>>) dst(%dma_wait3A_510 : memref<65536xf32, #tpu.memory_space<vmem_shared>>)
      %add3A_512 = arith.constant 196608 : i32
      %add3A_513 = arith.addi %mul3A_23, %add3A_512 : i32
      %dma_start3A_514 = arith.constant 6 : i32
      %dma_start3A_515 = tpu.memref_slice %arg4[%add3A_513] : memref<8388608xf32, #tpu.memory_space<hbm>> -> memref<65536xf32, #tpu.memory_space<hbm>>
      %dma_start3A_516 = arith.constant 0 : i32
      %dma_start3A_517 = tpu.memref_slice %arg14[%dma_start3A_514, %dma_start3A_516] : memref<8x65536xf32, #tpu.memory_space<vmem_shared>> -> memref<1x65536xf32, #tpu.memory_space<vmem_shared>>
      %dma_start3A_518 = tpu.memref_squeeze %dma_start3A_517 : memref<1x65536xf32, #tpu.memory_space<vmem_shared>> -> memref<65536xf32, #tpu.memory_space<vmem_shared>>
      tpu.enqueue_dma source(%dma_start3A_518 : memref<65536xf32, #tpu.memory_space<vmem_shared>>) target(%dma_start3A_515 : memref<65536xf32, #tpu.memory_space<hbm>>) target_semaphore(%arg21 : memref<!tpu.dma_semaphore, #tpu.memory_space<semaphore_mem>>)
    } else {
    }
    %dma_wait3A_113 = tpu.memref_slice %arg2[%add3A_55] : memref<8388608xf32, #tpu.memory_space<hbm>> -> memref<8192xf32, #tpu.memory_space<hbm>>
    %dma_wait3A_114 = tpu.memref_slice %arg2[%add3A_55] : memref<8388608xf32, #tpu.memory_space<hbm>> -> memref<8192xf32, #tpu.memory_space<hbm>>
    tpu.wait_dma2 semaphore(%arg16 : memref<!tpu.dma_semaphore, #tpu.memory_space<semaphore_mem>>) src(%dma_wait3A_114 : memref<8192xf32, #tpu.memory_space<hbm>>) dst(%arg7 : memref<8192xf32, #tpu.memory_space<vmem>>)
    %dma_wait3A_115 = tpu.memref_slice %arg2[%add3A_61] : memref<8388608xf32, #tpu.memory_space<hbm>> -> memref<8192xf32, #tpu.memory_space<hbm>>
    %dma_wait3A_116 = tpu.memref_slice %arg2[%add3A_61] : memref<8388608xf32, #tpu.memory_space<hbm>> -> memref<8192xf32, #tpu.memory_space<hbm>>
    tpu.wait_dma2 semaphore(%arg16 : memref<!tpu.dma_semaphore, #tpu.memory_space<semaphore_mem>>) src(%dma_wait3A_116 : memref<8192xf32, #tpu.memory_space<hbm>>) dst(%arg9 : memref<8192xf32, #tpu.memory_space<vmem>>)
    %parallel_loop3A_117 = arith.constant 0 : i32
    %parallel_loop3A_118 = arith.constant 512 : i32
    %parallel_loop3A_119 = arith.constant 1 : i32
    scf.for %parallel_loop3A_498 = %parallel_loop3A_117 to %parallel_loop3A_118 step %parallel_loop3A_119  : i32 {
      %parallel_loop3A_499 = arith.constant 16 : i32
      %parallel_loop3A_500 = arith.muli %parallel_loop3A_498, %parallel_loop3A_499 : i32
      %parallel_loop3A_501 = arith.index_cast %parallel_loop3A_500 : i32 to index
      %parallel_loop3A_502 = tpu.vector_load %arg7[%parallel_loop3A_501] {strides = array<i32>} : memref<8192xf32, #tpu.memory_space<vmem>>, vector<16xf32>,
      %parallel_loop3A_503 = vector.shape_cast %parallel_loop3A_502 : vector<16xf32> to vector<16xf32>
      %parallel_loop3A_504 = arith.index_cast %parallel_loop3A_500 : i32 to index
      %parallel_loop3A_505 = tpu.vector_load %arg9[%parallel_loop3A_504] {strides = array<i32>} : memref<8192xf32, #tpu.memory_space<vmem>>, vector<16xf32>,
      %parallel_loop3A_506 = vector.shape_cast %parallel_loop3A_505 : vector<16xf32> to vector<16xf32>
      %parallel_loop3A_507 = arith.mulf %get3A_4, %parallel_loop3A_503 : vector<16xf32>
      %parallel_loop3A_508 = arith.mulf %get3A_9, %parallel_loop3A_506 : vector<16xf32>
      %parallel_loop3A_509 = arith.addf %parallel_loop3A_507, %parallel_loop3A_508 : vector<16xf32>
      %parallel_loop3A_510 = arith.index_cast %parallel_loop3A_500 : i32 to index
      %parallel_loop3A_511 = tpu.vector_load %arg11[%parallel_loop3A_510] {strides = array<i32>} : memref<8192xf32, #tpu.memory_space<vmem>>, vector<16xf32>,
      %parallel_loop3A_512 = vector.shape_cast %parallel_loop3A_511 : vector<16xf32> to vector<16xf32>
      %parallel_loop3A_513 = vector.shape_cast %parallel_loop3A_509 : vector<16xf32> to vector<16xf32>
      tpu.vector_store %arg11[%parallel_loop3A_510], %parallel_loop3A_513 {strides = array<i32>} : memref<8192xf32, #tpu.memory_space<vmem>>, vector<16xf32>,
      %parallel_loop3A_514 = arith.mulf %get3A_14, %parallel_loop3A_503 : vector<16xf32>
      %parallel_loop3A_515 = arith.mulf %get3A_19, %parallel_loop3A_506 : vector<16xf32>
      %parallel_loop3A_516 = arith.addf %parallel_loop3A_514, %parallel_loop3A_515 : vector<16xf32>
      %parallel_loop3A_517 = arith.index_cast %parallel_loop3A_500 : i32 to index
      %parallel_loop3A_518 = tpu.vector_load %arg13[%parallel_loop3A_517] {strides = array<i32>} : memref<8192xf32, #tpu.memory_space<vmem>>, vector<16xf32>,
      %parallel_loop3A_519 = vector.shape_cast %parallel_loop3A_518 : vector<16xf32> to vector<16xf32>
      %parallel_loop3A_520 = vector.shape_cast %parallel_loop3A_516 : vector<16xf32> to vector<16xf32>
      tpu.vector_store %arg13[%parallel_loop3A_517], %parallel_loop3A_520 {strides = array<i32>} : memref<8192xf32, #tpu.memory_space<vmem>>, vector<16xf32>,
    } {sc.loop_unroll_factor = 8 : i64, sc.parallel_access}
    %add3A_120 = arith.constant 4194304 : i32
    %add3A_121 = arith.addi %add3A_120, %mul3A_21 : i32
    %add3A_122 = arith.constant 8192 : i32
    %add3A_123 = arith.addi %add3A_121, %add3A_122 : i32
    %dma_start3A_124 = tpu.memref_slice %arg4[%add3A_123] : memref<8388608xf32, #tpu.memory_space<hbm>> -> memref<8192xf32, #tpu.memory_space<hbm>>
    %dma_start3A_125 = tpu.memref_slice %arg4[%add3A_123] : memref<8388608xf32, #tpu.memory_space<hbm>> -> memref<8192xf32, #tpu.memory_space<hbm>>
    tpu.enqueue_dma source(%arg11 : memref<8192xf32, #tpu.memory_space<vmem>>) target(%dma_start3A_125 : memref<8192xf32, #tpu.memory_space<hbm>>) target_semaphore(%arg18 : memref<!tpu.dma_semaphore, #tpu.memory_space<semaphore_mem>>)
    %add3A_126 = arith.constant 6291456 : i32
    %add3A_127 = arith.addi %add3A_126, %mul3A_21 : i32
    %add3A_128 = arith.constant 8192 : i32
    %add3A_129 = arith.addi %add3A_127, %add3A_128 : i32
    %dma_start3A_130 = tpu.memref_slice %arg4[%add3A_129] : memref<8388608xf32, #tpu.memory_space<hbm>> -> memref<8192xf32, #tpu.memory_space<hbm>>
    %dma_start3A_131 = tpu.memref_slice %arg4[%add3A_129] : memref<8388608xf32, #tpu.memory_space<hbm>> -> memref<8192xf32, #tpu.memory_space<hbm>>
    tpu.enqueue_dma source(%arg13 : memref<8192xf32, #tpu.memory_space<vmem>>) target(%dma_start3A_131 : memref<8192xf32, #tpu.memory_space<hbm>>) target_semaphore(%arg18 : memref<!tpu.dma_semaphore, #tpu.memory_space<semaphore_mem>>)
    %add3A_132 = arith.constant 4194304 : i32
    %add3A_133 = arith.addi %add3A_132, %mul3A_21 : i32
    %add3A_134 = arith.constant 24576 : i32
    %add3A_135 = arith.addi %add3A_133, %add3A_134 : i32
    %dma_start3A_136 = tpu.memref_slice %arg2[%add3A_135] : memref<8388608xf32, #tpu.memory_space<hbm>> -> memref<8192xf32, #tpu.memory_space<hbm>>
    %dma_start3A_137 = tpu.memref_slice %arg2[%add3A_135] : memref<8388608xf32, #tpu.memory_space<hbm>> -> memref<8192xf32, #tpu.memory_space<hbm>>
    tpu.enqueue_dma source(%dma_start3A_137 : memref<8192xf32, #tpu.memory_space<hbm>>) target(%arg7 : memref<8192xf32, #tpu.memory_space<vmem>>) target_semaphore(%arg16 : memref<!tpu.dma_semaphore, #tpu.memory_space<semaphore_mem>>)
    %add3A_138 = arith.constant 6291456 : i32
    %add3A_139 = arith.addi %add3A_138, %mul3A_21 : i32
    %add3A_140 = arith.constant 24576 : i32
    %add3A_141 = arith.addi %add3A_139, %add3A_140 : i32
    %dma_start3A_142 = tpu.memref_slice %arg2[%add3A_141] : memref<8388608xf32, #tpu.memory_space<hbm>> -> memref<8192xf32, #tpu.memory_space<hbm>>
    %dma_start3A_143 = tpu.memref_slice %arg2[%add3A_141] : memref<8388608xf32, #tpu.memory_space<hbm>> -> memref<8192xf32, #tpu.memory_space<hbm>>
    tpu.enqueue_dma source(%dma_start3A_143 : memref<8192xf32, #tpu.memory_space<hbm>>) target(%arg9 : memref<8192xf32, #tpu.memory_space<vmem>>) target_semaphore(%arg16 : memref<!tpu.dma_semaphore, #tpu.memory_space<semaphore_mem>>)
    %eq3A_144 = arith.constant 0 : i32
    %eq3A_145 = arith.cmpi eq, %arg1, %eq3A_144 : i32
    %convert_element_type3A_146 = arith.extui %eq3A_145 : i1 to i32
    %cond3A_147 = arith.constant 0 : i32
    %cond3A_148 = arith.cmpi ne, %convert_element_type3A_146, %cond3A_147 : i32
    scf.if %cond3A_148 {
      %add3A_498 = arith.constant 0 : i32
      %add3A_499 = arith.addi %mul3A_23, %add3A_498 : i32
      %dma_wait3A_500 = arith.constant 0 : i32
      %dma_wait3A_501 = tpu.memref_slice %arg4[%add3A_499] : memref<8388608xf32, #tpu.memory_space<hbm>> -> memref<65536xf32, #tpu.memory_space<hbm>>
      %dma_wait3A_502 = arith.constant 0 : i32
      %dma_wait3A_503 = tpu.memref_slice %arg14[%dma_wait3A_500, %dma_wait3A_502] : memref<8x65536xf32, #tpu.memory_space<vmem_shared>> -> memref<1x65536xf32, #tpu.memory_space<vmem_shared>>
      %dma_wait3A_504 = tpu.memref_squeeze %dma_wait3A_503 : memref<1x65536xf32, #tpu.memory_space<vmem_shared>> -> memref<65536xf32, #tpu.memory_space<vmem_shared>>
      tpu.wait_dma2 semaphore(%arg21 : memref<!tpu.dma_semaphore, #tpu.memory_space<semaphore_mem>>) src(%dma_wait3A_504 : memref<65536xf32, #tpu.memory_space<vmem_shared>>) dst(%dma_wait3A_501 : memref<65536xf32, #tpu.memory_space<hbm>>)
      %add3A_505 = arith.constant 524288 : i32
      %add3A_506 = arith.addi %mul3A_23, %add3A_505 : i32
      %dma_start3A_507 = arith.constant 0 : i32
      %dma_start3A_508 = arith.constant 0 : i32
      %dma_start3A_509 = tpu.memref_slice %arg14[%dma_start3A_507, %dma_start3A_508] : memref<8x65536xf32, #tpu.memory_space<vmem_shared>> -> memref<1x65536xf32, #tpu.memory_space<vmem_shared>>
      %dma_start3A_510 = tpu.memref_squeeze %dma_start3A_509 : memref<1x65536xf32, #tpu.memory_space<vmem_shared>> -> memref<65536xf32, #tpu.memory_space<vmem_shared>>
      %dma_start3A_511 = tpu.memref_slice %arg2[%add3A_506] : memref<8388608xf32, #tpu.memory_space<hbm>> -> memref<65536xf32, #tpu.memory_space<hbm>>
      tpu.enqueue_dma source(%dma_start3A_511 : memref<65536xf32, #tpu.memory_space<hbm>>) target(%dma_start3A_510 : memref<65536xf32, #tpu.memory_space<vmem_shared>>) target_semaphore(%arg19 : memref<!tpu.dma_semaphore, #tpu.memory_space<semaphore_mem>>)
      %add3A_512 = arith.constant 262144 : i32
      %add3A_513 = arith.addi %mul3A_23, %add3A_512 : i32
      %dma_wait3A_514 = arith.constant 1 : i32
      %dma_wait3A_515 = arith.constant 0 : i32
      %dma_wait3A_516 = tpu.memref_slice %arg14[%dma_wait3A_514, %dma_wait3A_515] : memref<8x65536xf32, #tpu.memory_space<vmem_shared>> -> memref<1x65536xf32, #tpu.memory_space<vmem_shared>>
      %dma_wait3A_517 = tpu.memref_squeeze %dma_wait3A_516 : memref<1x65536xf32, #tpu.memory_space<vmem_shared>> -> memref<65536xf32, #tpu.memory_space<vmem_shared>>
      %dma_wait3A_518 = tpu.memref_slice %arg2[%add3A_513] : memref<8388608xf32, #tpu.memory_space<hbm>> -> memref<65536xf32, #tpu.memory_space<hbm>>
      tpu.wait_dma2 semaphore(%arg20 : memref<!tpu.dma_semaphore, #tpu.memory_space<semaphore_mem>>) src(%dma_wait3A_518 : memref<65536xf32, #tpu.memory_space<hbm>>) dst(%dma_wait3A_517 : memref<65536xf32, #tpu.memory_space<vmem_shared>>)
      %add3A_519 = arith.constant 262144 : i32
      %add3A_520 = arith.addi %mul3A_23, %add3A_519 : i32
      %dma_start3A_521 = arith.constant 1 : i32
      %dma_start3A_522 = tpu.memref_slice %arg4[%add3A_520] : memref<8388608xf32, #tpu.memory_space<hbm>> -> memref<65536xf32, #tpu.memory_space<hbm>>
      %dma_start3A_523 = arith.constant 0 : i32
      %dma_start3A_524 = tpu.memref_slice %arg14[%dma_start3A_521, %dma_start3A_523] : memref<8x65536xf32, #tpu.memory_space<vmem_shared>> -> memref<1x65536xf32, #tpu.memory_space<vmem_shared>>
      %dma_start3A_525 = tpu.memref_squeeze %dma_start3A_524 : memref<1x65536xf32, #tpu.memory_space<vmem_shared>> -> memref<65536xf32, #tpu.memory_space<vmem_shared>>
      tpu.enqueue_dma source(%dma_start3A_525 : memref<65536xf32, #tpu.memory_space<vmem_shared>>) target(%dma_start3A_522 : memref<65536xf32, #tpu.memory_space<hbm>>) target_semaphore(%arg22 : memref<!tpu.dma_semaphore, #tpu.memory_space<semaphore_mem>>)
    } else {
    }
    %eq3A_149 = arith.constant 4 : i32
    %eq3A_150 = arith.cmpi eq, %arg1, %eq3A_149 : i32
    %convert_element_type3A_151 = arith.extui %eq3A_150 : i1 to i32
    %cond3A_152 = arith.constant 0 : i32
    %cond3A_153 = arith.cmpi ne, %convert_element_type3A_151, %cond3A_152 : i32
    scf.if %cond3A_153 {
      %add3A_498 = arith.constant 65536 : i32
      %add3A_499 = arith.addi %mul3A_23, %add3A_498 : i32
      %dma_wait3A_500 = arith.constant 2 : i32
      %dma_wait3A_501 = tpu.memref_slice %arg4[%add3A_499] : memref<8388608xf32, #tpu.memory_space<hbm>> -> memref<65536xf32, #tpu.memory_space<hbm>>
      %dma_wait3A_502 = arith.constant 0 : i32
      %dma_wait3A_503 = tpu.memref_slice %arg14[%dma_wait3A_500, %dma_wait3A_502] : memref<8x65536xf32, #tpu.memory_space<vmem_shared>> -> memref<1x65536xf32, #tpu.memory_space<vmem_shared>>
      %dma_wait3A_504 = tpu.memref_squeeze %dma_wait3A_503 : memref<1x65536xf32, #tpu.memory_space<vmem_shared>> -> memref<65536xf32, #tpu.memory_space<vmem_shared>>
      tpu.wait_dma2 semaphore(%arg21 : memref<!tpu.dma_semaphore, #tpu.memory_space<semaphore_mem>>) src(%dma_wait3A_504 : memref<65536xf32, #tpu.memory_space<vmem_shared>>) dst(%dma_wait3A_501 : memref<65536xf32, #tpu.memory_space<hbm>>)
      %add3A_505 = arith.constant 589824 : i32
      %add3A_506 = arith.addi %mul3A_23, %add3A_505 : i32
      %dma_start3A_507 = arith.constant 2 : i32
      %dma_start3A_508 = arith.constant 0 : i32
      %dma_start3A_509 = tpu.memref_slice %arg14[%dma_start3A_507, %dma_start3A_508] : memref<8x65536xf32, #tpu.memory_space<vmem_shared>> -> memref<1x65536xf32, #tpu.memory_space<vmem_shared>>
      %dma_start3A_510 = tpu.memref_squeeze %dma_start3A_509 : memref<1x65536xf32, #tpu.memory_space<vmem_shared>> -> memref<65536xf32, #tpu.memory_space<vmem_shared>>
      %dma_start3A_511 = tpu.memref_slice %arg2[%add3A_506] : memref<8388608xf32, #tpu.memory_space<hbm>> -> memref<65536xf32, #tpu.memory_space<hbm>>
      tpu.enqueue_dma source(%dma_start3A_511 : memref<65536xf32, #tpu.memory_space<hbm>>) target(%dma_start3A_510 : memref<65536xf32, #tpu.memory_space<vmem_shared>>) target_semaphore(%arg19 : memref<!tpu.dma_semaphore, #tpu.memory_space<semaphore_mem>>)
      %add3A_512 = arith.constant 327680 : i32
      %add3A_513 = arith.addi %mul3A_23, %add3A_512 : i32
      %dma_wait3A_514 = arith.constant 3 : i32
      %dma_wait3A_515 = arith.constant 0 : i32
      %dma_wait3A_516 = tpu.memref_slice %arg14[%dma_wait3A_514, %dma_wait3A_515] : memref<8x65536xf32, #tpu.memory_space<vmem_shared>> -> memref<1x65536xf32, #tpu.memory_space<vmem_shared>>
      %dma_wait3A_517 = tpu.memref_squeeze %dma_wait3A_516 : memref<1x65536xf32, #tpu.memory_space<vmem_shared>> -> memref<65536xf32, #tpu.memory_space<vmem_shared>>
      %dma_wait3A_518 = tpu.memref_slice %arg2[%add3A_513] : memref<8388608xf32, #tpu.memory_space<hbm>> -> memref<65536xf32, #tpu.memory_space<hbm>>
      tpu.wait_dma2 semaphore(%arg20 : memref<!tpu.dma_semaphore, #tpu.memory_space<semaphore_mem>>) src(%dma_wait3A_518 : memref<65536xf32, #tpu.memory_space<hbm>>) dst(%dma_wait3A_517 : memref<65536xf32, #tpu.memory_space<vmem_shared>>)
      %add3A_519 = arith.constant 327680 : i32
      %add3A_520 = arith.addi %mul3A_23, %add3A_519 : i32
      %dma_start3A_521 = arith.constant 3 : i32
      %dma_start3A_522 = tpu.memref_slice %arg4[%add3A_520] : memref<8388608xf32, #tpu.memory_space<hbm>> -> memref<65536xf32, #tpu.memory_space<hbm>>
      %dma_start3A_523 = arith.constant 0 : i32
      %dma_start3A_524 = tpu.memref_slice %arg14[%dma_start3A_521, %dma_start3A_523] : memref<8x65536xf32, #tpu.memory_space<vmem_shared>> -> memref<1x65536xf32, #tpu.memory_space<vmem_shared>>
      %dma_start3A_525 = tpu.memref_squeeze %dma_start3A_524 : memref<1x65536xf32, #tpu.memory_space<vmem_shared>> -> memref<65536xf32, #tpu.memory_space<vmem_shared>>
      tpu.enqueue_dma source(%dma_start3A_525 : memref<65536xf32, #tpu.memory_space<vmem_shared>>) target(%dma_start3A_522 : memref<65536xf32, #tpu.memory_space<hbm>>) target_semaphore(%arg22 : memref<!tpu.dma_semaphore, #tpu.memory_space<semaphore_mem>>)
    } else {
    }
    %eq3A_154 = arith.constant 8 : i32
    %eq3A_155 = arith.cmpi eq, %arg1, %eq3A_154 : i32
    %convert_element_type3A_156 = arith.extui %eq3A_155 : i1 to i32
    %cond3A_157 = arith.constant 0 : i32
    %cond3A_158 = arith.cmpi ne, %convert_element_type3A_156, %cond3A_157 : i32
    scf.if %cond3A_158 {
      %add3A_498 = arith.constant 131072 : i32
      %add3A_499 = arith.addi %mul3A_23, %add3A_498 : i32
      %dma_wait3A_500 = arith.constant 4 : i32
      %dma_wait3A_501 = tpu.memref_slice %arg4[%add3A_499] : memref<8388608xf32, #tpu.memory_space<hbm>> -> memref<65536xf32, #tpu.memory_space<hbm>>
      %dma_wait3A_502 = arith.constant 0 : i32
      %dma_wait3A_503 = tpu.memref_slice %arg14[%dma_wait3A_500, %dma_wait3A_502] : memref<8x65536xf32, #tpu.memory_space<vmem_shared>> -> memref<1x65536xf32, #tpu.memory_space<vmem_shared>>
      %dma_wait3A_504 = tpu.memref_squeeze %dma_wait3A_503 : memref<1x65536xf32, #tpu.memory_space<vmem_shared>> -> memref<65536xf32, #tpu.memory_space<vmem_shared>>
      tpu.wait_dma2 semaphore(%arg21 : memref<!tpu.dma_semaphore, #tpu.memory_space<semaphore_mem>>) src(%dma_wait3A_504 : memref<65536xf32, #tpu.memory_space<vmem_shared>>) dst(%dma_wait3A_501 : memref<65536xf32, #tpu.memory_space<hbm>>)
      %add3A_505 = arith.constant 655360 : i32
      %add3A_506 = arith.addi %mul3A_23, %add3A_505 : i32
      %dma_start3A_507 = arith.constant 4 : i32
      %dma_start3A_508 = arith.constant 0 : i32
      %dma_start3A_509 = tpu.memref_slice %arg14[%dma_start3A_507, %dma_start3A_508] : memref<8x65536xf32, #tpu.memory_space<vmem_shared>> -> memref<1x65536xf32, #tpu.memory_space<vmem_shared>>
      %dma_start3A_510 = tpu.memref_squeeze %dma_start3A_509 : memref<1x65536xf32, #tpu.memory_space<vmem_shared>> -> memref<65536xf32, #tpu.memory_space<vmem_shared>>
      %dma_start3A_511 = tpu.memref_slice %arg2[%add3A_506] : memref<8388608xf32, #tpu.memory_space<hbm>> -> memref<65536xf32, #tpu.memory_space<hbm>>
      tpu.enqueue_dma source(%dma_start3A_511 : memref<65536xf32, #tpu.memory_space<hbm>>) target(%dma_start3A_510 : memref<65536xf32, #tpu.memory_space<vmem_shared>>) target_semaphore(%arg19 : memref<!tpu.dma_semaphore, #tpu.memory_space<semaphore_mem>>)
      %add3A_512 = arith.constant 393216 : i32
      %add3A_513 = arith.addi %mul3A_23, %add3A_512 : i32
      %dma_wait3A_514 = arith.constant 5 : i32
      %dma_wait3A_515 = arith.constant 0 : i32
      %dma_wait3A_516 = tpu.memref_slice %arg14[%dma_wait3A_514, %dma_wait3A_515] : memref<8x65536xf32, #tpu.memory_space<vmem_shared>> -> memref<1x65536xf32, #tpu.memory_space<vmem_shared>>
      %dma_wait3A_517 = tpu.memref_squeeze %dma_wait3A_516 : memref<1x65536xf32, #tpu.memory_space<vmem_shared>> -> memref<65536xf32, #tpu.memory_space<vmem_shared>>
      %dma_wait3A_518 = tpu.memref_slice %arg2[%add3A_513] : memref<8388608xf32, #tpu.memory_space<hbm>> -> memref<65536xf32, #tpu.memory_space<hbm>>
      tpu.wait_dma2 semaphore(%arg20 : memref<!tpu.dma_semaphore, #tpu.memory_space<semaphore_mem>>) src(%dma_wait3A_518 : memref<65536xf32, #tpu.memory_space<hbm>>) dst(%dma_wait3A_517 : memref<65536xf32, #tpu.memory_space<vmem_shared>>)
      %add3A_519 = arith.constant 393216 : i32
      %add3A_520 = arith.addi %mul3A_23, %add3A_519 : i32
      %dma_start3A_521 = arith.constant 5 : i32
      %dma_start3A_522 = tpu.memref_slice %arg4[%add3A_520] : memref<8388608xf32, #tpu.memory_space<hbm>> -> memref<65536xf32, #tpu.memory_space<hbm>>
      %dma_start3A_523 = arith.constant 0 : i32
      %dma_start3A_524 = tpu.memref_slice %arg14[%dma_start3A_521, %dma_start3A_523] : memref<8x65536xf32, #tpu.memory_space<vmem_shared>> -> memref<1x65536xf32, #tpu.memory_space<vmem_shared>>
      %dma_start3A_525 = tpu.memref_squeeze %dma_start3A_524 : memref<1x65536xf32, #tpu.memory_space<vmem_shared>> -> memref<65536xf32, #tpu.memory_space<vmem_shared>>
      tpu.enqueue_dma source(%dma_start3A_525 : memref<65536xf32, #tpu.memory_space<vmem_shared>>) target(%dma_start3A_522 : memref<65536xf32, #tpu.memory_space<hbm>>) target_semaphore(%arg22 : memref<!tpu.dma_semaphore, #tpu.memory_space<semaphore_mem>>)
    } else {
    }
    %eq3A_159 = arith.constant 12 : i32
    %eq3A_160 = arith.cmpi eq, %arg1, %eq3A_159 : i32
    %convert_element_type3A_161 = arith.extui %eq3A_160 : i1 to i32
    %cond3A_162 = arith.constant 0 : i32
    %cond3A_163 = arith.cmpi ne, %convert_element_type3A_161, %cond3A_162 : i32
    scf.if %cond3A_163 {
      %add3A_498 = arith.constant 196608 : i32
      %add3A_499 = arith.addi %mul3A_23, %add3A_498 : i32
      %dma_wait3A_500 = arith.constant 6 : i32
      %dma_wait3A_501 = tpu.memref_slice %arg4[%add3A_499] : memref<8388608xf32, #tpu.memory_space<hbm>> -> memref<65536xf32, #tpu.memory_space<hbm>>
      %dma_wait3A_502 = arith.constant 0 : i32
      %dma_wait3A_503 = tpu.memref_slice %arg14[%dma_wait3A_500, %dma_wait3A_502] : memref<8x65536xf32, #tpu.memory_space<vmem_shared>> -> memref<1x65536xf32, #tpu.memory_space<vmem_shared>>
      %dma_wait3A_504 = tpu.memref_squeeze %dma_wait3A_503 : memref<1x65536xf32, #tpu.memory_space<vmem_shared>> -> memref<65536xf32, #tpu.memory_space<vmem_shared>>
      tpu.wait_dma2 semaphore(%arg21 : memref<!tpu.dma_semaphore, #tpu.memory_space<semaphore_mem>>) src(%dma_wait3A_504 : memref<65536xf32, #tpu.memory_space<vmem_shared>>) dst(%dma_wait3A_501 : memref<65536xf32, #tpu.memory_space<hbm>>)
      %add3A_505 = arith.constant 720896 : i32
      %add3A_506 = arith.addi %mul3A_23, %add3A_505 : i32
      %dma_start3A_507 = arith.constant 6 : i32
      %dma_start3A_508 = arith.constant 0 : i32
      %dma_start3A_509 = tpu.memref_slice %arg14[%dma_start3A_507, %dma_start3A_508] : memref<8x65536xf32, #tpu.memory_space<vmem_shared>> -> memref<1x65536xf32, #tpu.memory_space<vmem_shared>>
      %dma_start3A_510 = tpu.memref_squeeze %dma_start3A_509 : memref<1x65536xf32, #tpu.memory_space<vmem_shared>> -> memref<65536xf32, #tpu.memory_space<vmem_shared>>
      %dma_start3A_511 = tpu.memref_slice %arg2[%add3A_506] : memref<8388608xf32, #tpu.memory_space<hbm>> -> memref<65536xf32, #tpu.memory_space<hbm>>
      tpu.enqueue_dma source(%dma_start3A_511 : memref<65536xf32, #tpu.memory_space<hbm>>) target(%dma_start3A_510 : memref<65536xf32, #tpu.memory_space<vmem_shared>>) target_semaphore(%arg19 : memref<!tpu.dma_semaphore, #tpu.memory_space<semaphore_mem>>)
      %add3A_512 = arith.constant 458752 : i32
      %add3A_513 = arith.addi %mul3A_23, %add3A_512 : i32
      %dma_wait3A_514 = arith.constant 7 : i32
      %dma_wait3A_515 = arith.constant 0 : i32
      %dma_wait3A_516 = tpu.memref_slice %arg14[%dma_wait3A_514, %dma_wait3A_515] : memref<8x65536xf32, #tpu.memory_space<vmem_shared>> -> memref<1x65536xf32, #tpu.memory_space<vmem_shared>>
      %dma_wait3A_517 = tpu.memref_squeeze %dma_wait3A_516 : memref<1x65536xf32, #tpu.memory_space<vmem_shared>> -> memref<65536xf32, #tpu.memory_space<vmem_shared>>
      %dma_wait3A_518 = tpu.memref_slice %arg2[%add3A_513] : memref<8388608xf32, #tpu.memory_space<hbm>> -> memref<65536xf32, #tpu.memory_space<hbm>>
      tpu.wait_dma2 semaphore(%arg20 : memref<!tpu.dma_semaphore, #tpu.memory_space<semaphore_mem>>) src(%dma_wait3A_518 : memref<65536xf32, #tpu.memory_space<hbm>>) dst(%dma_wait3A_517 : memref<65536xf32, #tpu.memory_space<vmem_shared>>)
      %add3A_519 = arith.constant 458752 : i32
      %add3A_520 = arith.addi %mul3A_23, %add3A_519 : i32
      %dma_start3A_521 = arith.constant 7 : i32
      %dma_start3A_522 = tpu.memref_slice %arg4[%add3A_520] : memref<8388608xf32, #tpu.memory_space<hbm>> -> memref<65536xf32, #tpu.memory_space<hbm>>
      %dma_start3A_523 = arith.constant 0 : i32
      %dma_start3A_524 = tpu.memref_slice %arg14[%dma_start3A_521, %dma_start3A_523] : memref<8x65536xf32, #tpu.memory_space<vmem_shared>> -> memref<1x65536xf32, #tpu.memory_space<vmem_shared>>
      %dma_start3A_525 = tpu.memref_squeeze %dma_start3A_524 : memref<1x65536xf32, #tpu.memory_space<vmem_shared>> -> memref<65536xf32, #tpu.memory_space<vmem_shared>>
      tpu.enqueue_dma source(%dma_start3A_525 : memref<65536xf32, #tpu.memory_space<vmem_shared>>) target(%dma_start3A_522 : memref<65536xf32, #tpu.memory_space<hbm>>) target_semaphore(%arg22 : memref<!tpu.dma_semaphore, #tpu.memory_space<semaphore_mem>>)
    } else {
    }
    %dma_wait3A_164 = tpu.memref_slice %arg4[%add3A_72] : memref<8388608xf32, #tpu.memory_space<hbm>> -> memref<8192xf32, #tpu.memory_space<hbm>>
    %dma_wait3A_165 = tpu.memref_slice %arg4[%add3A_72] : memref<8388608xf32, #tpu.memory_space<hbm>> -> memref<8192xf32, #tpu.memory_space<hbm>>
    tpu.wait_dma2 semaphore(%arg17 : memref<!tpu.dma_semaphore, #tpu.memory_space<semaphore_mem>>) src(%arg10 : memref<8192xf32, #tpu.memory_space<vmem>>) dst(%dma_wait3A_165 : memref<8192xf32, #tpu.memory_space<hbm>>)
    %dma_wait3A_166 = tpu.memref_slice %arg4[%add3A_78] : memref<8388608xf32, #tpu.memory_space<hbm>> -> memref<8192xf32, #tpu.memory_space<hbm>>
    %dma_wait3A_167 = tpu.memref_slice %arg4[%add3A_78] : memref<8388608xf32, #tpu.memory_space<hbm>> -> memref<8192xf32, #tpu.memory_space<hbm>>
    tpu.wait_dma2 semaphore(%arg17 : memref<!tpu.dma_semaphore, #tpu.memory_space<semaphore_mem>>) src(%arg12 : memref<8192xf32, #tpu.memory_space<vmem>>) dst(%dma_wait3A_167 : memref<8192xf32, #tpu.memory_space<hbm>>)
    %dma_wait3A_168 = tpu.memref_slice %arg2[%add3A_84] : memref<8388608xf32, #tpu.memory_space<hbm>> -> memref<8192xf32, #tpu.memory_space<hbm>>
    %dma_wait3A_169 = tpu.memref_slice %arg2[%add3A_84] : memref<8388608xf32, #tpu.memory_space<hbm>> -> memref<8192xf32, #tpu.memory_space<hbm>>
    tpu.wait_dma2 semaphore(%arg15 : memref<!tpu.dma_semaphore, #tpu.memory_space<semaphore_mem>>) src(%dma_wait3A_169 : memref<8192xf32, #tpu.memory_space<hbm>>) dst(%arg6 : memref<8192xf32, #tpu.memory_space<vmem>>)
    %dma_wait3A_170 = tpu.memref_slice %arg2[%add3A_90] : memref<8388608xf32, #tpu.memory_space<hbm>> -> memref<8192xf32, #tpu.memory_space<hbm>>
    %dma_wait3A_171 = tpu.memref_slice %arg2[%add3A_90] : memref<8388608xf32, #tpu.memory_space<hbm>> -> memref<8192xf32, #tpu.memory_space<hbm>>
    tpu.wait_dma2 semaphore(%arg15 : memref<!tpu.dma_semaphore, #tpu.memory_space<semaphore_mem>>) src(%dma_wait3A_171 : memref<8192xf32, #tpu.memory_space<hbm>>) dst(%arg8 : memref<8192xf32, #tpu.memory_space<vmem>>)
    %parallel_loop3A_172 = arith.constant 0 : i32
    %parallel_loop3A_173 = arith.constant 512 : i32
    %parallel_loop3A_174 = arith.constant 1 : i32
    scf.for %parallel_loop3A_498 = %parallel_loop3A_172 to %parallel_loop3A_173 step %parallel_loop3A_174  : i32 {
      %parallel_loop3A_499 = arith.constant 16 : i32
      %parallel_loop3A_500 = arith.muli %parallel_loop3A_498, %parallel_loop3A_499 : i32
      %parallel_loop3A_501 = arith.index_cast %parallel_loop3A_500 : i32 to index
      %parallel_loop3A_502 = tpu.vector_load %arg6[%parallel_loop3A_501] {strides = array<i32>} : memref<8192xf32, #tpu.memory_space<vmem>>, vector<16xf32>,
      %parallel_loop3A_503 = vector.shape_cast %parallel_loop3A_502 : vector<16xf32> to vector<16xf32>
      %parallel_loop3A_504 = arith.index_cast %parallel_loop3A_500 : i32 to index
      %parallel_loop3A_505 = tpu.vector_load %arg8[%parallel_loop3A_504] {strides = array<i32>} : memref<8192xf32, #tpu.memory_space<vmem>>, vector<16xf32>,
      %parallel_loop3A_506 = vector.shape_cast %parallel_loop3A_505 : vector<16xf32> to vector<16xf32>
      %parallel_loop3A_507 = arith.mulf %get3A_4, %parallel_loop3A_503 : vector<16xf32>
      %parallel_loop3A_508 = arith.mulf %get3A_9, %parallel_loop3A_506 : vector<16xf32>
      %parallel_loop3A_509 = arith.addf %parallel_loop3A_507, %parallel_loop3A_508 : vector<16xf32>
      %parallel_loop3A_510 = arith.index_cast %parallel_loop3A_500 : i32 to index
      %parallel_loop3A_511 = tpu.vector_load %arg10[%parallel_loop3A_510] {strides = array<i32>} : memref<8192xf32, #tpu.memory_space<vmem>>, vector<16xf32>,
      %parallel_loop3A_512 = vector.shape_cast %parallel_loop3A_511 : vector<16xf32> to vector<16xf32>
      %parallel_loop3A_513 = vector.shape_cast %parallel_loop3A_509 : vector<16xf32> to vector<16xf32>
      tpu.vector_store %arg10[%parallel_loop3A_510], %parallel_loop3A_513 {strides = array<i32>} : memref<8192xf32, #tpu.memory_space<vmem>>, vector<16xf32>,
      %parallel_loop3A_514 = arith.mulf %get3A_14, %parallel_loop3A_503 : vector<16xf32>
      %parallel_loop3A_515 = arith.mulf %get3A_19, %parallel_loop3A_506 : vector<16xf32>
      %parallel_loop3A_516 = arith.addf %parallel_loop3A_514, %parallel_loop3A_515 : vector<16xf32>
      %parallel_loop3A_517 = arith.index_cast %parallel_loop3A_500 : i32 to index
      %parallel_loop3A_518 = tpu.vector_load %arg12[%parallel_loop3A_517] {strides = array<i32>} : memref<8192xf32, #tpu.memory_space<vmem>>, vector<16xf32>,
      %parallel_loop3A_519 = vector.shape_cast %parallel_loop3A_518 : vector<16xf32> to vector<16xf32>
      %parallel_loop3A_520 = vector.shape_cast %parallel_loop3A_516 : vector<16xf32> to vector<16xf32>
      tpu.vector_store %arg12[%parallel_loop3A_517], %parallel_loop3A_520 {strides = array<i32>} : memref<8192xf32, #tpu.memory_space<vmem>>, vector<16xf32>,
    } {sc.loop_unroll_factor = 8 : i64, sc.parallel_access}
    %add3A_175 = arith.constant 4194304 : i32
    %add3A_176 = arith.addi %add3A_175, %mul3A_21 : i32
    %add3A_177 = arith.constant 16384 : i32
    %add3A_178 = arith.addi %add3A_176, %add3A_177 : i32
    %dma_start3A_179 = tpu.memref_slice %arg4[%add3A_178] : memref<8388608xf32, #tpu.memory_space<hbm>> -> memref<8192xf32, #tpu.memory_space<hbm>>
    %dma_start3A_180 = tpu.memref_slice %arg4[%add3A_178] : memref<8388608xf32, #tpu.memory_space<hbm>> -> memref<8192xf32, #tpu.memory_space<hbm>>
    tpu.enqueue_dma source(%arg10 : memref<8192xf32, #tpu.memory_space<vmem>>) target(%dma_start3A_180 : memref<8192xf32, #tpu.memory_space<hbm>>) target_semaphore(%arg17 : memref<!tpu.dma_semaphore, #tpu.memory_space<semaphore_mem>>)
    %add3A_181 = arith.constant 6291456 : i32
    %add3A_182 = arith.addi %add3A_181, %mul3A_21 : i32
    %add3A_183 = arith.constant 16384 : i32
    %add3A_184 = arith.addi %add3A_182, %add3A_183 : i32
    %dma_start3A_185 = tpu.memref_slice %arg4[%add3A_184] : memref<8388608xf32, #tpu.memory_space<hbm>> -> memref<8192xf32, #tpu.memory_space<hbm>>
    %dma_start3A_186 = tpu.memref_slice %arg4[%add3A_184] : memref<8388608xf32, #tpu.memory_space<hbm>> -> memref<8192xf32, #tpu.memory_space<hbm>>
    tpu.enqueue_dma source(%arg12 : memref<8192xf32, #tpu.memory_space<vmem>>) target(%dma_start3A_186 : memref<8192xf32, #tpu.memory_space<hbm>>) target_semaphore(%arg17 : memref<!tpu.dma_semaphore, #tpu.memory_space<semaphore_mem>>)
    %add3A_187 = arith.constant 4194304 : i32
    %add3A_188 = arith.addi %add3A_187, %mul3A_21 : i32
    %add3A_189 = arith.constant 32768 : i32
    %add3A_190 = arith.addi %add3A_188, %add3A_189 : i32
    %dma_start3A_191 = tpu.memref_slice %arg2[%add3A_190] : memref<8388608xf32, #tpu.memory_space<hbm>> -> memref<8192xf32, #tpu.memory_space<hbm>>
    %dma_start3A_192 = tpu.memref_slice %arg2[%add3A_190] : memref<8388608xf32, #tpu.memory_space<hbm>> -> memref<8192xf32, #tpu.memory_space<hbm>>
    tpu.enqueue_dma source(%dma_start3A_192 : memref<8192xf32, #tpu.memory_space<hbm>>) target(%arg6 : memref<8192xf32, #tpu.memory_space<vmem>>) target_semaphore(%arg15 : memref<!tpu.dma_semaphore, #tpu.memory_space<semaphore_mem>>)
    %add3A_193 = arith.constant 6291456 : i32
    %add3A_194 = arith.addi %add3A_193, %mul3A_21 : i32
    %add3A_195 = arith.constant 32768 : i32
    %add3A_196 = arith.addi %add3A_194, %add3A_195 : i32
    %dma_start3A_197 = tpu.memref_slice %arg2[%add3A_196] : memref<8388608xf32, #tpu.memory_space<hbm>> -> memref<8192xf32, #tpu.memory_space<hbm>>
    %dma_start3A_198 = tpu.memref_slice %arg2[%add3A_196] : memref<8388608xf32, #tpu.memory_space<hbm>> -> memref<8192xf32, #tpu.memory_space<hbm>>
    tpu.enqueue_dma source(%dma_start3A_198 : memref<8192xf32, #tpu.memory_space<hbm>>) target(%arg8 : memref<8192xf32, #tpu.memory_space<vmem>>) target_semaphore(%arg15 : memref<!tpu.dma_semaphore, #tpu.memory_space<semaphore_mem>>)
    %eq3A_199 = arith.constant 0 : i32
    %eq3A_200 = arith.cmpi eq, %arg1, %eq3A_199 : i32
    %convert_element_type3A_201 = arith.extui %eq3A_200 : i1 to i32
    %cond3A_202 = arith.constant 0 : i32
    %cond3A_203 = arith.cmpi ne, %convert_element_type3A_201, %cond3A_202 : i32
    scf.if %cond3A_203 {
      %add3A_498 = arith.constant 262144 : i32
      %add3A_499 = arith.addi %mul3A_23, %add3A_498 : i32
      %dma_wait3A_500 = arith.constant 1 : i32
      %dma_wait3A_501 = tpu.memref_slice %arg4[%add3A_499] : memref<8388608xf32, #tpu.memory_space<hbm>> -> memref<65536xf32, #tpu.memory_space<hbm>>
      %dma_wait3A_502 = arith.constant 0 : i32
      %dma_wait3A_503 = tpu.memref_slice %arg14[%dma_wait3A_500, %dma_wait3A_502] : memref<8x65536xf32, #tpu.memory_space<vmem_shared>> -> memref<1x65536xf32, #tpu.memory_space<vmem_shared>>
      %dma_wait3A_504 = tpu.memref_squeeze %dma_wait3A_503 : memref<1x65536xf32, #tpu.memory_space<vmem_shared>> -> memref<65536xf32, #tpu.memory_space<vmem_shared>>
      tpu.wait_dma2 semaphore(%arg22 : memref<!tpu.dma_semaphore, #tpu.memory_space<semaphore_mem>>) src(%dma_wait3A_504 : memref<65536xf32, #tpu.memory_space<vmem_shared>>) dst(%dma_wait3A_501 : memref<65536xf32, #tpu.memory_space<hbm>>)
      %add3A_505 = arith.constant 786432 : i32
      %add3A_506 = arith.addi %mul3A_23, %add3A_505 : i32
      %dma_start3A_507 = arith.constant 1 : i32
      %dma_start3A_508 = arith.constant 0 : i32
      %dma_start3A_509 = tpu.memref_slice %arg14[%dma_start3A_507, %dma_start3A_508] : memref<8x65536xf32, #tpu.memory_space<vmem_shared>> -> memref<1x65536xf32, #tpu.memory_space<vmem_shared>>
      %dma_start3A_510 = tpu.memref_squeeze %dma_start3A_509 : memref<1x65536xf32, #tpu.memory_space<vmem_shared>> -> memref<65536xf32, #tpu.memory_space<vmem_shared>>
      %dma_start3A_511 = tpu.memref_slice %arg2[%add3A_506] : memref<8388608xf32, #tpu.memory_space<hbm>> -> memref<65536xf32, #tpu.memory_space<hbm>>
      tpu.enqueue_dma source(%dma_start3A_511 : memref<65536xf32, #tpu.memory_space<hbm>>) target(%dma_start3A_510 : memref<65536xf32, #tpu.memory_space<vmem_shared>>) target_semaphore(%arg20 : memref<!tpu.dma_semaphore, #tpu.memory_space<semaphore_mem>>)
      %add3A_512 = arith.constant 524288 : i32
      %add3A_513 = arith.addi %mul3A_23, %add3A_512 : i32
      %dma_wait3A_514 = arith.constant 0 : i32
      %dma_wait3A_515 = arith.constant 0 : i32
      %dma_wait3A_516 = tpu.memref_slice %arg14[%dma_wait3A_514, %dma_wait3A_515] : memref<8x65536xf32, #tpu.memory_space<vmem_shared>> -> memref<1x65536xf32, #tpu.memory_space<vmem_shared>>
      %dma_wait3A_517 = tpu.memref_squeeze %dma_wait3A_516 : memref<1x65536xf32, #tpu.memory_space<vmem_shared>> -> memref<65536xf32, #tpu.memory_space<vmem_shared>>
      %dma_wait3A_518 = tpu.memref_slice %arg2[%add3A_513] : memref<8388608xf32, #tpu.memory_space<hbm>> -> memref<65536xf32, #tpu.memory_space<hbm>>
      tpu.wait_dma2 semaphore(%arg19 : memref<!tpu.dma_semaphore, #tpu.memory_space<semaphore_mem>>) src(%dma_wait3A_518 : memref<65536xf32, #tpu.memory_space<hbm>>) dst(%dma_wait3A_517 : memref<65536xf32, #tpu.memory_space<vmem_shared>>)
      %add3A_519 = arith.constant 524288 : i32
      %add3A_520 = arith.addi %mul3A_23, %add3A_519 : i32
      %dma_start3A_521 = arith.constant 0 : i32
      %dma_start3A_522 = tpu.memref_slice %arg4[%add3A_520] : memref<8388608xf32, #tpu.memory_space<hbm>> -> memref<65536xf32, #tpu.memory_space<hbm>>
      %dma_start3A_523 = arith.constant 0 : i32
      %dma_start3A_524 = tpu.memref_slice %arg14[%dma_start3A_521, %dma_start3A_523] : memref<8x65536xf32, #tpu.memory_space<vmem_shared>> -> memref<1x65536xf32, #tpu.memory_space<vmem_shared>>
      %dma_start3A_525 = tpu.memref_squeeze %dma_start3A_524 : memref<1x65536xf32, #tpu.memory_space<vmem_shared>> -> memref<65536xf32, #tpu.memory_space<vmem_shared>>
      tpu.enqueue_dma source(%dma_start3A_525 : memref<65536xf32, #tpu.memory_space<vmem_shared>>) target(%dma_start3A_522 : memref<65536xf32, #tpu.memory_space<hbm>>) target_semaphore(%arg21 : memref<!tpu.dma_semaphore, #tpu.memory_space<semaphore_mem>>)
    } else {
    }
    %eq3A_204 = arith.constant 4 : i32
    %eq3A_205 = arith.cmpi eq, %arg1, %eq3A_204 : i32
    %convert_element_type3A_206 = arith.extui %eq3A_205 : i1 to i32
    %cond3A_207 = arith.constant 0 : i32
    %cond3A_208 = arith.cmpi ne, %convert_element_type3A_206, %cond3A_207 : i32
    scf.if %cond3A_208 {
      %add3A_498 = arith.constant 327680 : i32
      %add3A_499 = arith.addi %mul3A_23, %add3A_498 : i32
      %dma_wait3A_500 = arith.constant 3 : i32
      %dma_wait3A_501 = tpu.memref_slice %arg4[%add3A_499] : memref<8388608xf32, #tpu.memory_space<hbm>> -> memref<65536xf32, #tpu.memory_space<hbm>>
      %dma_wait3A_502 = arith.constant 0 : i32
      %dma_wait3A_503 = tpu.memref_slice %arg14[%dma_wait3A_500, %dma_wait3A_502] : memref<8x65536xf32, #tpu.memory_space<vmem_shared>> -> memref<1x65536xf32, #tpu.memory_space<vmem_shared>>
      %dma_wait3A_504 = tpu.memref_squeeze %dma_wait3A_503 : memref<1x65536xf32, #tpu.memory_space<vmem_shared>> -> memref<65536xf32, #tpu.memory_space<vmem_shared>>
      tpu.wait_dma2 semaphore(%arg22 : memref<!tpu.dma_semaphore, #tpu.memory_space<semaphore_mem>>) src(%dma_wait3A_504 : memref<65536xf32, #tpu.memory_space<vmem_shared>>) dst(%dma_wait3A_501 : memref<65536xf32, #tpu.memory_space<hbm>>)
      %add3A_505 = arith.constant 851968 : i32
      %add3A_506 = arith.addi %mul3A_23, %add3A_505 : i32
      %dma_start3A_507 = arith.constant 3 : i32
      %dma_start3A_508 = arith.constant 0 : i32
      %dma_start3A_509 = tpu.memref_slice %arg14[%dma_start3A_507, %dma_start3A_508] : memref<8x65536xf32, #tpu.memory_space<vmem_shared>> -> memref<1x65536xf32, #tpu.memory_space<vmem_shared>>
      %dma_start3A_510 = tpu.memref_squeeze %dma_start3A_509 : memref<1x65536xf32, #tpu.memory_space<vmem_shared>> -> memref<65536xf32, #tpu.memory_space<vmem_shared>>
      %dma_start3A_511 = tpu.memref_slice %arg2[%add3A_506] : memref<8388608xf32, #tpu.memory_space<hbm>> -> memref<65536xf32, #tpu.memory_space<hbm>>
      tpu.enqueue_dma source(%dma_start3A_511 : memref<65536xf32, #tpu.memory_space<hbm>>) target(%dma_start3A_510 : memref<65536xf32, #tpu.memory_space<vmem_shared>>) target_semaphore(%arg20 : memref<!tpu.dma_semaphore, #tpu.memory_space<semaphore_mem>>)
      %add3A_512 = arith.constant 589824 : i32
      %add3A_513 = arith.addi %mul3A_23, %add3A_512 : i32
      %dma_wait3A_514 = arith.constant 2 : i32
      %dma_wait3A_515 = arith.constant 0 : i32
      %dma_wait3A_516 = tpu.memref_slice %arg14[%dma_wait3A_514, %dma_wait3A_515] : memref<8x65536xf32, #tpu.memory_space<vmem_shared>> -> memref<1x65536xf32, #tpu.memory_space<vmem_shared>>
      %dma_wait3A_517 = tpu.memref_squeeze %dma_wait3A_516 : memref<1x65536xf32, #tpu.memory_space<vmem_shared>> -> memref<65536xf32, #tpu.memory_space<vmem_shared>>
      %dma_wait3A_518 = tpu.memref_slice %arg2[%add3A_513] : memref<8388608xf32, #tpu.memory_space<hbm>> -> memref<65536xf32, #tpu.memory_space<hbm>>
      tpu.wait_dma2 semaphore(%arg19 : memref<!tpu.dma_semaphore, #tpu.memory_space<semaphore_mem>>) src(%dma_wait3A_518 : memref<65536xf32, #tpu.memory_space<hbm>>) dst(%dma_wait3A_517 : memref<65536xf32, #tpu.memory_space<vmem_shared>>)
      %add3A_519 = arith.constant 589824 : i32
      %add3A_520 = arith.addi %mul3A_23, %add3A_519 : i32
      %dma_start3A_521 = arith.constant 2 : i32
      %dma_start3A_522 = tpu.memref_slice %arg4[%add3A_520] : memref<8388608xf32, #tpu.memory_space<hbm>> -> memref<65536xf32, #tpu.memory_space<hbm>>
      %dma_start3A_523 = arith.constant 0 : i32
      %dma_start3A_524 = tpu.memref_slice %arg14[%dma_start3A_521, %dma_start3A_523] : memref<8x65536xf32, #tpu.memory_space<vmem_shared>> -> memref<1x65536xf32, #tpu.memory_space<vmem_shared>>
      %dma_start3A_525 = tpu.memref_squeeze %dma_start3A_524 : memref<1x65536xf32, #tpu.memory_space<vmem_shared>> -> memref<65536xf32, #tpu.memory_space<vmem_shared>>
      tpu.enqueue_dma source(%dma_start3A_525 : memref<65536xf32, #tpu.memory_space<vmem_shared>>) target(%dma_start3A_522 : memref<65536xf32, #tpu.memory_space<hbm>>) target_semaphore(%arg21 : memref<!tpu.dma_semaphore, #tpu.memory_space<semaphore_mem>>)
    } else {
    }
    %eq3A_209 = arith.constant 8 : i32
    %eq3A_210 = arith.cmpi eq, %arg1, %eq3A_209 : i32
    %convert_element_type3A_211 = arith.extui %eq3A_210 : i1 to i32
    %cond3A_212 = arith.constant 0 : i32
    %cond3A_213 = arith.cmpi ne, %convert_element_type3A_211, %cond3A_212 : i32
    scf.if %cond3A_213 {
      %add3A_498 = arith.constant 393216 : i32
      %add3A_499 = arith.addi %mul3A_23, %add3A_498 : i32
      %dma_wait3A_500 = arith.constant 5 : i32
      %dma_wait3A_501 = tpu.memref_slice %arg4[%add3A_499] : memref<8388608xf32, #tpu.memory_space<hbm>> -> memref<65536xf32, #tpu.memory_space<hbm>>
      %dma_wait3A_502 = arith.constant 0 : i32
      %dma_wait3A_503 = tpu.memref_slice %arg14[%dma_wait3A_500, %dma_wait3A_502] : memref<8x65536xf32, #tpu.memory_space<vmem_shared>> -> memref<1x65536xf32, #tpu.memory_space<vmem_shared>>
      %dma_wait3A_504 = tpu.memref_squeeze %dma_wait3A_503 : memref<1x65536xf32, #tpu.memory_space<vmem_shared>> -> memref<65536xf32, #tpu.memory_space<vmem_shared>>
      tpu.wait_dma2 semaphore(%arg22 : memref<!tpu.dma_semaphore, #tpu.memory_space<semaphore_mem>>) src(%dma_wait3A_504 : memref<65536xf32, #tpu.memory_space<vmem_shared>>) dst(%dma_wait3A_501 : memref<65536xf32, #tpu.memory_space<hbm>>)
      %add3A_505 = arith.constant 917504 : i32
      %add3A_506 = arith.addi %mul3A_23, %add3A_505 : i32
      %dma_start3A_507 = arith.constant 5 : i32
      %dma_start3A_508 = arith.constant 0 : i32
      %dma_start3A_509 = tpu.memref_slice %arg14[%dma_start3A_507, %dma_start3A_508] : memref<8x65536xf32, #tpu.memory_space<vmem_shared>> -> memref<1x65536xf32, #tpu.memory_space<vmem_shared>>
      %dma_start3A_510 = tpu.memref_squeeze %dma_start3A_509 : memref<1x65536xf32, #tpu.memory_space<vmem_shared>> -> memref<65536xf32, #tpu.memory_space<vmem_shared>>
      %dma_start3A_511 = tpu.memref_slice %arg2[%add3A_506] : memref<8388608xf32, #tpu.memory_space<hbm>> -> memref<65536xf32, #tpu.memory_space<hbm>>
      tpu.enqueue_dma source(%dma_start3A_511 : memref<65536xf32, #tpu.memory_space<hbm>>) target(%dma_start3A_510 : memref<65536xf32, #tpu.memory_space<vmem_shared>>) target_semaphore(%arg20 : memref<!tpu.dma_semaphore, #tpu.memory_space<semaphore_mem>>)
      %add3A_512 = arith.constant 655360 : i32
      %add3A_513 = arith.addi %mul3A_23, %add3A_512 : i32
      %dma_wait3A_514 = arith.constant 4 : i32
      %dma_wait3A_515 = arith.constant 0 : i32
      %dma_wait3A_516 = tpu.memref_slice %arg14[%dma_wait3A_514, %dma_wait3A_515] : memref<8x65536xf32, #tpu.memory_space<vmem_shared>> -> memref<1x65536xf32, #tpu.memory_space<vmem_shared>>
      %dma_wait3A_517 = tpu.memref_squeeze %dma_wait3A_516 : memref<1x65536xf32, #tpu.memory_space<vmem_shared>> -> memref<65536xf32, #tpu.memory_space<vmem_shared>>
      %dma_wait3A_518 = tpu.memref_slice %arg2[%add3A_513] : memref<8388608xf32, #tpu.memory_space<hbm>> -> memref<65536xf32, #tpu.memory_space<hbm>>
      tpu.wait_dma2 semaphore(%arg19 : memref<!tpu.dma_semaphore, #tpu.memory_space<semaphore_mem>>) src(%dma_wait3A_518 : memref<65536xf32, #tpu.memory_space<hbm>>) dst(%dma_wait3A_517 : memref<65536xf32, #tpu.memory_space<vmem_shared>>)
      %add3A_519 = arith.constant 655360 : i32
      %add3A_520 = arith.addi %mul3A_23, %add3A_519 : i32
      %dma_start3A_521 = arith.constant 4 : i32
      %dma_start3A_522 = tpu.memref_slice %arg4[%add3A_520] : memref<8388608xf32, #tpu.memory_space<hbm>> -> memref<65536xf32, #tpu.memory_space<hbm>>
      %dma_start3A_523 = arith.constant 0 : i32
      %dma_start3A_524 = tpu.memref_slice %arg14[%dma_start3A_521, %dma_start3A_523] : memref<8x65536xf32, #tpu.memory_space<vmem_shared>> -> memref<1x65536xf32, #tpu.memory_space<vmem_shared>>
      %dma_start3A_525 = tpu.memref_squeeze %dma_start3A_524 : memref<1x65536xf32, #tpu.memory_space<vmem_shared>> -> memref<65536xf32, #tpu.memory_space<vmem_shared>>
      tpu.enqueue_dma source(%dma_start3A_525 : memref<65536xf32, #tpu.memory_space<vmem_shared>>) target(%dma_start3A_522 : memref<65536xf32, #tpu.memory_space<hbm>>) target_semaphore(%arg21 : memref<!tpu.dma_semaphore, #tpu.memory_space<semaphore_mem>>)
    } else {
    }
    %eq3A_214 = arith.constant 12 : i32
    %eq3A_215 = arith.cmpi eq, %arg1, %eq3A_214 : i32
    %convert_element_type3A_216 = arith.extui %eq3A_215 : i1 to i32
    %cond3A_217 = arith.constant 0 : i32
    %cond3A_218 = arith.cmpi ne, %convert_element_type3A_216, %cond3A_217 : i32
    scf.if %cond3A_218 {
      %add3A_498 = arith.constant 458752 : i32
      %add3A_499 = arith.addi %mul3A_23, %add3A_498 : i32
      %dma_wait3A_500 = arith.constant 7 : i32
      %dma_wait3A_501 = tpu.memref_slice %arg4[%add3A_499] : memref<8388608xf32, #tpu.memory_space<hbm>> -> memref<65536xf32, #tpu.memory_space<hbm>>
      %dma_wait3A_502 = arith.constant 0 : i32
      %dma_wait3A_503 = tpu.memref_slice %arg14[%dma_wait3A_500, %dma_wait3A_502] : memref<8x65536xf32, #tpu.memory_space<vmem_shared>> -> memref<1x65536xf32, #tpu.memory_space<vmem_shared>>
      %dma_wait3A_504 = tpu.memref_squeeze %dma_wait3A_503 : memref<1x65536xf32, #tpu.memory_space<vmem_shared>> -> memref<65536xf32, #tpu.memory_space<vmem_shared>>
      tpu.wait_dma2 semaphore(%arg22 : memref<!tpu.dma_semaphore, #tpu.memory_space<semaphore_mem>>) src(%dma_wait3A_504 : memref<65536xf32, #tpu.memory_space<vmem_shared>>) dst(%dma_wait3A_501 : memref<65536xf32, #tpu.memory_space<hbm>>)
      %add3A_505 = arith.constant 983040 : i32
      %add3A_506 = arith.addi %mul3A_23, %add3A_505 : i32
      %dma_start3A_507 = arith.constant 7 : i32
      %dma_start3A_508 = arith.constant 0 : i32
      %dma_start3A_509 = tpu.memref_slice %arg14[%dma_start3A_507, %dma_start3A_508] : memref<8x65536xf32, #tpu.memory_space<vmem_shared>> -> memref<1x65536xf32, #tpu.memory_space<vmem_shared>>
      %dma_start3A_510 = tpu.memref_squeeze %dma_start3A_509 : memref<1x65536xf32, #tpu.memory_space<vmem_shared>> -> memref<65536xf32, #tpu.memory_space<vmem_shared>>
      %dma_start3A_511 = tpu.memref_slice %arg2[%add3A_506] : memref<8388608xf32, #tpu.memory_space<hbm>> -> memref<65536xf32, #tpu.memory_space<hbm>>
      tpu.enqueue_dma source(%dma_start3A_511 : memref<65536xf32, #tpu.memory_space<hbm>>) target(%dma_start3A_510 : memref<65536xf32, #tpu.memory_space<vmem_shared>>) target_semaphore(%arg20 : memref<!tpu.dma_semaphore, #tpu.memory_space<semaphore_mem>>)
      %add3A_512 = arith.constant 720896 : i32
      %add3A_513 = arith.addi %mul3A_23, %add3A_512 : i32
      %dma_wait3A_514 = arith.constant 6 : i32
      %dma_wait3A_515 = arith.constant 0 : i32
      %dma_wait3A_516 = tpu.memref_slice %arg14[%dma_wait3A_514, %dma_wait3A_515] : memref<8x65536xf32, #tpu.memory_space<vmem_shared>> -> memref<1x65536xf32, #tpu.memory_space<vmem_shared>>
      %dma_wait3A_517 = tpu.memref_squeeze %dma_wait3A_516 : memref<1x65536xf32, #tpu.memory_space<vmem_shared>> -> memref<65536xf32, #tpu.memory_space<vmem_shared>>
      %dma_wait3A_518 = tpu.memref_slice %arg2[%add3A_513] : memref<8388608xf32, #tpu.memory_space<hbm>> -> memref<65536xf32, #tpu.memory_space<hbm>>
      tpu.wait_dma2 semaphore(%arg19 : memref<!tpu.dma_semaphore, #tpu.memory_space<semaphore_mem>>) src(%dma_wait3A_518 : memref<65536xf32, #tpu.memory_space<hbm>>) dst(%dma_wait3A_517 : memref<65536xf32, #tpu.memory_space<vmem_shared>>)
      %add3A_519 = arith.constant 720896 : i32
      %add3A_520 = arith.addi %mul3A_23, %add3A_519 : i32
      %dma_start3A_521 = arith.constant 6 : i32
      %dma_start3A_522 = tpu.memref_slice %arg4[%add3A_520] : memref<8388608xf32, #tpu.memory_space<hbm>> -> memref<65536xf32, #tpu.memory_space<hbm>>
      %dma_start3A_523 = arith.constant 0 : i32
      %dma_start3A_524 = tpu.memref_slice %arg14[%dma_start3A_521, %dma_start3A_523] : memref<8x65536xf32, #tpu.memory_space<vmem_shared>> -> memref<1x65536xf32, #tpu.memory_space<vmem_shared>>
      %dma_start3A_525 = tpu.memref_squeeze %dma_start3A_524 : memref<1x65536xf32, #tpu.memory_space<vmem_shared>> -> memref<65536xf32, #tpu.memory_space<vmem_shared>>
      tpu.enqueue_dma source(%dma_start3A_525 : memref<65536xf32, #tpu.memory_space<vmem_shared>>) target(%dma_start3A_522 : memref<65536xf32, #tpu.memory_space<hbm>>) target_semaphore(%arg21 : memref<!tpu.dma_semaphore, #tpu.memory_space<semaphore_mem>>)
    } else {
    }
    %dma_wait3A_219 = tpu.memref_slice %arg4[%add3A_123] : memref<8388608xf32, #tpu.memory_space<hbm>> -> memref<8192xf32, #tpu.memory_space<hbm>>
    %dma_wait3A_220 = tpu.memref_slice %arg4[%add3A_123] : memref<8388608xf32, #tpu.memory_space<hbm>> -> memref<8192xf32, #tpu.memory_space<hbm>>
    tpu.wait_dma2 semaphore(%arg18 : memref<!tpu.dma_semaphore, #tpu.memory_space<semaphore_mem>>) src(%arg11 : memref<8192xf32, #tpu.memory_space<vmem>>) dst(%dma_wait3A_220 : memref<8192xf32, #tpu.memory_space<hbm>>)
    %dma_wait3A_221 = tpu.memref_slice %arg4[%add3A_129] : memref<8388608xf32, #tpu.memory_space<hbm>> -> memref<8192xf32, #tpu.memory_space<hbm>>
    %dma_wait3A_222 = tpu.memref_slice %arg4[%add3A_129] : memref<8388608xf32, #tpu.memory_space<hbm>> -> memref<8192xf32, #tpu.memory_space<hbm>>
    tpu.wait_dma2 semaphore(%arg18 : memref<!tpu.dma_semaphore, #tpu.memory_space<semaphore_mem>>) src(%arg13 : memref<8192xf32, #tpu.memory_space<vmem>>) dst(%dma_wait3A_222 : memref<8192xf32, #tpu.memory_space<hbm>>)
    %dma_wait3A_223 = tpu.memref_slice %arg2[%add3A_135] : memref<8388608xf32, #tpu.memory_space<hbm>> -> memref<8192xf32, #tpu.memory_space<hbm>>
    %dma_wait3A_224 = tpu.memref_slice %arg2[%add3A_135] : memref<8388608xf32, #tpu.memory_space<hbm>> -> memref<8192xf32, #tpu.memory_space<hbm>>
    tpu.wait_dma2 semaphore(%arg16 : memref<!tpu.dma_semaphore, #tpu.memory_space<semaphore_mem>>) src(%dma_wait3A_224 : memref<8192xf32, #tpu.memory_space<hbm>>) dst(%arg7 : memref<8192xf32, #tpu.memory_space<vmem>>)
    %dma_wait3A_225 = tpu.memref_slice %arg2[%add3A_141] : memref<8388608xf32, #tpu.memory_space<hbm>> -> memref<8192xf32, #tpu.memory_space<hbm>>
    %dma_wait3A_226 = tpu.memref_slice %arg2[%add3A_141] : memref<8388608xf32, #tpu.memory_space<hbm>> -> memref<8192xf32, #tpu.memory_space<hbm>>
    tpu.wait_dma2 semaphore(%arg16 : memref<!tpu.dma_semaphore, #tpu.memory_space<semaphore_mem>>) src(%dma_wait3A_226 : memref<8192xf32, #tpu.memory_space<hbm>>) dst(%arg9 : memref<8192xf32, #tpu.memory_space<vmem>>)
    %parallel_loop3A_227 = arith.constant 0 : i32
    %parallel_loop3A_228 = arith.constant 512 : i32
    %parallel_loop3A_229 = arith.constant 1 : i32
    scf.for %parallel_loop3A_498 = %parallel_loop3A_227 to %parallel_loop3A_228 step %parallel_loop3A_229  : i32 {
      %parallel_loop3A_499 = arith.constant 16 : i32
      %parallel_loop3A_500 = arith.muli %parallel_loop3A_498, %parallel_loop3A_499 : i32
      %parallel_loop3A_501 = arith.index_cast %parallel_loop3A_500 : i32 to index
      %parallel_loop3A_502 = tpu.vector_load %arg7[%parallel_loop3A_501] {strides = array<i32>} : memref<8192xf32, #tpu.memory_space<vmem>>, vector<16xf32>,
      %parallel_loop3A_503 = vector.shape_cast %parallel_loop3A_502 : vector<16xf32> to vector<16xf32>
      %parallel_loop3A_504 = arith.index_cast %parallel_loop3A_500 : i32 to index
      %parallel_loop3A_505 = tpu.vector_load %arg9[%parallel_loop3A_504] {strides = array<i32>} : memref<8192xf32, #tpu.memory_space<vmem>>, vector<16xf32>,
      %parallel_loop3A_506 = vector.shape_cast %parallel_loop3A_505 : vector<16xf32> to vector<16xf32>
      %parallel_loop3A_507 = arith.mulf %get3A_4, %parallel_loop3A_503 : vector<16xf32>
      %parallel_loop3A_508 = arith.mulf %get3A_9, %parallel_loop3A_506 : vector<16xf32>
      %parallel_loop3A_509 = arith.addf %parallel_loop3A_507, %parallel_loop3A_508 : vector<16xf32>
      %parallel_loop3A_510 = arith.index_cast %parallel_loop3A_500 : i32 to index
      %parallel_loop3A_511 = tpu.vector_load %arg11[%parallel_loop3A_510] {strides = array<i32>} : memref<8192xf32, #tpu.memory_space<vmem>>, vector<16xf32>,
      %parallel_loop3A_512 = vector.shape_cast %parallel_loop3A_511 : vector<16xf32> to vector<16xf32>
      %parallel_loop3A_513 = vector.shape_cast %parallel_loop3A_509 : vector<16xf32> to vector<16xf32>
      tpu.vector_store %arg11[%parallel_loop3A_510], %parallel_loop3A_513 {strides = array<i32>} : memref<8192xf32, #tpu.memory_space<vmem>>, vector<16xf32>,
      %parallel_loop3A_514 = arith.mulf %get3A_14, %parallel_loop3A_503 : vector<16xf32>
      %parallel_loop3A_515 = arith.mulf %get3A_19, %parallel_loop3A_506 : vector<16xf32>
      %parallel_loop3A_516 = arith.addf %parallel_loop3A_514, %parallel_loop3A_515 : vector<16xf32>
      %parallel_loop3A_517 = arith.index_cast %parallel_loop3A_500 : i32 to index
      %parallel_loop3A_518 = tpu.vector_load %arg13[%parallel_loop3A_517] {strides = array<i32>} : memref<8192xf32, #tpu.memory_space<vmem>>, vector<16xf32>,
      %parallel_loop3A_519 = vector.shape_cast %parallel_loop3A_518 : vector<16xf32> to vector<16xf32>
      %parallel_loop3A_520 = vector.shape_cast %parallel_loop3A_516 : vector<16xf32> to vector<16xf32>
      tpu.vector_store %arg13[%parallel_loop3A_517], %parallel_loop3A_520 {strides = array<i32>} : memref<8192xf32, #tpu.memory_space<vmem>>, vector<16xf32>,
    } {sc.loop_unroll_factor = 8 : i64, sc.parallel_access}
    %add3A_230 = arith.constant 4194304 : i32
    %add3A_231 = arith.addi %add3A_230, %mul3A_21 : i32
    %add3A_232 = arith.constant 24576 : i32
    %add3A_233 = arith.addi %add3A_231, %add3A_232 : i32
    %dma_start3A_234 = tpu.memref_slice %arg4[%add3A_233] : memref<8388608xf32, #tpu.memory_space<hbm>> -> memref<8192xf32, #tpu.memory_space<hbm>>
    %dma_start3A_235 = tpu.memref_slice %arg4[%add3A_233] : memref<8388608xf32, #tpu.memory_space<hbm>> -> memref<8192xf32, #tpu.memory_space<hbm>>
    tpu.enqueue_dma source(%arg11 : memref<8192xf32, #tpu.memory_space<vmem>>) target(%dma_start3A_235 : memref<8192xf32, #tpu.memory_space<hbm>>) target_semaphore(%arg18 : memref<!tpu.dma_semaphore, #tpu.memory_space<semaphore_mem>>)
    %add3A_236 = arith.constant 6291456 : i32
    %add3A_237 = arith.addi %add3A_236, %mul3A_21 : i32
    %add3A_238 = arith.constant 24576 : i32
    %add3A_239 = arith.addi %add3A_237, %add3A_238 : i32
    %dma_start3A_240 = tpu.memref_slice %arg4[%add3A_239] : memref<8388608xf32, #tpu.memory_space<hbm>> -> memref<8192xf32, #tpu.memory_space<hbm>>
    %dma_start3A_241 = tpu.memref_slice %arg4[%add3A_239] : memref<8388608xf32, #tpu.memory_space<hbm>> -> memref<8192xf32, #tpu.memory_space<hbm>>
    tpu.enqueue_dma source(%arg13 : memref<8192xf32, #tpu.memory_space<vmem>>) target(%dma_start3A_241 : memref<8192xf32, #tpu.memory_space<hbm>>) target_semaphore(%arg18 : memref<!tpu.dma_semaphore, #tpu.memory_space<semaphore_mem>>)
    %add3A_242 = arith.constant 4194304 : i32
    %add3A_243 = arith.addi %add3A_242, %mul3A_21 : i32
    %add3A_244 = arith.constant 40960 : i32
    %add3A_245 = arith.addi %add3A_243, %add3A_244 : i32
    %dma_start3A_246 = tpu.memref_slice %arg2[%add3A_245] : memref<8388608xf32, #tpu.memory_space<hbm>> -> memref<8192xf32, #tpu.memory_space<hbm>>
    %dma_start3A_247 = tpu.memref_slice %arg2[%add3A_245] : memref<8388608xf32, #tpu.memory_space<hbm>> -> memref<8192xf32, #tpu.memory_space<hbm>>
    tpu.enqueue_dma source(%dma_start3A_247 : memref<8192xf32, #tpu.memory_space<hbm>>) target(%arg7 : memref<8192xf32, #tpu.memory_space<vmem>>) target_semaphore(%arg16 : memref<!tpu.dma_semaphore, #tpu.memory_space<semaphore_mem>>)
    %add3A_248 = arith.constant 6291456 : i32
    %add3A_249 = arith.addi %add3A_248, %mul3A_21 : i32
    %add3A_250 = arith.constant 40960 : i32
    %add3A_251 = arith.addi %add3A_249, %add3A_250 : i32
    %dma_start3A_252 = tpu.memref_slice %arg2[%add3A_251] : memref<8388608xf32, #tpu.memory_space<hbm>> -> memref<8192xf32, #tpu.memory_space<hbm>>
    %dma_start3A_253 = tpu.memref_slice %arg2[%add3A_251] : memref<8388608xf32, #tpu.memory_space<hbm>> -> memref<8192xf32, #tpu.memory_space<hbm>>
    tpu.enqueue_dma source(%dma_start3A_253 : memref<8192xf32, #tpu.memory_space<hbm>>) target(%arg9 : memref<8192xf32, #tpu.memory_space<vmem>>) target_semaphore(%arg16 : memref<!tpu.dma_semaphore, #tpu.memory_space<semaphore_mem>>)
    %eq3A_254 = arith.constant 0 : i32
    %eq3A_255 = arith.cmpi eq, %arg1, %eq3A_254 : i32
    %convert_element_type3A_256 = arith.extui %eq3A_255 : i1 to i32
    %cond3A_257 = arith.constant 0 : i32
    %cond3A_258 = arith.cmpi ne, %convert_element_type3A_256, %cond3A_257 : i32
    scf.if %cond3A_258 {
      %add3A_498 = arith.constant 524288 : i32
      %add3A_499 = arith.addi %mul3A_23, %add3A_498 : i32
      %dma_wait3A_500 = arith.constant 0 : i32
      %dma_wait3A_501 = tpu.memref_slice %arg4[%add3A_499] : memref<8388608xf32, #tpu.memory_space<hbm>> -> memref<65536xf32, #tpu.memory_space<hbm>>
      %dma_wait3A_502 = arith.constant 0 : i32
      %dma_wait3A_503 = tpu.memref_slice %arg14[%dma_wait3A_500, %dma_wait3A_502] : memref<8x65536xf32, #tpu.memory_space<vmem_shared>> -> memref<1x65536xf32, #tpu.memory_space<vmem_shared>>
      %dma_wait3A_504 = tpu.memref_squeeze %dma_wait3A_503 : memref<1x65536xf32, #tpu.memory_space<vmem_shared>> -> memref<65536xf32, #tpu.memory_space<vmem_shared>>
      tpu.wait_dma2 semaphore(%arg21 : memref<!tpu.dma_semaphore, #tpu.memory_space<semaphore_mem>>) src(%dma_wait3A_504 : memref<65536xf32, #tpu.memory_space<vmem_shared>>) dst(%dma_wait3A_501 : memref<65536xf32, #tpu.memory_space<hbm>>)
      %add3A_505 = arith.constant 1048576 : i32
      %add3A_506 = arith.addi %mul3A_23, %add3A_505 : i32
      %dma_start3A_507 = arith.constant 0 : i32
      %dma_start3A_508 = arith.constant 0 : i32
      %dma_start3A_509 = tpu.memref_slice %arg14[%dma_start3A_507, %dma_start3A_508] : memref<8x65536xf32, #tpu.memory_space<vmem_shared>> -> memref<1x65536xf32, #tpu.memory_space<vmem_shared>>
      %dma_start3A_510 = tpu.memref_squeeze %dma_start3A_509 : memref<1x65536xf32, #tpu.memory_space<vmem_shared>> -> memref<65536xf32, #tpu.memory_space<vmem_shared>>
      %dma_start3A_511 = tpu.memref_slice %arg2[%add3A_506] : memref<8388608xf32, #tpu.memory_space<hbm>> -> memref<65536xf32, #tpu.memory_space<hbm>>
      tpu.enqueue_dma source(%dma_start3A_511 : memref<65536xf32, #tpu.memory_space<hbm>>) target(%dma_start3A_510 : memref<65536xf32, #tpu.memory_space<vmem_shared>>) target_semaphore(%arg19 : memref<!tpu.dma_semaphore, #tpu.memory_space<semaphore_mem>>)
      %add3A_512 = arith.constant 786432 : i32
      %add3A_513 = arith.addi %mul3A_23, %add3A_512 : i32
      %dma_wait3A_514 = arith.constant 1 : i32
      %dma_wait3A_515 = arith.constant 0 : i32
      %dma_wait3A_516 = tpu.memref_slice %arg14[%dma_wait3A_514, %dma_wait3A_515] : memref<8x65536xf32, #tpu.memory_space<vmem_shared>> -> memref<1x65536xf32, #tpu.memory_space<vmem_shared>>
      %dma_wait3A_517 = tpu.memref_squeeze %dma_wait3A_516 : memref<1x65536xf32, #tpu.memory_space<vmem_shared>> -> memref<65536xf32, #tpu.memory_space<vmem_shared>>
      %dma_wait3A_518 = tpu.memref_slice %arg2[%add3A_513] : memref<8388608xf32, #tpu.memory_space<hbm>> -> memref<65536xf32, #tpu.memory_space<hbm>>
      tpu.wait_dma2 semaphore(%arg20 : memref<!tpu.dma_semaphore, #tpu.memory_space<semaphore_mem>>) src(%dma_wait3A_518 : memref<65536xf32, #tpu.memory_space<hbm>>) dst(%dma_wait3A_517 : memref<65536xf32, #tpu.memory_space<vmem_shared>>)
      %add3A_519 = arith.constant 786432 : i32
      %add3A_520 = arith.addi %mul3A_23, %add3A_519 : i32
      %dma_start3A_521 = arith.constant 1 : i32
      %dma_start3A_522 = tpu.memref_slice %arg4[%add3A_520] : memref<8388608xf32, #tpu.memory_space<hbm>> -> memref<65536xf32, #tpu.memory_space<hbm>>
      %dma_start3A_523 = arith.constant 0 : i32
      %dma_start3A_524 = tpu.memref_slice %arg14[%dma_start3A_521, %dma_start3A_523] : memref<8x65536xf32, #tpu.memory_space<vmem_shared>> -> memref<1x65536xf32, #tpu.memory_space<vmem_shared>>
      %dma_start3A_525 = tpu.memref_squeeze %dma_start3A_524 : memref<1x65536xf32, #tpu.memory_space<vmem_shared>> -> memref<65536xf32, #tpu.memory_space<vmem_shared>>
      tpu.enqueue_dma source(%dma_start3A_525 : memref<65536xf32, #tpu.memory_space<vmem_shared>>) target(%dma_start3A_522 : memref<65536xf32, #tpu.memory_space<hbm>>) target_semaphore(%arg22 : memref<!tpu.dma_semaphore, #tpu.memory_space<semaphore_mem>>)
    } else {
    }
    %eq3A_259 = arith.constant 4 : i32
    %eq3A_260 = arith.cmpi eq, %arg1, %eq3A_259 : i32
    %convert_element_type3A_261 = arith.extui %eq3A_260 : i1 to i32
    %cond3A_262 = arith.constant 0 : i32
    %cond3A_263 = arith.cmpi ne, %convert_element_type3A_261, %cond3A_262 : i32
    scf.if %cond3A_263 {
      %add3A_498 = arith.constant 589824 : i32
      %add3A_499 = arith.addi %mul3A_23, %add3A_498 : i32
      %dma_wait3A_500 = arith.constant 2 : i32
      %dma_wait3A_501 = tpu.memref_slice %arg4[%add3A_499] : memref<8388608xf32, #tpu.memory_space<hbm>> -> memref<65536xf32, #tpu.memory_space<hbm>>
      %dma_wait3A_502 = arith.constant 0 : i32
      %dma_wait3A_503 = tpu.memref_slice %arg14[%dma_wait3A_500, %dma_wait3A_502] : memref<8x65536xf32, #tpu.memory_space<vmem_shared>> -> memref<1x65536xf32, #tpu.memory_space<vmem_shared>>
      %dma_wait3A_504 = tpu.memref_squeeze %dma_wait3A_503 : memref<1x65536xf32, #tpu.memory_space<vmem_shared>> -> memref<65536xf32, #tpu.memory_space<vmem_shared>>
      tpu.wait_dma2 semaphore(%arg21 : memref<!tpu.dma_semaphore, #tpu.memory_space<semaphore_mem>>) src(%dma_wait3A_504 : memref<65536xf32, #tpu.memory_space<vmem_shared>>) dst(%dma_wait3A_501 : memref<65536xf32, #tpu.memory_space<hbm>>)
      %add3A_505 = arith.constant 1114112 : i32
      %add3A_506 = arith.addi %mul3A_23, %add3A_505 : i32
      %dma_start3A_507 = arith.constant 2 : i32
      %dma_start3A_508 = arith.constant 0 : i32
      %dma_start3A_509 = tpu.memref_slice %arg14[%dma_start3A_507, %dma_start3A_508] : memref<8x65536xf32, #tpu.memory_space<vmem_shared>> -> memref<1x65536xf32, #tpu.memory_space<vmem_shared>>
      %dma_start3A_510 = tpu.memref_squeeze %dma_start3A_509 : memref<1x65536xf32, #tpu.memory_space<vmem_shared>> -> memref<65536xf32, #tpu.memory_space<vmem_shared>>
      %dma_start3A_511 = tpu.memref_slice %arg2[%add3A_506] : memref<8388608xf32, #tpu.memory_space<hbm>> -> memref<65536xf32, #tpu.memory_space<hbm>>
      tpu.enqueue_dma source(%dma_start3A_511 : memref<65536xf32, #tpu.memory_space<hbm>>) target(%dma_start3A_510 : memref<65536xf32, #tpu.memory_space<vmem_shared>>) target_semaphore(%arg19 : memref<!tpu.dma_semaphore, #tpu.memory_space<semaphore_mem>>)
      %add3A_512 = arith.constant 851968 : i32
      %add3A_513 = arith.addi %mul3A_23, %add3A_512 : i32
      %dma_wait3A_514 = arith.constant 3 : i32
      %dma_wait3A_515 = arith.constant 0 : i32
      %dma_wait3A_516 = tpu.memref_slice %arg14[%dma_wait3A_514, %dma_wait3A_515] : memref<8x65536xf32, #tpu.memory_space<vmem_shared>> -> memref<1x65536xf32, #tpu.memory_space<vmem_shared>>
      %dma_wait3A_517 = tpu.memref_squeeze %dma_wait3A_516 : memref<1x65536xf32, #tpu.memory_space<vmem_shared>> -> memref<65536xf32, #tpu.memory_space<vmem_shared>>
      %dma_wait3A_518 = tpu.memref_slice %arg2[%add3A_513] : memref<8388608xf32, #tpu.memory_space<hbm>> -> memref<65536xf32, #tpu.memory_space<hbm>>
      tpu.wait_dma2 semaphore(%arg20 : memref<!tpu.dma_semaphore, #tpu.memory_space<semaphore_mem>>) src(%dma_wait3A_518 : memref<65536xf32, #tpu.memory_space<hbm>>) dst(%dma_wait3A_517 : memref<65536xf32, #tpu.memory_space<vmem_shared>>)
      %add3A_519 = arith.constant 851968 : i32
      %add3A_520 = arith.addi %mul3A_23, %add3A_519 : i32
      %dma_start3A_521 = arith.constant 3 : i32
      %dma_start3A_522 = tpu.memref_slice %arg4[%add3A_520] : memref<8388608xf32, #tpu.memory_space<hbm>> -> memref<65536xf32, #tpu.memory_space<hbm>>
      %dma_start3A_523 = arith.constant 0 : i32
      %dma_start3A_524 = tpu.memref_slice %arg14[%dma_start3A_521, %dma_start3A_523] : memref<8x65536xf32, #tpu.memory_space<vmem_shared>> -> memref<1x65536xf32, #tpu.memory_space<vmem_shared>>
      %dma_start3A_525 = tpu.memref_squeeze %dma_start3A_524 : memref<1x65536xf32, #tpu.memory_space<vmem_shared>> -> memref<65536xf32, #tpu.memory_space<vmem_shared>>
      tpu.enqueue_dma source(%dma_start3A_525 : memref<65536xf32, #tpu.memory_space<vmem_shared>>) target(%dma_start3A_522 : memref<65536xf32, #tpu.memory_space<hbm>>) target_semaphore(%arg22 : memref<!tpu.dma_semaphore, #tpu.memory_space<semaphore_mem>>)
    } else {
    }
    %eq3A_264 = arith.constant 8 : i32
    %eq3A_265 = arith.cmpi eq, %arg1, %eq3A_264 : i32
    %convert_element_type3A_266 = arith.extui %eq3A_265 : i1 to i32
    %cond3A_267 = arith.constant 0 : i32
    %cond3A_268 = arith.cmpi ne, %convert_element_type3A_266, %cond3A_267 : i32
    scf.if %cond3A_268 {
      %add3A_498 = arith.constant 655360 : i32
      %add3A_499 = arith.addi %mul3A_23, %add3A_498 : i32
      %dma_wait3A_500 = arith.constant 4 : i32
      %dma_wait3A_501 = tpu.memref_slice %arg4[%add3A_499] : memref<8388608xf32, #tpu.memory_space<hbm>> -> memref<65536xf32, #tpu.memory_space<hbm>>
      %dma_wait3A_502 = arith.constant 0 : i32
      %dma_wait3A_503 = tpu.memref_slice %arg14[%dma_wait3A_500, %dma_wait3A_502] : memref<8x65536xf32, #tpu.memory_space<vmem_shared>> -> memref<1x65536xf32, #tpu.memory_space<vmem_shared>>
      %dma_wait3A_504 = tpu.memref_squeeze %dma_wait3A_503 : memref<1x65536xf32, #tpu.memory_space<vmem_shared>> -> memref<65536xf32, #tpu.memory_space<vmem_shared>>
      tpu.wait_dma2 semaphore(%arg21 : memref<!tpu.dma_semaphore, #tpu.memory_space<semaphore_mem>>) src(%dma_wait3A_504 : memref<65536xf32, #tpu.memory_space<vmem_shared>>) dst(%dma_wait3A_501 : memref<65536xf32, #tpu.memory_space<hbm>>)
      %add3A_505 = arith.constant 1179648 : i32
      %add3A_506 = arith.addi %mul3A_23, %add3A_505 : i32
      %dma_start3A_507 = arith.constant 4 : i32
      %dma_start3A_508 = arith.constant 0 : i32
      %dma_start3A_509 = tpu.memref_slice %arg14[%dma_start3A_507, %dma_start3A_508] : memref<8x65536xf32, #tpu.memory_space<vmem_shared>> -> memref<1x65536xf32, #tpu.memory_space<vmem_shared>>
      %dma_start3A_510 = tpu.memref_squeeze %dma_start3A_509 : memref<1x65536xf32, #tpu.memory_space<vmem_shared>> -> memref<65536xf32, #tpu.memory_space<vmem_shared>>
      %dma_start3A_511 = tpu.memref_slice %arg2[%add3A_506] : memref<8388608xf32, #tpu.memory_space<hbm>> -> memref<65536xf32, #tpu.memory_space<hbm>>
      tpu.enqueue_dma source(%dma_start3A_511 : memref<65536xf32, #tpu.memory_space<hbm>>) target(%dma_start3A_510 : memref<65536xf32, #tpu.memory_space<vmem_shared>>) target_semaphore(%arg19 : memref<!tpu.dma_semaphore, #tpu.memory_space<semaphore_mem>>)
      %add3A_512 = arith.constant 917504 : i32
      %add3A_513 = arith.addi %mul3A_23, %add3A_512 : i32
      %dma_wait3A_514 = arith.constant 5 : i32
      %dma_wait3A_515 = arith.constant 0 : i32
      %dma_wait3A_516 = tpu.memref_slice %arg14[%dma_wait3A_514, %dma_wait3A_515] : memref<8x65536xf32, #tpu.memory_space<vmem_shared>> -> memref<1x65536xf32, #tpu.memory_space<vmem_shared>>
      %dma_wait3A_517 = tpu.memref_squeeze %dma_wait3A_516 : memref<1x65536xf32, #tpu.memory_space<vmem_shared>> -> memref<65536xf32, #tpu.memory_space<vmem_shared>>
      %dma_wait3A_518 = tpu.memref_slice %arg2[%add3A_513] : memref<8388608xf32, #tpu.memory_space<hbm>> -> memref<65536xf32, #tpu.memory_space<hbm>>
      tpu.wait_dma2 semaphore(%arg20 : memref<!tpu.dma_semaphore, #tpu.memory_space<semaphore_mem>>) src(%dma_wait3A_518 : memref<65536xf32, #tpu.memory_space<hbm>>) dst(%dma_wait3A_517 : memref<65536xf32, #tpu.memory_space<vmem_shared>>)
      %add3A_519 = arith.constant 917504 : i32
      %add3A_520 = arith.addi %mul3A_23, %add3A_519 : i32
      %dma_start3A_521 = arith.constant 5 : i32
      %dma_start3A_522 = tpu.memref_slice %arg4[%add3A_520] : memref<8388608xf32, #tpu.memory_space<hbm>> -> memref<65536xf32, #tpu.memory_space<hbm>>
      %dma_start3A_523 = arith.constant 0 : i32
      %dma_start3A_524 = tpu.memref_slice %arg14[%dma_start3A_521, %dma_start3A_523] : memref<8x65536xf32, #tpu.memory_space<vmem_shared>> -> memref<1x65536xf32, #tpu.memory_space<vmem_shared>>
      %dma_start3A_525 = tpu.memref_squeeze %dma_start3A_524 : memref<1x65536xf32, #tpu.memory_space<vmem_shared>> -> memref<65536xf32, #tpu.memory_space<vmem_shared>>
      tpu.enqueue_dma source(%dma_start3A_525 : memref<65536xf32, #tpu.memory_space<vmem_shared>>) target(%dma_start3A_522 : memref<65536xf32, #tpu.memory_space<hbm>>) target_semaphore(%arg22 : memref<!tpu.dma_semaphore, #tpu.memory_space<semaphore_mem>>)
    } else {
    }
    %eq3A_269 = arith.constant 12 : i32
    %eq3A_270 = arith.cmpi eq, %arg1, %eq3A_269 : i32
    %convert_element_type3A_271 = arith.extui %eq3A_270 : i1 to i32
    %cond3A_272 = arith.constant 0 : i32
    %cond3A_273 = arith.cmpi ne, %convert_element_type3A_271, %cond3A_272 : i32
    scf.if %cond3A_273 {
      %add3A_498 = arith.constant 720896 : i32
      %add3A_499 = arith.addi %mul3A_23, %add3A_498 : i32
      %dma_wait3A_500 = arith.constant 6 : i32
      %dma_wait3A_501 = tpu.memref_slice %arg4[%add3A_499] : memref<8388608xf32, #tpu.memory_space<hbm>> -> memref<65536xf32, #tpu.memory_space<hbm>>
      %dma_wait3A_502 = arith.constant 0 : i32
      %dma_wait3A_503 = tpu.memref_slice %arg14[%dma_wait3A_500, %dma_wait3A_502] : memref<8x65536xf32, #tpu.memory_space<vmem_shared>> -> memref<1x65536xf32, #tpu.memory_space<vmem_shared>>
      %dma_wait3A_504 = tpu.memref_squeeze %dma_wait3A_503 : memref<1x65536xf32, #tpu.memory_space<vmem_shared>> -> memref<65536xf32, #tpu.memory_space<vmem_shared>>
      tpu.wait_dma2 semaphore(%arg21 : memref<!tpu.dma_semaphore, #tpu.memory_space<semaphore_mem>>) src(%dma_wait3A_504 : memref<65536xf32, #tpu.memory_space<vmem_shared>>) dst(%dma_wait3A_501 : memref<65536xf32, #tpu.memory_space<hbm>>)
      %add3A_505 = arith.constant 1245184 : i32
      %add3A_506 = arith.addi %mul3A_23, %add3A_505 : i32
      %dma_start3A_507 = arith.constant 6 : i32
      %dma_start3A_508 = arith.constant 0 : i32
      %dma_start3A_509 = tpu.memref_slice %arg14[%dma_start3A_507, %dma_start3A_508] : memref<8x65536xf32, #tpu.memory_space<vmem_shared>> -> memref<1x65536xf32, #tpu.memory_space<vmem_shared>>
      %dma_start3A_510 = tpu.memref_squeeze %dma_start3A_509 : memref<1x65536xf32, #tpu.memory_space<vmem_shared>> -> memref<65536xf32, #tpu.memory_space<vmem_shared>>
      %dma_start3A_511 = tpu.memref_slice %arg2[%add3A_506] : memref<8388608xf32, #tpu.memory_space<hbm>> -> memref<65536xf32, #tpu.memory_space<hbm>>
      tpu.enqueue_dma source(%dma_start3A_511 : memref<65536xf32, #tpu.memory_space<hbm>>) target(%dma_start3A_510 : memref<65536xf32, #tpu.memory_space<vmem_shared>>) target_semaphore(%arg19 : memref<!tpu.dma_semaphore, #tpu.memory_space<semaphore_mem>>)
      %add3A_512 = arith.constant 983040 : i32
      %add3A_513 = arith.addi %mul3A_23, %add3A_512 : i32
      %dma_wait3A_514 = arith.constant 7 : i32
      %dma_wait3A_515 = arith.constant 0 : i32
      %dma_wait3A_516 = tpu.memref_slice %arg14[%dma_wait3A_514, %dma_wait3A_515] : memref<8x65536xf32, #tpu.memory_space<vmem_shared>> -> memref<1x65536xf32, #tpu.memory_space<vmem_shared>>
      %dma_wait3A_517 = tpu.memref_squeeze %dma_wait3A_516 : memref<1x65536xf32, #tpu.memory_space<vmem_shared>> -> memref<65536xf32, #tpu.memory_space<vmem_shared>>
      %dma_wait3A_518 = tpu.memref_slice %arg2[%add3A_513] : memref<8388608xf32, #tpu.memory_space<hbm>> -> memref<65536xf32, #tpu.memory_space<hbm>>
      tpu.wait_dma2 semaphore(%arg20 : memref<!tpu.dma_semaphore, #tpu.memory_space<semaphore_mem>>) src(%dma_wait3A_518 : memref<65536xf32, #tpu.memory_space<hbm>>) dst(%dma_wait3A_517 : memref<65536xf32, #tpu.memory_space<vmem_shared>>)
      %add3A_519 = arith.constant 983040 : i32
      %add3A_520 = arith.addi %mul3A_23, %add3A_519 : i32
      %dma_start3A_521 = arith.constant 7 : i32
      %dma_start3A_522 = tpu.memref_slice %arg4[%add3A_520] : memref<8388608xf32, #tpu.memory_space<hbm>> -> memref<65536xf32, #tpu.memory_space<hbm>>
      %dma_start3A_523 = arith.constant 0 : i32
      %dma_start3A_524 = tpu.memref_slice %arg14[%dma_start3A_521, %dma_start3A_523] : memref<8x65536xf32, #tpu.memory_space<vmem_shared>> -> memref<1x65536xf32, #tpu.memory_space<vmem_shared>>
      %dma_start3A_525 = tpu.memref_squeeze %dma_start3A_524 : memref<1x65536xf32, #tpu.memory_space<vmem_shared>> -> memref<65536xf32, #tpu.memory_space<vmem_shared>>
      tpu.enqueue_dma source(%dma_start3A_525 : memref<65536xf32, #tpu.memory_space<vmem_shared>>) target(%dma_start3A_522 : memref<65536xf32, #tpu.memory_space<hbm>>) target_semaphore(%arg22 : memref<!tpu.dma_semaphore, #tpu.memory_space<semaphore_mem>>)
    } else {
    }
    %dma_wait3A_274 = tpu.memref_slice %arg4[%add3A_178] : memref<8388608xf32, #tpu.memory_space<hbm>> -> memref<8192xf32, #tpu.memory_space<hbm>>
    %dma_wait3A_275 = tpu.memref_slice %arg4[%add3A_178] : memref<8388608xf32, #tpu.memory_space<hbm>> -> memref<8192xf32, #tpu.memory_space<hbm>>
    tpu.wait_dma2 semaphore(%arg17 : memref<!tpu.dma_semaphore, #tpu.memory_space<semaphore_mem>>) src(%arg10 : memref<8192xf32, #tpu.memory_space<vmem>>) dst(%dma_wait3A_275 : memref<8192xf32, #tpu.memory_space<hbm>>)
    %dma_wait3A_276 = tpu.memref_slice %arg4[%add3A_184] : memref<8388608xf32, #tpu.memory_space<hbm>> -> memref<8192xf32, #tpu.memory_space<hbm>>
    %dma_wait3A_277 = tpu.memref_slice %arg4[%add3A_184] : memref<8388608xf32, #tpu.memory_space<hbm>> -> memref<8192xf32, #tpu.memory_space<hbm>>
    tpu.wait_dma2 semaphore(%arg17 : memref<!tpu.dma_semaphore, #tpu.memory_space<semaphore_mem>>) src(%arg12 : memref<8192xf32, #tpu.memory_space<vmem>>) dst(%dma_wait3A_277 : memref<8192xf32, #tpu.memory_space<hbm>>)
    %dma_wait3A_278 = tpu.memref_slice %arg2[%add3A_190] : memref<8388608xf32, #tpu.memory_space<hbm>> -> memref<8192xf32, #tpu.memory_space<hbm>>
    %dma_wait3A_279 = tpu.memref_slice %arg2[%add3A_190] : memref<8388608xf32, #tpu.memory_space<hbm>> -> memref<8192xf32, #tpu.memory_space<hbm>>
    tpu.wait_dma2 semaphore(%arg15 : memref<!tpu.dma_semaphore, #tpu.memory_space<semaphore_mem>>) src(%dma_wait3A_279 : memref<8192xf32, #tpu.memory_space<hbm>>) dst(%arg6 : memref<8192xf32, #tpu.memory_space<vmem>>)
    %dma_wait3A_280 = tpu.memref_slice %arg2[%add3A_196] : memref<8388608xf32, #tpu.memory_space<hbm>> -> memref<8192xf32, #tpu.memory_space<hbm>>
    %dma_wait3A_281 = tpu.memref_slice %arg2[%add3A_196] : memref<8388608xf32, #tpu.memory_space<hbm>> -> memref<8192xf32, #tpu.memory_space<hbm>>
    tpu.wait_dma2 semaphore(%arg15 : memref<!tpu.dma_semaphore, #tpu.memory_space<semaphore_mem>>) src(%dma_wait3A_281 : memref<8192xf32, #tpu.memory_space<hbm>>) dst(%arg8 : memref<8192xf32, #tpu.memory_space<vmem>>)
    %parallel_loop3A_282 = arith.constant 0 : i32
    %parallel_loop3A_283 = arith.constant 512 : i32
    %parallel_loop3A_284 = arith.constant 1 : i32
    scf.for %parallel_loop3A_498 = %parallel_loop3A_282 to %parallel_loop3A_283 step %parallel_loop3A_284  : i32 {
      %parallel_loop3A_499 = arith.constant 16 : i32
      %parallel_loop3A_500 = arith.muli %parallel_loop3A_498, %parallel_loop3A_499 : i32
      %parallel_loop3A_501 = arith.index_cast %parallel_loop3A_500 : i32 to index
      %parallel_loop3A_502 = tpu.vector_load %arg6[%parallel_loop3A_501] {strides = array<i32>} : memref<8192xf32, #tpu.memory_space<vmem>>, vector<16xf32>,
      %parallel_loop3A_503 = vector.shape_cast %parallel_loop3A_502 : vector<16xf32> to vector<16xf32>
      %parallel_loop3A_504 = arith.index_cast %parallel_loop3A_500 : i32 to index
      %parallel_loop3A_505 = tpu.vector_load %arg8[%parallel_loop3A_504] {strides = array<i32>} : memref<8192xf32, #tpu.memory_space<vmem>>, vector<16xf32>,
      %parallel_loop3A_506 = vector.shape_cast %parallel_loop3A_505 : vector<16xf32> to vector<16xf32>
      %parallel_loop3A_507 = arith.mulf %get3A_4, %parallel_loop3A_503 : vector<16xf32>
      %parallel_loop3A_508 = arith.mulf %get3A_9, %parallel_loop3A_506 : vector<16xf32>
      %parallel_loop3A_509 = arith.addf %parallel_loop3A_507, %parallel_loop3A_508 : vector<16xf32>
      %parallel_loop3A_510 = arith.index_cast %parallel_loop3A_500 : i32 to index
      %parallel_loop3A_511 = tpu.vector_load %arg10[%parallel_loop3A_510] {strides = array<i32>} : memref<8192xf32, #tpu.memory_space<vmem>>, vector<16xf32>,
      %parallel_loop3A_512 = vector.shape_cast %parallel_loop3A_511 : vector<16xf32> to vector<16xf32>
      %parallel_loop3A_513 = vector.shape_cast %parallel_loop3A_509 : vector<16xf32> to vector<16xf32>
      tpu.vector_store %arg10[%parallel_loop3A_510], %parallel_loop3A_513 {strides = array<i32>} : memref<8192xf32, #tpu.memory_space<vmem>>, vector<16xf32>,
      %parallel_loop3A_514 = arith.mulf %get3A_14, %parallel_loop3A_503 : vector<16xf32>
      %parallel_loop3A_515 = arith.mulf %get3A_19, %parallel_loop3A_506 : vector<16xf32>
      %parallel_loop3A_516 = arith.addf %parallel_loop3A_514, %parallel_loop3A_515 : vector<16xf32>
      %parallel_loop3A_517 = arith.index_cast %parallel_loop3A_500 : i32 to index
      %parallel_loop3A_518 = tpu.vector_load %arg12[%parallel_loop3A_517] {strides = array<i32>} : memref<8192xf32, #tpu.memory_space<vmem>>, vector<16xf32>,
      %parallel_loop3A_519 = vector.shape_cast %parallel_loop3A_518 : vector<16xf32> to vector<16xf32>
      %parallel_loop3A_520 = vector.shape_cast %parallel_loop3A_516 : vector<16xf32> to vector<16xf32>
      tpu.vector_store %arg12[%parallel_loop3A_517], %parallel_loop3A_520 {strides = array<i32>} : memref<8192xf32, #tpu.memory_space<vmem>>, vector<16xf32>,
    } {sc.loop_unroll_factor = 8 : i64, sc.parallel_access}
    %add3A_285 = arith.constant 4194304 : i32
    %add3A_286 = arith.addi %add3A_285, %mul3A_21 : i32
    %add3A_287 = arith.constant 32768 : i32
    %add3A_288 = arith.addi %add3A_286, %add3A_287 : i32
    %dma_start3A_289 = tpu.memref_slice %arg4[%add3A_288] : memref<8388608xf32, #tpu.memory_space<hbm>> -> memref<8192xf32, #tpu.memory_space<hbm>>
    %dma_start3A_290 = tpu.memref_slice %arg4[%add3A_288] : memref<8388608xf32, #tpu.memory_space<hbm>> -> memref<8192xf32, #tpu.memory_space<hbm>>
    tpu.enqueue_dma source(%arg10 : memref<8192xf32, #tpu.memory_space<vmem>>) target(%dma_start3A_290 : memref<8192xf32, #tpu.memory_space<hbm>>) target_semaphore(%arg17 : memref<!tpu.dma_semaphore, #tpu.memory_space<semaphore_mem>>)
    %add3A_291 = arith.constant 6291456 : i32
    %add3A_292 = arith.addi %add3A_291, %mul3A_21 : i32
    %add3A_293 = arith.constant 32768 : i32
    %add3A_294 = arith.addi %add3A_292, %add3A_293 : i32
    %dma_start3A_295 = tpu.memref_slice %arg4[%add3A_294] : memref<8388608xf32, #tpu.memory_space<hbm>> -> memref<8192xf32, #tpu.memory_space<hbm>>
    %dma_start3A_296 = tpu.memref_slice %arg4[%add3A_294] : memref<8388608xf32, #tpu.memory_space<hbm>> -> memref<8192xf32, #tpu.memory_space<hbm>>
    tpu.enqueue_dma source(%arg12 : memref<8192xf32, #tpu.memory_space<vmem>>) target(%dma_start3A_296 : memref<8192xf32, #tpu.memory_space<hbm>>) target_semaphore(%arg17 : memref<!tpu.dma_semaphore, #tpu.memory_space<semaphore_mem>>)
    %add3A_297 = arith.constant 4194304 : i32
    %add3A_298 = arith.addi %add3A_297, %mul3A_21 : i32
    %add3A_299 = arith.constant 49152 : i32
    %add3A_300 = arith.addi %add3A_298, %add3A_299 : i32
    %dma_start3A_301 = tpu.memref_slice %arg2[%add3A_300] : memref<8388608xf32, #tpu.memory_space<hbm>> -> memref<8192xf32, #tpu.memory_space<hbm>>
    %dma_start3A_302 = tpu.memref_slice %arg2[%add3A_300] : memref<8388608xf32, #tpu.memory_space<hbm>> -> memref<8192xf32, #tpu.memory_space<hbm>>
    tpu.enqueue_dma source(%dma_start3A_302 : memref<8192xf32, #tpu.memory_space<hbm>>) target(%arg6 : memref<8192xf32, #tpu.memory_space<vmem>>) target_semaphore(%arg15 : memref<!tpu.dma_semaphore, #tpu.memory_space<semaphore_mem>>)
    %add3A_303 = arith.constant 6291456 : i32
    %add3A_304 = arith.addi %add3A_303, %mul3A_21 : i32
    %add3A_305 = arith.constant 49152 : i32
    %add3A_306 = arith.addi %add3A_304, %add3A_305 : i32
    %dma_start3A_307 = tpu.memref_slice %arg2[%add3A_306] : memref<8388608xf32, #tpu.memory_space<hbm>> -> memref<8192xf32, #tpu.memory_space<hbm>>
    %dma_start3A_308 = tpu.memref_slice %arg2[%add3A_306] : memref<8388608xf32, #tpu.memory_space<hbm>> -> memref<8192xf32, #tpu.memory_space<hbm>>
    tpu.enqueue_dma source(%dma_start3A_308 : memref<8192xf32, #tpu.memory_space<hbm>>) target(%arg8 : memref<8192xf32, #tpu.memory_space<vmem>>) target_semaphore(%arg15 : memref<!tpu.dma_semaphore, #tpu.memory_space<semaphore_mem>>)
    %eq3A_309 = arith.constant 0 : i32
    %eq3A_310 = arith.cmpi eq, %arg1, %eq3A_309 : i32
    %convert_element_type3A_311 = arith.extui %eq3A_310 : i1 to i32
    %cond3A_312 = arith.constant 0 : i32
    %cond3A_313 = arith.cmpi ne, %convert_element_type3A_311, %cond3A_312 : i32
    scf.if %cond3A_313 {
      %add3A_498 = arith.constant 786432 : i32
      %add3A_499 = arith.addi %mul3A_23, %add3A_498 : i32
      %dma_wait3A_500 = arith.constant 1 : i32
      %dma_wait3A_501 = tpu.memref_slice %arg4[%add3A_499] : memref<8388608xf32, #tpu.memory_space<hbm>> -> memref<65536xf32, #tpu.memory_space<hbm>>
      %dma_wait3A_502 = arith.constant 0 : i32
      %dma_wait3A_503 = tpu.memref_slice %arg14[%dma_wait3A_500, %dma_wait3A_502] : memref<8x65536xf32, #tpu.memory_space<vmem_shared>> -> memref<1x65536xf32, #tpu.memory_space<vmem_shared>>
      %dma_wait3A_504 = tpu.memref_squeeze %dma_wait3A_503 : memref<1x65536xf32, #tpu.memory_space<vmem_shared>> -> memref<65536xf32, #tpu.memory_space<vmem_shared>>
      tpu.wait_dma2 semaphore(%arg22 : memref<!tpu.dma_semaphore, #tpu.memory_space<semaphore_mem>>) src(%dma_wait3A_504 : memref<65536xf32, #tpu.memory_space<vmem_shared>>) dst(%dma_wait3A_501 : memref<65536xf32, #tpu.memory_space<hbm>>)
      %add3A_505 = arith.constant 1310720 : i32
      %add3A_506 = arith.addi %mul3A_23, %add3A_505 : i32
      %dma_start3A_507 = arith.constant 1 : i32
      %dma_start3A_508 = arith.constant 0 : i32
      %dma_start3A_509 = tpu.memref_slice %arg14[%dma_start3A_507, %dma_start3A_508] : memref<8x65536xf32, #tpu.memory_space<vmem_shared>> -> memref<1x65536xf32, #tpu.memory_space<vmem_shared>>
      %dma_start3A_510 = tpu.memref_squeeze %dma_start3A_509 : memref<1x65536xf32, #tpu.memory_space<vmem_shared>> -> memref<65536xf32, #tpu.memory_space<vmem_shared>>
      %dma_start3A_511 = tpu.memref_slice %arg2[%add3A_506] : memref<8388608xf32, #tpu.memory_space<hbm>> -> memref<65536xf32, #tpu.memory_space<hbm>>
      tpu.enqueue_dma source(%dma_start3A_511 : memref<65536xf32, #tpu.memory_space<hbm>>) target(%dma_start3A_510 : memref<65536xf32, #tpu.memory_space<vmem_shared>>) target_semaphore(%arg20 : memref<!tpu.dma_semaphore, #tpu.memory_space<semaphore_mem>>)
      %add3A_512 = arith.constant 1048576 : i32
      %add3A_513 = arith.addi %mul3A_23, %add3A_512 : i32
      %dma_wait3A_514 = arith.constant 0 : i32
      %dma_wait3A_515 = arith.constant 0 : i32
      %dma_wait3A_516 = tpu.memref_slice %arg14[%dma_wait3A_514, %dma_wait3A_515] : memref<8x65536xf32, #tpu.memory_space<vmem_shared>> -> memref<1x65536xf32, #tpu.memory_space<vmem_shared>>
      %dma_wait3A_517 = tpu.memref_squeeze %dma_wait3A_516 : memref<1x65536xf32, #tpu.memory_space<vmem_shared>> -> memref<65536xf32, #tpu.memory_space<vmem_shared>>
      %dma_wait3A_518 = tpu.memref_slice %arg2[%add3A_513] : memref<8388608xf32, #tpu.memory_space<hbm>> -> memref<65536xf32, #tpu.memory_space<hbm>>
      tpu.wait_dma2 semaphore(%arg19 : memref<!tpu.dma_semaphore, #tpu.memory_space<semaphore_mem>>) src(%dma_wait3A_518 : memref<65536xf32, #tpu.memory_space<hbm>>) dst(%dma_wait3A_517 : memref<65536xf32, #tpu.memory_space<vmem_shared>>)
      %add3A_519 = arith.constant 1048576 : i32
      %add3A_520 = arith.addi %mul3A_23, %add3A_519 : i32
      %dma_start3A_521 = arith.constant 0 : i32
      %dma_start3A_522 = tpu.memref_slice %arg4[%add3A_520] : memref<8388608xf32, #tpu.memory_space<hbm>> -> memref<65536xf32, #tpu.memory_space<hbm>>
      %dma_start3A_523 = arith.constant 0 : i32
      %dma_start3A_524 = tpu.memref_slice %arg14[%dma_start3A_521, %dma_start3A_523] : memref<8x65536xf32, #tpu.memory_space<vmem_shared>> -> memref<1x65536xf32, #tpu.memory_space<vmem_shared>>
      %dma_start3A_525 = tpu.memref_squeeze %dma_start3A_524 : memref<1x65536xf32, #tpu.memory_space<vmem_shared>> -> memref<65536xf32, #tpu.memory_space<vmem_shared>>
      tpu.enqueue_dma source(%dma_start3A_525 : memref<65536xf32, #tpu.memory_space<vmem_shared>>) target(%dma_start3A_522 : memref<65536xf32, #tpu.memory_space<hbm>>) target_semaphore(%arg21 : memref<!tpu.dma_semaphore, #tpu.memory_space<semaphore_mem>>)
    } else {
    }
    %eq3A_314 = arith.constant 4 : i32
    %eq3A_315 = arith.cmpi eq, %arg1, %eq3A_314 : i32
    %convert_element_type3A_316 = arith.extui %eq3A_315 : i1 to i32
    %cond3A_317 = arith.constant 0 : i32
    %cond3A_318 = arith.cmpi ne, %convert_element_type3A_316, %cond3A_317 : i32
    scf.if %cond3A_318 {
      %add3A_498 = arith.constant 851968 : i32
      %add3A_499 = arith.addi %mul3A_23, %add3A_498 : i32
      %dma_wait3A_500 = arith.constant 3 : i32
      %dma_wait3A_501 = tpu.memref_slice %arg4[%add3A_499] : memref<8388608xf32, #tpu.memory_space<hbm>> -> memref<65536xf32, #tpu.memory_space<hbm>>
      %dma_wait3A_502 = arith.constant 0 : i32
      %dma_wait3A_503 = tpu.memref_slice %arg14[%dma_wait3A_500, %dma_wait3A_502] : memref<8x65536xf32, #tpu.memory_space<vmem_shared>> -> memref<1x65536xf32, #tpu.memory_space<vmem_shared>>
      %dma_wait3A_504 = tpu.memref_squeeze %dma_wait3A_503 : memref<1x65536xf32, #tpu.memory_space<vmem_shared>> -> memref<65536xf32, #tpu.memory_space<vmem_shared>>
      tpu.wait_dma2 semaphore(%arg22 : memref<!tpu.dma_semaphore, #tpu.memory_space<semaphore_mem>>) src(%dma_wait3A_504 : memref<65536xf32, #tpu.memory_space<vmem_shared>>) dst(%dma_wait3A_501 : memref<65536xf32, #tpu.memory_space<hbm>>)
      %add3A_505 = arith.constant 1376256 : i32
      %add3A_506 = arith.addi %mul3A_23, %add3A_505 : i32
      %dma_start3A_507 = arith.constant 3 : i32
      %dma_start3A_508 = arith.constant 0 : i32
      %dma_start3A_509 = tpu.memref_slice %arg14[%dma_start3A_507, %dma_start3A_508] : memref<8x65536xf32, #tpu.memory_space<vmem_shared>> -> memref<1x65536xf32, #tpu.memory_space<vmem_shared>>
      %dma_start3A_510 = tpu.memref_squeeze %dma_start3A_509 : memref<1x65536xf32, #tpu.memory_space<vmem_shared>> -> memref<65536xf32, #tpu.memory_space<vmem_shared>>
      %dma_start3A_511 = tpu.memref_slice %arg2[%add3A_506] : memref<8388608xf32, #tpu.memory_space<hbm>> -> memref<65536xf32, #tpu.memory_space<hbm>>
      tpu.enqueue_dma source(%dma_start3A_511 : memref<65536xf32, #tpu.memory_space<hbm>>) target(%dma_start3A_510 : memref<65536xf32, #tpu.memory_space<vmem_shared>>) target_semaphore(%arg20 : memref<!tpu.dma_semaphore, #tpu.memory_space<semaphore_mem>>)
      %add3A_512 = arith.constant 1114112 : i32
      %add3A_513 = arith.addi %mul3A_23, %add3A_512 : i32
      %dma_wait3A_514 = arith.constant 2 : i32
      %dma_wait3A_515 = arith.constant 0 : i32
      %dma_wait3A_516 = tpu.memref_slice %arg14[%dma_wait3A_514, %dma_wait3A_515] : memref<8x65536xf32, #tpu.memory_space<vmem_shared>> -> memref<1x65536xf32, #tpu.memory_space<vmem_shared>>
      %dma_wait3A_517 = tpu.memref_squeeze %dma_wait3A_516 : memref<1x65536xf32, #tpu.memory_space<vmem_shared>> -> memref<65536xf32, #tpu.memory_space<vmem_shared>>
      %dma_wait3A_518 = tpu.memref_slice %arg2[%add3A_513] : memref<8388608xf32, #tpu.memory_space<hbm>> -> memref<65536xf32, #tpu.memory_space<hbm>>
      tpu.wait_dma2 semaphore(%arg19 : memref<!tpu.dma_semaphore, #tpu.memory_space<semaphore_mem>>) src(%dma_wait3A_518 : memref<65536xf32, #tpu.memory_space<hbm>>) dst(%dma_wait3A_517 : memref<65536xf32, #tpu.memory_space<vmem_shared>>)
      %add3A_519 = arith.constant 1114112 : i32
      %add3A_520 = arith.addi %mul3A_23, %add3A_519 : i32
      %dma_start3A_521 = arith.constant 2 : i32
      %dma_start3A_522 = tpu.memref_slice %arg4[%add3A_520] : memref<8388608xf32, #tpu.memory_space<hbm>> -> memref<65536xf32, #tpu.memory_space<hbm>>
      %dma_start3A_523 = arith.constant 0 : i32
      %dma_start3A_524 = tpu.memref_slice %arg14[%dma_start3A_521, %dma_start3A_523] : memref<8x65536xf32, #tpu.memory_space<vmem_shared>> -> memref<1x65536xf32, #tpu.memory_space<vmem_shared>>
      %dma_start3A_525 = tpu.memref_squeeze %dma_start3A_524 : memref<1x65536xf32, #tpu.memory_space<vmem_shared>> -> memref<65536xf32, #tpu.memory_space<vmem_shared>>
      tpu.enqueue_dma source(%dma_start3A_525 : memref<65536xf32, #tpu.memory_space<vmem_shared>>) target(%dma_start3A_522 : memref<65536xf32, #tpu.memory_space<hbm>>) target_semaphore(%arg21 : memref<!tpu.dma_semaphore, #tpu.memory_space<semaphore_mem>>)
    } else {
    }
    %eq3A_319 = arith.constant 8 : i32
    %eq3A_320 = arith.cmpi eq, %arg1, %eq3A_319 : i32
    %convert_element_type3A_321 = arith.extui %eq3A_320 : i1 to i32
    %cond3A_322 = arith.constant 0 : i32
    %cond3A_323 = arith.cmpi ne, %convert_element_type3A_321, %cond3A_322 : i32
    scf.if %cond3A_323 {
      %add3A_498 = arith.constant 917504 : i32
      %add3A_499 = arith.addi %mul3A_23, %add3A_498 : i32
      %dma_wait3A_500 = arith.constant 5 : i32
      %dma_wait3A_501 = tpu.memref_slice %arg4[%add3A_499] : memref<8388608xf32, #tpu.memory_space<hbm>> -> memref<65536xf32, #tpu.memory_space<hbm>>
      %dma_wait3A_502 = arith.constant 0 : i32
      %dma_wait3A_503 = tpu.memref_slice %arg14[%dma_wait3A_500, %dma_wait3A_502] : memref<8x65536xf32, #tpu.memory_space<vmem_shared>> -> memref<1x65536xf32, #tpu.memory_space<vmem_shared>>
      %dma_wait3A_504 = tpu.memref_squeeze %dma_wait3A_503 : memref<1x65536xf32, #tpu.memory_space<vmem_shared>> -> memref<65536xf32, #tpu.memory_space<vmem_shared>>
      tpu.wait_dma2 semaphore(%arg22 : memref<!tpu.dma_semaphore, #tpu.memory_space<semaphore_mem>>) src(%dma_wait3A_504 : memref<65536xf32, #tpu.memory_space<vmem_shared>>) dst(%dma_wait3A_501 : memref<65536xf32, #tpu.memory_space<hbm>>)
      %add3A_505 = arith.constant 1441792 : i32
      %add3A_506 = arith.addi %mul3A_23, %add3A_505 : i32
      %dma_start3A_507 = arith.constant 5 : i32
      %dma_start3A_508 = arith.constant 0 : i32
      %dma_start3A_509 = tpu.memref_slice %arg14[%dma_start3A_507, %dma_start3A_508] : memref<8x65536xf32, #tpu.memory_space<vmem_shared>> -> memref<1x65536xf32, #tpu.memory_space<vmem_shared>>
      %dma_start3A_510 = tpu.memref_squeeze %dma_start3A_509 : memref<1x65536xf32, #tpu.memory_space<vmem_shared>> -> memref<65536xf32, #tpu.memory_space<vmem_shared>>
      %dma_start3A_511 = tpu.memref_slice %arg2[%add3A_506] : memref<8388608xf32, #tpu.memory_space<hbm>> -> memref<65536xf32, #tpu.memory_space<hbm>>
      tpu.enqueue_dma source(%dma_start3A_511 : memref<65536xf32, #tpu.memory_space<hbm>>) target(%dma_start3A_510 : memref<65536xf32, #tpu.memory_space<vmem_shared>>) target_semaphore(%arg20 : memref<!tpu.dma_semaphore, #tpu.memory_space<semaphore_mem>>)
      %add3A_512 = arith.constant 1179648 : i32
      %add3A_513 = arith.addi %mul3A_23, %add3A_512 : i32
      %dma_wait3A_514 = arith.constant 4 : i32
      %dma_wait3A_515 = arith.constant 0 : i32
      %dma_wait3A_516 = tpu.memref_slice %arg14[%dma_wait3A_514, %dma_wait3A_515] : memref<8x65536xf32, #tpu.memory_space<vmem_shared>> -> memref<1x65536xf32, #tpu.memory_space<vmem_shared>>
      %dma_wait3A_517 = tpu.memref_squeeze %dma_wait3A_516 : memref<1x65536xf32, #tpu.memory_space<vmem_shared>> -> memref<65536xf32, #tpu.memory_space<vmem_shared>>
      %dma_wait3A_518 = tpu.memref_slice %arg2[%add3A_513] : memref<8388608xf32, #tpu.memory_space<hbm>> -> memref<65536xf32, #tpu.memory_space<hbm>>
      tpu.wait_dma2 semaphore(%arg19 : memref<!tpu.dma_semaphore, #tpu.memory_space<semaphore_mem>>) src(%dma_wait3A_518 : memref<65536xf32, #tpu.memory_space<hbm>>) dst(%dma_wait3A_517 : memref<65536xf32, #tpu.memory_space<vmem_shared>>)
      %add3A_519 = arith.constant 1179648 : i32
      %add3A_520 = arith.addi %mul3A_23, %add3A_519 : i32
      %dma_start3A_521 = arith.constant 4 : i32
      %dma_start3A_522 = tpu.memref_slice %arg4[%add3A_520] : memref<8388608xf32, #tpu.memory_space<hbm>> -> memref<65536xf32, #tpu.memory_space<hbm>>
      %dma_start3A_523 = arith.constant 0 : i32
      %dma_start3A_524 = tpu.memref_slice %arg14[%dma_start3A_521, %dma_start3A_523] : memref<8x65536xf32, #tpu.memory_space<vmem_shared>> -> memref<1x65536xf32, #tpu.memory_space<vmem_shared>>
      %dma_start3A_525 = tpu.memref_squeeze %dma_start3A_524 : memref<1x65536xf32, #tpu.memory_space<vmem_shared>> -> memref<65536xf32, #tpu.memory_space<vmem_shared>>
      tpu.enqueue_dma source(%dma_start3A_525 : memref<65536xf32, #tpu.memory_space<vmem_shared>>) target(%dma_start3A_522 : memref<65536xf32, #tpu.memory_space<hbm>>) target_semaphore(%arg21 : memref<!tpu.dma_semaphore, #tpu.memory_space<semaphore_mem>>)
    } else {
    }
    %eq3A_324 = arith.constant 12 : i32
    %eq3A_325 = arith.cmpi eq, %arg1, %eq3A_324 : i32
    %convert_element_type3A_326 = arith.extui %eq3A_325 : i1 to i32
    %cond3A_327 = arith.constant 0 : i32
    %cond3A_328 = arith.cmpi ne, %convert_element_type3A_326, %cond3A_327 : i32
    scf.if %cond3A_328 {
      %add3A_498 = arith.constant 983040 : i32
      %add3A_499 = arith.addi %mul3A_23, %add3A_498 : i32
      %dma_wait3A_500 = arith.constant 7 : i32
      %dma_wait3A_501 = tpu.memref_slice %arg4[%add3A_499] : memref<8388608xf32, #tpu.memory_space<hbm>> -> memref<65536xf32, #tpu.memory_space<hbm>>
      %dma_wait3A_502 = arith.constant 0 : i32
      %dma_wait3A_503 = tpu.memref_slice %arg14[%dma_wait3A_500, %dma_wait3A_502] : memref<8x65536xf32, #tpu.memory_space<vmem_shared>> -> memref<1x65536xf32, #tpu.memory_space<vmem_shared>>
      %dma_wait3A_504 = tpu.memref_squeeze %dma_wait3A_503 : memref<1x65536xf32, #tpu.memory_space<vmem_shared>> -> memref<65536xf32, #tpu.memory_space<vmem_shared>>
      tpu.wait_dma2 semaphore(%arg22 : memref<!tpu.dma_semaphore, #tpu.memory_space<semaphore_mem>>) src(%dma_wait3A_504 : memref<65536xf32, #tpu.memory_space<vmem_shared>>) dst(%dma_wait3A_501 : memref<65536xf32, #tpu.memory_space<hbm>>)
      %add3A_505 = arith.constant 1507328 : i32
      %add3A_506 = arith.addi %mul3A_23, %add3A_505 : i32
      %dma_start3A_507 = arith.constant 7 : i32
      %dma_start3A_508 = arith.constant 0 : i32
      %dma_start3A_509 = tpu.memref_slice %arg14[%dma_start3A_507, %dma_start3A_508] : memref<8x65536xf32, #tpu.memory_space<vmem_shared>> -> memref<1x65536xf32, #tpu.memory_space<vmem_shared>>
      %dma_start3A_510 = tpu.memref_squeeze %dma_start3A_509 : memref<1x65536xf32, #tpu.memory_space<vmem_shared>> -> memref<65536xf32, #tpu.memory_space<vmem_shared>>
      %dma_start3A_511 = tpu.memref_slice %arg2[%add3A_506] : memref<8388608xf32, #tpu.memory_space<hbm>> -> memref<65536xf32, #tpu.memory_space<hbm>>
      tpu.enqueue_dma source(%dma_start3A_511 : memref<65536xf32, #tpu.memory_space<hbm>>) target(%dma_start3A_510 : memref<65536xf32, #tpu.memory_space<vmem_shared>>) target_semaphore(%arg20 : memref<!tpu.dma_semaphore, #tpu.memory_space<semaphore_mem>>)
      %add3A_512 = arith.constant 1245184 : i32
      %add3A_513 = arith.addi %mul3A_23, %add3A_512 : i32
      %dma_wait3A_514 = arith.constant 6 : i32
      %dma_wait3A_515 = arith.constant 0 : i32
      %dma_wait3A_516 = tpu.memref_slice %arg14[%dma_wait3A_514, %dma_wait3A_515] : memref<8x65536xf32, #tpu.memory_space<vmem_shared>> -> memref<1x65536xf32, #tpu.memory_space<vmem_shared>>
      %dma_wait3A_517 = tpu.memref_squeeze %dma_wait3A_516 : memref<1x65536xf32, #tpu.memory_space<vmem_shared>> -> memref<65536xf32, #tpu.memory_space<vmem_shared>>
      %dma_wait3A_518 = tpu.memref_slice %arg2[%add3A_513] : memref<8388608xf32, #tpu.memory_space<hbm>> -> memref<65536xf32, #tpu.memory_space<hbm>>
      tpu.wait_dma2 semaphore(%arg19 : memref<!tpu.dma_semaphore, #tpu.memory_space<semaphore_mem>>) src(%dma_wait3A_518 : memref<65536xf32, #tpu.memory_space<hbm>>) dst(%dma_wait3A_517 : memref<65536xf32, #tpu.memory_space<vmem_shared>>)
      %add3A_519 = arith.constant 1245184 : i32
      %add3A_520 = arith.addi %mul3A_23, %add3A_519 : i32
      %dma_start3A_521 = arith.constant 6 : i32
      %dma_start3A_522 = tpu.memref_slice %arg4[%add3A_520] : memref<8388608xf32, #tpu.memory_space<hbm>> -> memref<65536xf32, #tpu.memory_space<hbm>>
      %dma_start3A_523 = arith.constant 0 : i32
      %dma_start3A_524 = tpu.memref_slice %arg14[%dma_start3A_521, %dma_start3A_523] : memref<8x65536xf32, #tpu.memory_space<vmem_shared>> -> memref<1x65536xf32, #tpu.memory_space<vmem_shared>>
      %dma_start3A_525 = tpu.memref_squeeze %dma_start3A_524 : memref<1x65536xf32, #tpu.memory_space<vmem_shared>> -> memref<65536xf32, #tpu.memory_space<vmem_shared>>
      tpu.enqueue_dma source(%dma_start3A_525 : memref<65536xf32, #tpu.memory_space<vmem_shared>>) target(%dma_start3A_522 : memref<65536xf32, #tpu.memory_space<hbm>>) target_semaphore(%arg21 : memref<!tpu.dma_semaphore, #tpu.memory_space<semaphore_mem>>)
    } else {
    }
    %dma_wait3A_329 = tpu.memref_slice %arg4[%add3A_233] : memref<8388608xf32, #tpu.memory_space<hbm>> -> memref<8192xf32, #tpu.memory_space<hbm>>
    %dma_wait3A_330 = tpu.memref_slice %arg4[%add3A_233] : memref<8388608xf32, #tpu.memory_space<hbm>> -> memref<8192xf32, #tpu.memory_space<hbm>>
    tpu.wait_dma2 semaphore(%arg18 : memref<!tpu.dma_semaphore, #tpu.memory_space<semaphore_mem>>) src(%arg11 : memref<8192xf32, #tpu.memory_space<vmem>>) dst(%dma_wait3A_330 : memref<8192xf32, #tpu.memory_space<hbm>>)
    %dma_wait3A_331 = tpu.memref_slice %arg4[%add3A_239] : memref<8388608xf32, #tpu.memory_space<hbm>> -> memref<8192xf32, #tpu.memory_space<hbm>>
    %dma_wait3A_332 = tpu.memref_slice %arg4[%add3A_239] : memref<8388608xf32, #tpu.memory_space<hbm>> -> memref<8192xf32, #tpu.memory_space<hbm>>
    tpu.wait_dma2 semaphore(%arg18 : memref<!tpu.dma_semaphore, #tpu.memory_space<semaphore_mem>>) src(%arg13 : memref<8192xf32, #tpu.memory_space<vmem>>) dst(%dma_wait3A_332 : memref<8192xf32, #tpu.memory_space<hbm>>)
    %dma_wait3A_333 = tpu.memref_slice %arg2[%add3A_245] : memref<8388608xf32, #tpu.memory_space<hbm>> -> memref<8192xf32, #tpu.memory_space<hbm>>
    %dma_wait3A_334 = tpu.memref_slice %arg2[%add3A_245] : memref<8388608xf32, #tpu.memory_space<hbm>> -> memref<8192xf32, #tpu.memory_space<hbm>>
    tpu.wait_dma2 semaphore(%arg16 : memref<!tpu.dma_semaphore, #tpu.memory_space<semaphore_mem>>) src(%dma_wait3A_334 : memref<8192xf32, #tpu.memory_space<hbm>>) dst(%arg7 : memref<8192xf32, #tpu.memory_space<vmem>>)
    %dma_wait3A_335 = tpu.memref_slice %arg2[%add3A_251] : memref<8388608xf32, #tpu.memory_space<hbm>> -> memref<8192xf32, #tpu.memory_space<hbm>>
    %dma_wait3A_336 = tpu.memref_slice %arg2[%add3A_251] : memref<8388608xf32, #tpu.memory_space<hbm>> -> memref<8192xf32, #tpu.memory_space<hbm>>
    tpu.wait_dma2 semaphore(%arg16 : memref<!tpu.dma_semaphore, #tpu.memory_space<semaphore_mem>>) src(%dma_wait3A_336 : memref<8192xf32, #tpu.memory_space<hbm>>) dst(%arg9 : memref<8192xf32, #tpu.memory_space<vmem>>)
    %parallel_loop3A_337 = arith.constant 0 : i32
    %parallel_loop3A_338 = arith.constant 512 : i32
    %parallel_loop3A_339 = arith.constant 1 : i32
    scf.for %parallel_loop3A_498 = %parallel_loop3A_337 to %parallel_loop3A_338 step %parallel_loop3A_339  : i32 {
      %parallel_loop3A_499 = arith.constant 16 : i32
      %parallel_loop3A_500 = arith.muli %parallel_loop3A_498, %parallel_loop3A_499 : i32
      %parallel_loop3A_501 = arith.index_cast %parallel_loop3A_500 : i32 to index
      %parallel_loop3A_502 = tpu.vector_load %arg7[%parallel_loop3A_501] {strides = array<i32>} : memref<8192xf32, #tpu.memory_space<vmem>>, vector<16xf32>,
      %parallel_loop3A_503 = vector.shape_cast %parallel_loop3A_502 : vector<16xf32> to vector<16xf32>
      %parallel_loop3A_504 = arith.index_cast %parallel_loop3A_500 : i32 to index
      %parallel_loop3A_505 = tpu.vector_load %arg9[%parallel_loop3A_504] {strides = array<i32>} : memref<8192xf32, #tpu.memory_space<vmem>>, vector<16xf32>,
      %parallel_loop3A_506 = vector.shape_cast %parallel_loop3A_505 : vector<16xf32> to vector<16xf32>
      %parallel_loop3A_507 = arith.mulf %get3A_4, %parallel_loop3A_503 : vector<16xf32>
      %parallel_loop3A_508 = arith.mulf %get3A_9, %parallel_loop3A_506 : vector<16xf32>
      %parallel_loop3A_509 = arith.addf %parallel_loop3A_507, %parallel_loop3A_508 : vector<16xf32>
      %parallel_loop3A_510 = arith.index_cast %parallel_loop3A_500 : i32 to index
      %parallel_loop3A_511 = tpu.vector_load %arg11[%parallel_loop3A_510] {strides = array<i32>} : memref<8192xf32, #tpu.memory_space<vmem>>, vector<16xf32>,
      %parallel_loop3A_512 = vector.shape_cast %parallel_loop3A_511 : vector<16xf32> to vector<16xf32>
      %parallel_loop3A_513 = vector.shape_cast %parallel_loop3A_509 : vector<16xf32> to vector<16xf32>
      tpu.vector_store %arg11[%parallel_loop3A_510], %parallel_loop3A_513 {strides = array<i32>} : memref<8192xf32, #tpu.memory_space<vmem>>, vector<16xf32>,
      %parallel_loop3A_514 = arith.mulf %get3A_14, %parallel_loop3A_503 : vector<16xf32>
      %parallel_loop3A_515 = arith.mulf %get3A_19, %parallel_loop3A_506 : vector<16xf32>
      %parallel_loop3A_516 = arith.addf %parallel_loop3A_514, %parallel_loop3A_515 : vector<16xf32>
      %parallel_loop3A_517 = arith.index_cast %parallel_loop3A_500 : i32 to index
      %parallel_loop3A_518 = tpu.vector_load %arg13[%parallel_loop3A_517] {strides = array<i32>} : memref<8192xf32, #tpu.memory_space<vmem>>, vector<16xf32>,
      %parallel_loop3A_519 = vector.shape_cast %parallel_loop3A_518 : vector<16xf32> to vector<16xf32>
      %parallel_loop3A_520 = vector.shape_cast %parallel_loop3A_516 : vector<16xf32> to vector<16xf32>
      tpu.vector_store %arg13[%parallel_loop3A_517], %parallel_loop3A_520 {strides = array<i32>} : memref<8192xf32, #tpu.memory_space<vmem>>, vector<16xf32>,
    } {sc.loop_unroll_factor = 8 : i64, sc.parallel_access}
    %add3A_340 = arith.constant 4194304 : i32
    %add3A_341 = arith.addi %add3A_340, %mul3A_21 : i32
    %add3A_342 = arith.constant 40960 : i32
    %add3A_343 = arith.addi %add3A_341, %add3A_342 : i32
    %dma_start3A_344 = tpu.memref_slice %arg4[%add3A_343] : memref<8388608xf32, #tpu.memory_space<hbm>> -> memref<8192xf32, #tpu.memory_space<hbm>>
    %dma_start3A_345 = tpu.memref_slice %arg4[%add3A_343] : memref<8388608xf32, #tpu.memory_space<hbm>> -> memref<8192xf32, #tpu.memory_space<hbm>>
    tpu.enqueue_dma source(%arg11 : memref<8192xf32, #tpu.memory_space<vmem>>) target(%dma_start3A_345 : memref<8192xf32, #tpu.memory_space<hbm>>) target_semaphore(%arg18 : memref<!tpu.dma_semaphore, #tpu.memory_space<semaphore_mem>>)
    %add3A_346 = arith.constant 6291456 : i32
    %add3A_347 = arith.addi %add3A_346, %mul3A_21 : i32
    %add3A_348 = arith.constant 40960 : i32
    %add3A_349 = arith.addi %add3A_347, %add3A_348 : i32
    %dma_start3A_350 = tpu.memref_slice %arg4[%add3A_349] : memref<8388608xf32, #tpu.memory_space<hbm>> -> memref<8192xf32, #tpu.memory_space<hbm>>
    %dma_start3A_351 = tpu.memref_slice %arg4[%add3A_349] : memref<8388608xf32, #tpu.memory_space<hbm>> -> memref<8192xf32, #tpu.memory_space<hbm>>
    tpu.enqueue_dma source(%arg13 : memref<8192xf32, #tpu.memory_space<vmem>>) target(%dma_start3A_351 : memref<8192xf32, #tpu.memory_space<hbm>>) target_semaphore(%arg18 : memref<!tpu.dma_semaphore, #tpu.memory_space<semaphore_mem>>)
    %add3A_352 = arith.constant 4194304 : i32
    %add3A_353 = arith.addi %add3A_352, %mul3A_21 : i32
    %add3A_354 = arith.constant 57344 : i32
    %add3A_355 = arith.addi %add3A_353, %add3A_354 : i32
    %dma_start3A_356 = tpu.memref_slice %arg2[%add3A_355] : memref<8388608xf32, #tpu.memory_space<hbm>> -> memref<8192xf32, #tpu.memory_space<hbm>>
    %dma_start3A_357 = tpu.memref_slice %arg2[%add3A_355] : memref<8388608xf32, #tpu.memory_space<hbm>> -> memref<8192xf32, #tpu.memory_space<hbm>>
    tpu.enqueue_dma source(%dma_start3A_357 : memref<8192xf32, #tpu.memory_space<hbm>>) target(%arg7 : memref<8192xf32, #tpu.memory_space<vmem>>) target_semaphore(%arg16 : memref<!tpu.dma_semaphore, #tpu.memory_space<semaphore_mem>>)
    %add3A_358 = arith.constant 6291456 : i32
    %add3A_359 = arith.addi %add3A_358, %mul3A_21 : i32
    %add3A_360 = arith.constant 57344 : i32
    %add3A_361 = arith.addi %add3A_359, %add3A_360 : i32
    %dma_start3A_362 = tpu.memref_slice %arg2[%add3A_361] : memref<8388608xf32, #tpu.memory_space<hbm>> -> memref<8192xf32, #tpu.memory_space<hbm>>
    %dma_start3A_363 = tpu.memref_slice %arg2[%add3A_361] : memref<8388608xf32, #tpu.memory_space<hbm>> -> memref<8192xf32, #tpu.memory_space<hbm>>
    tpu.enqueue_dma source(%dma_start3A_363 : memref<8192xf32, #tpu.memory_space<hbm>>) target(%arg9 : memref<8192xf32, #tpu.memory_space<vmem>>) target_semaphore(%arg16 : memref<!tpu.dma_semaphore, #tpu.memory_space<semaphore_mem>>)
    %eq3A_364 = arith.constant 0 : i32
    %eq3A_365 = arith.cmpi eq, %arg1, %eq3A_364 : i32
    %convert_element_type3A_366 = arith.extui %eq3A_365 : i1 to i32
    %cond3A_367 = arith.constant 0 : i32
    %cond3A_368 = arith.cmpi ne, %convert_element_type3A_366, %cond3A_367 : i32
    scf.if %cond3A_368 {
      %add3A_498 = arith.constant 1048576 : i32
      %add3A_499 = arith.addi %mul3A_23, %add3A_498 : i32
      %dma_wait3A_500 = arith.constant 0 : i32
      %dma_wait3A_501 = tpu.memref_slice %arg4[%add3A_499] : memref<8388608xf32, #tpu.memory_space<hbm>> -> memref<65536xf32, #tpu.memory_space<hbm>>
      %dma_wait3A_502 = arith.constant 0 : i32
      %dma_wait3A_503 = tpu.memref_slice %arg14[%dma_wait3A_500, %dma_wait3A_502] : memref<8x65536xf32, #tpu.memory_space<vmem_shared>> -> memref<1x65536xf32, #tpu.memory_space<vmem_shared>>
      %dma_wait3A_504 = tpu.memref_squeeze %dma_wait3A_503 : memref<1x65536xf32, #tpu.memory_space<vmem_shared>> -> memref<65536xf32, #tpu.memory_space<vmem_shared>>
      tpu.wait_dma2 semaphore(%arg21 : memref<!tpu.dma_semaphore, #tpu.memory_space<semaphore_mem>>) src(%dma_wait3A_504 : memref<65536xf32, #tpu.memory_space<vmem_shared>>) dst(%dma_wait3A_501 : memref<65536xf32, #tpu.memory_space<hbm>>)
      %add3A_505 = arith.constant 1572864 : i32
      %add3A_506 = arith.addi %mul3A_23, %add3A_505 : i32
      %dma_start3A_507 = arith.constant 0 : i32
      %dma_start3A_508 = arith.constant 0 : i32
      %dma_start3A_509 = tpu.memref_slice %arg14[%dma_start3A_507, %dma_start3A_508] : memref<8x65536xf32, #tpu.memory_space<vmem_shared>> -> memref<1x65536xf32, #tpu.memory_space<vmem_shared>>
      %dma_start3A_510 = tpu.memref_squeeze %dma_start3A_509 : memref<1x65536xf32, #tpu.memory_space<vmem_shared>> -> memref<65536xf32, #tpu.memory_space<vmem_shared>>
      %dma_start3A_511 = tpu.memref_slice %arg2[%add3A_506] : memref<8388608xf32, #tpu.memory_space<hbm>> -> memref<65536xf32, #tpu.memory_space<hbm>>
      tpu.enqueue_dma source(%dma_start3A_511 : memref<65536xf32, #tpu.memory_space<hbm>>) target(%dma_start3A_510 : memref<65536xf32, #tpu.memory_space<vmem_shared>>) target_semaphore(%arg19 : memref<!tpu.dma_semaphore, #tpu.memory_space<semaphore_mem>>)
      %add3A_512 = arith.constant 1310720 : i32
      %add3A_513 = arith.addi %mul3A_23, %add3A_512 : i32
      %dma_wait3A_514 = arith.constant 1 : i32
      %dma_wait3A_515 = arith.constant 0 : i32
      %dma_wait3A_516 = tpu.memref_slice %arg14[%dma_wait3A_514, %dma_wait3A_515] : memref<8x65536xf32, #tpu.memory_space<vmem_shared>> -> memref<1x65536xf32, #tpu.memory_space<vmem_shared>>
      %dma_wait3A_517 = tpu.memref_squeeze %dma_wait3A_516 : memref<1x65536xf32, #tpu.memory_space<vmem_shared>> -> memref<65536xf32, #tpu.memory_space<vmem_shared>>
      %dma_wait3A_518 = tpu.memref_slice %arg2[%add3A_513] : memref<8388608xf32, #tpu.memory_space<hbm>> -> memref<65536xf32, #tpu.memory_space<hbm>>
      tpu.wait_dma2 semaphore(%arg20 : memref<!tpu.dma_semaphore, #tpu.memory_space<semaphore_mem>>) src(%dma_wait3A_518 : memref<65536xf32, #tpu.memory_space<hbm>>) dst(%dma_wait3A_517 : memref<65536xf32, #tpu.memory_space<vmem_shared>>)
      %add3A_519 = arith.constant 1310720 : i32
      %add3A_520 = arith.addi %mul3A_23, %add3A_519 : i32
      %dma_start3A_521 = arith.constant 1 : i32
      %dma_start3A_522 = tpu.memref_slice %arg4[%add3A_520] : memref<8388608xf32, #tpu.memory_space<hbm>> -> memref<65536xf32, #tpu.memory_space<hbm>>
      %dma_start3A_523 = arith.constant 0 : i32
      %dma_start3A_524 = tpu.memref_slice %arg14[%dma_start3A_521, %dma_start3A_523] : memref<8x65536xf32, #tpu.memory_space<vmem_shared>> -> memref<1x65536xf32, #tpu.memory_space<vmem_shared>>
      %dma_start3A_525 = tpu.memref_squeeze %dma_start3A_524 : memref<1x65536xf32, #tpu.memory_space<vmem_shared>> -> memref<65536xf32, #tpu.memory_space<vmem_shared>>
      tpu.enqueue_dma source(%dma_start3A_525 : memref<65536xf32, #tpu.memory_space<vmem_shared>>) target(%dma_start3A_522 : memref<65536xf32, #tpu.memory_space<hbm>>) target_semaphore(%arg22 : memref<!tpu.dma_semaphore, #tpu.memory_space<semaphore_mem>>)
    } else {
    }
    %eq3A_369 = arith.constant 4 : i32
    %eq3A_370 = arith.cmpi eq, %arg1, %eq3A_369 : i32
    %convert_element_type3A_371 = arith.extui %eq3A_370 : i1 to i32
    %cond3A_372 = arith.constant 0 : i32
    %cond3A_373 = arith.cmpi ne, %convert_element_type3A_371, %cond3A_372 : i32
    scf.if %cond3A_373 {
      %add3A_498 = arith.constant 1114112 : i32
      %add3A_499 = arith.addi %mul3A_23, %add3A_498 : i32
      %dma_wait3A_500 = arith.constant 2 : i32
      %dma_wait3A_501 = tpu.memref_slice %arg4[%add3A_499] : memref<8388608xf32, #tpu.memory_space<hbm>> -> memref<65536xf32, #tpu.memory_space<hbm>>
      %dma_wait3A_502 = arith.constant 0 : i32
      %dma_wait3A_503 = tpu.memref_slice %arg14[%dma_wait3A_500, %dma_wait3A_502] : memref<8x65536xf32, #tpu.memory_space<vmem_shared>> -> memref<1x65536xf32, #tpu.memory_space<vmem_shared>>
      %dma_wait3A_504 = tpu.memref_squeeze %dma_wait3A_503 : memref<1x65536xf32, #tpu.memory_space<vmem_shared>> -> memref<65536xf32, #tpu.memory_space<vmem_shared>>
      tpu.wait_dma2 semaphore(%arg21 : memref<!tpu.dma_semaphore, #tpu.memory_space<semaphore_mem>>) src(%dma_wait3A_504 : memref<65536xf32, #tpu.memory_space<vmem_shared>>) dst(%dma_wait3A_501 : memref<65536xf32, #tpu.memory_space<hbm>>)
      %add3A_505 = arith.constant 1638400 : i32
      %add3A_506 = arith.addi %mul3A_23, %add3A_505 : i32
      %dma_start3A_507 = arith.constant 2 : i32
      %dma_start3A_508 = arith.constant 0 : i32
      %dma_start3A_509 = tpu.memref_slice %arg14[%dma_start3A_507, %dma_start3A_508] : memref<8x65536xf32, #tpu.memory_space<vmem_shared>> -> memref<1x65536xf32, #tpu.memory_space<vmem_shared>>
      %dma_start3A_510 = tpu.memref_squeeze %dma_start3A_509 : memref<1x65536xf32, #tpu.memory_space<vmem_shared>> -> memref<65536xf32, #tpu.memory_space<vmem_shared>>
      %dma_start3A_511 = tpu.memref_slice %arg2[%add3A_506] : memref<8388608xf32, #tpu.memory_space<hbm>> -> memref<65536xf32, #tpu.memory_space<hbm>>
      tpu.enqueue_dma source(%dma_start3A_511 : memref<65536xf32, #tpu.memory_space<hbm>>) target(%dma_start3A_510 : memref<65536xf32, #tpu.memory_space<vmem_shared>>) target_semaphore(%arg19 : memref<!tpu.dma_semaphore, #tpu.memory_space<semaphore_mem>>)
      %add3A_512 = arith.constant 1376256 : i32
      %add3A_513 = arith.addi %mul3A_23, %add3A_512 : i32
      %dma_wait3A_514 = arith.constant 3 : i32
      %dma_wait3A_515 = arith.constant 0 : i32
      %dma_wait3A_516 = tpu.memref_slice %arg14[%dma_wait3A_514, %dma_wait3A_515] : memref<8x65536xf32, #tpu.memory_space<vmem_shared>> -> memref<1x65536xf32, #tpu.memory_space<vmem_shared>>
      %dma_wait3A_517 = tpu.memref_squeeze %dma_wait3A_516 : memref<1x65536xf32, #tpu.memory_space<vmem_shared>> -> memref<65536xf32, #tpu.memory_space<vmem_shared>>
      %dma_wait3A_518 = tpu.memref_slice %arg2[%add3A_513] : memref<8388608xf32, #tpu.memory_space<hbm>> -> memref<65536xf32, #tpu.memory_space<hbm>>
      tpu.wait_dma2 semaphore(%arg20 : memref<!tpu.dma_semaphore, #tpu.memory_space<semaphore_mem>>) src(%dma_wait3A_518 : memref<65536xf32, #tpu.memory_space<hbm>>) dst(%dma_wait3A_517 : memref<65536xf32, #tpu.memory_space<vmem_shared>>)
      %add3A_519 = arith.constant 1376256 : i32
      %add3A_520 = arith.addi %mul3A_23, %add3A_519 : i32
      %dma_start3A_521 = arith.constant 3 : i32
      %dma_start3A_522 = tpu.memref_slice %arg4[%add3A_520] : memref<8388608xf32, #tpu.memory_space<hbm>> -> memref<65536xf32, #tpu.memory_space<hbm>>
      %dma_start3A_523 = arith.constant 0 : i32
      %dma_start3A_524 = tpu.memref_slice %arg14[%dma_start3A_521, %dma_start3A_523] : memref<8x65536xf32, #tpu.memory_space<vmem_shared>> -> memref<1x65536xf32, #tpu.memory_space<vmem_shared>>
      %dma_start3A_525 = tpu.memref_squeeze %dma_start3A_524 : memref<1x65536xf32, #tpu.memory_space<vmem_shared>> -> memref<65536xf32, #tpu.memory_space<vmem_shared>>
      tpu.enqueue_dma source(%dma_start3A_525 : memref<65536xf32, #tpu.memory_space<vmem_shared>>) target(%dma_start3A_522 : memref<65536xf32, #tpu.memory_space<hbm>>) target_semaphore(%arg22 : memref<!tpu.dma_semaphore, #tpu.memory_space<semaphore_mem>>)
    } else {
    }
    %eq3A_374 = arith.constant 8 : i32
    %eq3A_375 = arith.cmpi eq, %arg1, %eq3A_374 : i32
    %convert_element_type3A_376 = arith.extui %eq3A_375 : i1 to i32
    %cond3A_377 = arith.constant 0 : i32
    %cond3A_378 = arith.cmpi ne, %convert_element_type3A_376, %cond3A_377 : i32
    scf.if %cond3A_378 {
      %add3A_498 = arith.constant 1179648 : i32
      %add3A_499 = arith.addi %mul3A_23, %add3A_498 : i32
      %dma_wait3A_500 = arith.constant 4 : i32
      %dma_wait3A_501 = tpu.memref_slice %arg4[%add3A_499] : memref<8388608xf32, #tpu.memory_space<hbm>> -> memref<65536xf32, #tpu.memory_space<hbm>>
      %dma_wait3A_502 = arith.constant 0 : i32
      %dma_wait3A_503 = tpu.memref_slice %arg14[%dma_wait3A_500, %dma_wait3A_502] : memref<8x65536xf32, #tpu.memory_space<vmem_shared>> -> memref<1x65536xf32, #tpu.memory_space<vmem_shared>>
      %dma_wait3A_504 = tpu.memref_squeeze %dma_wait3A_503 : memref<1x65536xf32, #tpu.memory_space<vmem_shared>> -> memref<65536xf32, #tpu.memory_space<vmem_shared>>
      tpu.wait_dma2 semaphore(%arg21 : memref<!tpu.dma_semaphore, #tpu.memory_space<semaphore_mem>>) src(%dma_wait3A_504 : memref<65536xf32, #tpu.memory_space<vmem_shared>>) dst(%dma_wait3A_501 : memref<65536xf32, #tpu.memory_space<hbm>>)
      %add3A_505 = arith.constant 1703936 : i32
      %add3A_506 = arith.addi %mul3A_23, %add3A_505 : i32
      %dma_start3A_507 = arith.constant 4 : i32
      %dma_start3A_508 = arith.constant 0 : i32
      %dma_start3A_509 = tpu.memref_slice %arg14[%dma_start3A_507, %dma_start3A_508] : memref<8x65536xf32, #tpu.memory_space<vmem_shared>> -> memref<1x65536xf32, #tpu.memory_space<vmem_shared>>
      %dma_start3A_510 = tpu.memref_squeeze %dma_start3A_509 : memref<1x65536xf32, #tpu.memory_space<vmem_shared>> -> memref<65536xf32, #tpu.memory_space<vmem_shared>>
      %dma_start3A_511 = tpu.memref_slice %arg2[%add3A_506] : memref<8388608xf32, #tpu.memory_space<hbm>> -> memref<65536xf32, #tpu.memory_space<hbm>>
      tpu.enqueue_dma source(%dma_start3A_511 : memref<65536xf32, #tpu.memory_space<hbm>>) target(%dma_start3A_510 : memref<65536xf32, #tpu.memory_space<vmem_shared>>) target_semaphore(%arg19 : memref<!tpu.dma_semaphore, #tpu.memory_space<semaphore_mem>>)
      %add3A_512 = arith.constant 1441792 : i32
      %add3A_513 = arith.addi %mul3A_23, %add3A_512 : i32
      %dma_wait3A_514 = arith.constant 5 : i32
      %dma_wait3A_515 = arith.constant 0 : i32
      %dma_wait3A_516 = tpu.memref_slice %arg14[%dma_wait3A_514, %dma_wait3A_515] : memref<8x65536xf32, #tpu.memory_space<vmem_shared>> -> memref<1x65536xf32, #tpu.memory_space<vmem_shared>>
      %dma_wait3A_517 = tpu.memref_squeeze %dma_wait3A_516 : memref<1x65536xf32, #tpu.memory_space<vmem_shared>> -> memref<65536xf32, #tpu.memory_space<vmem_shared>>
      %dma_wait3A_518 = tpu.memref_slice %arg2[%add3A_513] : memref<8388608xf32, #tpu.memory_space<hbm>> -> memref<65536xf32, #tpu.memory_space<hbm>>
      tpu.wait_dma2 semaphore(%arg20 : memref<!tpu.dma_semaphore, #tpu.memory_space<semaphore_mem>>) src(%dma_wait3A_518 : memref<65536xf32, #tpu.memory_space<hbm>>) dst(%dma_wait3A_517 : memref<65536xf32, #tpu.memory_space<vmem_shared>>)
      %add3A_519 = arith.constant 1441792 : i32
      %add3A_520 = arith.addi %mul3A_23, %add3A_519 : i32
      %dma_start3A_521 = arith.constant 5 : i32
      %dma_start3A_522 = tpu.memref_slice %arg4[%add3A_520] : memref<8388608xf32, #tpu.memory_space<hbm>> -> memref<65536xf32, #tpu.memory_space<hbm>>
      %dma_start3A_523 = arith.constant 0 : i32
      %dma_start3A_524 = tpu.memref_slice %arg14[%dma_start3A_521, %dma_start3A_523] : memref<8x65536xf32, #tpu.memory_space<vmem_shared>> -> memref<1x65536xf32, #tpu.memory_space<vmem_shared>>
      %dma_start3A_525 = tpu.memref_squeeze %dma_start3A_524 : memref<1x65536xf32, #tpu.memory_space<vmem_shared>> -> memref<65536xf32, #tpu.memory_space<vmem_shared>>
      tpu.enqueue_dma source(%dma_start3A_525 : memref<65536xf32, #tpu.memory_space<vmem_shared>>) target(%dma_start3A_522 : memref<65536xf32, #tpu.memory_space<hbm>>) target_semaphore(%arg22 : memref<!tpu.dma_semaphore, #tpu.memory_space<semaphore_mem>>)
    } else {
    }
    %eq3A_379 = arith.constant 12 : i32
    %eq3A_380 = arith.cmpi eq, %arg1, %eq3A_379 : i32
    %convert_element_type3A_381 = arith.extui %eq3A_380 : i1 to i32
    %cond3A_382 = arith.constant 0 : i32
    %cond3A_383 = arith.cmpi ne, %convert_element_type3A_381, %cond3A_382 : i32
    scf.if %cond3A_383 {
      %add3A_498 = arith.constant 1245184 : i32
      %add3A_499 = arith.addi %mul3A_23, %add3A_498 : i32
      %dma_wait3A_500 = arith.constant 6 : i32
      %dma_wait3A_501 = tpu.memref_slice %arg4[%add3A_499] : memref<8388608xf32, #tpu.memory_space<hbm>> -> memref<65536xf32, #tpu.memory_space<hbm>>
      %dma_wait3A_502 = arith.constant 0 : i32
      %dma_wait3A_503 = tpu.memref_slice %arg14[%dma_wait3A_500, %dma_wait3A_502] : memref<8x65536xf32, #tpu.memory_space<vmem_shared>> -> memref<1x65536xf32, #tpu.memory_space<vmem_shared>>
      %dma_wait3A_504 = tpu.memref_squeeze %dma_wait3A_503 : memref<1x65536xf32, #tpu.memory_space<vmem_shared>> -> memref<65536xf32, #tpu.memory_space<vmem_shared>>
      tpu.wait_dma2 semaphore(%arg21 : memref<!tpu.dma_semaphore, #tpu.memory_space<semaphore_mem>>) src(%dma_wait3A_504 : memref<65536xf32, #tpu.memory_space<vmem_shared>>) dst(%dma_wait3A_501 : memref<65536xf32, #tpu.memory_space<hbm>>)
      %add3A_505 = arith.constant 1769472 : i32
      %add3A_506 = arith.addi %mul3A_23, %add3A_505 : i32
      %dma_start3A_507 = arith.constant 6 : i32
      %dma_start3A_508 = arith.constant 0 : i32
      %dma_start3A_509 = tpu.memref_slice %arg14[%dma_start3A_507, %dma_start3A_508] : memref<8x65536xf32, #tpu.memory_space<vmem_shared>> -> memref<1x65536xf32, #tpu.memory_space<vmem_shared>>
      %dma_start3A_510 = tpu.memref_squeeze %dma_start3A_509 : memref<1x65536xf32, #tpu.memory_space<vmem_shared>> -> memref<65536xf32, #tpu.memory_space<vmem_shared>>
      %dma_start3A_511 = tpu.memref_slice %arg2[%add3A_506] : memref<8388608xf32, #tpu.memory_space<hbm>> -> memref<65536xf32, #tpu.memory_space<hbm>>
      tpu.enqueue_dma source(%dma_start3A_511 : memref<65536xf32, #tpu.memory_space<hbm>>) target(%dma_start3A_510 : memref<65536xf32, #tpu.memory_space<vmem_shared>>) target_semaphore(%arg19 : memref<!tpu.dma_semaphore, #tpu.memory_space<semaphore_mem>>)
      %add3A_512 = arith.constant 1507328 : i32
      %add3A_513 = arith.addi %mul3A_23, %add3A_512 : i32
      %dma_wait3A_514 = arith.constant 7 : i32
      %dma_wait3A_515 = arith.constant 0 : i32
      %dma_wait3A_516 = tpu.memref_slice %arg14[%dma_wait3A_514, %dma_wait3A_515] : memref<8x65536xf32, #tpu.memory_space<vmem_shared>> -> memref<1x65536xf32, #tpu.memory_space<vmem_shared>>
      %dma_wait3A_517 = tpu.memref_squeeze %dma_wait3A_516 : memref<1x65536xf32, #tpu.memory_space<vmem_shared>> -> memref<65536xf32, #tpu.memory_space<vmem_shared>>
      %dma_wait3A_518 = tpu.memref_slice %arg2[%add3A_513] : memref<8388608xf32, #tpu.memory_space<hbm>> -> memref<65536xf32, #tpu.memory_space<hbm>>
      tpu.wait_dma2 semaphore(%arg20 : memref<!tpu.dma_semaphore, #tpu.memory_space<semaphore_mem>>) src(%dma_wait3A_518 : memref<65536xf32, #tpu.memory_space<hbm>>) dst(%dma_wait3A_517 : memref<65536xf32, #tpu.memory_space<vmem_shared>>)
      %add3A_519 = arith.constant 1507328 : i32
      %add3A_520 = arith.addi %mul3A_23, %add3A_519 : i32
      %dma_start3A_521 = arith.constant 7 : i32
      %dma_start3A_522 = tpu.memref_slice %arg4[%add3A_520] : memref<8388608xf32, #tpu.memory_space<hbm>> -> memref<65536xf32, #tpu.memory_space<hbm>>
      %dma_start3A_523 = arith.constant 0 : i32
      %dma_start3A_524 = tpu.memref_slice %arg14[%dma_start3A_521, %dma_start3A_523] : memref<8x65536xf32, #tpu.memory_space<vmem_shared>> -> memref<1x65536xf32, #tpu.memory_space<vmem_shared>>
      %dma_start3A_525 = tpu.memref_squeeze %dma_start3A_524 : memref<1x65536xf32, #tpu.memory_space<vmem_shared>> -> memref<65536xf32, #tpu.memory_space<vmem_shared>>
      tpu.enqueue_dma source(%dma_start3A_525 : memref<65536xf32, #tpu.memory_space<vmem_shared>>) target(%dma_start3A_522 : memref<65536xf32, #tpu.memory_space<hbm>>) target_semaphore(%arg22 : memref<!tpu.dma_semaphore, #tpu.memory_space<semaphore_mem>>)
    } else {
    }
    %dma_wait3A_384 = tpu.memref_slice %arg4[%add3A_288] : memref<8388608xf32, #tpu.memory_space<hbm>> -> memref<8192xf32, #tpu.memory_space<hbm>>
    %dma_wait3A_385 = tpu.memref_slice %arg4[%add3A_288] : memref<8388608xf32, #tpu.memory_space<hbm>> -> memref<8192xf32, #tpu.memory_space<hbm>>
    tpu.wait_dma2 semaphore(%arg17 : memref<!tpu.dma_semaphore, #tpu.memory_space<semaphore_mem>>) src(%arg10 : memref<8192xf32, #tpu.memory_space<vmem>>) dst(%dma_wait3A_385 : memref<8192xf32, #tpu.memory_space<hbm>>)
    %dma_wait3A_386 = tpu.memref_slice %arg4[%add3A_294] : memref<8388608xf32, #tpu.memory_space<hbm>> -> memref<8192xf32, #tpu.memory_space<hbm>>
    %dma_wait3A_387 = tpu.memref_slice %arg4[%add3A_294] : memref<8388608xf32, #tpu.memory_space<hbm>> -> memref<8192xf32, #tpu.memory_space<hbm>>
    tpu.wait_dma2 semaphore(%arg17 : memref<!tpu.dma_semaphore, #tpu.memory_space<semaphore_mem>>) src(%arg12 : memref<8192xf32, #tpu.memory_space<vmem>>) dst(%dma_wait3A_387 : memref<8192xf32, #tpu.memory_space<hbm>>)
    %dma_wait3A_388 = tpu.memref_slice %arg2[%add3A_300] : memref<8388608xf32, #tpu.memory_space<hbm>> -> memref<8192xf32, #tpu.memory_space<hbm>>
    %dma_wait3A_389 = tpu.memref_slice %arg2[%add3A_300] : memref<8388608xf32, #tpu.memory_space<hbm>> -> memref<8192xf32, #tpu.memory_space<hbm>>
    tpu.wait_dma2 semaphore(%arg15 : memref<!tpu.dma_semaphore, #tpu.memory_space<semaphore_mem>>) src(%dma_wait3A_389 : memref<8192xf32, #tpu.memory_space<hbm>>) dst(%arg6 : memref<8192xf32, #tpu.memory_space<vmem>>)
    %dma_wait3A_390 = tpu.memref_slice %arg2[%add3A_306] : memref<8388608xf32, #tpu.memory_space<hbm>> -> memref<8192xf32, #tpu.memory_space<hbm>>
    %dma_wait3A_391 = tpu.memref_slice %arg2[%add3A_306] : memref<8388608xf32, #tpu.memory_space<hbm>> -> memref<8192xf32, #tpu.memory_space<hbm>>
    tpu.wait_dma2 semaphore(%arg15 : memref<!tpu.dma_semaphore, #tpu.memory_space<semaphore_mem>>) src(%dma_wait3A_391 : memref<8192xf32, #tpu.memory_space<hbm>>) dst(%arg8 : memref<8192xf32, #tpu.memory_space<vmem>>)
    %parallel_loop3A_392 = arith.constant 0 : i32
    %parallel_loop3A_393 = arith.constant 512 : i32
    %parallel_loop3A_394 = arith.constant 1 : i32
    scf.for %parallel_loop3A_498 = %parallel_loop3A_392 to %parallel_loop3A_393 step %parallel_loop3A_394  : i32 {
      %parallel_loop3A_499 = arith.constant 16 : i32
      %parallel_loop3A_500 = arith.muli %parallel_loop3A_498, %parallel_loop3A_499 : i32
      %parallel_loop3A_501 = arith.index_cast %parallel_loop3A_500 : i32 to index
      %parallel_loop3A_502 = tpu.vector_load %arg6[%parallel_loop3A_501] {strides = array<i32>} : memref<8192xf32, #tpu.memory_space<vmem>>, vector<16xf32>,
      %parallel_loop3A_503 = vector.shape_cast %parallel_loop3A_502 : vector<16xf32> to vector<16xf32>
      %parallel_loop3A_504 = arith.index_cast %parallel_loop3A_500 : i32 to index
      %parallel_loop3A_505 = tpu.vector_load %arg8[%parallel_loop3A_504] {strides = array<i32>} : memref<8192xf32, #tpu.memory_space<vmem>>, vector<16xf32>,
      %parallel_loop3A_506 = vector.shape_cast %parallel_loop3A_505 : vector<16xf32> to vector<16xf32>
      %parallel_loop3A_507 = arith.mulf %get3A_4, %parallel_loop3A_503 : vector<16xf32>
      %parallel_loop3A_508 = arith.mulf %get3A_9, %parallel_loop3A_506 : vector<16xf32>
      %parallel_loop3A_509 = arith.addf %parallel_loop3A_507, %parallel_loop3A_508 : vector<16xf32>
      %parallel_loop3A_510 = arith.index_cast %parallel_loop3A_500 : i32 to index
      %parallel_loop3A_511 = tpu.vector_load %arg10[%parallel_loop3A_510] {strides = array<i32>} : memref<8192xf32, #tpu.memory_space<vmem>>, vector<16xf32>,
      %parallel_loop3A_512 = vector.shape_cast %parallel_loop3A_511 : vector<16xf32> to vector<16xf32>
      %parallel_loop3A_513 = vector.shape_cast %parallel_loop3A_509 : vector<16xf32> to vector<16xf32>
      tpu.vector_store %arg10[%parallel_loop3A_510], %parallel_loop3A_513 {strides = array<i32>} : memref<8192xf32, #tpu.memory_space<vmem>>, vector<16xf32>,
      %parallel_loop3A_514 = arith.mulf %get3A_14, %parallel_loop3A_503 : vector<16xf32>
      %parallel_loop3A_515 = arith.mulf %get3A_19, %parallel_loop3A_506 : vector<16xf32>
      %parallel_loop3A_516 = arith.addf %parallel_loop3A_514, %parallel_loop3A_515 : vector<16xf32>
      %parallel_loop3A_517 = arith.index_cast %parallel_loop3A_500 : i32 to index
      %parallel_loop3A_518 = tpu.vector_load %arg12[%parallel_loop3A_517] {strides = array<i32>} : memref<8192xf32, #tpu.memory_space<vmem>>, vector<16xf32>,
      %parallel_loop3A_519 = vector.shape_cast %parallel_loop3A_518 : vector<16xf32> to vector<16xf32>
      %parallel_loop3A_520 = vector.shape_cast %parallel_loop3A_516 : vector<16xf32> to vector<16xf32>
      tpu.vector_store %arg12[%parallel_loop3A_517], %parallel_loop3A_520 {strides = array<i32>} : memref<8192xf32, #tpu.memory_space<vmem>>, vector<16xf32>,
    } {sc.loop_unroll_factor = 8 : i64, sc.parallel_access}
    %add3A_395 = arith.constant 4194304 : i32
    %add3A_396 = arith.addi %add3A_395, %mul3A_21 : i32
    %add3A_397 = arith.constant 49152 : i32
    %add3A_398 = arith.addi %add3A_396, %add3A_397 : i32
    %dma_start3A_399 = tpu.memref_slice %arg4[%add3A_398] : memref<8388608xf32, #tpu.memory_space<hbm>> -> memref<8192xf32, #tpu.memory_space<hbm>>
    %dma_start3A_400 = tpu.memref_slice %arg4[%add3A_398] : memref<8388608xf32, #tpu.memory_space<hbm>> -> memref<8192xf32, #tpu.memory_space<hbm>>
    tpu.enqueue_dma source(%arg10 : memref<8192xf32, #tpu.memory_space<vmem>>) target(%dma_start3A_400 : memref<8192xf32, #tpu.memory_space<hbm>>) target_semaphore(%arg17 : memref<!tpu.dma_semaphore, #tpu.memory_space<semaphore_mem>>)
    %add3A_401 = arith.constant 6291456 : i32
    %add3A_402 = arith.addi %add3A_401, %mul3A_21 : i32
    %add3A_403 = arith.constant 49152 : i32
    %add3A_404 = arith.addi %add3A_402, %add3A_403 : i32
    %dma_start3A_405 = tpu.memref_slice %arg4[%add3A_404] : memref<8388608xf32, #tpu.memory_space<hbm>> -> memref<8192xf32, #tpu.memory_space<hbm>>
    %dma_start3A_406 = tpu.memref_slice %arg4[%add3A_404] : memref<8388608xf32, #tpu.memory_space<hbm>> -> memref<8192xf32, #tpu.memory_space<hbm>>
    tpu.enqueue_dma source(%arg12 : memref<8192xf32, #tpu.memory_space<vmem>>) target(%dma_start3A_406 : memref<8192xf32, #tpu.memory_space<hbm>>) target_semaphore(%arg17 : memref<!tpu.dma_semaphore, #tpu.memory_space<semaphore_mem>>)
    %eq3A_407 = arith.constant 0 : i32
    %eq3A_408 = arith.cmpi eq, %arg1, %eq3A_407 : i32
    %convert_element_type3A_409 = arith.extui %eq3A_408 : i1 to i32
    %cond3A_410 = arith.constant 0 : i32
    %cond3A_411 = arith.cmpi ne, %convert_element_type3A_409, %cond3A_410 : i32
    scf.if %cond3A_411 {
      %add3A_498 = arith.constant 1310720 : i32
      %add3A_499 = arith.addi %mul3A_23, %add3A_498 : i32
      %dma_wait3A_500 = arith.constant 1 : i32
      %dma_wait3A_501 = tpu.memref_slice %arg4[%add3A_499] : memref<8388608xf32, #tpu.memory_space<hbm>> -> memref<65536xf32, #tpu.memory_space<hbm>>
      %dma_wait3A_502 = arith.constant 0 : i32
      %dma_wait3A_503 = tpu.memref_slice %arg14[%dma_wait3A_500, %dma_wait3A_502] : memref<8x65536xf32, #tpu.memory_space<vmem_shared>> -> memref<1x65536xf32, #tpu.memory_space<vmem_shared>>
      %dma_wait3A_504 = tpu.memref_squeeze %dma_wait3A_503 : memref<1x65536xf32, #tpu.memory_space<vmem_shared>> -> memref<65536xf32, #tpu.memory_space<vmem_shared>>
      tpu.wait_dma2 semaphore(%arg22 : memref<!tpu.dma_semaphore, #tpu.memory_space<semaphore_mem>>) src(%dma_wait3A_504 : memref<65536xf32, #tpu.memory_space<vmem_shared>>) dst(%dma_wait3A_501 : memref<65536xf32, #tpu.memory_space<hbm>>)
      %add3A_505 = arith.constant 1835008 : i32
      %add3A_506 = arith.addi %mul3A_23, %add3A_505 : i32
      %dma_start3A_507 = arith.constant 1 : i32
      %dma_start3A_508 = arith.constant 0 : i32
      %dma_start3A_509 = tpu.memref_slice %arg14[%dma_start3A_507, %dma_start3A_508] : memref<8x65536xf32, #tpu.memory_space<vmem_shared>> -> memref<1x65536xf32, #tpu.memory_space<vmem_shared>>
      %dma_start3A_510 = tpu.memref_squeeze %dma_start3A_509 : memref<1x65536xf32, #tpu.memory_space<vmem_shared>> -> memref<65536xf32, #tpu.memory_space<vmem_shared>>
      %dma_start3A_511 = tpu.memref_slice %arg2[%add3A_506] : memref<8388608xf32, #tpu.memory_space<hbm>> -> memref<65536xf32, #tpu.memory_space<hbm>>
      tpu.enqueue_dma source(%dma_start3A_511 : memref<65536xf32, #tpu.memory_space<hbm>>) target(%dma_start3A_510 : memref<65536xf32, #tpu.memory_space<vmem_shared>>) target_semaphore(%arg20 : memref<!tpu.dma_semaphore, #tpu.memory_space<semaphore_mem>>)
      %add3A_512 = arith.constant 1572864 : i32
      %add3A_513 = arith.addi %mul3A_23, %add3A_512 : i32
      %dma_wait3A_514 = arith.constant 0 : i32
      %dma_wait3A_515 = arith.constant 0 : i32
      %dma_wait3A_516 = tpu.memref_slice %arg14[%dma_wait3A_514, %dma_wait3A_515] : memref<8x65536xf32, #tpu.memory_space<vmem_shared>> -> memref<1x65536xf32, #tpu.memory_space<vmem_shared>>
      %dma_wait3A_517 = tpu.memref_squeeze %dma_wait3A_516 : memref<1x65536xf32, #tpu.memory_space<vmem_shared>> -> memref<65536xf32, #tpu.memory_space<vmem_shared>>
      %dma_wait3A_518 = tpu.memref_slice %arg2[%add3A_513] : memref<8388608xf32, #tpu.memory_space<hbm>> -> memref<65536xf32, #tpu.memory_space<hbm>>
      tpu.wait_dma2 semaphore(%arg19 : memref<!tpu.dma_semaphore, #tpu.memory_space<semaphore_mem>>) src(%dma_wait3A_518 : memref<65536xf32, #tpu.memory_space<hbm>>) dst(%dma_wait3A_517 : memref<65536xf32, #tpu.memory_space<vmem_shared>>)
      %add3A_519 = arith.constant 1572864 : i32
      %add3A_520 = arith.addi %mul3A_23, %add3A_519 : i32
      %dma_start3A_521 = arith.constant 0 : i32
      %dma_start3A_522 = tpu.memref_slice %arg4[%add3A_520] : memref<8388608xf32, #tpu.memory_space<hbm>> -> memref<65536xf32, #tpu.memory_space<hbm>>
      %dma_start3A_523 = arith.constant 0 : i32
      %dma_start3A_524 = tpu.memref_slice %arg14[%dma_start3A_521, %dma_start3A_523] : memref<8x65536xf32, #tpu.memory_space<vmem_shared>> -> memref<1x65536xf32, #tpu.memory_space<vmem_shared>>
      %dma_start3A_525 = tpu.memref_squeeze %dma_start3A_524 : memref<1x65536xf32, #tpu.memory_space<vmem_shared>> -> memref<65536xf32, #tpu.memory_space<vmem_shared>>
      tpu.enqueue_dma source(%dma_start3A_525 : memref<65536xf32, #tpu.memory_space<vmem_shared>>) target(%dma_start3A_522 : memref<65536xf32, #tpu.memory_space<hbm>>) target_semaphore(%arg21 : memref<!tpu.dma_semaphore, #tpu.memory_space<semaphore_mem>>)
    } else {
    }
    %eq3A_412 = arith.constant 4 : i32
    %eq3A_413 = arith.cmpi eq, %arg1, %eq3A_412 : i32
    %convert_element_type3A_414 = arith.extui %eq3A_413 : i1 to i32
    %cond3A_415 = arith.constant 0 : i32
    %cond3A_416 = arith.cmpi ne, %convert_element_type3A_414, %cond3A_415 : i32
    scf.if %cond3A_416 {
      %add3A_498 = arith.constant 1376256 : i32
      %add3A_499 = arith.addi %mul3A_23, %add3A_498 : i32
      %dma_wait3A_500 = arith.constant 3 : i32
      %dma_wait3A_501 = tpu.memref_slice %arg4[%add3A_499] : memref<8388608xf32, #tpu.memory_space<hbm>> -> memref<65536xf32, #tpu.memory_space<hbm>>
      %dma_wait3A_502 = arith.constant 0 : i32
      %dma_wait3A_503 = tpu.memref_slice %arg14[%dma_wait3A_500, %dma_wait3A_502] : memref<8x65536xf32, #tpu.memory_space<vmem_shared>> -> memref<1x65536xf32, #tpu.memory_space<vmem_shared>>
      %dma_wait3A_504 = tpu.memref_squeeze %dma_wait3A_503 : memref<1x65536xf32, #tpu.memory_space<vmem_shared>> -> memref<65536xf32, #tpu.memory_space<vmem_shared>>
      tpu.wait_dma2 semaphore(%arg22 : memref<!tpu.dma_semaphore, #tpu.memory_space<semaphore_mem>>) src(%dma_wait3A_504 : memref<65536xf32, #tpu.memory_space<vmem_shared>>) dst(%dma_wait3A_501 : memref<65536xf32, #tpu.memory_space<hbm>>)
      %add3A_505 = arith.constant 1900544 : i32
      %add3A_506 = arith.addi %mul3A_23, %add3A_505 : i32
      %dma_start3A_507 = arith.constant 3 : i32
      %dma_start3A_508 = arith.constant 0 : i32
      %dma_start3A_509 = tpu.memref_slice %arg14[%dma_start3A_507, %dma_start3A_508] : memref<8x65536xf32, #tpu.memory_space<vmem_shared>> -> memref<1x65536xf32, #tpu.memory_space<vmem_shared>>
      %dma_start3A_510 = tpu.memref_squeeze %dma_start3A_509 : memref<1x65536xf32, #tpu.memory_space<vmem_shared>> -> memref<65536xf32, #tpu.memory_space<vmem_shared>>
      %dma_start3A_511 = tpu.memref_slice %arg2[%add3A_506] : memref<8388608xf32, #tpu.memory_space<hbm>> -> memref<65536xf32, #tpu.memory_space<hbm>>
      tpu.enqueue_dma source(%dma_start3A_511 : memref<65536xf32, #tpu.memory_space<hbm>>) target(%dma_start3A_510 : memref<65536xf32, #tpu.memory_space<vmem_shared>>) target_semaphore(%arg20 : memref<!tpu.dma_semaphore, #tpu.memory_space<semaphore_mem>>)
      %add3A_512 = arith.constant 1638400 : i32
      %add3A_513 = arith.addi %mul3A_23, %add3A_512 : i32
      %dma_wait3A_514 = arith.constant 2 : i32
      %dma_wait3A_515 = arith.constant 0 : i32
      %dma_wait3A_516 = tpu.memref_slice %arg14[%dma_wait3A_514, %dma_wait3A_515] : memref<8x65536xf32, #tpu.memory_space<vmem_shared>> -> memref<1x65536xf32, #tpu.memory_space<vmem_shared>>
      %dma_wait3A_517 = tpu.memref_squeeze %dma_wait3A_516 : memref<1x65536xf32, #tpu.memory_space<vmem_shared>> -> memref<65536xf32, #tpu.memory_space<vmem_shared>>
      %dma_wait3A_518 = tpu.memref_slice %arg2[%add3A_513] : memref<8388608xf32, #tpu.memory_space<hbm>> -> memref<65536xf32, #tpu.memory_space<hbm>>
      tpu.wait_dma2 semaphore(%arg19 : memref<!tpu.dma_semaphore, #tpu.memory_space<semaphore_mem>>) src(%dma_wait3A_518 : memref<65536xf32, #tpu.memory_space<hbm>>) dst(%dma_wait3A_517 : memref<65536xf32, #tpu.memory_space<vmem_shared>>)
      %add3A_519 = arith.constant 1638400 : i32
      %add3A_520 = arith.addi %mul3A_23, %add3A_519 : i32
      %dma_start3A_521 = arith.constant 2 : i32
      %dma_start3A_522 = tpu.memref_slice %arg4[%add3A_520] : memref<8388608xf32, #tpu.memory_space<hbm>> -> memref<65536xf32, #tpu.memory_space<hbm>>
      %dma_start3A_523 = arith.constant 0 : i32
      %dma_start3A_524 = tpu.memref_slice %arg14[%dma_start3A_521, %dma_start3A_523] : memref<8x65536xf32, #tpu.memory_space<vmem_shared>> -> memref<1x65536xf32, #tpu.memory_space<vmem_shared>>
      %dma_start3A_525 = tpu.memref_squeeze %dma_start3A_524 : memref<1x65536xf32, #tpu.memory_space<vmem_shared>> -> memref<65536xf32, #tpu.memory_space<vmem_shared>>
      tpu.enqueue_dma source(%dma_start3A_525 : memref<65536xf32, #tpu.memory_space<vmem_shared>>) target(%dma_start3A_522 : memref<65536xf32, #tpu.memory_space<hbm>>) target_semaphore(%arg21 : memref<!tpu.dma_semaphore, #tpu.memory_space<semaphore_mem>>)
    } else {
    }
    %eq3A_417 = arith.constant 8 : i32
    %eq3A_418 = arith.cmpi eq, %arg1, %eq3A_417 : i32
    %convert_element_type3A_419 = arith.extui %eq3A_418 : i1 to i32
    %cond3A_420 = arith.constant 0 : i32
    %cond3A_421 = arith.cmpi ne, %convert_element_type3A_419, %cond3A_420 : i32
    scf.if %cond3A_421 {
      %add3A_498 = arith.constant 1441792 : i32
      %add3A_499 = arith.addi %mul3A_23, %add3A_498 : i32
      %dma_wait3A_500 = arith.constant 5 : i32
      %dma_wait3A_501 = tpu.memref_slice %arg4[%add3A_499] : memref<8388608xf32, #tpu.memory_space<hbm>> -> memref<65536xf32, #tpu.memory_space<hbm>>
      %dma_wait3A_502 = arith.constant 0 : i32
      %dma_wait3A_503 = tpu.memref_slice %arg14[%dma_wait3A_500, %dma_wait3A_502] : memref<8x65536xf32, #tpu.memory_space<vmem_shared>> -> memref<1x65536xf32, #tpu.memory_space<vmem_shared>>
      %dma_wait3A_504 = tpu.memref_squeeze %dma_wait3A_503 : memref<1x65536xf32, #tpu.memory_space<vmem_shared>> -> memref<65536xf32, #tpu.memory_space<vmem_shared>>
      tpu.wait_dma2 semaphore(%arg22 : memref<!tpu.dma_semaphore, #tpu.memory_space<semaphore_mem>>) src(%dma_wait3A_504 : memref<65536xf32, #tpu.memory_space<vmem_shared>>) dst(%dma_wait3A_501 : memref<65536xf32, #tpu.memory_space<hbm>>)
      %add3A_505 = arith.constant 1966080 : i32
      %add3A_506 = arith.addi %mul3A_23, %add3A_505 : i32
      %dma_start3A_507 = arith.constant 5 : i32
      %dma_start3A_508 = arith.constant 0 : i32
      %dma_start3A_509 = tpu.memref_slice %arg14[%dma_start3A_507, %dma_start3A_508] : memref<8x65536xf32, #tpu.memory_space<vmem_shared>> -> memref<1x65536xf32, #tpu.memory_space<vmem_shared>>
      %dma_start3A_510 = tpu.memref_squeeze %dma_start3A_509 : memref<1x65536xf32, #tpu.memory_space<vmem_shared>> -> memref<65536xf32, #tpu.memory_space<vmem_shared>>
      %dma_start3A_511 = tpu.memref_slice %arg2[%add3A_506] : memref<8388608xf32, #tpu.memory_space<hbm>> -> memref<65536xf32, #tpu.memory_space<hbm>>
      tpu.enqueue_dma source(%dma_start3A_511 : memref<65536xf32, #tpu.memory_space<hbm>>) target(%dma_start3A_510 : memref<65536xf32, #tpu.memory_space<vmem_shared>>) target_semaphore(%arg20 : memref<!tpu.dma_semaphore, #tpu.memory_space<semaphore_mem>>)
      %add3A_512 = arith.constant 1703936 : i32
      %add3A_513 = arith.addi %mul3A_23, %add3A_512 : i32
      %dma_wait3A_514 = arith.constant 4 : i32
      %dma_wait3A_515 = arith.constant 0 : i32
      %dma_wait3A_516 = tpu.memref_slice %arg14[%dma_wait3A_514, %dma_wait3A_515] : memref<8x65536xf32, #tpu.memory_space<vmem_shared>> -> memref<1x65536xf32, #tpu.memory_space<vmem_shared>>
      %dma_wait3A_517 = tpu.memref_squeeze %dma_wait3A_516 : memref<1x65536xf32, #tpu.memory_space<vmem_shared>> -> memref<65536xf32, #tpu.memory_space<vmem_shared>>
      %dma_wait3A_518 = tpu.memref_slice %arg2[%add3A_513] : memref<8388608xf32, #tpu.memory_space<hbm>> -> memref<65536xf32, #tpu.memory_space<hbm>>
      tpu.wait_dma2 semaphore(%arg19 : memref<!tpu.dma_semaphore, #tpu.memory_space<semaphore_mem>>) src(%dma_wait3A_518 : memref<65536xf32, #tpu.memory_space<hbm>>) dst(%dma_wait3A_517 : memref<65536xf32, #tpu.memory_space<vmem_shared>>)
      %add3A_519 = arith.constant 1703936 : i32
      %add3A_520 = arith.addi %mul3A_23, %add3A_519 : i32
      %dma_start3A_521 = arith.constant 4 : i32
      %dma_start3A_522 = tpu.memref_slice %arg4[%add3A_520] : memref<8388608xf32, #tpu.memory_space<hbm>> -> memref<65536xf32, #tpu.memory_space<hbm>>
      %dma_start3A_523 = arith.constant 0 : i32
      %dma_start3A_524 = tpu.memref_slice %arg14[%dma_start3A_521, %dma_start3A_523] : memref<8x65536xf32, #tpu.memory_space<vmem_shared>> -> memref<1x65536xf32, #tpu.memory_space<vmem_shared>>
      %dma_start3A_525 = tpu.memref_squeeze %dma_start3A_524 : memref<1x65536xf32, #tpu.memory_space<vmem_shared>> -> memref<65536xf32, #tpu.memory_space<vmem_shared>>
      tpu.enqueue_dma source(%dma_start3A_525 : memref<65536xf32, #tpu.memory_space<vmem_shared>>) target(%dma_start3A_522 : memref<65536xf32, #tpu.memory_space<hbm>>) target_semaphore(%arg21 : memref<!tpu.dma_semaphore, #tpu.memory_space<semaphore_mem>>)
    } else {
    }
    %eq3A_422 = arith.constant 12 : i32
    %eq3A_423 = arith.cmpi eq, %arg1, %eq3A_422 : i32
    %convert_element_type3A_424 = arith.extui %eq3A_423 : i1 to i32
    %cond3A_425 = arith.constant 0 : i32
    %cond3A_426 = arith.cmpi ne, %convert_element_type3A_424, %cond3A_425 : i32
    scf.if %cond3A_426 {
      %add3A_498 = arith.constant 1507328 : i32
      %add3A_499 = arith.addi %mul3A_23, %add3A_498 : i32
      %dma_wait3A_500 = arith.constant 7 : i32
      %dma_wait3A_501 = tpu.memref_slice %arg4[%add3A_499] : memref<8388608xf32, #tpu.memory_space<hbm>> -> memref<65536xf32, #tpu.memory_space<hbm>>
      %dma_wait3A_502 = arith.constant 0 : i32
      %dma_wait3A_503 = tpu.memref_slice %arg14[%dma_wait3A_500, %dma_wait3A_502] : memref<8x65536xf32, #tpu.memory_space<vmem_shared>> -> memref<1x65536xf32, #tpu.memory_space<vmem_shared>>
      %dma_wait3A_504 = tpu.memref_squeeze %dma_wait3A_503 : memref<1x65536xf32, #tpu.memory_space<vmem_shared>> -> memref<65536xf32, #tpu.memory_space<vmem_shared>>
      tpu.wait_dma2 semaphore(%arg22 : memref<!tpu.dma_semaphore, #tpu.memory_space<semaphore_mem>>) src(%dma_wait3A_504 : memref<65536xf32, #tpu.memory_space<vmem_shared>>) dst(%dma_wait3A_501 : memref<65536xf32, #tpu.memory_space<hbm>>)
      %add3A_505 = arith.constant 2031616 : i32
      %add3A_506 = arith.addi %mul3A_23, %add3A_505 : i32
      %dma_start3A_507 = arith.constant 7 : i32
      %dma_start3A_508 = arith.constant 0 : i32
      %dma_start3A_509 = tpu.memref_slice %arg14[%dma_start3A_507, %dma_start3A_508] : memref<8x65536xf32, #tpu.memory_space<vmem_shared>> -> memref<1x65536xf32, #tpu.memory_space<vmem_shared>>
      %dma_start3A_510 = tpu.memref_squeeze %dma_start3A_509 : memref<1x65536xf32, #tpu.memory_space<vmem_shared>> -> memref<65536xf32, #tpu.memory_space<vmem_shared>>
      %dma_start3A_511 = tpu.memref_slice %arg2[%add3A_506] : memref<8388608xf32, #tpu.memory_space<hbm>> -> memref<65536xf32, #tpu.memory_space<hbm>>
      tpu.enqueue_dma source(%dma_start3A_511 : memref<65536xf32, #tpu.memory_space<hbm>>) target(%dma_start3A_510 : memref<65536xf32, #tpu.memory_space<vmem_shared>>) target_semaphore(%arg20 : memref<!tpu.dma_semaphore, #tpu.memory_space<semaphore_mem>>)
      %add3A_512 = arith.constant 1769472 : i32
      %add3A_513 = arith.addi %mul3A_23, %add3A_512 : i32
      %dma_wait3A_514 = arith.constant 6 : i32
      %dma_wait3A_515 = arith.constant 0 : i32
      %dma_wait3A_516 = tpu.memref_slice %arg14[%dma_wait3A_514, %dma_wait3A_515] : memref<8x65536xf32, #tpu.memory_space<vmem_shared>> -> memref<1x65536xf32, #tpu.memory_space<vmem_shared>>
      %dma_wait3A_517 = tpu.memref_squeeze %dma_wait3A_516 : memref<1x65536xf32, #tpu.memory_space<vmem_shared>> -> memref<65536xf32, #tpu.memory_space<vmem_shared>>
      %dma_wait3A_518 = tpu.memref_slice %arg2[%add3A_513] : memref<8388608xf32, #tpu.memory_space<hbm>> -> memref<65536xf32, #tpu.memory_space<hbm>>
      tpu.wait_dma2 semaphore(%arg19 : memref<!tpu.dma_semaphore, #tpu.memory_space<semaphore_mem>>) src(%dma_wait3A_518 : memref<65536xf32, #tpu.memory_space<hbm>>) dst(%dma_wait3A_517 : memref<65536xf32, #tpu.memory_space<vmem_shared>>)
      %add3A_519 = arith.constant 1769472 : i32
      %add3A_520 = arith.addi %mul3A_23, %add3A_519 : i32
      %dma_start3A_521 = arith.constant 6 : i32
      %dma_start3A_522 = tpu.memref_slice %arg4[%add3A_520] : memref<8388608xf32, #tpu.memory_space<hbm>> -> memref<65536xf32, #tpu.memory_space<hbm>>
      %dma_start3A_523 = arith.constant 0 : i32
      %dma_start3A_524 = tpu.memref_slice %arg14[%dma_start3A_521, %dma_start3A_523] : memref<8x65536xf32, #tpu.memory_space<vmem_shared>> -> memref<1x65536xf32, #tpu.memory_space<vmem_shared>>
      %dma_start3A_525 = tpu.memref_squeeze %dma_start3A_524 : memref<1x65536xf32, #tpu.memory_space<vmem_shared>> -> memref<65536xf32, #tpu.memory_space<vmem_shared>>
      tpu.enqueue_dma source(%dma_start3A_525 : memref<65536xf32, #tpu.memory_space<vmem_shared>>) target(%dma_start3A_522 : memref<65536xf32, #tpu.memory_space<hbm>>) target_semaphore(%arg21 : memref<!tpu.dma_semaphore, #tpu.memory_space<semaphore_mem>>)
    } else {
    }
    %dma_wait3A_427 = tpu.memref_slice %arg4[%add3A_343] : memref<8388608xf32, #tpu.memory_space<hbm>> -> memref<8192xf32, #tpu.memory_space<hbm>>
    %dma_wait3A_428 = tpu.memref_slice %arg4[%add3A_343] : memref<8388608xf32, #tpu.memory_space<hbm>> -> memref<8192xf32, #tpu.memory_space<hbm>>
    tpu.wait_dma2 semaphore(%arg18 : memref<!tpu.dma_semaphore, #tpu.memory_space<semaphore_mem>>) src(%arg11 : memref<8192xf32, #tpu.memory_space<vmem>>) dst(%dma_wait3A_428 : memref<8192xf32, #tpu.memory_space<hbm>>)
    %dma_wait3A_429 = tpu.memref_slice %arg4[%add3A_349] : memref<8388608xf32, #tpu.memory_space<hbm>> -> memref<8192xf32, #tpu.memory_space<hbm>>
    %dma_wait3A_430 = tpu.memref_slice %arg4[%add3A_349] : memref<8388608xf32, #tpu.memory_space<hbm>> -> memref<8192xf32, #tpu.memory_space<hbm>>
    tpu.wait_dma2 semaphore(%arg18 : memref<!tpu.dma_semaphore, #tpu.memory_space<semaphore_mem>>) src(%arg13 : memref<8192xf32, #tpu.memory_space<vmem>>) dst(%dma_wait3A_430 : memref<8192xf32, #tpu.memory_space<hbm>>)
    %dma_wait3A_431 = tpu.memref_slice %arg2[%add3A_355] : memref<8388608xf32, #tpu.memory_space<hbm>> -> memref<8192xf32, #tpu.memory_space<hbm>>
    %dma_wait3A_432 = tpu.memref_slice %arg2[%add3A_355] : memref<8388608xf32, #tpu.memory_space<hbm>> -> memref<8192xf32, #tpu.memory_space<hbm>>
    tpu.wait_dma2 semaphore(%arg16 : memref<!tpu.dma_semaphore, #tpu.memory_space<semaphore_mem>>) src(%dma_wait3A_432 : memref<8192xf32, #tpu.memory_space<hbm>>) dst(%arg7 : memref<8192xf32, #tpu.memory_space<vmem>>)
    %dma_wait3A_433 = tpu.memref_slice %arg2[%add3A_361] : memref<8388608xf32, #tpu.memory_space<hbm>> -> memref<8192xf32, #tpu.memory_space<hbm>>
    %dma_wait3A_434 = tpu.memref_slice %arg2[%add3A_361] : memref<8388608xf32, #tpu.memory_space<hbm>> -> memref<8192xf32, #tpu.memory_space<hbm>>
    tpu.wait_dma2 semaphore(%arg16 : memref<!tpu.dma_semaphore, #tpu.memory_space<semaphore_mem>>) src(%dma_wait3A_434 : memref<8192xf32, #tpu.memory_space<hbm>>) dst(%arg9 : memref<8192xf32, #tpu.memory_space<vmem>>)
    %parallel_loop3A_435 = arith.constant 0 : i32
    %parallel_loop3A_436 = arith.constant 512 : i32
    %parallel_loop3A_437 = arith.constant 1 : i32
    scf.for %parallel_loop3A_498 = %parallel_loop3A_435 to %parallel_loop3A_436 step %parallel_loop3A_437  : i32 {
      %parallel_loop3A_499 = arith.constant 16 : i32
      %parallel_loop3A_500 = arith.muli %parallel_loop3A_498, %parallel_loop3A_499 : i32
      %parallel_loop3A_501 = arith.index_cast %parallel_loop3A_500 : i32 to index
      %parallel_loop3A_502 = tpu.vector_load %arg7[%parallel_loop3A_501] {strides = array<i32>} : memref<8192xf32, #tpu.memory_space<vmem>>, vector<16xf32>,
      %parallel_loop3A_503 = vector.shape_cast %parallel_loop3A_502 : vector<16xf32> to vector<16xf32>
      %parallel_loop3A_504 = arith.index_cast %parallel_loop3A_500 : i32 to index
      %parallel_loop3A_505 = tpu.vector_load %arg9[%parallel_loop3A_504] {strides = array<i32>} : memref<8192xf32, #tpu.memory_space<vmem>>, vector<16xf32>,
      %parallel_loop3A_506 = vector.shape_cast %parallel_loop3A_505 : vector<16xf32> to vector<16xf32>
      %parallel_loop3A_507 = arith.mulf %get3A_4, %parallel_loop3A_503 : vector<16xf32>
      %parallel_loop3A_508 = arith.mulf %get3A_9, %parallel_loop3A_506 : vector<16xf32>
      %parallel_loop3A_509 = arith.addf %parallel_loop3A_507, %parallel_loop3A_508 : vector<16xf32>
      %parallel_loop3A_510 = arith.index_cast %parallel_loop3A_500 : i32 to index
      %parallel_loop3A_511 = tpu.vector_load %arg11[%parallel_loop3A_510] {strides = array<i32>} : memref<8192xf32, #tpu.memory_space<vmem>>, vector<16xf32>,
      %parallel_loop3A_512 = vector.shape_cast %parallel_loop3A_511 : vector<16xf32> to vector<16xf32>
      %parallel_loop3A_513 = vector.shape_cast %parallel_loop3A_509 : vector<16xf32> to vector<16xf32>
      tpu.vector_store %arg11[%parallel_loop3A_510], %parallel_loop3A_513 {strides = array<i32>} : memref<8192xf32, #tpu.memory_space<vmem>>, vector<16xf32>,
      %parallel_loop3A_514 = arith.mulf %get3A_14, %parallel_loop3A_503 : vector<16xf32>
      %parallel_loop3A_515 = arith.mulf %get3A_19, %parallel_loop3A_506 : vector<16xf32>
      %parallel_loop3A_516 = arith.addf %parallel_loop3A_514, %parallel_loop3A_515 : vector<16xf32>
      %parallel_loop3A_517 = arith.index_cast %parallel_loop3A_500 : i32 to index
      %parallel_loop3A_518 = tpu.vector_load %arg13[%parallel_loop3A_517] {strides = array<i32>} : memref<8192xf32, #tpu.memory_space<vmem>>, vector<16xf32>,
      %parallel_loop3A_519 = vector.shape_cast %parallel_loop3A_518 : vector<16xf32> to vector<16xf32>
      %parallel_loop3A_520 = vector.shape_cast %parallel_loop3A_516 : vector<16xf32> to vector<16xf32>
      tpu.vector_store %arg13[%parallel_loop3A_517], %parallel_loop3A_520 {strides = array<i32>} : memref<8192xf32, #tpu.memory_space<vmem>>, vector<16xf32>,
    } {sc.loop_unroll_factor = 8 : i64, sc.parallel_access}
    %add3A_438 = arith.constant 4194304 : i32
    %add3A_439 = arith.addi %add3A_438, %mul3A_21 : i32
    %add3A_440 = arith.constant 57344 : i32
    %add3A_441 = arith.addi %add3A_439, %add3A_440 : i32
    %dma_start3A_442 = tpu.memref_slice %arg4[%add3A_441] : memref<8388608xf32, #tpu.memory_space<hbm>> -> memref<8192xf32, #tpu.memory_space<hbm>>
    %dma_start3A_443 = tpu.memref_slice %arg4[%add3A_441] : memref<8388608xf32, #tpu.memory_space<hbm>> -> memref<8192xf32, #tpu.memory_space<hbm>>
    tpu.enqueue_dma source(%arg11 : memref<8192xf32, #tpu.memory_space<vmem>>) target(%dma_start3A_443 : memref<8192xf32, #tpu.memory_space<hbm>>) target_semaphore(%arg18 : memref<!tpu.dma_semaphore, #tpu.memory_space<semaphore_mem>>)
    %add3A_444 = arith.constant 6291456 : i32
    %add3A_445 = arith.addi %add3A_444, %mul3A_21 : i32
    %add3A_446 = arith.constant 57344 : i32
    %add3A_447 = arith.addi %add3A_445, %add3A_446 : i32
    %dma_start3A_448 = tpu.memref_slice %arg4[%add3A_447] : memref<8388608xf32, #tpu.memory_space<hbm>> -> memref<8192xf32, #tpu.memory_space<hbm>>
    %dma_start3A_449 = tpu.memref_slice %arg4[%add3A_447] : memref<8388608xf32, #tpu.memory_space<hbm>> -> memref<8192xf32, #tpu.memory_space<hbm>>
    tpu.enqueue_dma source(%arg13 : memref<8192xf32, #tpu.memory_space<vmem>>) target(%dma_start3A_449 : memref<8192xf32, #tpu.memory_space<hbm>>) target_semaphore(%arg18 : memref<!tpu.dma_semaphore, #tpu.memory_space<semaphore_mem>>)
    %eq3A_450 = arith.constant 0 : i32
    %eq3A_451 = arith.cmpi eq, %arg1, %eq3A_450 : i32
    %convert_element_type3A_452 = arith.extui %eq3A_451 : i1 to i32
    %cond3A_453 = arith.constant 0 : i32
    %cond3A_454 = arith.cmpi ne, %convert_element_type3A_452, %cond3A_453 : i32
    scf.if %cond3A_454 {
      %add3A_498 = arith.constant 1572864 : i32
      %add3A_499 = arith.addi %mul3A_23, %add3A_498 : i32
      %dma_wait3A_500 = arith.constant 0 : i32
      %dma_wait3A_501 = tpu.memref_slice %arg4[%add3A_499] : memref<8388608xf32, #tpu.memory_space<hbm>> -> memref<65536xf32, #tpu.memory_space<hbm>>
      %dma_wait3A_502 = arith.constant 0 : i32
      %dma_wait3A_503 = tpu.memref_slice %arg14[%dma_wait3A_500, %dma_wait3A_502] : memref<8x65536xf32, #tpu.memory_space<vmem_shared>> -> memref<1x65536xf32, #tpu.memory_space<vmem_shared>>
      %dma_wait3A_504 = tpu.memref_squeeze %dma_wait3A_503 : memref<1x65536xf32, #tpu.memory_space<vmem_shared>> -> memref<65536xf32, #tpu.memory_space<vmem_shared>>
      tpu.wait_dma2 semaphore(%arg21 : memref<!tpu.dma_semaphore, #tpu.memory_space<semaphore_mem>>) src(%dma_wait3A_504 : memref<65536xf32, #tpu.memory_space<vmem_shared>>) dst(%dma_wait3A_501 : memref<65536xf32, #tpu.memory_space<hbm>>)
      %add3A_505 = arith.constant 1835008 : i32
      %add3A_506 = arith.addi %mul3A_23, %add3A_505 : i32
      %dma_wait3A_507 = arith.constant 1 : i32
      %dma_wait3A_508 = arith.constant 0 : i32
      %dma_wait3A_509 = tpu.memref_slice %arg14[%dma_wait3A_507, %dma_wait3A_508] : memref<8x65536xf32, #tpu.memory_space<vmem_shared>> -> memref<1x65536xf32, #tpu.memory_space<vmem_shared>>
      %dma_wait3A_510 = tpu.memref_squeeze %dma_wait3A_509 : memref<1x65536xf32, #tpu.memory_space<vmem_shared>> -> memref<65536xf32, #tpu.memory_space<vmem_shared>>
      %dma_wait3A_511 = tpu.memref_slice %arg2[%add3A_506] : memref<8388608xf32, #tpu.memory_space<hbm>> -> memref<65536xf32, #tpu.memory_space<hbm>>
      tpu.wait_dma2 semaphore(%arg20 : memref<!tpu.dma_semaphore, #tpu.memory_space<semaphore_mem>>) src(%dma_wait3A_511 : memref<65536xf32, #tpu.memory_space<hbm>>) dst(%dma_wait3A_510 : memref<65536xf32, #tpu.memory_space<vmem_shared>>)
      %add3A_512 = arith.constant 1835008 : i32
      %add3A_513 = arith.addi %mul3A_23, %add3A_512 : i32
      %dma_start3A_514 = arith.constant 1 : i32
      %dma_start3A_515 = tpu.memref_slice %arg4[%add3A_513] : memref<8388608xf32, #tpu.memory_space<hbm>> -> memref<65536xf32, #tpu.memory_space<hbm>>
      %dma_start3A_516 = arith.constant 0 : i32
      %dma_start3A_517 = tpu.memref_slice %arg14[%dma_start3A_514, %dma_start3A_516] : memref<8x65536xf32, #tpu.memory_space<vmem_shared>> -> memref<1x65536xf32, #tpu.memory_space<vmem_shared>>
      %dma_start3A_518 = tpu.memref_squeeze %dma_start3A_517 : memref<1x65536xf32, #tpu.memory_space<vmem_shared>> -> memref<65536xf32, #tpu.memory_space<vmem_shared>>
      tpu.enqueue_dma source(%dma_start3A_518 : memref<65536xf32, #tpu.memory_space<vmem_shared>>) target(%dma_start3A_515 : memref<65536xf32, #tpu.memory_space<hbm>>) target_semaphore(%arg22 : memref<!tpu.dma_semaphore, #tpu.memory_space<semaphore_mem>>)
    } else {
    }
    %eq3A_455 = arith.constant 4 : i32
    %eq3A_456 = arith.cmpi eq, %arg1, %eq3A_455 : i32
    %convert_element_type3A_457 = arith.extui %eq3A_456 : i1 to i32
    %cond3A_458 = arith.constant 0 : i32
    %cond3A_459 = arith.cmpi ne, %convert_element_type3A_457, %cond3A_458 : i32
    scf.if %cond3A_459 {
      %add3A_498 = arith.constant 1638400 : i32
      %add3A_499 = arith.addi %mul3A_23, %add3A_498 : i32
      %dma_wait3A_500 = arith.constant 2 : i32
      %dma_wait3A_501 = tpu.memref_slice %arg4[%add3A_499] : memref<8388608xf32, #tpu.memory_space<hbm>> -> memref<65536xf32, #tpu.memory_space<hbm>>
      %dma_wait3A_502 = arith.constant 0 : i32
      %dma_wait3A_503 = tpu.memref_slice %arg14[%dma_wait3A_500, %dma_wait3A_502] : memref<8x65536xf32, #tpu.memory_space<vmem_shared>> -> memref<1x65536xf32, #tpu.memory_space<vmem_shared>>
      %dma_wait3A_504 = tpu.memref_squeeze %dma_wait3A_503 : memref<1x65536xf32, #tpu.memory_space<vmem_shared>> -> memref<65536xf32, #tpu.memory_space<vmem_shared>>
      tpu.wait_dma2 semaphore(%arg21 : memref<!tpu.dma_semaphore, #tpu.memory_space<semaphore_mem>>) src(%dma_wait3A_504 : memref<65536xf32, #tpu.memory_space<vmem_shared>>) dst(%dma_wait3A_501 : memref<65536xf32, #tpu.memory_space<hbm>>)
      %add3A_505 = arith.constant 1900544 : i32
      %add3A_506 = arith.addi %mul3A_23, %add3A_505 : i32
      %dma_wait3A_507 = arith.constant 3 : i32
      %dma_wait3A_508 = arith.constant 0 : i32
      %dma_wait3A_509 = tpu.memref_slice %arg14[%dma_wait3A_507, %dma_wait3A_508] : memref<8x65536xf32, #tpu.memory_space<vmem_shared>> -> memref<1x65536xf32, #tpu.memory_space<vmem_shared>>
      %dma_wait3A_510 = tpu.memref_squeeze %dma_wait3A_509 : memref<1x65536xf32, #tpu.memory_space<vmem_shared>> -> memref<65536xf32, #tpu.memory_space<vmem_shared>>
      %dma_wait3A_511 = tpu.memref_slice %arg2[%add3A_506] : memref<8388608xf32, #tpu.memory_space<hbm>> -> memref<65536xf32, #tpu.memory_space<hbm>>
      tpu.wait_dma2 semaphore(%arg20 : memref<!tpu.dma_semaphore, #tpu.memory_space<semaphore_mem>>) src(%dma_wait3A_511 : memref<65536xf32, #tpu.memory_space<hbm>>) dst(%dma_wait3A_510 : memref<65536xf32, #tpu.memory_space<vmem_shared>>)
      %add3A_512 = arith.constant 1900544 : i32
      %add3A_513 = arith.addi %mul3A_23, %add3A_512 : i32
      %dma_start3A_514 = arith.constant 3 : i32
      %dma_start3A_515 = tpu.memref_slice %arg4[%add3A_513] : memref<8388608xf32, #tpu.memory_space<hbm>> -> memref<65536xf32, #tpu.memory_space<hbm>>
      %dma_start3A_516 = arith.constant 0 : i32
      %dma_start3A_517 = tpu.memref_slice %arg14[%dma_start3A_514, %dma_start3A_516] : memref<8x65536xf32, #tpu.memory_space<vmem_shared>> -> memref<1x65536xf32, #tpu.memory_space<vmem_shared>>
      %dma_start3A_518 = tpu.memref_squeeze %dma_start3A_517 : memref<1x65536xf32, #tpu.memory_space<vmem_shared>> -> memref<65536xf32, #tpu.memory_space<vmem_shared>>
      tpu.enqueue_dma source(%dma_start3A_518 : memref<65536xf32, #tpu.memory_space<vmem_shared>>) target(%dma_start3A_515 : memref<65536xf32, #tpu.memory_space<hbm>>) target_semaphore(%arg22 : memref<!tpu.dma_semaphore, #tpu.memory_space<semaphore_mem>>)
    } else {
    }
    %eq3A_460 = arith.constant 8 : i32
    %eq3A_461 = arith.cmpi eq, %arg1, %eq3A_460 : i32
    %convert_element_type3A_462 = arith.extui %eq3A_461 : i1 to i32
    %cond3A_463 = arith.constant 0 : i32
    %cond3A_464 = arith.cmpi ne, %convert_element_type3A_462, %cond3A_463 : i32
    scf.if %cond3A_464 {
      %add3A_498 = arith.constant 1703936 : i32
      %add3A_499 = arith.addi %mul3A_23, %add3A_498 : i32
      %dma_wait3A_500 = arith.constant 4 : i32
      %dma_wait3A_501 = tpu.memref_slice %arg4[%add3A_499] : memref<8388608xf32, #tpu.memory_space<hbm>> -> memref<65536xf32, #tpu.memory_space<hbm>>
      %dma_wait3A_502 = arith.constant 0 : i32
      %dma_wait3A_503 = tpu.memref_slice %arg14[%dma_wait3A_500, %dma_wait3A_502] : memref<8x65536xf32, #tpu.memory_space<vmem_shared>> -> memref<1x65536xf32, #tpu.memory_space<vmem_shared>>
      %dma_wait3A_504 = tpu.memref_squeeze %dma_wait3A_503 : memref<1x65536xf32, #tpu.memory_space<vmem_shared>> -> memref<65536xf32, #tpu.memory_space<vmem_shared>>
      tpu.wait_dma2 semaphore(%arg21 : memref<!tpu.dma_semaphore, #tpu.memory_space<semaphore_mem>>) src(%dma_wait3A_504 : memref<65536xf32, #tpu.memory_space<vmem_shared>>) dst(%dma_wait3A_501 : memref<65536xf32, #tpu.memory_space<hbm>>)
      %add3A_505 = arith.constant 1966080 : i32
      %add3A_506 = arith.addi %mul3A_23, %add3A_505 : i32
      %dma_wait3A_507 = arith.constant 5 : i32
      %dma_wait3A_508 = arith.constant 0 : i32
      %dma_wait3A_509 = tpu.memref_slice %arg14[%dma_wait3A_507, %dma_wait3A_508] : memref<8x65536xf32, #tpu.memory_space<vmem_shared>> -> memref<1x65536xf32, #tpu.memory_space<vmem_shared>>
      %dma_wait3A_510 = tpu.memref_squeeze %dma_wait3A_509 : memref<1x65536xf32, #tpu.memory_space<vmem_shared>> -> memref<65536xf32, #tpu.memory_space<vmem_shared>>
      %dma_wait3A_511 = tpu.memref_slice %arg2[%add3A_506] : memref<8388608xf32, #tpu.memory_space<hbm>> -> memref<65536xf32, #tpu.memory_space<hbm>>
      tpu.wait_dma2 semaphore(%arg20 : memref<!tpu.dma_semaphore, #tpu.memory_space<semaphore_mem>>) src(%dma_wait3A_511 : memref<65536xf32, #tpu.memory_space<hbm>>) dst(%dma_wait3A_510 : memref<65536xf32, #tpu.memory_space<vmem_shared>>)
      %add3A_512 = arith.constant 1966080 : i32
      %add3A_513 = arith.addi %mul3A_23, %add3A_512 : i32
      %dma_start3A_514 = arith.constant 5 : i32
      %dma_start3A_515 = tpu.memref_slice %arg4[%add3A_513] : memref<8388608xf32, #tpu.memory_space<hbm>> -> memref<65536xf32, #tpu.memory_space<hbm>>
      %dma_start3A_516 = arith.constant 0 : i32
      %dma_start3A_517 = tpu.memref_slice %arg14[%dma_start3A_514, %dma_start3A_516] : memref<8x65536xf32, #tpu.memory_space<vmem_shared>> -> memref<1x65536xf32, #tpu.memory_space<vmem_shared>>
      %dma_start3A_518 = tpu.memref_squeeze %dma_start3A_517 : memref<1x65536xf32, #tpu.memory_space<vmem_shared>> -> memref<65536xf32, #tpu.memory_space<vmem_shared>>
      tpu.enqueue_dma source(%dma_start3A_518 : memref<65536xf32, #tpu.memory_space<vmem_shared>>) target(%dma_start3A_515 : memref<65536xf32, #tpu.memory_space<hbm>>) target_semaphore(%arg22 : memref<!tpu.dma_semaphore, #tpu.memory_space<semaphore_mem>>)
    } else {
    }
    %eq3A_465 = arith.constant 12 : i32
    %eq3A_466 = arith.cmpi eq, %arg1, %eq3A_465 : i32
    %convert_element_type3A_467 = arith.extui %eq3A_466 : i1 to i32
    %cond3A_468 = arith.constant 0 : i32
    %cond3A_469 = arith.cmpi ne, %convert_element_type3A_467, %cond3A_468 : i32
    scf.if %cond3A_469 {
      %add3A_498 = arith.constant 1769472 : i32
      %add3A_499 = arith.addi %mul3A_23, %add3A_498 : i32
      %dma_wait3A_500 = arith.constant 6 : i32
      %dma_wait3A_501 = tpu.memref_slice %arg4[%add3A_499] : memref<8388608xf32, #tpu.memory_space<hbm>> -> memref<65536xf32, #tpu.memory_space<hbm>>
      %dma_wait3A_502 = arith.constant 0 : i32
      %dma_wait3A_503 = tpu.memref_slice %arg14[%dma_wait3A_500, %dma_wait3A_502] : memref<8x65536xf32, #tpu.memory_space<vmem_shared>> -> memref<1x65536xf32, #tpu.memory_space<vmem_shared>>
      %dma_wait3A_504 = tpu.memref_squeeze %dma_wait3A_503 : memref<1x65536xf32, #tpu.memory_space<vmem_shared>> -> memref<65536xf32, #tpu.memory_space<vmem_shared>>
      tpu.wait_dma2 semaphore(%arg21 : memref<!tpu.dma_semaphore, #tpu.memory_space<semaphore_mem>>) src(%dma_wait3A_504 : memref<65536xf32, #tpu.memory_space<vmem_shared>>) dst(%dma_wait3A_501 : memref<65536xf32, #tpu.memory_space<hbm>>)
      %add3A_505 = arith.constant 2031616 : i32
      %add3A_506 = arith.addi %mul3A_23, %add3A_505 : i32
      %dma_wait3A_507 = arith.constant 7 : i32
      %dma_wait3A_508 = arith.constant 0 : i32
      %dma_wait3A_509 = tpu.memref_slice %arg14[%dma_wait3A_507, %dma_wait3A_508] : memref<8x65536xf32, #tpu.memory_space<vmem_shared>> -> memref<1x65536xf32, #tpu.memory_space<vmem_shared>>
      %dma_wait3A_510 = tpu.memref_squeeze %dma_wait3A_509 : memref<1x65536xf32, #tpu.memory_space<vmem_shared>> -> memref<65536xf32, #tpu.memory_space<vmem_shared>>
      %dma_wait3A_511 = tpu.memref_slice %arg2[%add3A_506] : memref<8388608xf32, #tpu.memory_space<hbm>> -> memref<65536xf32, #tpu.memory_space<hbm>>
      tpu.wait_dma2 semaphore(%arg20 : memref<!tpu.dma_semaphore, #tpu.memory_space<semaphore_mem>>) src(%dma_wait3A_511 : memref<65536xf32, #tpu.memory_space<hbm>>) dst(%dma_wait3A_510 : memref<65536xf32, #tpu.memory_space<vmem_shared>>)
      %add3A_512 = arith.constant 2031616 : i32
      %add3A_513 = arith.addi %mul3A_23, %add3A_512 : i32
      %dma_start3A_514 = arith.constant 7 : i32
      %dma_start3A_515 = tpu.memref_slice %arg4[%add3A_513] : memref<8388608xf32, #tpu.memory_space<hbm>> -> memref<65536xf32, #tpu.memory_space<hbm>>
      %dma_start3A_516 = arith.constant 0 : i32
      %dma_start3A_517 = tpu.memref_slice %arg14[%dma_start3A_514, %dma_start3A_516] : memref<8x65536xf32, #tpu.memory_space<vmem_shared>> -> memref<1x65536xf32, #tpu.memory_space<vmem_shared>>
      %dma_start3A_518 = tpu.memref_squeeze %dma_start3A_517 : memref<1x65536xf32, #tpu.memory_space<vmem_shared>> -> memref<65536xf32, #tpu.memory_space<vmem_shared>>
      tpu.enqueue_dma source(%dma_start3A_518 : memref<65536xf32, #tpu.memory_space<vmem_shared>>) target(%dma_start3A_515 : memref<65536xf32, #tpu.memory_space<hbm>>) target_semaphore(%arg22 : memref<!tpu.dma_semaphore, #tpu.memory_space<semaphore_mem>>)
    } else {
    }
    %dma_wait3A_470 = tpu.memref_slice %arg4[%add3A_398] : memref<8388608xf32, #tpu.memory_space<hbm>> -> memref<8192xf32, #tpu.memory_space<hbm>>
    %dma_wait3A_471 = tpu.memref_slice %arg4[%add3A_398] : memref<8388608xf32, #tpu.memory_space<hbm>> -> memref<8192xf32, #tpu.memory_space<hbm>>
    tpu.wait_dma2 semaphore(%arg17 : memref<!tpu.dma_semaphore, #tpu.memory_space<semaphore_mem>>) src(%arg10 : memref<8192xf32, #tpu.memory_space<vmem>>) dst(%dma_wait3A_471 : memref<8192xf32, #tpu.memory_space<hbm>>)
    %dma_wait3A_472 = tpu.memref_slice %arg4[%add3A_404] : memref<8388608xf32, #tpu.memory_space<hbm>> -> memref<8192xf32, #tpu.memory_space<hbm>>
    %dma_wait3A_473 = tpu.memref_slice %arg4[%add3A_404] : memref<8388608xf32, #tpu.memory_space<hbm>> -> memref<8192xf32, #tpu.memory_space<hbm>>
    tpu.wait_dma2 semaphore(%arg17 : memref<!tpu.dma_semaphore, #tpu.memory_space<semaphore_mem>>) src(%arg12 : memref<8192xf32, #tpu.memory_space<vmem>>) dst(%dma_wait3A_473 : memref<8192xf32, #tpu.memory_space<hbm>>)
    %dma_wait3A_474 = tpu.memref_slice %arg4[%add3A_441] : memref<8388608xf32, #tpu.memory_space<hbm>> -> memref<8192xf32, #tpu.memory_space<hbm>>
    %dma_wait3A_475 = tpu.memref_slice %arg4[%add3A_441] : memref<8388608xf32, #tpu.memory_space<hbm>> -> memref<8192xf32, #tpu.memory_space<hbm>>
    tpu.wait_dma2 semaphore(%arg18 : memref<!tpu.dma_semaphore, #tpu.memory_space<semaphore_mem>>) src(%arg11 : memref<8192xf32, #tpu.memory_space<vmem>>) dst(%dma_wait3A_475 : memref<8192xf32, #tpu.memory_space<hbm>>)
    %dma_wait3A_476 = tpu.memref_slice %arg4[%add3A_447] : memref<8388608xf32, #tpu.memory_space<hbm>> -> memref<8192xf32, #tpu.memory_space<hbm>>
    %dma_wait3A_477 = tpu.memref_slice %arg4[%add3A_447] : memref<8388608xf32, #tpu.memory_space<hbm>> -> memref<8192xf32, #tpu.memory_space<hbm>>
    tpu.wait_dma2 semaphore(%arg18 : memref<!tpu.dma_semaphore, #tpu.memory_space<semaphore_mem>>) src(%arg13 : memref<8192xf32, #tpu.memory_space<vmem>>) dst(%dma_wait3A_477 : memref<8192xf32, #tpu.memory_space<hbm>>)
    %eq3A_478 = arith.constant 0 : i32
    %eq3A_479 = arith.cmpi eq, %arg1, %eq3A_478 : i32
    %convert_element_type3A_480 = arith.extui %eq3A_479 : i1 to i32
    %cond3A_481 = arith.constant 0 : i32
    %cond3A_482 = arith.cmpi ne, %convert_element_type3A_480, %cond3A_481 : i32
    scf.if %cond3A_482 {
      %add3A_498 = arith.constant 1835008 : i32
      %add3A_499 = arith.addi %mul3A_23, %add3A_498 : i32
      %dma_wait3A_500 = arith.constant 1 : i32
      %dma_wait3A_501 = tpu.memref_slice %arg4[%add3A_499] : memref<8388608xf32, #tpu.memory_space<hbm>> -> memref<65536xf32, #tpu.memory_space<hbm>>
      %dma_wait3A_502 = arith.constant 0 : i32
      %dma_wait3A_503 = tpu.memref_slice %arg14[%dma_wait3A_500, %dma_wait3A_502] : memref<8x65536xf32, #tpu.memory_space<vmem_shared>> -> memref<1x65536xf32, #tpu.memory_space<vmem_shared>>
      %dma_wait3A_504 = tpu.memref_squeeze %dma_wait3A_503 : memref<1x65536xf32, #tpu.memory_space<vmem_shared>> -> memref<65536xf32, #tpu.memory_space<vmem_shared>>
      tpu.wait_dma2 semaphore(%arg22 : memref<!tpu.dma_semaphore, #tpu.memory_space<semaphore_mem>>) src(%dma_wait3A_504 : memref<65536xf32, #tpu.memory_space<vmem_shared>>) dst(%dma_wait3A_501 : memref<65536xf32, #tpu.memory_space<hbm>>)
    } else {
    }
    %eq3A_483 = arith.constant 4 : i32
    %eq3A_484 = arith.cmpi eq, %arg1, %eq3A_483 : i32
    %convert_element_type3A_485 = arith.extui %eq3A_484 : i1 to i32
    %cond3A_486 = arith.constant 0 : i32
    %cond3A_487 = arith.cmpi ne, %convert_element_type3A_485, %cond3A_486 : i32
    scf.if %cond3A_487 {
      %add3A_498 = arith.constant 1900544 : i32
      %add3A_499 = arith.addi %mul3A_23, %add3A_498 : i32
      %dma_wait3A_500 = arith.constant 3 : i32
      %dma_wait3A_501 = tpu.memref_slice %arg4[%add3A_499] : memref<8388608xf32, #tpu.memory_space<hbm>> -> memref<65536xf32, #tpu.memory_space<hbm>>
      %dma_wait3A_502 = arith.constant 0 : i32
      %dma_wait3A_503 = tpu.memref_slice %arg14[%dma_wait3A_500, %dma_wait3A_502] : memref<8x65536xf32, #tpu.memory_space<vmem_shared>> -> memref<1x65536xf32, #tpu.memory_space<vmem_shared>>
      %dma_wait3A_504 = tpu.memref_squeeze %dma_wait3A_503 : memref<1x65536xf32, #tpu.memory_space<vmem_shared>> -> memref<65536xf32, #tpu.memory_space<vmem_shared>>
      tpu.wait_dma2 semaphore(%arg22 : memref<!tpu.dma_semaphore, #tpu.memory_space<semaphore_mem>>) src(%dma_wait3A_504 : memref<65536xf32, #tpu.memory_space<vmem_shared>>) dst(%dma_wait3A_501 : memref<65536xf32, #tpu.memory_space<hbm>>)
    } else {
    }
    %eq3A_488 = arith.constant 8 : i32
    %eq3A_489 = arith.cmpi eq, %arg1, %eq3A_488 : i32
    %convert_element_type3A_490 = arith.extui %eq3A_489 : i1 to i32
    %cond3A_491 = arith.constant 0 : i32
    %cond3A_492 = arith.cmpi ne, %convert_element_type3A_490, %cond3A_491 : i32
    scf.if %cond3A_492 {
      %add3A_498 = arith.constant 1966080 : i32
      %add3A_499 = arith.addi %mul3A_23, %add3A_498 : i32
      %dma_wait3A_500 = arith.constant 5 : i32
      %dma_wait3A_501 = tpu.memref_slice %arg4[%add3A_499] : memref<8388608xf32, #tpu.memory_space<hbm>> -> memref<65536xf32, #tpu.memory_space<hbm>>
      %dma_wait3A_502 = arith.constant 0 : i32
      %dma_wait3A_503 = tpu.memref_slice %arg14[%dma_wait3A_500, %dma_wait3A_502] : memref<8x65536xf32, #tpu.memory_space<vmem_shared>> -> memref<1x65536xf32, #tpu.memory_space<vmem_shared>>
      %dma_wait3A_504 = tpu.memref_squeeze %dma_wait3A_503 : memref<1x65536xf32, #tpu.memory_space<vmem_shared>> -> memref<65536xf32, #tpu.memory_space<vmem_shared>>
      tpu.wait_dma2 semaphore(%arg22 : memref<!tpu.dma_semaphore, #tpu.memory_space<semaphore_mem>>) src(%dma_wait3A_504 : memref<65536xf32, #tpu.memory_space<vmem_shared>>) dst(%dma_wait3A_501 : memref<65536xf32, #tpu.memory_space<hbm>>)
    } else {
    }
    %eq3A_493 = arith.constant 12 : i32
    %eq3A_494 = arith.cmpi eq, %arg1, %eq3A_493 : i32
    %convert_element_type3A_495 = arith.extui %eq3A_494 : i1 to i32
    %cond3A_496 = arith.constant 0 : i32
    %cond3A_497 = arith.cmpi ne, %convert_element_type3A_495, %cond3A_496 : i32
    scf.if %cond3A_497 {
      %add3A_498 = arith.constant 2031616 : i32
      %add3A_499 = arith.addi %mul3A_23, %add3A_498 : i32
      %dma_wait3A_500 = arith.constant 7 : i32
      %dma_wait3A_501 = tpu.memref_slice %arg4[%add3A_499] : memref<8388608xf32, #tpu.memory_space<hbm>> -> memref<65536xf32, #tpu.memory_space<hbm>>
      %dma_wait3A_502 = arith.constant 0 : i32
      %dma_wait3A_503 = tpu.memref_slice %arg14[%dma_wait3A_500, %dma_wait3A_502] : memref<8x65536xf32, #tpu.memory_space<vmem_shared>> -> memref<1x65536xf32, #tpu.memory_space<vmem_shared>>
      %dma_wait3A_504 = tpu.memref_squeeze %dma_wait3A_503 : memref<1x65536xf32, #tpu.memory_space<vmem_shared>> -> memref<65536xf32, #tpu.memory_space<vmem_shared>>
      tpu.wait_dma2 semaphore(%arg22 : memref<!tpu.dma_semaphore, #tpu.memory_space<semaphore_mem>>) src(%dma_wait3A_504 : memref<65536xf32, #tpu.memory_space<vmem_shared>>) dst(%dma_wait3A_501 : memref<65536xf32, #tpu.memory_space<hbm>>)
    } else {
    }
    return
  }
}

</mosaic_0001>

<sc_bundles>
// kernel: kernel.3.cloned.1.call-start
scs
__scs_entry_jumppad:
0x0: {  	(pc) =	sbr.rel $0x88, $3  }
0x1: {  	(tag) =	ssettag $0x0;
	lr =	simm.s32 $0x1  }
0x2: {  	[smem:$0x3F9F] =	sst lr;
	_ =	strace $0xD0000000  }
0x3: {  	_ = 	snop  }
0x4: {  	_ = 	snop  }
0x5: {  	_ = 	snop  }
0x6: {  	_ = 	snop  }
0x7: {  	_ = 	snop  }
__scs_overlays_trampoline_lowered:
0x8: {  	[smem:$0x3FAE] =	sst s0  }
0x9: {  	[smem:$0x3FAF] =	sst s1  }
0xa: {  	[smem:$0x3FB0] =	sst s2  }
0xb: {  	[smem:$0x3FB1] =	sst s3  }
0xc: {  	[smem:$0x3FB2] =	sst s4  }
0xd: {  	[smem:$0x3FB3] =	sst s5  }
0xe: {  	[smem:$0x3FB4] =	sst s6  }
0xf: {  	[smem:$0x3FB5] =	sst s7  }
0x10: {  	[smem:$0x3FB6] =	sst s8  }
0x11: {  	[smem:$0x3FB7] =	sst s9;
	s0 =	simm.s32 @!p0 $0x0  }
0x12: {  	s1 =	sld [smem:$0x3F9D];
	s0 =	simm.s32 @p0 $0x1  }
0x13: {  	[smem:$0x3FB8] =	sst s0;
	s0 =	simm.s32 @!p1 $0x0  }
0x14: {  	s2 =	sld [smem:$0x3F9C];
	s0 =	simm.s32 @p1 $0x1  }
0x15: {  	[smem:$0x3FB9] =	sst s0;
	s0 =	simm.s32 @!p2 $0x0  }
0x16: {  	s3 =	sld [smem:$0x3FDB];
	s0 =	simm.s32 @p2 $0x1  }
0x17: {  	s4 =	simm.s32 $0x1BF5;
	[smem:$0x3FBB] =	sst s0  }
0x18: {  	s0 =	sld [smem:$0x3F9E];
	_ =	swait.ge [sflag:s4], $0x0  }
0x19: {  	s7 =	sld [smem:$0x3F9F]  }
0x1a: {  	s8 =	sadd.s32 $0xFFFFE003, lr  }
0x1b: {  	s9 =	sadd.s32 $0xFFFFFEF7, lr;
	s5 =	simm.s32 $0xFFFFFFFF;
	p2 =	slt.u32 s8, $0xFFFFF086  }
0x1c: {  	p1 =	slt.u32 s9, $0xF7A;
	s5 =	simm.s32 @!p2 $0x0  }
0x1d: {  	s5 =	simm.s32 @p1 $0x1;
	p0 =	seq.s32 s7, s2  }
0x1e: {  	s7 =	smul.u32 @!p0 $0xF7A, s2;
	p2 =	seq.s32 @!p0 s5, $0x0  }
0x1f: {  	s9 =	smul.u32 $0xF7A, s1;
	s8 =	simm.s32 @!p0 $0x1BF5;
	p2 =	por !p2, p0  }
0x20: {  	[sflag:s8] =	ssyncset.s32 @!p0 $0xFFFFF086;
	s6 =	sadd.s32 @!p0 s3, s7;
	s7 =	simm.s32 @!p0 $0x108  }
0x21: {  	s3 =	sadd.s32 s3, s9;
	s6 =	sadd.s32 @!p0 $0x88, s6;
	s7 =	simm.s32 @p2 $0x1082  }
0x22: {  	[simem:s7], [sflag:s8] =	dma.local @!p0 [hbm:s6], $0xF7A  }
0x23: {  	s9 =	sor.u32 $0xD0000000, s2;
	s6 =	simm.s32 $0x108;
	_ =	swait.ge @!p0 [sflag:s8], $0x0  }
0x24: {  	s3 =	sadd.s32 $0x88, s3;
	s6 =	simm.s32 @!p1 $0x1082;
	[sflag:s4] =	ssyncset.s32 $0xFFFFF086  }
0x25: {  	[simem:s6], [sflag:s4] =	dma.local [hbm:s3], $0xF7A  }
0x26: {  	[smem:$0x3F9F] =	sst s1;
	(tag) =	ssettag s2;
	_ =	strace s9  }
0x27: {  	s1 =	sld [smem:$0x3FAF]  }
0x28: {  	s2 =	sld [smem:$0x3FB0]  }
0x29: {  	s4 =	sld [smem:$0x3FB2]  }
0x2a: {  	p0 =	seq.s32 s5, $0x0;
	s5 =	sld [smem:$0x3FB3]  }
0x2b: {  	s6 =	sld [smem:$0x3FB4]  }
0x2c: {  	s7 =	sld [smem:$0x3FB5]  }
0x2d: {  	s3 =	simm.s32 $0x108;
	s8 =	sld [smem:$0x3FB6]  }
0x2e: {  	s3 =	simm.s32 @!p0 $0x1082;
	s9 =	sld [smem:$0x3FB7]  }
0x2f: {  	lr =	sadd.s32 s0, s3;
	s0 =	sld [smem:$0x3FAE]  }
0x30: {  	s3 =	sld [smem:$0x3FB1]  }
0x31: {  	[smem:$0x3FBA] =	sst s10  }
0x32: {  	s10 =	sld [smem:$0x3FB8];
	_ =	sdelay $0x3  }
0x33: {  	p0 =	seq.s32 s10, $0x1;
	s10 =	sld [smem:$0x3FBA];
	_ =	sdelay $0x3  }
0x34: {  	[smem:$0x3FBA] =	sst s10  }
0x35: {  	s10 =	sld [smem:$0x3FB9];
	_ =	sdelay $0x3  }
0x36: {  	p1 =	seq.s32 s10, $0x1;
	s10 =	sld [smem:$0x3FBA];
	_ =	sdelay $0x3  }
0x37: {  	[smem:$0x3FBA] =	sst s10  }
0x38: {  	s10 =	sld [smem:$0x3FBB]  }
0x39: {  	_ = 	snop;
	(pc) =	sbr.ind lr, $3  }
0x3a: {  	_ = 	snop  }
0x3b: {  	_ = 	snop  }
0x3c: {  	p2 =	seq.s32 s10, $0x1;
	s10 =	sld [smem:$0x3FBA]  }
0x3d: {  	_ =	shalt  }
0x3e: {  	_ =	shalt  }
0x3f: {  	_ =	shalt  }
0x40: {  	_ =	shalt  }
0x41: {  	_ =	shalt  }
0x42: {  	_ =	shalt  }
0x43: {  	_ =	shalt  }
0x44: {  	_ =	shalt  }
0x45: {  	_ =	shalt  }
0x46: {  	_ =	shalt  }
0x47: {  	_ =	shalt  }
0x48: {  	_ =	shalt  }
0x49: {  	_ =	shalt  }
0x4a: {  	_ =	shalt  }
0x4b: {  	_ =	shalt  }
0x4c: {  	_ =	shalt  }
0x4d: {  	_ =	shalt  }
0x4e: {  	_ =	shalt  }
0x4f: {  	_ =	shalt  }
0x50: {  	_ =	shalt  }
0x51: {  	_ =	shalt  }
0x52: {  	_ =	shalt  }
0x53: {  	_ =	shalt  }
0x54: {  	_ =	shalt  }
0x55: {  	_ =	shalt  }
0x56: {  	_ =	shalt  }
0x57: {  	_ =	shalt  }
0x58: {  	_ =	shalt  }
0x59: {  	_ =	shalt  }
0x5a: {  	_ =	shalt  }
0x5b: {  	_ =	shalt  }
0x5c: {  	_ =	shalt  }
0x5d: {  	_ =	shalt  }
0x5e: {  	_ =	shalt  }
0x5f: {  	_ =	shalt  }
0x60: {  	_ =	shalt  }
0x61: {  	_ =	shalt  }
0x62: {  	_ =	shalt  }
0x63: {  	_ =	shalt  }
0x64: {  	_ =	shalt  }
0x65: {  	_ =	shalt  }
0x66: {  	_ =	shalt  }
0x67: {  	_ =	shalt  }
0x68: {  	_ =	shalt  }
0x69: {  	_ =	shalt  }
0x6a: {  	_ =	shalt  }
0x6b: {  	_ =	shalt  }
0x6c: {  	_ =	shalt  }
0x6d: {  	_ =	shalt  }
0x6e: {  	_ =	shalt  }
0x6f: {  	_ =	shalt  }
0x70: {  	_ =	shalt  }
0x71: {  	_ =	shalt  }
0x72: {  	_ =	shalt  }
0x73: {  	_ =	shalt  }
0x74: {  	_ =	shalt  }
0x75: {  	_ =	shalt  }
0x76: {  	_ =	shalt  }
0x77: {  	_ =	shalt  }
0x78: {  	_ =	shalt  }
0x79: {  	_ =	shalt  }
0x7a: {  	_ =	shalt  }
0x7b: {  	_ =	shalt  }
0x7c: {  	_ =	shalt  }
0x7d: {  	_ =	shalt  }
0x7e: {  	_ =	shalt  }
0x7f: {  	_ =	shalt  }
0x80: {  	_ =	shalt  }
0x81: {  	_ =	shalt  }
0x82: {  	_ =	shalt  }
0x83: {  	_ =	shalt  }
0x84: {  	_ =	shalt  }
0x85: {  	_ =	shalt  }
0x86: {  	_ =	shalt  }
0x87: {  	_ =	shalt  }
.Lfunc_end0:
.L_simem_size_0:
called_computation_lowered:
.L_overlay_start_0:
0x88: {  	s2 =	sld [smem:$0x3FD9]  }
0x89: {  	s3 =	sld [smem:$0x3FFE];
	_ =	sdelay $0x1  }
0x8a: {  	s1 =	srdreg.scid  }
0x8b: {  	s0 =	sand.u32 $0x1, s1  }
0x8c: {  	s17 =	sshll.u32 s0, $0xA;
	s2 =	sadd.s32 s3, s2  }
0x8d: {  	s2 =	sadd.s32 s2, s17  }
0x8e: {  	[smem:$0x3FC6] =	sst s2  }
0x8f: {  	_ = 	snop  }
0x90: {  	s2 =	sld [smem:$0x3FC9]  }
0x91: {  	s18 =	sld [smem:$0x3FD0];
	(tm) =	ssettm $0x1  }
0x92: {  	s4 =	sld [smem:$0x3FFB];
	_ =	sdelay $0x3  }
0x93: {  	_ =	strace s4  }
0x94: {  	s4 =	sld [smem:$0x3FFC];
	_ =	sdelay $0x3  }
0x95: {  	_ =	strace s4  }
0x96: {  	s4 =	sld [smem:$0x3FFD];
	_ =	sdelay $0x3  }
0x97: {  	_ =	strace s4  }
0x98: {  	_ =	strace $0x8FFFFFFF  }
0x99: {  	s19 =	sld [smem:$0x3FDB];
	_ =	sdelay $0x1  }
0x9a: {  	s5 =	simm.s32 $_scs_section_size  }
0x9b: {  	s6 =	simm.s32 $_size__tile_overlayer_lowered;
	s7 =	simm.s32 $_tile_overlayer_lowered  }
0x9c: {  	s22 =	simm.s32 $0x1BFF;
	s21 =	sshll.u32 s7, $0x1;
	s4 =	sadd.s32 s5, s19  }
0x9d: {  	s8 =	simm.s32 $0x0;
	s20 =	sshll.u32 s6, $0x1;
	s6 =	sadd.s32 s21, s4  }
0x9e: {  	[timem:s8], [sflag:s22] =	dma.local [hbm:s6], s20  }
0x9f: {  	_ =	swait.ge [sflag:s22], s20  }
0xa0: {  	s5 =	ssub.s32 $0x0, s20;
	[sflag:s22] =	ssyncset.done $0x0  }
0xa1: {  	[sflag:s22] =	ssyncadd.s32 s5;
	_ =	sdelay $0x1  }
0xa2: {  	s23 =	simm.s32 $0x1B8B  }
0xa3: {  	_ =	swait.ge [sflag:s23], $0x1  }
0xa4: {  	[sflag:s23] =	ssyncset.done $0x0  }
0xa5: {  	s25 =	simm.s32 $0x1B8E;
	s24 =	sld [smem:$0x3FFE];
	[sflag:s23] =	ssyncadd.s32 $0xFFFFFFFF  }
0xa6: {  	s26 =	simm.s32 $execute0_lowered;
	[smem:$0x3FD2] =	sst s25  }
0xa7: {  	s6 =	sshll.u32 s26, $0x1;
	_ =	strace $0x80000046;
	[dreg:$0x1] =	wrdreg $0xFFFFFFFF  }
0xa8: {  	s28 =	simm.s32 $_size_execute0_lowered;
	s4 =	sadd.s32 s4, s6;
	[dreg:$0x0] =	wrdreg $0x0  }
0xa9: {  	s6 =	sshll.u32 s28, $0x1;
	[dreg:$0x2] =	wrdreg s4  }
0xaa: {  	[dreg:$0x3] =	wrdreg s6  }
0xab: {  	[dreg:$0x4] =	wrdreg $0xC0  }
0xac: {  	_ =	task [dreg:s8], $0x5FFFF  }
0xad: {  	[dreg:$0x1] =	wrdreg $0xFFFFFFFF  }
0xae: {  	[dreg:$0x0] =	wrdreg $0x60  }
0xaf: {  	[dreg:$0x2] =	wrdreg s2  }
0xb0: {  	[dreg:$0x3] =	wrdreg s24  }
0xb1: {  	[dreg:$0x4] =	wrdreg s18  }
0xb2: {  	[dreg:$0x5] =	wrdreg $0x102000  }
0xb3: {  	[dreg:$0x6] =	wrdreg $0x9  }
0xb4: {  	_ =	task.clear_ibuf [dreg:s8], $0x7FFFF;
	_ =	strace $0x90000046  }
0xb5: {  	s29 =	simm.s32 $0x9;
	_ =	strace $0x80000048  }
0xb6: {  	_ =	swait.ge [sflag:s29], $0x1  }
0xb7: {  	[sflag:s29] =	ssyncadd.s32 $0xFFFFFFFF  }
0xb8: {  	_ =	strace $0x90000048  }
0xb9: {  	_ =	sfence  }
0xba: {  	s30 =	sld [smem:$0x0];
	_ =	sdelay $0x2  }
0xbb: {  	s31 =	sshll.u32 s1, $0xD;
	s1 =	sshrl.u32 s1, $0x2  }
0xbc: {  	s3 =	sand.u32 $0x4000, s31;
	s1 =	sadd.s32 s1, s30  }
0xbd: {  	s0 =	sor.u32 s3, s0;
	s1 =	sshll.u32 s1, $0x11  }
0xbe: {  	s0 =	sor.u32 s1, s0  }
0xbf: {  	s0 =	sadd.s32 $0x8F2B, s0  }
0xc0: {  	[sflag:s0] =	ssyncadd.remote.s32 $0x1  }
0xc1: {  	_ =	sfence.sel $0xFFFF  }
0xc2: {  	[dreg:$0x0] =	wrdreg $0xFFFFFFFF;
	(pc) =	sbr.abs _section_cstart, $3  }
0xc3: {  	[dreg:$0x1] =	wrdreg $0xFFFFFFFF  }
0xc4: {  	_ =	task.clear_ibuf [dreg:s8], $0x2FFFF;
	_ =	strace $0x9FFFFFFF  }
0xc5: {  	(tm) =	ssettm $0x7FFFFFFF  }
tec
execute0_lowered:
.L_overlay_start_1:
0x0: {  	(tag) =	ssettag $0x1  }
0x1: {  	s1 =	srdreg.scid  }
0x2: {  	s11 =	stileid.u32;
	s3 =	sand.u32 $0x1, s1  }
0x3: {  	s2 =	rddreg [dreg:$0x0];
	s4 =	sshll.u32 s11, $0xE;
	s5 =	sshll.u32 s3, $0xD  }
0x4: {  	s0 =	rddreg [dreg:$0x2];
	s1 =	simm.s32 $0x0;
	s4 =	sor.u32 s5, s4  }
0x5: {  	[smem:$0x7FF] =	sst s1;
	s7 =	sor.u32 $0x80000, s4  }
0x6: {  	s6 =	ssub.s32 $0x2, s3;
	s14 =	sor.u32 $0xC0000, s4;
	s13 =	sadd.s32 s2, s7  }
0x7: {  	s8 =	sor.u32 $0x80400, s4;
	s10 =	sadd.s32 s2, s14;
	[dreg:$0x6] =	wrdreg s13  }
0x8: {  	s9 =	sor.u32 $0xC0400, s4;
	s15 =	sadd.s32 s2, s8;
	[dreg:$0x7] =	wrdreg s10  }
0x9: {  	s12 =	sshrl.u32 s6, $0x1;
	s16 =	sadd.s32 s2, s9;
	[dreg:$0x8] =	wrdreg s15  }
0xa: {  	s5 =	ssub.s32 s6, s12;
	s7 =	sadd.s32 s0, s7;
	[dreg:$0x9] =	wrdreg s16  }
0xb: {  	s17 =	sor.u32 $0x80800, s4;
	s6 =	sadd.s32 s0, s14;
	[dreg:$0xa] =	wrdreg s7  }
0xc: {  	s18 =	sor.u32 $0xC0800, s4;
	s19 =	sadd.s32 s2, s17;
	[dreg:$0xb] =	wrdreg s6  }
0xd: {  	s20 =	sadd.s32 s2, s18;
	[dreg:$0xc] =	wrdreg s19  }
0xe: {  	s21 =	sadd.s32 s0, s8;
	[dreg:$0xd] =	wrdreg s20  }
0xf: {  	s22 =	sor.u32 $0x80C00, s4;
	s23 =	sadd.s32 s0, s9;
	[dreg:$0xf] =	wrdreg s21  }
0x10: {  	s25 =	sor.u32 $0xC0C00, s4;
	s24 =	sadd.s32 s2, s22;
	[dreg:$0x10] =	wrdreg s23  }
0x11: {  	s26 =	sadd.s32 s2, s25;
	[dreg:$0x11] =	wrdreg s24  }
0x12: {  	s28 =	sor.u32 $0x81000, s4;
	s29 =	sadd.s32 s0, s18;
	[dreg:$0x12] =	wrdreg s26  }
0x13: {  	s30 =	sadd.s32 s2, s28;
	[dreg:$0x14] =	wrdreg s29  }
0x14: {  	s8 =	sadd.s32 s0, s28;
	[dreg:$0x15] =	wrdreg s30  }
0x15: {  	[dreg:$0x18] =	wrdreg s8  }
0x16: {  	s3 =	sshll.u32 s3, $0x12;
	s6 =	sadd.s32 s0, s25;
	s25 =	rddreg [dreg:$0x1]  }
0x17: {  	s12 =	sadd.s32 s2, s3;
	s7 =	sadd.s32 s0, s17;
	s8 =	rddreg [dreg:$0x3]  }
0x18: {  	s13 =	sadd.s32 s0, s3;
	s3 =	sadd.s32 s0, s22;
	[dreg:$0x13] =	wrdreg s7  }
0x19: {  	s9 =	sor.u32 $0xC1000, s4;
	[dreg:$0x16] =	wrdreg s3  }
0x1a: {  	s14 =	sor.u32 $0x81400, s4;
	s10 =	sadd.s32 s2, s9;
	[dreg:$0x17] =	wrdreg s6  }
0x1b: {  	s18 =	sor.u32 $0x81800, s4;
	s15 =	sadd.s32 s2, s14;
	[dreg:$0x19] =	wrdreg s10  }
0x1c: {  	s21 =	sadd.s32 s2, s18;
	[dreg:$0x1b] =	wrdreg s15  }
0x1d: {  	s24 =	sadd.s32 s0, s18;
	[dreg:$0x1f] =	wrdreg s21  }
0x1e: {  	s16 =	sor.u32 $0xC1400, s4;
	s3 =	sadd.s32 s0, s9;
	[smem:$0x7AB] =	sst s24  }
0x1f: {  	s19 =	sor.u32 $0xC1800, s4;
	s17 =	sadd.s32 s2, s16;
	[dreg:$0x1a] =	wrdreg s3  }
0x20: {  	s20 =	sor.u32 $0x81C00, s4;
	s22 =	sadd.s32 s2, s19;
	[dreg:$0x1d] =	wrdreg s17  }
0x21: {  	s4 =	sor.u32 $0xC1C00, s4;
	s23 =	sadd.s32 s2, s20;
	[smem:$0x7A8] =	sst s22  }
0x22: {  	s2 =	sadd.s32 s2, s4;
	[smem:$0x7A9] =	sst s23  }
0x23: {  	s26 =	sadd.s32 s0, s19;
	[smem:$0x7AA] =	sst s2  }
0x24: {  	s28 =	sadd.s32 s0, s20;
	[smem:$0x7AC] =	sst s26  }
0x25: {  	s3 =	sadd.s32 s0, s14;
	[smem:$0x7AD] =	sst s28  }
0x26: {  	[dreg:$0x1c] =	wrdreg s3;
	s3 =	sadd.s32 s0, s16  }
0x27: {  	s0 =	sadd.s32 s0, s4;
	[dreg:$0x1e] =	wrdreg s3  }
0x28: {  	s29 =	sadd.s32 $0x400, s25;
	[smem:$0x7AE] =	sst s0  }
0x29: {  	s30 =	smax.u32 s5, $0x1;
	_ =	strace $0x80000047;
	[smem:$0x7AF] =	sst s29  }
0x2a: {  	s2 =	sadd.s32 $0x6000, s12;
	[smem:$0x7B0] =	sst s30  }
0x2b: {  	s3 =	sadd.s32 $0x4000, s12;
	[smem:$0x7B8] =	sst s2  }
0x2c: {  	s4 =	sadd.s32 $0x2000, s12;
	[smem:$0x7B9] =	sst s3  }
0x2d: {  	s5 =	sadd.s32 $0x80, s8;
	[smem:$0x7BA] =	sst s4  }
0x2e: {  	s6 =	sadd.s32 $0x8000, s12;
	[smem:$0x7BB] =	sst s5  }
0x2f: {  	s7 =	sadd.s32 $0x180, s8;
	[smem:$0x7BC] =	sst s6  }
0x30: {  	s10 =	sadd.s32 $0xA000, s12;
	[smem:$0x7BD] =	sst s7  }
0x31: {  	s16 =	sadd.s32 $0x280, s8;
	[smem:$0x7BE] =	sst s10  }
0x32: {  	s17 =	sadd.s32 $0xC000, s12;
	[smem:$0x7C0] =	sst s16  }
0x33: {  	s18 =	sadd.s32 $0x4000, s13;
	[smem:$0x7C1] =	sst s17  }
0x34: {  	s19 =	sadd.s32 $0x380, s8;
	[smem:$0x7C2] =	sst s18  }
0x35: {  	s20 =	sadd.s32 $0xE000, s12;
	[smem:$0x7C3] =	sst s19  }
0x36: {  	s21 =	sadd.s32 $0x6000, s13;
	[smem:$0x7C4] =	sst s20  }
0x37: {  	s22 =	sadd.s32 $0x10000, s12;
	[smem:$0x7C5] =	sst s21  }
0x38: {  	s23 =	sadd.s32 $0x8000, s13;
	[smem:$0x7C6] =	sst s22  }
0x39: {  	s24 =	sadd.s32 $0x12000, s12;
	[smem:$0x7C7] =	sst s23  }
0x3a: {  	s25 =	sadd.s32 $0xA000, s13;
	[smem:$0x7C8] =	sst s24  }
0x3b: {  	p4 =	sgt.s32 s11, $0x7;
	s26 =	sadd.s32 $0x14000, s12;
	[smem:$0x7C9] =	sst s25  }
0x3c: {  	p0 =	seq.s32 @p4 s11, $0x8;
	s28 =	sadd.s32 $0xC000, s13;
	[smem:$0x7CA] =	sst s26  }
0x3d: {  	p1 =	por p0, !p4;
	[smem:$0x7CB] =	sst s28  }
0x3e: {  	p1 =	seq.s32 @!p1 s11, $0xC;
	[dreg:$0x5] =	wrdreg s12  }
0x3f: {  	p1 =	por @p4 !p1, p0;
	s15 =	sadd.s32 $0x300, s8;
	[dreg:$0xe] =	wrdreg s13  }
0x40: {  	p0 =	por !p0, !p4;
	s14 =	sadd.s32 $0x200, s8;
	[smem:$0x7FB] =	sst s15  }
0x41: {  	s9 =	sadd.s32 $0x100, s8;
	s0 =	simm.s32 @!p0 $0x0;
	[smem:$0x7FC] =	sst s14  }
0x42: {  	s0 =	simm.s32 @p0 $0x1;
	[smem:$0x7FD] =	sst s9  }
0x43: {  	s29 =	sadd.s32 $0x16000, s12;
	[smem:$0x7B1] =	sst s0  }
0x44: {  	s30 =	sadd.s32 $0xE000, s13;
	[smem:$0x7CC] =	sst s29  }
0x45: {  	s2 =	sadd.s32 $0x18000, s12;
	[smem:$0x7CD] =	sst s30  }
0x46: {  	s3 =	sadd.s32 $0x10000, s13;
	[smem:$0x7CE] =	sst s2  }
0x47: {  	s4 =	sadd.s32 $0x1A000, s12;
	[smem:$0x7CF] =	sst s3  }
0x48: {  	s5 =	sadd.s32 $0x12000, s13;
	[smem:$0x7D0] =	sst s4  }
0x49: {  	s6 =	sadd.s32 $0x1C000, s12;
	[smem:$0x7D1] =	sst s5  }
0x4a: {  	s7 =	sadd.s32 $0x14000, s13;
	[smem:$0x7D2] =	sst s6  }
0x4b: {  	s10 =	sadd.s32 $0x1E000, s12;
	[smem:$0x7D3] =	sst s7  }
0x4c: {  	s16 =	sadd.s32 $0x20000, s12;
	[smem:$0x7D4] =	sst s10  }
0x4d: {  	s17 =	sadd.s32 $0x18000, s13;
	[smem:$0x7D6] =	sst s16  }
0x4e: {  	s18 =	sadd.s32 $0x22000, s12;
	[smem:$0x7D7] =	sst s17  }
0x4f: {  	s19 =	sadd.s32 $0x1A000, s13;
	[smem:$0x7D8] =	sst s18  }
0x50: {  	s20 =	sadd.s32 $0x24000, s12;
	[smem:$0x7D9] =	sst s19  }
0x51: {  	s21 =	sadd.s32 $0x1C000, s13;
	[smem:$0x7DA] =	sst s20  }
0x52: {  	s22 =	sadd.s32 $0x26000, s12;
	[smem:$0x7DB] =	sst s21  }
0x53: {  	s23 =	sadd.s32 $0x1E000, s13;
	[smem:$0x7DC] =	sst s22  }
0x54: {  	s24 =	sadd.s32 $0x28000, s12;
	[smem:$0x7DD] =	sst s23  }
0x55: {  	s25 =	sadd.s32 $0x20000, s13;
	[smem:$0x7DE] =	sst s24  }
0x56: {  	s26 =	sadd.s32 $0x2A000, s12;
	[smem:$0x7DF] =	sst s25  }
0x57: {  	s28 =	sadd.s32 $0x22000, s13;
	[smem:$0x7E0] =	sst s26  }
0x58: {  	[smem:$0x7E1] =	sst s28;
	s29 =	sadd.s32 $0x2C000, s12  }
0x59: {  	s30 =	sadd.s32 $0x24000, s13;
	[smem:$0x7E2] =	sst s29  }
0x5a: {  	s2 =	sadd.s32 $0x2E000, s12;
	[smem:$0x7E3] =	sst s30  }
0x5b: {  	s3 =	sadd.s32 $0x26000, s13;
	[smem:$0x7E4] =	sst s2  }
0x5c: {  	s4 =	sadd.s32 $0x30000, s12;
	[smem:$0x7E5] =	sst s3  }
0x5d: {  	s5 =	sadd.s32 $0x28000, s13;
	[smem:$0x7E6] =	sst s4  }
0x5e: {  	s6 =	sadd.s32 $0x32000, s12;
	[smem:$0x7E7] =	sst s5  }
0x5f: {  	s7 =	sadd.s32 $0x2A000, s13;
	[smem:$0x7E8] =	sst s6  }
0x60: {  	s10 =	sadd.s32 $0x34000, s12;
	[smem:$0x7E9] =	sst s7  }
0x61: {  	s16 =	sadd.s32 $0x36000, s12;
	[smem:$0x7EA] =	sst s10  }
0x62: {  	s17 =	sadd.s32 $0x2E000, s13;
	[smem:$0x7EC] =	sst s16  }
0x63: {  	s18 =	sadd.s32 $0x38000, s12;
	[smem:$0x7ED] =	sst s17  }
0x64: {  	s19 =	sadd.s32 $0x30000, s13;
	[smem:$0x7EE] =	sst s18  }
0x65: {  	s20 =	sadd.s32 $0x3A000, s12;
	[smem:$0x7EF] =	sst s19  }
0x66: {  	s21 =	sadd.s32 $0x32000, s13;
	[smem:$0x7F0] =	sst s20  }
0x67: {  	s31 =	simm.s32 $0x2200;
	s22 =	sadd.s32 $0x3C000, s12;
	[smem:$0x7F1] =	sst s21  }
0x68: {  	p2 =	seq.s32 @!p4 s11, $0x0;
	s23 =	sadd.s32 $0x34000, s13;
	[smem:$0x7F2] =	sst s22  }
0x69: {  	p3 =	por p2, p4;
	s24 =	sadd.s32 $0x3E000, s12;
	[smem:$0x7F3] =	sst s23  }
0x6a: {  	p0 =	por p1, !p4;
	s25 =	sadd.s32 $0x36000, s13;
	[smem:$0x7F4] =	sst s24  }
0x6b: {  	p1 =	por !p1, !p4;
	s26 =	sadd.s32 $0x38000, s13;
	[smem:$0x7F5] =	sst s25  }
0x6c: {  	s0 =	simm.s32 @!p0 $0x0;
	s28 =	sadd.s32 $0x3A000, s13;
	[smem:$0x7F6] =	sst s26  }
0x6d: {  	s0 =	simm.s32 @p0 $0x1;
	p0 =	seq.s32 @!p3 s11, $0x4;
	[smem:$0x7F7] =	sst s28  }
0x6e: {  	s29 =	sadd.s32 $0x3C000, s13;
	[smem:$0x7B2] =	sst s0;
	s0 =	simm.s32 @!p1 $0x0  }
0x6f: {  	s30 =	sadd.s32 $0x3E000, s13;
	s0 =	simm.s32 @p1 $0x1;
	p1 =	por !p2, p4  }
0x70: {  	p0 =	por @!p4 !p0, p2;
	[smem:$0x7B3] =	sst s0;
	s0 =	simm.s32 @!p1 $0x0  }
0x71: {  	[smem:$0x7F8] =	sst s29;
	s0 =	simm.s32 @p1 $0x1;
	p1 =	por p0, p4  }
0x72: {  	s17 =	simm.s32 $0x1;
	[smem:$0x7B4] =	sst s0;
	s0 =	simm.s32 @!p1 $0x0  }
0x73: {  	[smem:$0x7F9] =	sst s30;
	s0 =	simm.s32 @p1 $0x1;
	p1 =	sne.s32 s11, $0x0  }
0x74: {  	s11 =	sadd.s32 $0x2000, s13;
	[smem:$0x7B5] =	sst s0;
	s0 =	simm.s32 @!p4 $0x0  }
0x75: {  	p0 =	por !p0, p4;
	[smem:$0x7BF] =	sst s11;
	s0 =	simm.s32 @p4 $0x1  }
0x76: {  	s11 =	sadd.s32 $0x16000, s13;
	[smem:$0x7B6] =	sst s0;
	s0 =	simm.s32 @!p0 $0x0  }
0x77: {  	s20 =	simm.s32 $0x2;
	[smem:$0x7D5] =	sst s11;
	s0 =	simm.s32 @p0 $0x1  }
0x78: {  	s11 =	sadd.s32 $0x2C000, s13;
	[smem:$0x7B7] =	sst s0;
	s0 =	simm.s32 @!p1 $0x0  }
0x79: {  	s23 =	simm.s32 $0x3;
	[smem:$0x7EB] =	sst s11;
	s0 =	simm.s32 @p1 $0x1  }
0x7a: {  	s24 =	simm.s32 $0x4;
	s25 =	simm.s32 $0x0;
	[smem:$0x7FA] =	sst s0  }
.LBB2_1:
0x7b: {  	s0 =	sld [smem:$0x7AF];
	_ =	sdelay $0x1  }
0x7c: {  	s10 =	simm.s32 $0x9  }
0x7d: {  	[tilespmem:s1], [sflag:$0x9] =	stream.linear.gather [hbm4b:s0+s1], $0x200, $0x38;
	[tilespmem:$0x18200] =	vst v63  }
0x7e: {  	_ =	swait.ge [sflag:s10], $0x200  }
0x7f: {  	s11 =	sld [smem:$0x7B1]  }
0x80: {  	[sflag:s10] =	ssyncset.done $0x0  }
0x81: {  	[sflag:s10] =	ssyncadd.s32 $0xFFFFFE00  }
0x82: {  	s6 =	sld [smem:$0x7B9];
	v2 =	vld [tilespmem:$0x0];
	p6 =	seq.s32 s11, $0x1  }
0x83: {  	v3 =	vld [tilespmem:$0x80];
	s0 =	sshrl.u32 @!p6 s14, $0x3;
	s2 =	simm.s32 @!p6 $0x1  }
0x84: {  	v0 =	vld [tilespmem:$0x100];
	s3 =	simm.s32 @!p6 $0x80;
	s4 =	simm.s32 @!p6 $0x10;
	s5 =	simm.s32 @!p6 $0x1E05  }
0x85: {  	v1 =	vld [tilespmem:$0x180];
	[spmem:s0@s3], [sflag:s5] =	dma.strided @!p6 [hbm:s6@s4], $0x2000, s2, $0x10   }
0x86: {  	s0 =	sld [smem:$0x7B2];
	_ =	sdelay $0x2  }
0x87: {  	s6 =	sld [smem:$0x7B8];
	p1 =	seq.s32 s0, $0x1  }
0x88: {  	s0 =	sshrl.u32 @!p1 s15, $0x3;
	s2 =	simm.s32 @!p1 $0x1  }
0x89: {  	s3 =	simm.s32 @!p1 $0x80;
	s4 =	simm.s32 @!p1 $0x10;
	s5 =	simm.s32 @!p1 $0x1F05  }
0x8a: {  	[spmem:s0@s3], [sflag:s5] =	dma.strided @!p1 [hbm:s6@s4], $0x2000, s2, $0x10   }
0x8b: {  	s0 =	sld [smem:$0x7B4];
	_ =	sdelay $0x2  }
0x8c: {  	p3 =	seq.s32 s0, $0x1  }
0x8d: {  	s6 =	rddreg [dreg:$0x5];
	s0 =	sshrl.u32 @!p3 s8, $0x3;
	s2 =	simm.s32 @!p3 $0x1  }
0x8e: {  	s3 =	simm.s32 @!p3 $0x80;
	s4 =	simm.s32 @!p3 $0x10;
	s5 =	simm.s32 @!p3 $0x1C05  }
0x8f: {  	[spmem:s0@s3], [sflag:s5] =	dma.strided @!p3 [hbm:s6@s4], $0x2000, s2, $0x10   }
0x90: {  	s0 =	sld [smem:$0x7B5];
	_ =	sdelay $0x2  }
0x91: {  	s6 =	sld [smem:$0x7BA];
	p4 =	seq.s32 s0, $0x1  }
0x92: {  	s0 =	sshrl.u32 @!p4 s9, $0x3;
	s2 =	simm.s32 @!p4 $0x1  }
0x93: {  	s3 =	simm.s32 @!p4 $0x80;
	s4 =	simm.s32 @!p4 $0x10;
	s5 =	simm.s32 @!p4 $0x1D05  }
0x94: {  	[spmem:s0@s3], [sflag:s5] =	dma.strided @!p4 [hbm:s6@s4], $0x2000, s2, $0x10   }
0x95: {  	s12 =	simm.s32 $0x200;
	s0 =	rddreg [dreg:$0x6]  }
0x96: {  	[tilespmem:s12], [sflag:$0x1] =	stream.linear.gather [hbm4b:s0+s1], $0x2000, $0x38;
	[tilespmem:$0x18200] =	vst v63  }
0x97: {  	s16 =	simm.s32 $0x4200;
	s13 =	rddreg [dreg:$0x7]  }
0x98: {  	[tilespmem:s16], [sflag:$0x1] =	stream.linear.gather [hbm4b:s13+s1], $0x2000, $0x38;
	[tilespmem:$0x18200] =	vst v63  }
0x99: {  	s18 =	rddreg [dreg:$0x8]  }
0x9a: {  	[tilespmem:s31], [sflag:$0x2] =	stream.linear.gather [hbm4b:s18+s1], $0x2000, $0x38;
	[tilespmem:$0x18200] =	vst v63  }
0x9b: {  	s21 =	simm.s32 $0x6200;
	s19 =	rddreg [dreg:$0x9]  }
0x9c: {  	[tilespmem:s21], [sflag:$0x2] =	stream.linear.gather [hbm4b:s19+s1], $0x2000, $0x38;
	[tilespmem:$0x18200] =	vst v63  }
0x9d: {  	_ =	swait.ge [sflag:s17], $0x2000  }
0x9e: {  	[sflag:s17] =	ssyncset.done $0x0  }
0x9f: {  	[sflag:s17] =	ssyncadd.s32 $0xFFFFE000  }
0xa0: {  	_ =	swait.ge [sflag:s17], $0x2000  }
0xa1: {  	[sflag:s17] =	ssyncset.done $0x0  }
0xa2: {  	s22 =	simm.s32 $0x240;
	[sflag:s17] =	ssyncadd.s32 $0xFFFFE000  }
0xa3: {  	s0 =	simm.s32 $0x4240;
	s26 =	sld [smem:$0x7B3];
	v4 =	vld [tilespmem:s22+$0x30]  }
0xa4: {  	v5 =	vld [tilespmem:s0+$0x30]  }
0xa5: {  	p0 =	por @!p1 $0x0, $0x0  }
0xa6: {  	p5 =	por @!p1 $0x1, $0x1;
	p1 =	por $0x0, $0x0;
	v6 =	vld [tilespmem:s0+$0xFFFFFFC0];
	p2 =	seq.s32 s26, $0x1  }
0xa7: {  	v7 =	vld [tilespmem:s22+$0xFFFFFFD0];
	p0 =	por @!p2 p1, p1  }
0xa8: {  	v8 =	vld [tilespmem:s0+$0xFFFFFFD0];
	p5 =	por @!p2 p1, p1;
	p2 =	por @!p6 $0x0, $0x0;
	p1 =	por p0, p0  }
0xa9: {  	v10 =	vld [tilespmem:s22+$0xFFFFFFE0];
	p1 =	por @!p6 p2, p2;
	v9 =	vmul.f32 v4, v2;
	v12 =	vmul.f32 v5, v3  }
0xaa: {  	s3 =	simm.s32 $0xC240;
	s5 =	simm.s32 $0x0;
	v11 =	vld [tilespmem:s0+$0xFFFFFFE0];
	v13 =	vmul.f32 v4, v0;
	v15 =	vmul.f32 v5, v1;
	s2 =	simm.s32 @!p1 $0x0  }
0xab: {  	s28 =	sld [smem:$0x7B7];
	v14 =	vld [tilespmem:s22+$0xFFFFFFF0];
	p5 =	por @!p6 p2, p2;
	s2 =	simm.s32 @p1 $0x1;
	v12 =	vadd.f32 v12, v9  }
0xac: {  	v16 =	vld [tilespmem:s0+$0xFFFFFFF0];
	v5 =	vmul.f32 v6, v3;
	v4 =	vmul.f32 v6, v1;
	p1 =	por @!p6 $0x1, $0x1;
	[smem:$0x7A7] =	sst s2;
	s2 =	simm.s32 $0x8240;
	v13 =	vadd.f32 v15, v13  }
0xad: {  	p2 =	por $0x0, $0x0;
	v17 =	vmul.f32 v7, v2;
	v18 =	vmul.f32 v8, v3;
	p0 =	por @!p6 p1, p1;
	p1 =	por @!p4 $0x1, $0x1;
	v6 =	vld [tilespmem:s22+$0x0];
	[tilespmem:s2+$0x30] =	vst v12  }
0xae: {  	v7 =	vmul.f32 v7, v0;
	v15 =	vmul.f32 v8, v1;
	p6 =	por @!p4 $0x0, $0x0;
	p4 =	seq.s32 s28, $0x1;
	v9 =	vld [tilespmem:s0+$0x0];
	s29 =	sld [smem:$0x7A7];
	[tilespmem:s3+$0x30] =	vst v13  }
0xaf: {  	p1 =	por @!p4 p2, p2;
	p2 =	por $0x0, $0x0;
	v8 =	vld [tilespmem:s22+$0x10];
	v12 =	vadd.f32 v18, v17;
	v17 =	vmul.f32 v10, v2;
	v18 =	vmul.f32 v11, v3;
	s30 =	sld [smem:$0x7B6]  }
0xb0: {  	s6 =	simm.s32 $0x2C0;
	p6 =	por @!p4 p2, p2;
	p4 =	por @!p3 $0x0, $0x0;
	v10 =	vmul.f32 v10, v0;
	v13 =	vadd.f32 v15, v7;
	v15 =	vmul.f32 v11, v1;
	v11 =	vld [tilespmem:s0+$0x10]  }
0xb1: {  	s4 =	simm.s32 $0xC240;
	v19 =	vmul.f32 v16, v3;
	p1 =	por @!p3 p4, p4;
	p6 =	por @!p3 p4, p4;
	v7 =	vld [tilespmem:s22+$0x20];
	[tilespmem:s2+$0xFFFFFFD0] =	vst v12;
	v17 =	vadd.f32 v18, v17;
	v18 =	vmul.f32 v14, v2  }
0xb2: {  	p3 =	por p5, p5;
	v14 =	vmul.f32 v14, v0;
	[tilespmem:s3+$0xFFFFFFD0] =	vst v13;
	v13 =	vadd.f32 v15, v10;
	v15 =	vmul.f32 v16, v1;
	v10 =	vld [tilespmem:s0+$0x20];
	p2 =	seq.s32 s29, $0x1;
	p5 =	seq.s32 s30, $0x1  }
0xb3: {  	v12 =	vld [tilespmem:s22+$0xFFFFFFC0];
	[tilespmem:s2+$0xFFFFFFE0] =	vst v17;
	v16 =	vadd.f32 v19, v18;
	v17 =	vmul.f32 v6, v2;
	v18 =	vmul.f32 v9, v3;
	p2 =	por @!p5 p1, p1;
	p3 =	por @!p5 p6, p6;
	p0 =	por @!p5 p6, p6  }
.LBB2_2:
0xb4: {  	v19 =	vld [tilespmem:s6+$0x30];
	[tilespmem:s3+$0xFFFFFFE0] =	vst v13;
	v13 =	vadd.f32 v15, v14;
	v6 =	vmul.f32 v6, v0;
	v9 =	vmul.f32 v9, v1;
	s0 =	sadd.s32 $0x80, s0  }
0xb5: {  	v14 =	vld [tilespmem:s0+$0x30];
	[tilespmem:s2+$0xFFFFFFF0] =	vst v16;
	v15 =	vadd.f32 v18, v17;
	v16 =	vmul.f32 v8, v2;
	v17 =	vmul.f32 v11, v3  }
0xb6: {  	s5 =	sadd.s32 $0x8, s5;
	v8 =	vmul.f32 v8, v0;
	v18 =	vld [tilespmem:s0+$0xFFFFFFC0];
	[tilespmem:s3+$0xFFFFFFF0] =	vst v13;
	v6 =	vadd.f32 v9, v6;
	v9 =	vmul.f32 v11, v1  }
0xb7: {  	p6 =	slt.u32 s5, $0x1F8;
	v11 =	vld [tilespmem:s6+$0xFFFFFFD0];
	[tilespmem:s2+$0x0] =	vst v15;
	v13 =	vadd.f32 v17, v16;
	v15 =	vmul.f32 v7, v2;
	v16 =	vmul.f32 v10, v3  }
0xb8: {  	v17 =	vld [tilespmem:s0+$0xFFFFFFD0];
	v20 =	vmul.f32 v12, v2;
	v12 =	vmul.f32 v12, v0;
	[tilespmem:s3+$0x0] =	vst v6;
	v6 =	vadd.f32 v9, v8  }
0xb9: {  	v7 =	vmul.f32 v7, v0;
	v10 =	vmul.f32 v10, v1;
	v21 =	vld [tilespmem:s6+$0xFFFFFFE0];
	[tilespmem:s2+$0x10] =	vst v13;
	v8 =	vadd.f32 v16, v15  }
0xba: {  	v9 =	vmul.f32 v19, v2;
	v13 =	vld [tilespmem:s0+$0xFFFFFFE0];
	v15 =	vmul.f32 v14, v3;
	v16 =	vadd.f32 v5, v20;
	[tilespmem:s3+$0x10] =	vst v6  }
0xbb: {  	v19 =	vmul.f32 v19, v0;
	v14 =	vmul.f32 v14, v1;
	v12 =	vadd.f32 v4, v12;
	v20 =	vld [tilespmem:s6+$0xFFFFFFF0];
	[tilespmem:s2+$0x20] =	vst v8  }
0xbc: {  	v5 =	vmul.f32 v18, v3;
	v4 =	vmul.f32 v18, v1;
	v18 =	vld [tilespmem:s0+$0xFFFFFFF0];
	v8 =	vadd.f32 v15, v9;
	[tilespmem:s2+$0xFFFFFFC0] =	vst v16  }
0xbd: {  	v15 =	vmul.f32 v11, v2;
	v14 =	vadd.f32 v14, v19;
	s2 =	sadd.s32 $0x80, s2;
	v16 =	vmul.f32 v17, v3;
	v6 =	vld [tilespmem:s6+$0x0];
	[tilespmem:s3+$0xFFFFFFC0] =	vst v12  }
0xbe: {  	v7 =	vadd.f32 v10, v7;
	v11 =	vmul.f32 v11, v0;
	v12 =	vmul.f32 v17, v1;
	s3 =	sadd.s32 $0x80, s3;
	v9 =	vld [tilespmem:s0+$0x0];
	[tilespmem:s2+$0x30] =	vst v8  }
.Ltmp0:
0xbf: {  	v10 =	vadd.f32 v16, v15;
	v15 =	vmul.f32 v21, v2;
	v16 =	vmul.f32 v13, v3;
	v8 =	vld [tilespmem:s6+$0x10];
	[tilespmem:s3+$0x30] =	vst v14;
	(pc) =	sbr.rel @p6 .LBB2_2-.Ltmp0, $4  }
0xc0: {  	v12 =	vadd.f32 v12, v11;
	v14 =	vmul.f32 v21, v0;
	v13 =	vmul.f32 v13, v1;
	v11 =	vld [tilespmem:s0+$0x10];
	[tilespmem:s4+$0x20] =	vst v7;
	s4 =	smov.u32 s3  }
0xc1: {  	v17 =	vmul.f32 v20, v2;
	[tilespmem:s2+$0xFFFFFFD0] =	vst v10;
	v16 =	vadd.f32 v16, v15;
	v19 =	vmul.f32 v18, v3;
	v7 =	vld [tilespmem:s6+$0x20]  }
0xc2: {  	v13 =	vadd.f32 v13, v14;
	v14 =	vmul.f32 v20, v0;
	v15 =	vmul.f32 v18, v1;
	[tilespmem:s3+$0xFFFFFFD0] =	vst v12;
	v10 =	vld [tilespmem:s0+$0x20]  }
0xc3: {  	v12 =	vld [tilespmem:s6+$0xFFFFFFC0];
	[tilespmem:s2+$0xFFFFFFE0] =	vst v16;
	v16 =	vadd.f32 v19, v17;
	v17 =	vmul.f32 v6, v2;
	v18 =	vmul.f32 v9, v3;
	s6 =	sadd.s32 $0x80, s6  }
0xc4: {  	[tilespmem:s3+$0xFFFFFFE0] =	vst v13;
	v13 =	vadd.f32 v15, v14;
	v6 =	vmul.f32 v6, v0;
	v9 =	vmul.f32 v9, v1  }
0xc5: {  	v15 =	vmul.f32 v8, v2;
	[tilespmem:s2+$0xFFFFFFF0] =	vst v16;
	v14 =	vadd.f32 v18, v17;
	v16 =	vmul.f32 v11, v3  }
0xc6: {  	v8 =	vmul.f32 v8, v0;
	[tilespmem:s3+$0xFFFFFFF0] =	vst v13;
	v6 =	vadd.f32 v9, v6;
	v9 =	vmul.f32 v11, v1  }
0xc7: {  	v13 =	vmul.f32 v7, v2;
	[tilespmem:s2+$0x0] =	vst v14;
	v11 =	vadd.f32 v16, v15;
	v14 =	vmul.f32 v10, v3  }
0xc8: {  	v15 =	vmul.f32 v12, v2;
	[tilespmem:s3+$0x0] =	vst v6;
	v6 =	vadd.f32 v9, v8  }
0xc9: {  	v8 =	vmul.f32 v12, v0;
	[tilespmem:s2+$0x10] =	vst v11;
	v9 =	vadd.f32 v14, v13  }
0xca: {  	v7 =	vmul.f32 v7, v0;
	v10 =	vmul.f32 v10, v1;
	v5 =	vadd.f32 v5, v15;
	[tilespmem:s3+$0x10] =	vst v6  }
0xcb: {  	v4 =	vadd.f32 v4, v8;
	[tilespmem:s2+$0x20] =	vst v9  }
0xcc: {  	[tilespmem:s2+$0xFFFFFFC0] =	vst v5;
	v5 =	vadd.f32 v10, v7  }
0xcd: {  	[tilespmem:s3+$0xFFFFFFC0] =	vst v4  }
0xce: {  	[tilespmem:s4+$0x20] =	vst v5  }
0xcf: {  	s0 =	rddreg [dreg:$0xa]  }
0xd0: {  	s11 =	rddreg [dreg:$0xb]  }
0xd1: {  	s13 =	rddreg [dreg:$0xc]  }
0xd2: {  	s10 =	simm.s32 $0x8200;
	s21 =	sld [smem:$0x7FA]  }
0xd3: {  	[hbm4b:s0+s1] =	stream.linear.scatter [tilespmem:s10], [sflag:$0x3], $0x2000, $0x38;
	[tilespmem:$0x18200] =	vst v63  }
0xd4: {  	s12 =	simm.s32 $0xC200;
	s16 =	simm.s32 $0x200;
	s0 =	sld [smem:$0x7BB]  }
0xd5: {  	[hbm4b:s11+s1] =	stream.linear.scatter [tilespmem:s12], [sflag:$0x3], $0x2000, $0x38;
	[tilespmem:$0x18200] =	vst v63  }
0xd6: {  	s19 =	simm.s32 $0x4200;
	s18 =	rddreg [dreg:$0xd];
	p1 =	seq.s32 s21, $0x1  }
0xd7: {  	s5 =	sld [smem:$0x7BC];
	s26 =	sshrl.u32 @!p1 s0, $0x3;
	s0 =	simm.s32 @!p1 $0x1  }
0xd8: {  	[tilespmem:s16], [sflag:$0x1] =	stream.linear.gather [hbm4b:s13+s1], $0x2000, $0x38;
	[tilespmem:$0x18200] =	vst v63  }
0xd9: {  	s2 =	simm.s32 @!p1 $0x80;
	s3 =	simm.s32 @!p1 $0x10;
	s4 =	simm.s32 @!p1 $0x1C06  }
0xda: {  	[tilespmem:s19], [sflag:$0x1] =	stream.linear.gather [hbm4b:s18+s1], $0x2000, $0x38;
	[tilespmem:$0x18200] =	vst v63  }
0xdb: {  	[spmem:s26@s2], [sflag:s4] =	dma.strided @!p1 [hbm:s5@s3], $0x2000, s0, $0x10   }
0xdc: {  	s4 =	simm.s32 @!p1 $0x5  }
0xdd: {  	_ =	swait.ge @!p1 [sflag:s4], $0x2000  }
0xde: {  	s5 =	sshrl.u32 @!p1 s8, $0x3;
	[sflag:s4] =	ssyncset.done @!p1 $0x0  }
0xdf: {  	s6 =	rddreg [dreg:$0xe];
	[sflag:s4] =	ssyncadd.s32 @!p1 $0xFFFFE000;
	s4 =	simm.s32 @!p1 $0x1C07  }
0xe0: {  	[hbm:s6@s3], [sflag:s4] =	dma.strided @!p1 [spmem:s5@s2], $0x2000, s0, $0x10   }
0xe1: {  	s11 =	stileid.u32;
	s0 =	sld [smem:$0x7BD]  }
0xe2: {  	s10 =	sshll.u32 @p2 s11, $0x6;
	s4 =	sld [smem:$0x7BE]  }
0xe3: {  	s6 =	sor.u32 @p2 $0x1C06, s10;
	s2 =	simm.s32 @p2 $0x80;
	s3 =	simm.s32 @p2 $0x10  }
0xe4: {  	[smem:$0x7A6] =	sst s6;
	s28 =	sshrl.u32 @p2 s0, $0x3;
	s0 =	simm.s32 @p2 $0x1  }
0xe5: {  	[spmem:s28@s2], [sflag:s6] =	dma.strided @p2 [hbm:s4@s3], $0x2000, s0, $0x10   }
0xe6: {  	s4 =	simm.s32 @p2 $0x5  }
0xe7: {  	_ =	swait.ge @p2 [sflag:s4], $0x2000  }
0xe8: {  	[sflag:s4] =	ssyncset.done @p2 $0x0  }
0xe9: {  	[sflag:s4] =	ssyncadd.s32 @p2 $0xFFFFE000;
	s4 =	sld [smem:$0x7BF];
	_ =	sdelay $0x1  }
0xea: {  	s7 =	sor.u32 @p2 $0x1C07, s10;
	s6 =	sshrl.u32 @p2 s9, $0x3  }
0xeb: {  	[hbm:s4@s3], [sflag:s7] =	dma.strided @p2 [spmem:s6@s2], $0x2000, s0, $0x10   }
0xec: {  	s0 =	sld [smem:$0x7C0];
	_ =	sdelay $0x2  }
0xed: {  	s29 =	sshrl.u32 @p0 s0, $0x3;
	s0 =	sld [smem:$0x7C1]  }
0xee: {  	s13 =	sshll.u32 @p0 s11, $0x6;
	s9 =	simm.s32 @p0 $0x10  }
0xef: {  	s3 =	sor.u32 @p0 $0x1C06, s13;
	s2 =	simm.s32 @p0 $0x1;
	s4 =	simm.s32 @p0 $0x80  }
0xf0: {  	[spmem:s29@s4], [sflag:s3] =	dma.strided @p0 [hbm:s0@s9], $0x2000, s2, $0x10   }
0xf1: {  	s0 =	simm.s32 @p0 $0x5  }
0xf2: {  	_ =	swait.ge @p0 [sflag:s0], $0x2000  }
0xf3: {  	s12 =	sld [smem:$0x7C2]  }
0xf4: {  	[sflag:s0] =	ssyncset.done @p0 $0x0  }
0xf5: {  	s8 =	sor.u32 @p0 $0x1C07, s13;
	[sflag:s0] =	ssyncadd.s32 @p0 $0xFFFFE000;
	s0 =	sshrl.u32 @p0 s14, $0x3  }
0xf6: {  	[hbm:s12@s9], [sflag:s8] =	dma.strided @p0 [spmem:s0@s4], $0x2000, s2, $0x10   }
0xf7: {  	s2 =	sld [smem:$0x7C3];
	_ =	sdelay $0x2  }
0xf8: {  	s30 =	sshrl.u32 @p3 s2, $0x3;
	s2 =	sld [smem:$0x7C4]  }
0xf9: {  	s16 =	sshll.u32 @p3 s11, $0x6;
	s14 =	simm.s32 @p3 $0x10  }
0xfa: {  	s4 =	sor.u32 @p3 $0x1C06, s16;
	s9 =	simm.s32 @p3 $0x1;
	s12 =	simm.s32 @p3 $0x80  }
0xfb: {  	[spmem:s30@s12], [sflag:s4] =	dma.strided @p3 [hbm:s2@s14], $0x2000, s9, $0x10   }
0xfc: {  	s2 =	simm.s32 @p3 $0x5  }
0xfd: {  	_ =	swait.ge @p3 [sflag:s2], $0x2000  }
0xfe: {  	s11 =	sshrl.u32 @p3 s15, $0x3;
	s15 =	sld [smem:$0x7C5]  }
0xff: {  	[sflag:s2] =	ssyncset.done @p3 $0x0  }
0x100: {  	[sflag:s2] =	ssyncadd.s32 @p3 $0xFFFFE000;
	s2 =	sor.u32 @p3 $0x1C07, s16  }
0x101: {  	[hbm:s15@s14], [sflag:s2] =	dma.strided @p3 [spmem:s11@s12], $0x2000, s9, $0x10   }
0x102: {  	_ =	swait.ge [sflag:s20], $0x2000  }
0x103: {  	[sflag:s20] =	ssyncset.done $0x0  }
0x104: {  	[sflag:s20] =	ssyncadd.s32 $0xFFFFE000  }
0x105: {  	_ =	swait.ge [sflag:s20], $0x2000  }
0x106: {  	[sflag:s20] =	ssyncset.done $0x0  }
0x107: {  	s22 =	simm.s32 $0x2240;
	[sflag:s20] =	ssyncadd.s32 $0xFFFFE000  }
0x108: {  	s14 =	simm.s32 $0x6240;
	v4 =	vld [tilespmem:s22+$0x30]  }
0x109: {  	v5 =	vld [tilespmem:s14+$0x30]  }
0x10a: {  	v6 =	vld [tilespmem:s14+$0xFFFFFFC0]  }
0x10b: {  	v8 =	vld [tilespmem:s22+$0xFFFFFFD0]  }
0x10c: {  	v9 =	vld [tilespmem:s14+$0xFFFFFFD0]  }
0x10d: {  	v11 =	vld [tilespmem:s22+$0xFFFFFFE0]  }
0x10e: {  	v12 =	vld [tilespmem:s14+$0xFFFFFFE0];
	v7 =	vmul.f32 v4, v2;
	v10 =	vmul.f32 v5, v3  }
0x10f: {  	v14 =	vld [tilespmem:s22+$0xFFFFFFF0];
	v13 =	vmul.f32 v4, v0;
	v15 =	vmul.f32 v5, v1  }
0x110: {  	v16 =	vld [tilespmem:s14+$0xFFFFFFF0];
	v5 =	vmul.f32 v6, v3;
	v4 =	vmul.f32 v6, v1  }
0x111: {  	v17 =	vmul.f32 v8, v2;
	v18 =	vmul.f32 v9, v3;
	v6 =	vadd.f32 v10, v7;
	v7 =	vld [tilespmem:s22+$0x0]  }
0x112: {  	s9 =	simm.s32 $0xA240;
	v9 =	vmul.f32 v9, v1;
	v13 =	vadd.f32 v15, v13;
	v15 =	vmul.f32 v8, v0;
	v10 =	vld [tilespmem:s14+$0x0]  }
0x113: {  	s12 =	simm.s32 $0xE240;
	v8 =	vld [tilespmem:s22+$0x10];
	[tilespmem:s9+$0x30] =	vst v6;
	v6 =	vadd.f32 v18, v17;
	v17 =	vmul.f32 v11, v2;
	v18 =	vmul.f32 v12, v3  }
0x114: {  	v9 =	vadd.f32 v9, v15;
	v12 =	vmul.f32 v12, v1;
	[tilespmem:s12+$0x30] =	vst v13;
	v13 =	vmul.f32 v11, v0;
	v11 =	vld [tilespmem:s14+$0x10]  }
0x115: {  	v19 =	vmul.f32 v16, v3;
	[tilespmem:s9+$0xFFFFFFD0] =	vst v6;
	v17 =	vadd.f32 v18, v17;
	v18 =	vmul.f32 v14, v2;
	v6 =	vld [tilespmem:s22+$0x20]  }
0x116: {  	v15 =	vmul.f32 v16, v1;
	v14 =	vmul.f32 v14, v0;
	[tilespmem:s12+$0xFFFFFFD0] =	vst v9;
	v13 =	vadd.f32 v12, v13;
	v9 =	vld [tilespmem:s14+$0x20]  }
0x117: {  	s18 =	simm.s32 $0x0;
	s19 =	simm.s32 $0x22C0;
	s15 =	simm.s32 $0xE240;
	v12 =	vld [tilespmem:s22+$0xFFFFFFC0];
	[tilespmem:s9+$0xFFFFFFE0] =	vst v17;
	v16 =	vadd.f32 v19, v18;
	v17 =	vmul.f32 v7, v2;
	v18 =	vmul.f32 v10, v3  }
.LBB2_4:
0x118: {  	v19 =	vld [tilespmem:s19+$0x30];
	[tilespmem:s12+$0xFFFFFFE0] =	vst v13;
	v13 =	vadd.f32 v15, v14;
	v7 =	vmul.f32 v7, v0;
	v10 =	vmul.f32 v10, v1;
	s14 =	sadd.s32 $0x80, s14  }
0x119: {  	v14 =	vld [tilespmem:s14+$0x30];
	[tilespmem:s9+$0xFFFFFFF0] =	vst v16;
	v15 =	vadd.f32 v18, v17;
	v16 =	vmul.f32 v8, v2;
	v17 =	vmul.f32 v11, v3  }
0x11a: {  	s18 =	sadd.s32 $0x8, s18;
	v8 =	vmul.f32 v8, v0;
	v18 =	vld [tilespmem:s14+$0xFFFFFFC0];
	[tilespmem:s12+$0xFFFFFFF0] =	vst v13;
	v7 =	vadd.f32 v10, v7;
	v10 =	vmul.f32 v11, v1  }
0x11b: {  	p6 =	slt.u32 s18, $0x1F8;
	v11 =	vld [tilespmem:s19+$0xFFFFFFD0];
	[tilespmem:s9+$0x0] =	vst v15;
	v13 =	vadd.f32 v17, v16;
	v15 =	vmul.f32 v6, v2;
	v16 =	vmul.f32 v9, v3  }
0x11c: {  	v17 =	vld [tilespmem:s14+$0xFFFFFFD0];
	v20 =	vmul.f32 v12, v2;
	v12 =	vmul.f32 v12, v0;
	[tilespmem:s12+$0x0] =	vst v7;
	v7 =	vadd.f32 v10, v8  }
0x11d: {  	v6 =	vmul.f32 v6, v0;
	v9 =	vmul.f32 v9, v1;
	v21 =	vld [tilespmem:s19+$0xFFFFFFE0];
	[tilespmem:s9+$0x10] =	vst v13;
	v8 =	vadd.f32 v16, v15  }
0x11e: {  	v10 =	vmul.f32 v19, v2;
	v13 =	vld [tilespmem:s14+$0xFFFFFFE0];
	v15 =	vmul.f32 v14, v3;
	v16 =	vadd.f32 v5, v20;
	[tilespmem:s12+$0x10] =	vst v7  }
0x11f: {  	v19 =	vmul.f32 v19, v0;
	v14 =	vmul.f32 v14, v1;
	v12 =	vadd.f32 v4, v12;
	v20 =	vld [tilespmem:s19+$0xFFFFFFF0];
	[tilespmem:s9+$0x20] =	vst v8  }
0x120: {  	v5 =	vmul.f32 v18, v3;
	v4 =	vmul.f32 v18, v1;
	v18 =	vld [tilespmem:s14+$0xFFFFFFF0];
	v8 =	vadd.f32 v15, v10;
	[tilespmem:s9+$0xFFFFFFC0] =	vst v16  }
0x121: {  	v15 =	vmul.f32 v11, v2;
	v14 =	vadd.f32 v14, v19;
	s9 =	sadd.s32 $0x80, s9;
	v16 =	vmul.f32 v17, v3;
	v7 =	vld [tilespmem:s19+$0x0];
	[tilespmem:s12+$0xFFFFFFC0] =	vst v12  }
0x122: {  	v6 =	vadd.f32 v9, v6;
	v11 =	vmul.f32 v11, v0;
	v12 =	vmul.f32 v17, v1;
	s12 =	sadd.s32 $0x80, s12;
	v10 =	vld [tilespmem:s14+$0x0];
	[tilespmem:s9+$0x30] =	vst v8  }
.Ltmp1:
0x123: {  	v9 =	vadd.f32 v16, v15;
	v15 =	vmul.f32 v21, v2;
	v16 =	vmul.f32 v13, v3;
	v8 =	vld [tilespmem:s19+$0x10];
	[tilespmem:s12+$0x30] =	vst v14;
	(pc) =	sbr.rel @p6 .LBB2_4-.Ltmp1, $4  }
0x124: {  	v12 =	vadd.f32 v12, v11;
	v14 =	vmul.f32 v21, v0;
	v13 =	vmul.f32 v13, v1;
	v11 =	vld [tilespmem:s14+$0x10];
	[tilespmem:s15+$0x20] =	vst v6;
	s15 =	smov.u32 s12  }
0x125: {  	v17 =	vmul.f32 v20, v2;
	[tilespmem:s9+$0xFFFFFFD0] =	vst v9;
	v16 =	vadd.f32 v16, v15;
	v19 =	vmul.f32 v18, v3;
	v6 =	vld [tilespmem:s19+$0x20]  }
0x126: {  	v13 =	vadd.f32 v13, v14;
	v14 =	vmul.f32 v20, v0;
	v15 =	vmul.f32 v18, v1;
	[tilespmem:s12+$0xFFFFFFD0] =	vst v12;
	v9 =	vld [tilespmem:s14+$0x20]  }
0x127: {  	v12 =	vld [tilespmem:s19+$0xFFFFFFC0];
	[tilespmem:s9+$0xFFFFFFE0] =	vst v16;
	v16 =	vadd.f32 v19, v17;
	v17 =	vmul.f32 v7, v2;
	v18 =	vmul.f32 v10, v3;
	s19 =	sadd.s32 $0x80, s19  }
0x128: {  	[tilespmem:s12+$0xFFFFFFE0] =	vst v13;
	v13 =	vadd.f32 v15, v14;
	v7 =	vmul.f32 v7, v0;
	v10 =	vmul.f32 v10, v1  }
0x129: {  	v15 =	vmul.f32 v8, v2;
	[tilespmem:s9+$0xFFFFFFF0] =	vst v16;
	v14 =	vadd.f32 v18, v17;
	v16 =	vmul.f32 v11, v3  }
0x12a: {  	v8 =	vmul.f32 v8, v0;
	[tilespmem:s12+$0xFFFFFFF0] =	vst v13;
	v7 =	vadd.f32 v10, v7;
	v10 =	vmul.f32 v11, v1  }
0x12b: {  	v13 =	vmul.f32 v6, v2;
	[tilespmem:s9+$0x0] =	vst v14;
	v11 =	vadd.f32 v16, v15;
	v14 =	vmul.f32 v9, v3  }
0x12c: {  	v15 =	vmul.f32 v12, v2;
	[tilespmem:s12+$0x0] =	vst v7;
	v7 =	vadd.f32 v10, v8  }
0x12d: {  	v8 =	vmul.f32 v12, v0;
	[tilespmem:s9+$0x10] =	vst v11;
	v10 =	vadd.f32 v14, v13  }
0x12e: {  	v6 =	vmul.f32 v6, v0;
	v9 =	vmul.f32 v9, v1;
	v5 =	vadd.f32 v5, v15;
	[tilespmem:s12+$0x10] =	vst v7  }
0x12f: {  	v4 =	vadd.f32 v4, v8;
	[tilespmem:s9+$0x20] =	vst v10  }
0x130: {  	[tilespmem:s9+$0xFFFFFFC0] =	vst v5;
	v5 =	vadd.f32 v9, v6  }
0x131: {  	[tilespmem:s12+$0xFFFFFFC0] =	vst v4  }
0x132: {  	[tilespmem:s15+$0x20] =	vst v5  }
0x133: {  	s14 =	simm.s32 $0xA200;
	s9 =	rddreg [dreg:$0xf]  }
0x134: {  	[hbm4b:s9+s1] =	stream.linear.scatter [tilespmem:s14], [sflag:$0x4], $0x2000, $0x38;
	[tilespmem:$0x18200] =	vst v63  }
0x135: {  	s18 =	simm.s32 $0xE200;
	s15 =	rddreg [dreg:$0x10]  }
0x136: {  	[hbm4b:s15+s1] =	stream.linear.scatter [tilespmem:s18], [sflag:$0x4], $0x2000, $0x38;
	[tilespmem:$0x18200] =	vst v63  }
0x137: {  	s19 =	rddreg [dreg:$0x11]  }
0x138: {  	[tilespmem:s31], [sflag:$0x2] =	stream.linear.gather [hbm4b:s19+s1], $0x2000, $0x38;
	[tilespmem:$0x18200] =	vst v63  }
0x139: {  	s22 =	simm.s32 $0x6200;
	s21 =	rddreg [dreg:$0x12];
	s9 =	simm.s32 @!p1 $0x7  }
0x13a: {  	[tilespmem:s22], [sflag:$0x2] =	stream.linear.gather [hbm4b:s21+s1], $0x2000, $0x38;
	[tilespmem:$0x18200] =	vst v63  }
0x13b: {  	_ =	swait.ge @!p1 [sflag:s9], $0x2000  }
0x13c: {  	s18 =	sld [smem:$0x7C6]  }
0x13d: {  	s12 =	simm.s32 @!p1 $0x80;
	s14 =	simm.s32 @!p1 $0x10;
	[sflag:s9] =	ssyncset.done @!p1 $0x0  }
0x13e: {  	s15 =	simm.s32 @!p1 $0x1C05;
	[sflag:s9] =	ssyncadd.s32 @!p1 $0xFFFFE000;
	s9 =	simm.s32 @!p1 $0x1  }
0x13f: {  	[spmem:s5@s12], [sflag:s15] =	dma.strided @!p1 [hbm:s18@s14], $0x2000, s9, $0x10   }
0x140: {  	s15 =	simm.s32 @!p1 $0x6  }
0x141: {  	_ =	swait.ge @!p1 [sflag:s15], $0x2000  }
0x142: {  	s18 =	sld [smem:$0x7C7]  }
0x143: {  	[sflag:s15] =	ssyncset.done @!p1 $0x0  }
0x144: {  	[sflag:s15] =	ssyncadd.s32 @!p1 $0xFFFFE000;
	s15 =	simm.s32 @!p1 $0x1C08  }
0x145: {  	[hbm:s18@s14], [sflag:s15] =	dma.strided @!p1 [spmem:s26@s12], $0x2000, s9, $0x10   }
0x146: {  	s9 =	simm.s32 @p2 $0x7  }
0x147: {  	_ =	swait.ge @p2 [sflag:s9], $0x2000  }
0x148: {  	s12 =	sld [smem:$0x7C8]  }
0x149: {  	s14 =	simm.s32 @p2 $0x1;
	s15 =	simm.s32 @p2 $0x80;
	[sflag:s9] =	ssyncset.done @p2 $0x0  }
0x14a: {  	s18 =	simm.s32 @p2 $0x10;
	[sflag:s9] =	ssyncadd.s32 @p2 $0xFFFFE000;
	s9 =	sor.u32 @p2 $0x1C05, s10  }
0x14b: {  	[spmem:s6@s15], [sflag:s9] =	dma.strided @p2 [hbm:s12@s18], $0x2000, s14, $0x10   }
0x14c: {  	s12 =	simm.s32 @p2 $0x6  }
0x14d: {  	_ =	swait.ge @p2 [sflag:s12], $0x2000  }
0x14e: {  	[sflag:s12] =	ssyncset.done @p2 $0x0  }
0x14f: {  	[sflag:s12] =	ssyncadd.s32 @p2 $0xFFFFE000;
	s12 =	sor.u32 @p2 $0x1C08, s10;
	s10 =	sld [smem:$0x7C9]  }
0x150: {  	_ =	sdelay $0x1  }
0x151: {  	[hbm:s10@s18], [sflag:s12] =	dma.strided @p2 [spmem:s28@s15], $0x2000, s14, $0x10   }
0x152: {  	s10 =	simm.s32 @p0 $0x7  }
0x153: {  	_ =	swait.ge @p0 [sflag:s10], $0x2000  }
0x154: {  	s14 =	sld [smem:$0x7CA]  }
0x155: {  	s19 =	simm.s32 @p0 $0x10;
	s15 =	simm.s32 @p0 $0x1;
	[sflag:s10] =	ssyncset.done @p0 $0x0  }
0x156: {  	s18 =	simm.s32 @p0 $0x80;
	[sflag:s10] =	ssyncadd.s32 @p0 $0xFFFFE000;
	s10 =	sor.u32 @p0 $0x1C05, s13  }
0x157: {  	[spmem:s0@s18], [sflag:s10] =	dma.strided @p0 [hbm:s14@s19], $0x2000, s15, $0x10   }
0x158: {  	s14 =	simm.s32 @p0 $0x6  }
0x159: {  	_ =	swait.ge @p0 [sflag:s14], $0x2000  }
0x15a: {  	[sflag:s14] =	ssyncset.done @p0 $0x0  }
0x15b: {  	[sflag:s14] =	ssyncadd.s32 @p0 $0xFFFFE000;
	s14 =	sor.u32 @p0 $0x1C08, s13;
	s13 =	sld [smem:$0x7CB]  }
0x15c: {  	_ =	sdelay $0x1  }
0x15d: {  	[hbm:s13@s19], [sflag:s14] =	dma.strided @p0 [spmem:s29@s18], $0x2000, s15, $0x10   }
0x15e: {  	s13 =	simm.s32 @p3 $0x7  }
0x15f: {  	_ =	swait.ge @p3 [sflag:s13], $0x2000  }
0x160: {  	s21 =	sld [smem:$0x7CC]  }
0x161: {  	s15 =	simm.s32 @p3 $0x1;
	s18 =	simm.s32 @p3 $0x80;
	[sflag:s13] =	ssyncset.done @p3 $0x0  }
0x162: {  	s19 =	simm.s32 @p3 $0x10;
	[sflag:s13] =	ssyncadd.s32 @p3 $0xFFFFE000;
	s13 =	sor.u32 @p3 $0x1C05, s16  }
0x163: {  	[spmem:s11@s18], [sflag:s13] =	dma.strided @p3 [hbm:s21@s19], $0x2000, s15, $0x10   }
0x164: {  	s21 =	simm.s32 @p3 $0x6  }
0x165: {  	_ =	swait.ge @p3 [sflag:s21], $0x2000  }
0x166: {  	[sflag:s21] =	ssyncset.done @p3 $0x0  }
0x167: {  	[sflag:s21] =	ssyncadd.s32 @p3 $0xFFFFE000;
	s21 =	sld [smem:$0x7CD];
	_ =	sdelay $0x1  }
0x168: {  	s16 =	sor.u32 @p3 $0x1C08, s16  }
0x169: {  	[hbm:s21@s19], [sflag:s16] =	dma.strided @p3 [spmem:s30@s18], $0x2000, s15, $0x10   }
0x16a: {  	_ =	swait.ge [sflag:s23], $0x2000  }
0x16b: {  	[sflag:s23] =	ssyncset.done $0x0  }
0x16c: {  	[sflag:s23] =	ssyncadd.s32 $0xFFFFE000  }
0x16d: {  	_ =	swait.ge [sflag:s23], $0x2000  }
0x16e: {  	[sflag:s23] =	ssyncset.done $0x0  }
0x16f: {  	[sflag:s23] =	ssyncadd.s32 $0xFFFFE000  }
0x170: {  	_ =	swait.ge [sflag:s17], $0x2000  }
0x171: {  	[sflag:s17] =	ssyncset.done $0x0  }
0x172: {  	[sflag:s17] =	ssyncadd.s32 $0xFFFFE000  }
0x173: {  	_ =	swait.ge [sflag:s17], $0x2000  }
0x174: {  	[sflag:s17] =	ssyncset.done $0x0  }
0x175: {  	s21 =	simm.s32 $0x240;
	[sflag:s17] =	ssyncadd.s32 $0xFFFFE000  }
0x176: {  	s19 =	simm.s32 $0x4240;
	v4 =	vld [tilespmem:s21+$0x30]  }
0x177: {  	v5 =	vld [tilespmem:s19+$0x30]  }
0x178: {  	v6 =	vld [tilespmem:s19+$0xFFFFFFC0]  }
0x179: {  	v8 =	vld [tilespmem:s21+$0xFFFFFFD0]  }
0x17a: {  	v9 =	vld [tilespmem:s19+$0xFFFFFFD0]  }
0x17b: {  	v11 =	vld [tilespmem:s21+$0xFFFFFFE0]  }
0x17c: {  	v12 =	vld [tilespmem:s19+$0xFFFFFFE0];
	v7 =	vmul.f32 v4, v2;
	v10 =	vmul.f32 v5, v3  }
0x17d: {  	v14 =	vld [tilespmem:s21+$0xFFFFFFF0];
	v13 =	vmul.f32 v4, v0;
	v15 =	vmul.f32 v5, v1  }
0x17e: {  	v16 =	vld [tilespmem:s19+$0xFFFFFFF0];
	v5 =	vmul.f32 v6, v3;
	v4 =	vmul.f32 v6, v1  }
0x17f: {  	v17 =	vmul.f32 v8, v2;
	v18 =	vmul.f32 v9, v3;
	v6 =	vadd.f32 v10, v7;
	v7 =	vld [tilespmem:s21+$0x0]  }
0x180: {  	s15 =	simm.s32 $0x8240;
	v9 =	vmul.f32 v9, v1;
	v13 =	vadd.f32 v15, v13;
	v15 =	vmul.f32 v8, v0;
	v10 =	vld [tilespmem:s19+$0x0]  }
0x181: {  	s18 =	simm.s32 $0xC240;
	v8 =	vld [tilespmem:s21+$0x10];
	[tilespmem:s15+$0x30] =	vst v6;
	v6 =	vadd.f32 v18, v17;
	v17 =	vmul.f32 v11, v2;
	v18 =	vmul.f32 v12, v3  }
0x182: {  	v9 =	vadd.f32 v9, v15;
	v12 =	vmul.f32 v12, v1;
	[tilespmem:s18+$0x30] =	vst v13;
	v13 =	vmul.f32 v11, v0;
	v11 =	vld [tilespmem:s19+$0x10]  }
0x183: {  	v19 =	vmul.f32 v16, v3;
	[tilespmem:s15+$0xFFFFFFD0] =	vst v6;
	v17 =	vadd.f32 v18, v17;
	v18 =	vmul.f32 v14, v2;
	v6 =	vld [tilespmem:s21+$0x20]  }
0x184: {  	v15 =	vmul.f32 v16, v1;
	v14 =	vmul.f32 v14, v0;
	[tilespmem:s18+$0xFFFFFFD0] =	vst v9;
	v13 =	vadd.f32 v12, v13;
	v9 =	vld [tilespmem:s19+$0x20]  }
0x185: {  	s31 =	simm.s32 $0x2C0;
	s22 =	simm.s32 $0x0;
	v12 =	vld [tilespmem:s21+$0xFFFFFFC0];
	s21 =	simm.s32 $0xC240;
	[tilespmem:s15+$0xFFFFFFE0] =	vst v17;
	v16 =	vadd.f32 v19, v18;
	v17 =	vmul.f32 v7, v2;
	v18 =	vmul.f32 v10, v3  }
.LBB2_6:
0x186: {  	v19 =	vld [tilespmem:s31+$0x30];
	[tilespmem:s18+$0xFFFFFFE0] =	vst v13;
	v13 =	vadd.f32 v15, v14;
	v7 =	vmul.f32 v7, v0;
	v10 =	vmul.f32 v10, v1;
	s19 =	sadd.s32 $0x80, s19  }
0x187: {  	v14 =	vld [tilespmem:s19+$0x30];
	[tilespmem:s15+$0xFFFFFFF0] =	vst v16;
	v15 =	vadd.f32 v18, v17;
	v16 =	vmul.f32 v8, v2;
	v17 =	vmul.f32 v11, v3  }
0x188: {  	s22 =	sadd.s32 $0x8, s22;
	v8 =	vmul.f32 v8, v0;
	v18 =	vld [tilespmem:s19+$0xFFFFFFC0];
	[tilespmem:s18+$0xFFFFFFF0] =	vst v13;
	v7 =	vadd.f32 v10, v7;
	v10 =	vmul.f32 v11, v1  }
0x189: {  	p6 =	slt.u32 s22, $0x1F8;
	v11 =	vld [tilespmem:s31+$0xFFFFFFD0];
	[tilespmem:s15+$0x0] =	vst v15;
	v13 =	vadd.f32 v17, v16;
	v15 =	vmul.f32 v6, v2;
	v16 =	vmul.f32 v9, v3  }
0x18a: {  	v17 =	vld [tilespmem:s19+$0xFFFFFFD0];
	v20 =	vmul.f32 v12, v2;
	v12 =	vmul.f32 v12, v0;
	[tilespmem:s18+$0x0] =	vst v7;
	v7 =	vadd.f32 v10, v8  }
0x18b: {  	v6 =	vmul.f32 v6, v0;
	v9 =	vmul.f32 v9, v1;
	v21 =	vld [tilespmem:s31+$0xFFFFFFE0];
	[tilespmem:s15+$0x10] =	vst v13;
	v8 =	vadd.f32 v16, v15  }
0x18c: {  	v10 =	vmul.f32 v19, v2;
	v13 =	vld [tilespmem:s19+$0xFFFFFFE0];
	v15 =	vmul.f32 v14, v3;
	v16 =	vadd.f32 v5, v20;
	[tilespmem:s18+$0x10] =	vst v7  }
0x18d: {  	v19 =	vmul.f32 v19, v0;
	v14 =	vmul.f32 v14, v1;
	v12 =	vadd.f32 v4, v12;
	v20 =	vld [tilespmem:s31+$0xFFFFFFF0];
	[tilespmem:s15+$0x20] =	vst v8  }
0x18e: {  	v5 =	vmul.f32 v18, v3;
	v4 =	vmul.f32 v18, v1;
	v18 =	vld [tilespmem:s19+$0xFFFFFFF0];
	v8 =	vadd.f32 v15, v10;
	[tilespmem:s15+$0xFFFFFFC0] =	vst v16  }
0x18f: {  	v15 =	vmul.f32 v11, v2;
	v14 =	vadd.f32 v14, v19;
	s15 =	sadd.s32 $0x80, s15;
	v16 =	vmul.f32 v17, v3;
	v7 =	vld [tilespmem:s31+$0x0];
	[tilespmem:s18+$0xFFFFFFC0] =	vst v12  }
0x190: {  	v6 =	vadd.f32 v9, v6;
	v11 =	vmul.f32 v11, v0;
	v12 =	vmul.f32 v17, v1;
	s18 =	sadd.s32 $0x80, s18;
	v10 =	vld [tilespmem:s19+$0x0];
	[tilespmem:s15+$0x30] =	vst v8  }
.Ltmp2:
0x191: {  	v9 =	vadd.f32 v16, v15;
	v15 =	vmul.f32 v21, v2;
	v16 =	vmul.f32 v13, v3;
	v8 =	vld [tilespmem:s31+$0x10];
	[tilespmem:s18+$0x30] =	vst v14;
	(pc) =	sbr.rel @p6 .LBB2_6-.Ltmp2, $4  }
0x192: {  	v12 =	vadd.f32 v12, v11;
	v14 =	vmul.f32 v21, v0;
	v13 =	vmul.f32 v13, v1;
	v11 =	vld [tilespmem:s19+$0x10];
	[tilespmem:s21+$0x20] =	vst v6;
	s21 =	smov.u32 s18  }
0x193: {  	v17 =	vmul.f32 v20, v2;
	[tilespmem:s15+$0xFFFFFFD0] =	vst v9;
	v16 =	vadd.f32 v16, v15;
	v19 =	vmul.f32 v18, v3;
	v6 =	vld [tilespmem:s31+$0x20]  }
0x194: {  	v13 =	vadd.f32 v13, v14;
	v14 =	vmul.f32 v20, v0;
	v15 =	vmul.f32 v18, v1;
	[tilespmem:s18+$0xFFFFFFD0] =	vst v12;
	v9 =	vld [tilespmem:s19+$0x20]  }
0x195: {  	v12 =	vld [tilespmem:s31+$0xFFFFFFC0];
	[tilespmem:s15+$0xFFFFFFE0] =	vst v16;
	v16 =	vadd.f32 v19, v17;
	v17 =	vmul.f32 v7, v2;
	v18 =	vmul.f32 v10, v3;
	s31 =	sadd.s32 $0x80, s31  }
0x196: {  	[tilespmem:s18+$0xFFFFFFE0] =	vst v13;
	v13 =	vadd.f32 v15, v14;
	v7 =	vmul.f32 v7, v0;
	v10 =	vmul.f32 v10, v1  }
0x197: {  	v15 =	vmul.f32 v8, v2;
	[tilespmem:s15+$0xFFFFFFF0] =	vst v16;
	v14 =	vadd.f32 v18, v17;
	v16 =	vmul.f32 v11, v3  }
0x198: {  	v8 =	vmul.f32 v8, v0;
	[tilespmem:s18+$0xFFFFFFF0] =	vst v13;
	v7 =	vadd.f32 v10, v7;
	v10 =	vmul.f32 v11, v1  }
0x199: {  	v13 =	vmul.f32 v6, v2;
	[tilespmem:s15+$0x0] =	vst v14;
	v11 =	vadd.f32 v16, v15;
	v14 =	vmul.f32 v9, v3  }
0x19a: {  	v15 =	vmul.f32 v12, v2;
	[tilespmem:s18+$0x0] =	vst v7;
	v7 =	vadd.f32 v10, v8  }
0x19b: {  	v8 =	vmul.f32 v12, v0;
	[tilespmem:s15+$0x10] =	vst v11;
	v10 =	vadd.f32 v14, v13  }
0x19c: {  	v6 =	vmul.f32 v6, v0;
	v9 =	vmul.f32 v9, v1;
	v5 =	vadd.f32 v5, v15;
	[tilespmem:s18+$0x10] =	vst v7  }
0x19d: {  	v4 =	vadd.f32 v4, v8;
	[tilespmem:s15+$0x20] =	vst v10  }
0x19e: {  	[tilespmem:s15+$0xFFFFFFC0] =	vst v5;
	v5 =	vadd.f32 v9, v6  }
0x19f: {  	[tilespmem:s18+$0xFFFFFFC0] =	vst v4  }
0x1a0: {  	[tilespmem:s21+$0x20] =	vst v5  }
0x1a1: {  	s19 =	simm.s32 $0x8200;
	s15 =	rddreg [dreg:$0x13]  }
0x1a2: {  	[hbm4b:s15+s1] =	stream.linear.scatter [tilespmem:s19], [sflag:$0x3], $0x2000, $0x38;
	[tilespmem:$0x18200] =	vst v63  }
0x1a3: {  	s22 =	simm.s32 $0xC200;
	s21 =	rddreg [dreg:$0x14]  }
0x1a4: {  	[hbm4b:s21+s1] =	stream.linear.scatter [tilespmem:s22], [sflag:$0x3], $0x2000, $0x38;
	[tilespmem:$0x18200] =	vst v63  }
0x1a5: {  	s18 =	rddreg [dreg:$0x15];
	s19 =	simm.s32 $0x200  }
0x1a6: {  	[tilespmem:s19], [sflag:$0x1] =	stream.linear.gather [hbm4b:s18+s1], $0x2000, $0x38;
	[tilespmem:$0x18200] =	vst v63  }
0x1a7: {  	s15 =	simm.s32 @!p1 $0x8;
	s21 =	rddreg [dreg:$0x19];
	s22 =	simm.s32 $0x4200  }
0x1a8: {  	[tilespmem:s22], [sflag:$0x1] =	stream.linear.gather [hbm4b:s21+s1], $0x2000, $0x38;
	[tilespmem:$0x18200] =	vst v63  }
0x1a9: {  	_ =	swait.ge @!p1 [sflag:s15], $0x2000  }
0x1aa: {  	s22 =	sld [smem:$0x7CE]  }
0x1ab: {  	s18 =	simm.s32 @!p1 $0x80;
	s19 =	simm.s32 @!p1 $0x10;
	[sflag:s15] =	ssyncset.done @!p1 $0x0  }
0x1ac: {  	s21 =	simm.s32 @!p1 $0x1C06;
	[sflag:s15] =	ssyncadd.s32 @!p1 $0xFFFFE000;
	s15 =	simm.s32 @!p1 $0x1  }
0x1ad: {  	[spmem:s26@s18], [sflag:s21] =	dma.strided @!p1 [hbm:s22@s19], $0x2000, s15, $0x10   }
0x1ae: {  	s21 =	simm.s32 @!p1 $0x5  }
0x1af: {  	_ =	swait.ge @!p1 [sflag:s21], $0x2000  }
0x1b0: {  	s22 =	sld [smem:$0x7CF]  }
0x1b1: {  	[sflag:s21] =	ssyncset.done @!p1 $0x0  }
0x1b2: {  	[sflag:s21] =	ssyncadd.s32 @!p1 $0xFFFFE000;
	s21 =	simm.s32 @!p1 $0x1C07  }
0x1b3: {  	[hbm:s22@s19], [sflag:s21] =	dma.strided @!p1 [spmem:s5@s18], $0x2000, s15, $0x10   }
0x1b4: {  	s15 =	simm.s32 @p2 $0x8  }
0x1b5: {  	_ =	swait.ge @p2 [sflag:s15], $0x2000  }
0x1b6: {  	s21 =	sld [smem:$0x7D0]  }
0x1b7: {  	s22 =	sld [smem:$0x7A6]  }
0x1b8: {  	s18 =	simm.s32 @p2 $0x80;
	[sflag:s15] =	ssyncset.done @p2 $0x0  }
0x1b9: {  	s19 =	simm.s32 @p2 $0x10;
	[sflag:s15] =	ssyncadd.s32 @p2 $0xFFFFE000;
	s15 =	simm.s32 @p2 $0x1  }
0x1ba: {  	[spmem:s28@s18], [sflag:s22] =	dma.strided @p2 [hbm:s21@s19], $0x2000, s15, $0x10   }
0x1bb: {  	s21 =	simm.s32 @p2 $0x5  }
0x1bc: {  	_ =	swait.ge @p2 [sflag:s21], $0x2000  }
0x1bd: {  	[sflag:s21] =	ssyncset.done @p2 $0x0  }
0x1be: {  	[sflag:s21] =	ssyncadd.s32 @p2 $0xFFFFE000;
	s21 =	sld [smem:$0x7D1];
	_ =	sdelay $0x2  }
0x1bf: {  	[hbm:s21@s19], [sflag:s7] =	dma.strided @p2 [spmem:s6@s18], $0x2000, s15, $0x10   }
0x1c0: {  	s15 =	simm.s32 @p0 $0x8  }
0x1c1: {  	_ =	swait.ge @p0 [sflag:s15], $0x2000  }
0x1c2: {  	s21 =	sld [smem:$0x7D2]  }
0x1c3: {  	s18 =	simm.s32 @p0 $0x80;
	[sflag:s15] =	ssyncset.done @p0 $0x0  }
0x1c4: {  	s19 =	simm.s32 @p0 $0x10;
	[sflag:s15] =	ssyncadd.s32 @p0 $0xFFFFE000;
	s15 =	simm.s32 @p0 $0x1  }
0x1c5: {  	[spmem:s29@s18], [sflag:s3] =	dma.strided @p0 [hbm:s21@s19], $0x2000, s15, $0x10   }
0x1c6: {  	s21 =	simm.s32 @p0 $0x5  }
0x1c7: {  	_ =	swait.ge @p0 [sflag:s21], $0x2000  }
0x1c8: {  	[sflag:s21] =	ssyncset.done @p0 $0x0  }
0x1c9: {  	[sflag:s21] =	ssyncadd.s32 @p0 $0xFFFFE000;
	s21 =	sld [smem:$0x7D3];
	_ =	sdelay $0x2  }
0x1ca: {  	[hbm:s21@s19], [sflag:s8] =	dma.strided @p0 [spmem:s0@s18], $0x2000, s15, $0x10   }
0x1cb: {  	s15 =	simm.s32 @p3 $0x8  }
0x1cc: {  	_ =	swait.ge @p3 [sflag:s15], $0x2000  }
0x1cd: {  	s21 =	sld [smem:$0x7D4]  }
0x1ce: {  	s18 =	simm.s32 @p3 $0x80;
	[sflag:s15] =	ssyncset.done @p3 $0x0  }
0x1cf: {  	s19 =	simm.s32 @p3 $0x10;
	[sflag:s15] =	ssyncadd.s32 @p3 $0xFFFFE000;
	s15 =	simm.s32 @p3 $0x1  }
0x1d0: {  	[spmem:s30@s18], [sflag:s4] =	dma.strided @p3 [hbm:s21@s19], $0x2000, s15, $0x10   }
0x1d1: {  	s21 =	simm.s32 @p3 $0x5  }
0x1d2: {  	_ =	swait.ge @p3 [sflag:s21], $0x2000  }
0x1d3: {  	[sflag:s21] =	ssyncset.done @p3 $0x0  }
0x1d4: {  	[sflag:s21] =	ssyncadd.s32 @p3 $0xFFFFE000;
	s21 =	sld [smem:$0x7D5];
	_ =	sdelay $0x2  }
0x1d5: {  	[hbm:s21@s19], [sflag:s2] =	dma.strided @p3 [spmem:s11@s18], $0x2000, s15, $0x10   }
0x1d6: {  	_ =	swait.ge [sflag:s24], $0x2000  }
0x1d7: {  	[sflag:s24] =	ssyncset.done $0x0  }
0x1d8: {  	[sflag:s24] =	ssyncadd.s32 $0xFFFFE000  }
0x1d9: {  	_ =	swait.ge [sflag:s24], $0x2000  }
0x1da: {  	[sflag:s24] =	ssyncset.done $0x0  }
0x1db: {  	[sflag:s24] =	ssyncadd.s32 $0xFFFFE000  }
0x1dc: {  	_ =	swait.ge [sflag:s20], $0x2000  }
0x1dd: {  	[sflag:s20] =	ssyncset.done $0x0  }
0x1de: {  	[sflag:s20] =	ssyncadd.s32 $0xFFFFE000  }
0x1df: {  	_ =	swait.ge [sflag:s20], $0x2000  }
0x1e0: {  	[sflag:s20] =	ssyncset.done $0x0  }
0x1e1: {  	s21 =	simm.s32 $0x2240;
	[sflag:s20] =	ssyncadd.s32 $0xFFFFE000  }
0x1e2: {  	s19 =	simm.s32 $0x6240;
	v4 =	vld [tilespmem:s21+$0x30]  }
0x1e3: {  	v5 =	vld [tilespmem:s19+$0x30]  }
0x1e4: {  	v6 =	vld [tilespmem:s19+$0xFFFFFFC0]  }
0x1e5: {  	v8 =	vld [tilespmem:s21+$0xFFFFFFD0]  }
0x1e6: {  	v9 =	vld [tilespmem:s19+$0xFFFFFFD0]  }
0x1e7: {  	v11 =	vld [tilespmem:s21+$0xFFFFFFE0]  }
0x1e8: {  	v12 =	vld [tilespmem:s19+$0xFFFFFFE0];
	v7 =	vmul.f32 v4, v2;
	v10 =	vmul.f32 v5, v3  }
0x1e9: {  	v14 =	vld [tilespmem:s21+$0xFFFFFFF0];
	v13 =	vmul.f32 v4, v0;
	v15 =	vmul.f32 v5, v1  }
0x1ea: {  	v16 =	vld [tilespmem:s19+$0xFFFFFFF0];
	v5 =	vmul.f32 v6, v3;
	v4 =	vmul.f32 v6, v1  }
0x1eb: {  	v17 =	vmul.f32 v8, v2;
	v18 =	vmul.f32 v9, v3;
	v6 =	vadd.f32 v10, v7;
	v7 =	vld [tilespmem:s21+$0x0]  }
0x1ec: {  	s15 =	simm.s32 $0xA240;
	v9 =	vmul.f32 v9, v1;
	v13 =	vadd.f32 v15, v13;
	v15 =	vmul.f32 v8, v0;
	v10 =	vld [tilespmem:s19+$0x0]  }
0x1ed: {  	s18 =	simm.s32 $0xE240;
	v8 =	vld [tilespmem:s21+$0x10];
	[tilespmem:s15+$0x30] =	vst v6;
	v6 =	vadd.f32 v18, v17;
	v17 =	vmul.f32 v11, v2;
	v18 =	vmul.f32 v12, v3  }
0x1ee: {  	v9 =	vadd.f32 v9, v15;
	v12 =	vmul.f32 v12, v1;
	[tilespmem:s18+$0x30] =	vst v13;
	v13 =	vmul.f32 v11, v0;
	v11 =	vld [tilespmem:s19+$0x10]  }
0x1ef: {  	v19 =	vmul.f32 v16, v3;
	[tilespmem:s15+$0xFFFFFFD0] =	vst v6;
	v17 =	vadd.f32 v18, v17;
	v18 =	vmul.f32 v14, v2;
	v6 =	vld [tilespmem:s21+$0x20]  }
0x1f0: {  	v15 =	vmul.f32 v16, v1;
	v14 =	vmul.f32 v14, v0;
	[tilespmem:s18+$0xFFFFFFD0] =	vst v9;
	v13 =	vadd.f32 v12, v13;
	v9 =	vld [tilespmem:s19+$0x20]  }
0x1f1: {  	s31 =	simm.s32 $0x22C0;
	s22 =	simm.s32 $0x0;
	v12 =	vld [tilespmem:s21+$0xFFFFFFC0];
	s21 =	simm.s32 $0xE240;
	[tilespmem:s15+$0xFFFFFFE0] =	vst v17;
	v16 =	vadd.f32 v19, v18;
	v17 =	vmul.f32 v7, v2;
	v18 =	vmul.f32 v10, v3  }
.LBB2_8:
0x1f2: {  	v19 =	vld [tilespmem:s31+$0x30];
	[tilespmem:s18+$0xFFFFFFE0] =	vst v13;
	v13 =	vadd.f32 v15, v14;
	v7 =	vmul.f32 v7, v0;
	v10 =	vmul.f32 v10, v1;
	s19 =	sadd.s32 $0x80, s19  }
0x1f3: {  	v14 =	vld [tilespmem:s19+$0x30];
	[tilespmem:s15+$0xFFFFFFF0] =	vst v16;
	v15 =	vadd.f32 v18, v17;
	v16 =	vmul.f32 v8, v2;
	v17 =	vmul.f32 v11, v3  }
0x1f4: {  	s22 =	sadd.s32 $0x8, s22;
	v8 =	vmul.f32 v8, v0;
	v18 =	vld [tilespmem:s19+$0xFFFFFFC0];
	[tilespmem:s18+$0xFFFFFFF0] =	vst v13;
	v7 =	vadd.f32 v10, v7;
	v10 =	vmul.f32 v11, v1  }
0x1f5: {  	p6 =	slt.u32 s22, $0x1F8;
	v11 =	vld [tilespmem:s31+$0xFFFFFFD0];
	[tilespmem:s15+$0x0] =	vst v15;
	v13 =	vadd.f32 v17, v16;
	v15 =	vmul.f32 v6, v2;
	v16 =	vmul.f32 v9, v3  }
0x1f6: {  	v17 =	vld [tilespmem:s19+$0xFFFFFFD0];
	v20 =	vmul.f32 v12, v2;
	v12 =	vmul.f32 v12, v0;
	[tilespmem:s18+$0x0] =	vst v7;
	v7 =	vadd.f32 v10, v8  }
0x1f7: {  	v6 =	vmul.f32 v6, v0;
	v9 =	vmul.f32 v9, v1;
	v21 =	vld [tilespmem:s31+$0xFFFFFFE0];
	[tilespmem:s15+$0x10] =	vst v13;
	v8 =	vadd.f32 v16, v15  }
0x1f8: {  	v10 =	vmul.f32 v19, v2;
	v13 =	vld [tilespmem:s19+$0xFFFFFFE0];
	v15 =	vmul.f32 v14, v3;
	v16 =	vadd.f32 v5, v20;
	[tilespmem:s18+$0x10] =	vst v7  }
0x1f9: {  	v19 =	vmul.f32 v19, v0;
	v14 =	vmul.f32 v14, v1;
	v12 =	vadd.f32 v4, v12;
	v20 =	vld [tilespmem:s31+$0xFFFFFFF0];
	[tilespmem:s15+$0x20] =	vst v8  }
0x1fa: {  	v5 =	vmul.f32 v18, v3;
	v4 =	vmul.f32 v18, v1;
	v18 =	vld [tilespmem:s19+$0xFFFFFFF0];
	v8 =	vadd.f32 v15, v10;
	[tilespmem:s15+$0xFFFFFFC0] =	vst v16  }
0x1fb: {  	v15 =	vmul.f32 v11, v2;
	v14 =	vadd.f32 v14, v19;
	s15 =	sadd.s32 $0x80, s15;
	v16 =	vmul.f32 v17, v3;
	v7 =	vld [tilespmem:s31+$0x0];
	[tilespmem:s18+$0xFFFFFFC0] =	vst v12  }
0x1fc: {  	v6 =	vadd.f32 v9, v6;
	v11 =	vmul.f32 v11, v0;
	v12 =	vmul.f32 v17, v1;
	s18 =	sadd.s32 $0x80, s18;
	v10 =	vld [tilespmem:s19+$0x0];
	[tilespmem:s15+$0x30] =	vst v8  }
.Ltmp3:
0x1fd: {  	v9 =	vadd.f32 v16, v15;
	v15 =	vmul.f32 v21, v2;
	v16 =	vmul.f32 v13, v3;
	v8 =	vld [tilespmem:s31+$0x10];
	[tilespmem:s18+$0x30] =	vst v14;
	(pc) =	sbr.rel @p6 .LBB2_8-.Ltmp3, $4  }
0x1fe: {  	v12 =	vadd.f32 v12, v11;
	v14 =	vmul.f32 v21, v0;
	v13 =	vmul.f32 v13, v1;
	v11 =	vld [tilespmem:s19+$0x10];
	[tilespmem:s21+$0x20] =	vst v6;
	s21 =	smov.u32 s18  }
0x1ff: {  	v17 =	vmul.f32 v20, v2;
	[tilespmem:s15+$0xFFFFFFD0] =	vst v9;
	v16 =	vadd.f32 v16, v15;
	v19 =	vmul.f32 v18, v3;
	v6 =	vld [tilespmem:s31+$0x20]  }
0x200: {  	v13 =	vadd.f32 v13, v14;
	v14 =	vmul.f32 v20, v0;
	v15 =	vmul.f32 v18, v1;
	[tilespmem:s18+$0xFFFFFFD0] =	vst v12;
	v9 =	vld [tilespmem:s19+$0x20]  }
0x201: {  	v12 =	vld [tilespmem:s31+$0xFFFFFFC0];
	[tilespmem:s15+$0xFFFFFFE0] =	vst v16;
	v16 =	vadd.f32 v19, v17;
	v17 =	vmul.f32 v7, v2;
	v18 =	vmul.f32 v10, v3;
	s31 =	sadd.s32 $0x80, s31  }
0x202: {  	[tilespmem:s18+$0xFFFFFFE0] =	vst v13;
	v13 =	vadd.f32 v15, v14;
	v7 =	vmul.f32 v7, v0;
	v10 =	vmul.f32 v10, v1  }
0x203: {  	v15 =	vmul.f32 v8, v2;
	[tilespmem:s15+$0xFFFFFFF0] =	vst v16;
	v14 =	vadd.f32 v18, v17;
	v16 =	vmul.f32 v11, v3  }
0x204: {  	v8 =	vmul.f32 v8, v0;
	[tilespmem:s18+$0xFFFFFFF0] =	vst v13;
	v7 =	vadd.f32 v10, v7;
	v10 =	vmul.f32 v11, v1  }
0x205: {  	v13 =	vmul.f32 v6, v2;
	[tilespmem:s15+$0x0] =	vst v14;
	v11 =	vadd.f32 v16, v15;
	v14 =	vmul.f32 v9, v3  }
0x206: {  	v15 =	vmul.f32 v12, v2;
	[tilespmem:s18+$0x0] =	vst v7;
	v7 =	vadd.f32 v10, v8  }
0x207: {  	v8 =	vmul.f32 v12, v0;
	[tilespmem:s15+$0x10] =	vst v11;
	v10 =	vadd.f32 v14, v13  }
0x208: {  	v6 =	vmul.f32 v6, v0;
	v9 =	vmul.f32 v9, v1;
	v5 =	vadd.f32 v5, v15;
	[tilespmem:s18+$0x10] =	vst v7  }
0x209: {  	v4 =	vadd.f32 v4, v8;
	[tilespmem:s15+$0x20] =	vst v10  }
0x20a: {  	[tilespmem:s15+$0xFFFFFFC0] =	vst v5;
	v5 =	vadd.f32 v9, v6  }
0x20b: {  	[tilespmem:s18+$0xFFFFFFC0] =	vst v4  }
0x20c: {  	[tilespmem:s21+$0x20] =	vst v5  }
0x20d: {  	s19 =	simm.s32 $0xA200;
	s15 =	rddreg [dreg:$0x16]  }
0x20e: {  	[hbm4b:s15+s1] =	stream.linear.scatter [tilespmem:s19], [sflag:$0x4], $0x2000, $0x38;
	[tilespmem:$0x18200] =	vst v63  }
0x20f: {  	s22 =	simm.s32 $0xE200;
	s21 =	rddreg [dreg:$0x17]  }
0x210: {  	[hbm4b:s21+s1] =	stream.linear.scatter [tilespmem:s22], [sflag:$0x4], $0x2000, $0x38;
	[tilespmem:$0x18200] =	vst v63  }
0x211: {  	s18 =	rddreg [dreg:$0x1b];
	s19 =	simm.s32 $0x2200  }
0x212: {  	[tilespmem:s19], [sflag:$0x2] =	stream.linear.gather [hbm4b:s18+s1], $0x2000, $0x38;
	[tilespmem:$0x18200] =	vst v63  }
0x213: {  	s15 =	simm.s32 @!p1 $0x7;
	s21 =	rddreg [dreg:$0x1d];
	s22 =	simm.s32 $0x6200  }
0x214: {  	[tilespmem:s22], [sflag:$0x2] =	stream.linear.gather [hbm4b:s21+s1], $0x2000, $0x38;
	[tilespmem:$0x18200] =	vst v63  }
0x215: {  	_ =	swait.ge @!p1 [sflag:s15], $0x2000  }
0x216: {  	s22 =	sld [smem:$0x7D6]  }
0x217: {  	s18 =	simm.s32 @!p1 $0x80;
	s19 =	simm.s32 @!p1 $0x10;
	[sflag:s15] =	ssyncset.done @!p1 $0x0  }
0x218: {  	s21 =	simm.s32 @!p1 $0x1C05;
	[sflag:s15] =	ssyncadd.s32 @!p1 $0xFFFFE000;
	s15 =	simm.s32 @!p1 $0x1  }
0x219: {  	[spmem:s5@s18], [sflag:s21] =	dma.strided @!p1 [hbm:s22@s19], $0x2000, s15, $0x10   }
0x21a: {  	s21 =	simm.s32 @!p1 $0x6  }
0x21b: {  	_ =	swait.ge @!p1 [sflag:s21], $0x2000  }
0x21c: {  	s22 =	sld [smem:$0x7D7]  }
0x21d: {  	[sflag:s21] =	ssyncset.done @!p1 $0x0  }
0x21e: {  	[sflag:s21] =	ssyncadd.s32 @!p1 $0xFFFFE000;
	s21 =	simm.s32 @!p1 $0x1C08  }
0x21f: {  	[hbm:s22@s19], [sflag:s21] =	dma.strided @!p1 [spmem:s26@s18], $0x2000, s15, $0x10   }
0x220: {  	s15 =	simm.s32 @p2 $0x7  }
0x221: {  	_ =	swait.ge @p2 [sflag:s15], $0x2000  }
0x222: {  	s21 =	sld [smem:$0x7D8]  }
0x223: {  	s18 =	simm.s32 @p2 $0x80;
	[sflag:s15] =	ssyncset.done @p2 $0x0  }
0x224: {  	s19 =	simm.s32 @p2 $0x10;
	[sflag:s15] =	ssyncadd.s32 @p2 $0xFFFFE000;
	s15 =	simm.s32 @p2 $0x1  }
0x225: {  	[spmem:s6@s18], [sflag:s9] =	dma.strided @p2 [hbm:s21@s19], $0x2000, s15, $0x10   }
0x226: {  	s21 =	simm.s32 @p2 $0x6  }
0x227: {  	_ =	swait.ge @p2 [sflag:s21], $0x2000  }
0x228: {  	[sflag:s21] =	ssyncset.done @p2 $0x0  }
0x229: {  	[sflag:s21] =	ssyncadd.s32 @p2 $0xFFFFE000;
	s21 =	sld [smem:$0x7D9];
	_ =	sdelay $0x2  }
0x22a: {  	[hbm:s21@s19], [sflag:s12] =	dma.strided @p2 [spmem:s28@s18], $0x2000, s15, $0x10   }
0x22b: {  	s15 =	simm.s32 @p0 $0x7  }
0x22c: {  	_ =	swait.ge @p0 [sflag:s15], $0x2000  }
0x22d: {  	s21 =	sld [smem:$0x7DA]  }
0x22e: {  	s18 =	simm.s32 @p0 $0x80;
	[sflag:s15] =	ssyncset.done @p0 $0x0  }
0x22f: {  	s19 =	simm.s32 @p0 $0x10;
	[sflag:s15] =	ssyncadd.s32 @p0 $0xFFFFE000;
	s15 =	simm.s32 @p0 $0x1  }
0x230: {  	[spmem:s0@s18], [sflag:s10] =	dma.strided @p0 [hbm:s21@s19], $0x2000, s15, $0x10   }
0x231: {  	s21 =	simm.s32 @p0 $0x6  }
0x232: {  	_ =	swait.ge @p0 [sflag:s21], $0x2000  }
0x233: {  	[sflag:s21] =	ssyncset.done @p0 $0x0  }
0x234: {  	[sflag:s21] =	ssyncadd.s32 @p0 $0xFFFFE000;
	s21 =	sld [smem:$0x7DB];
	_ =	sdelay $0x2  }
0x235: {  	[hbm:s21@s19], [sflag:s14] =	dma.strided @p0 [spmem:s29@s18], $0x2000, s15, $0x10   }
0x236: {  	s15 =	simm.s32 @p3 $0x7  }
0x237: {  	_ =	swait.ge @p3 [sflag:s15], $0x2000  }
0x238: {  	s21 =	sld [smem:$0x7DC]  }
0x239: {  	s18 =	simm.s32 @p3 $0x80;
	[sflag:s15] =	ssyncset.done @p3 $0x0  }
0x23a: {  	s19 =	simm.s32 @p3 $0x10;
	[sflag:s15] =	ssyncadd.s32 @p3 $0xFFFFE000;
	s15 =	simm.s32 @p3 $0x1  }
0x23b: {  	[spmem:s11@s18], [sflag:s13] =	dma.strided @p3 [hbm:s21@s19], $0x2000, s15, $0x10   }
0x23c: {  	s21 =	simm.s32 @p3 $0x6  }
0x23d: {  	_ =	swait.ge @p3 [sflag:s21], $0x2000  }
0x23e: {  	[sflag:s21] =	ssyncset.done @p3 $0x0  }
0x23f: {  	[sflag:s21] =	ssyncadd.s32 @p3 $0xFFFFE000;
	s21 =	sld [smem:$0x7DD];
	_ =	sdelay $0x2  }
0x240: {  	[hbm:s21@s19], [sflag:s16] =	dma.strided @p3 [spmem:s30@s18], $0x2000, s15, $0x10   }
0x241: {  	_ =	swait.ge [sflag:s23], $0x2000  }
0x242: {  	[sflag:s23] =	ssyncset.done $0x0  }
0x243: {  	[sflag:s23] =	ssyncadd.s32 $0xFFFFE000  }
0x244: {  	_ =	swait.ge [sflag:s23], $0x2000  }
0x245: {  	[sflag:s23] =	ssyncset.done $0x0  }
0x246: {  	[sflag:s23] =	ssyncadd.s32 $0xFFFFE000  }
0x247: {  	_ =	swait.ge [sflag:s17], $0x2000  }
0x248: {  	[sflag:s17] =	ssyncset.done $0x0  }
0x249: {  	[sflag:s17] =	ssyncadd.s32 $0xFFFFE000  }
0x24a: {  	_ =	swait.ge [sflag:s17], $0x2000  }
0x24b: {  	[sflag:s17] =	ssyncset.done $0x0  }
0x24c: {  	s21 =	simm.s32 $0x240;
	[sflag:s17] =	ssyncadd.s32 $0xFFFFE000  }
0x24d: {  	s19 =	simm.s32 $0x4240;
	v4 =	vld [tilespmem:s21+$0x30]  }
0x24e: {  	v5 =	vld [tilespmem:s19+$0x30]  }
0x24f: {  	v6 =	vld [tilespmem:s19+$0xFFFFFFC0]  }
0x250: {  	v8 =	vld [tilespmem:s21+$0xFFFFFFD0]  }
0x251: {  	v9 =	vld [tilespmem:s19+$0xFFFFFFD0]  }
0x252: {  	v11 =	vld [tilespmem:s21+$0xFFFFFFE0]  }
0x253: {  	v12 =	vld [tilespmem:s19+$0xFFFFFFE0];
	v7 =	vmul.f32 v4, v2;
	v10 =	vmul.f32 v5, v3  }
0x254: {  	v14 =	vld [tilespmem:s21+$0xFFFFFFF0];
	v13 =	vmul.f32 v4, v0;
	v15 =	vmul.f32 v5, v1  }
0x255: {  	v16 =	vld [tilespmem:s19+$0xFFFFFFF0];
	v5 =	vmul.f32 v6, v3;
	v4 =	vmul.f32 v6, v1  }
0x256: {  	v17 =	vmul.f32 v8, v2;
	v18 =	vmul.f32 v9, v3;
	v6 =	vadd.f32 v10, v7;
	v7 =	vld [tilespmem:s21+$0x0]  }
0x257: {  	s15 =	simm.s32 $0x8240;
	v9 =	vmul.f32 v9, v1;
	v13 =	vadd.f32 v15, v13;
	v15 =	vmul.f32 v8, v0;
	v10 =	vld [tilespmem:s19+$0x0]  }
0x258: {  	s18 =	simm.s32 $0xC240;
	v8 =	vld [tilespmem:s21+$0x10];
	[tilespmem:s15+$0x30] =	vst v6;
	v6 =	vadd.f32 v18, v17;
	v17 =	vmul.f32 v11, v2;
	v18 =	vmul.f32 v12, v3  }
0x259: {  	v9 =	vadd.f32 v9, v15;
	v12 =	vmul.f32 v12, v1;
	[tilespmem:s18+$0x30] =	vst v13;
	v13 =	vmul.f32 v11, v0;
	v11 =	vld [tilespmem:s19+$0x10]  }
0x25a: {  	v19 =	vmul.f32 v16, v3;
	[tilespmem:s15+$0xFFFFFFD0] =	vst v6;
	v17 =	vadd.f32 v18, v17;
	v18 =	vmul.f32 v14, v2;
	v6 =	vld [tilespmem:s21+$0x20]  }
0x25b: {  	v15 =	vmul.f32 v16, v1;
	v14 =	vmul.f32 v14, v0;
	[tilespmem:s18+$0xFFFFFFD0] =	vst v9;
	v13 =	vadd.f32 v12, v13;
	v9 =	vld [tilespmem:s19+$0x20]  }
0x25c: {  	s31 =	simm.s32 $0x2C0;
	s22 =	simm.s32 $0x0;
	v12 =	vld [tilespmem:s21+$0xFFFFFFC0];
	s21 =	simm.s32 $0xC240;
	[tilespmem:s15+$0xFFFFFFE0] =	vst v17;
	v16 =	vadd.f32 v19, v18;
	v17 =	vmul.f32 v7, v2;
	v18 =	vmul.f32 v10, v3  }
.LBB2_10:
0x25d: {  	v19 =	vld [tilespmem:s31+$0x30];
	[tilespmem:s18+$0xFFFFFFE0] =	vst v13;
	v13 =	vadd.f32 v15, v14;
	v7 =	vmul.f32 v7, v0;
	v10 =	vmul.f32 v10, v1;
	s19 =	sadd.s32 $0x80, s19  }
0x25e: {  	v14 =	vld [tilespmem:s19+$0x30];
	[tilespmem:s15+$0xFFFFFFF0] =	vst v16;
	v15 =	vadd.f32 v18, v17;
	v16 =	vmul.f32 v8, v2;
	v17 =	vmul.f32 v11, v3  }
0x25f: {  	s22 =	sadd.s32 $0x8, s22;
	v8 =	vmul.f32 v8, v0;
	v18 =	vld [tilespmem:s19+$0xFFFFFFC0];
	[tilespmem:s18+$0xFFFFFFF0] =	vst v13;
	v7 =	vadd.f32 v10, v7;
	v10 =	vmul.f32 v11, v1  }
0x260: {  	p6 =	slt.u32 s22, $0x1F8;
	v11 =	vld [tilespmem:s31+$0xFFFFFFD0];
	[tilespmem:s15+$0x0] =	vst v15;
	v13 =	vadd.f32 v17, v16;
	v15 =	vmul.f32 v6, v2;
	v16 =	vmul.f32 v9, v3  }
0x261: {  	v17 =	vld [tilespmem:s19+$0xFFFFFFD0];
	v20 =	vmul.f32 v12, v2;
	v12 =	vmul.f32 v12, v0;
	[tilespmem:s18+$0x0] =	vst v7;
	v7 =	vadd.f32 v10, v8  }
0x262: {  	v6 =	vmul.f32 v6, v0;
	v9 =	vmul.f32 v9, v1;
	v21 =	vld [tilespmem:s31+$0xFFFFFFE0];
	[tilespmem:s15+$0x10] =	vst v13;
	v8 =	vadd.f32 v16, v15  }
0x263: {  	v10 =	vmul.f32 v19, v2;
	v13 =	vld [tilespmem:s19+$0xFFFFFFE0];
	v15 =	vmul.f32 v14, v3;
	v16 =	vadd.f32 v5, v20;
	[tilespmem:s18+$0x10] =	vst v7  }
0x264: {  	v19 =	vmul.f32 v19, v0;
	v14 =	vmul.f32 v14, v1;
	v12 =	vadd.f32 v4, v12;
	v20 =	vld [tilespmem:s31+$0xFFFFFFF0];
	[tilespmem:s15+$0x20] =	vst v8  }
0x265: {  	v5 =	vmul.f32 v18, v3;
	v4 =	vmul.f32 v18, v1;
	v18 =	vld [tilespmem:s19+$0xFFFFFFF0];
	v8 =	vadd.f32 v15, v10;
	[tilespmem:s15+$0xFFFFFFC0] =	vst v16  }
0x266: {  	v15 =	vmul.f32 v11, v2;
	v14 =	vadd.f32 v14, v19;
	s15 =	sadd.s32 $0x80, s15;
	v16 =	vmul.f32 v17, v3;
	v7 =	vld [tilespmem:s31+$0x0];
	[tilespmem:s18+$0xFFFFFFC0] =	vst v12  }
0x267: {  	v6 =	vadd.f32 v9, v6;
	v11 =	vmul.f32 v11, v0;
	v12 =	vmul.f32 v17, v1;
	s18 =	sadd.s32 $0x80, s18;
	v10 =	vld [tilespmem:s19+$0x0];
	[tilespmem:s15+$0x30] =	vst v8  }
.Ltmp4:
0x268: {  	v9 =	vadd.f32 v16, v15;
	v15 =	vmul.f32 v21, v2;
	v16 =	vmul.f32 v13, v3;
	v8 =	vld [tilespmem:s31+$0x10];
	[tilespmem:s18+$0x30] =	vst v14;
	(pc) =	sbr.rel @p6 .LBB2_10-.Ltmp4, $4  }
0x269: {  	v12 =	vadd.f32 v12, v11;
	v14 =	vmul.f32 v21, v0;
	v13 =	vmul.f32 v13, v1;
	v11 =	vld [tilespmem:s19+$0x10];
	[tilespmem:s21+$0x20] =	vst v6;
	s21 =	smov.u32 s18  }
0x26a: {  	v17 =	vmul.f32 v20, v2;
	[tilespmem:s15+$0xFFFFFFD0] =	vst v9;
	v16 =	vadd.f32 v16, v15;
	v19 =	vmul.f32 v18, v3;
	v6 =	vld [tilespmem:s31+$0x20]  }
0x26b: {  	v13 =	vadd.f32 v13, v14;
	v14 =	vmul.f32 v20, v0;
	v15 =	vmul.f32 v18, v1;
	[tilespmem:s18+$0xFFFFFFD0] =	vst v12;
	v9 =	vld [tilespmem:s19+$0x20]  }
0x26c: {  	v12 =	vld [tilespmem:s31+$0xFFFFFFC0];
	[tilespmem:s15+$0xFFFFFFE0] =	vst v16;
	v16 =	vadd.f32 v19, v17;
	v17 =	vmul.f32 v7, v2;
	v18 =	vmul.f32 v10, v3;
	s31 =	sadd.s32 $0x80, s31  }
0x26d: {  	[tilespmem:s18+$0xFFFFFFE0] =	vst v13;
	v13 =	vadd.f32 v15, v14;
	v7 =	vmul.f32 v7, v0;
	v10 =	vmul.f32 v10, v1  }
0x26e: {  	v15 =	vmul.f32 v8, v2;
	[tilespmem:s15+$0xFFFFFFF0] =	vst v16;
	v14 =	vadd.f32 v18, v17;
	v16 =	vmul.f32 v11, v3  }
0x26f: {  	v8 =	vmul.f32 v8, v0;
	[tilespmem:s18+$0xFFFFFFF0] =	vst v13;
	v7 =	vadd.f32 v10, v7;
	v10 =	vmul.f32 v11, v1  }
0x270: {  	v13 =	vmul.f32 v6, v2;
	[tilespmem:s15+$0x0] =	vst v14;
	v11 =	vadd.f32 v16, v15;
	v14 =	vmul.f32 v9, v3  }
0x271: {  	v15 =	vmul.f32 v12, v2;
	[tilespmem:s18+$0x0] =	vst v7;
	v7 =	vadd.f32 v10, v8  }
0x272: {  	v8 =	vmul.f32 v12, v0;
	[tilespmem:s15+$0x10] =	vst v11;
	v10 =	vadd.f32 v14, v13  }
0x273: {  	v6 =	vmul.f32 v6, v0;
	v9 =	vmul.f32 v9, v1;
	v5 =	vadd.f32 v5, v15;
	[tilespmem:s18+$0x10] =	vst v7  }
0x274: {  	v4 =	vadd.f32 v4, v8;
	[tilespmem:s15+$0x20] =	vst v10  }
0x275: {  	[tilespmem:s15+$0xFFFFFFC0] =	vst v5;
	v5 =	vadd.f32 v9, v6  }
0x276: {  	[tilespmem:s18+$0xFFFFFFC0] =	vst v4  }
0x277: {  	[tilespmem:s21+$0x20] =	vst v5  }
0x278: {  	s15 =	rddreg [dreg:$0x18]  }
0x279: {  	s19 =	simm.s32 $0x8200;
	s21 =	rddreg [dreg:$0x1a]  }
0x27a: {  	[hbm4b:s15+s1] =	stream.linear.scatter [tilespmem:s19], [sflag:$0x3], $0x2000, $0x38;
	[tilespmem:$0x18200] =	vst v63  }
0x27b: {  	s22 =	simm.s32 $0xC200;
	s18 =	rddreg [dreg:$0x1f]  }
0x27c: {  	[hbm4b:s21+s1] =	stream.linear.scatter [tilespmem:s22], [sflag:$0x3], $0x2000, $0x38;
	[tilespmem:$0x18200] =	vst v63  }
0x27d: {  	s19 =	simm.s32 $0x200;
	s21 =	sld [smem:$0x7A8]  }
0x27e: {  	[tilespmem:s19], [sflag:$0x1] =	stream.linear.gather [hbm4b:s18+s1], $0x2000, $0x38;
	[tilespmem:$0x18200] =	vst v63  }
0x27f: {  	s15 =	simm.s32 @!p1 $0x8;
	s22 =	simm.s32 $0x4200  }
0x280: {  	[tilespmem:s22], [sflag:$0x1] =	stream.linear.gather [hbm4b:s21+s1], $0x2000, $0x38;
	[tilespmem:$0x18200] =	vst v63  }
0x281: {  	_ =	swait.ge @!p1 [sflag:s15], $0x2000  }
0x282: {  	s22 =	sld [smem:$0x7DE]  }
0x283: {  	s18 =	simm.s32 @!p1 $0x80;
	s19 =	simm.s32 @!p1 $0x10;
	[sflag:s15] =	ssyncset.done @!p1 $0x0  }
0x284: {  	s21 =	simm.s32 @!p1 $0x1C06;
	[sflag:s15] =	ssyncadd.s32 @!p1 $0xFFFFE000;
	s15 =	simm.s32 @!p1 $0x1  }
0x285: {  	[spmem:s26@s18], [sflag:s21] =	dma.strided @!p1 [hbm:s22@s19], $0x2000, s15, $0x10   }
0x286: {  	s21 =	simm.s32 @!p1 $0x5  }
0x287: {  	_ =	swait.ge @!p1 [sflag:s21], $0x2000  }
0x288: {  	s22 =	sld [smem:$0x7DF]  }
0x289: {  	[sflag:s21] =	ssyncset.done @!p1 $0x0  }
0x28a: {  	[sflag:s21] =	ssyncadd.s32 @!p1 $0xFFFFE000;
	s21 =	simm.s32 @!p1 $0x1C07  }
0x28b: {  	[hbm:s22@s19], [sflag:s21] =	dma.strided @!p1 [spmem:s5@s18], $0x2000, s15, $0x10   }
0x28c: {  	s15 =	simm.s32 @p2 $0x8  }
0x28d: {  	_ =	swait.ge @p2 [sflag:s15], $0x2000  }
0x28e: {  	s21 =	sld [smem:$0x7E0]  }
0x28f: {  	s22 =	sld [smem:$0x7A6]  }
0x290: {  	s18 =	simm.s32 @p2 $0x80;
	[sflag:s15] =	ssyncset.done @p2 $0x0  }
0x291: {  	s19 =	simm.s32 @p2 $0x10;
	[sflag:s15] =	ssyncadd.s32 @p2 $0xFFFFE000;
	s15 =	simm.s32 @p2 $0x1  }
0x292: {  	[spmem:s28@s18], [sflag:s22] =	dma.strided @p2 [hbm:s21@s19], $0x2000, s15, $0x10   }
0x293: {  	s21 =	simm.s32 @p2 $0x5  }
0x294: {  	_ =	swait.ge @p2 [sflag:s21], $0x2000  }
0x295: {  	[sflag:s21] =	ssyncset.done @p2 $0x0  }
0x296: {  	[sflag:s21] =	ssyncadd.s32 @p2 $0xFFFFE000;
	s21 =	sld [smem:$0x7E1];
	_ =	sdelay $0x2  }
0x297: {  	[hbm:s21@s19], [sflag:s7] =	dma.strided @p2 [spmem:s6@s18], $0x2000, s15, $0x10   }
0x298: {  	s15 =	simm.s32 @p0 $0x8  }
0x299: {  	_ =	swait.ge @p0 [sflag:s15], $0x2000  }
0x29a: {  	s21 =	sld [smem:$0x7E2]  }
0x29b: {  	s18 =	simm.s32 @p0 $0x80;
	[sflag:s15] =	ssyncset.done @p0 $0x0  }
0x29c: {  	s19 =	simm.s32 @p0 $0x10;
	[sflag:s15] =	ssyncadd.s32 @p0 $0xFFFFE000;
	s15 =	simm.s32 @p0 $0x1  }
0x29d: {  	[spmem:s29@s18], [sflag:s3] =	dma.strided @p0 [hbm:s21@s19], $0x2000, s15, $0x10   }
0x29e: {  	s21 =	simm.s32 @p0 $0x5  }
0x29f: {  	_ =	swait.ge @p0 [sflag:s21], $0x2000  }
0x2a0: {  	[sflag:s21] =	ssyncset.done @p0 $0x0  }
0x2a1: {  	[sflag:s21] =	ssyncadd.s32 @p0 $0xFFFFE000;
	s21 =	sld [smem:$0x7E3];
	_ =	sdelay $0x2  }
0x2a2: {  	[hbm:s21@s19], [sflag:s8] =	dma.strided @p0 [spmem:s0@s18], $0x2000, s15, $0x10   }
0x2a3: {  	s15 =	simm.s32 @p3 $0x8  }
0x2a4: {  	_ =	swait.ge @p3 [sflag:s15], $0x2000  }
0x2a5: {  	s21 =	sld [smem:$0x7E4]  }
0x2a6: {  	s18 =	simm.s32 @p3 $0x80;
	[sflag:s15] =	ssyncset.done @p3 $0x0  }
0x2a7: {  	s19 =	simm.s32 @p3 $0x10;
	[sflag:s15] =	ssyncadd.s32 @p3 $0xFFFFE000;
	s15 =	simm.s32 @p3 $0x1  }
0x2a8: {  	[spmem:s30@s18], [sflag:s4] =	dma.strided @p3 [hbm:s21@s19], $0x2000, s15, $0x10   }
0x2a9: {  	s21 =	simm.s32 @p3 $0x5  }
0x2aa: {  	_ =	swait.ge @p3 [sflag:s21], $0x2000  }
0x2ab: {  	[sflag:s21] =	ssyncset.done @p3 $0x0  }
0x2ac: {  	[sflag:s21] =	ssyncadd.s32 @p3 $0xFFFFE000;
	s21 =	sld [smem:$0x7E5];
	_ =	sdelay $0x2  }
0x2ad: {  	[hbm:s21@s19], [sflag:s2] =	dma.strided @p3 [spmem:s11@s18], $0x2000, s15, $0x10   }
0x2ae: {  	_ =	swait.ge [sflag:s24], $0x2000  }
0x2af: {  	[sflag:s24] =	ssyncset.done $0x0  }
0x2b0: {  	[sflag:s24] =	ssyncadd.s32 $0xFFFFE000  }
0x2b1: {  	_ =	swait.ge [sflag:s24], $0x2000  }
0x2b2: {  	[sflag:s24] =	ssyncset.done $0x0  }
0x2b3: {  	[sflag:s24] =	ssyncadd.s32 $0xFFFFE000  }
0x2b4: {  	_ =	swait.ge [sflag:s20], $0x2000  }
0x2b5: {  	[sflag:s20] =	ssyncset.done $0x0  }
0x2b6: {  	[sflag:s20] =	ssyncadd.s32 $0xFFFFE000  }
0x2b7: {  	_ =	swait.ge [sflag:s20], $0x2000  }
0x2b8: {  	[sflag:s20] =	ssyncset.done $0x0  }
0x2b9: {  	s21 =	simm.s32 $0x2240;
	[sflag:s20] =	ssyncadd.s32 $0xFFFFE000  }
0x2ba: {  	s19 =	simm.s32 $0x6240;
	v4 =	vld [tilespmem:s21+$0x30]  }
0x2bb: {  	v5 =	vld [tilespmem:s19+$0x30]  }
0x2bc: {  	v6 =	vld [tilespmem:s19+$0xFFFFFFC0]  }
0x2bd: {  	v8 =	vld [tilespmem:s21+$0xFFFFFFD0]  }
0x2be: {  	v9 =	vld [tilespmem:s19+$0xFFFFFFD0]  }
0x2bf: {  	v11 =	vld [tilespmem:s21+$0xFFFFFFE0]  }
0x2c0: {  	v12 =	vld [tilespmem:s19+$0xFFFFFFE0];
	v7 =	vmul.f32 v4, v2;
	v10 =	vmul.f32 v5, v3  }
0x2c1: {  	v14 =	vld [tilespmem:s21+$0xFFFFFFF0];
	v13 =	vmul.f32 v4, v0;
	v15 =	vmul.f32 v5, v1  }
0x2c2: {  	v16 =	vld [tilespmem:s19+$0xFFFFFFF0];
	v5 =	vmul.f32 v6, v3;
	v4 =	vmul.f32 v6, v1  }
0x2c3: {  	v17 =	vmul.f32 v8, v2;
	v18 =	vmul.f32 v9, v3;
	v6 =	vadd.f32 v10, v7;
	v7 =	vld [tilespmem:s21+$0x0]  }
0x2c4: {  	s15 =	simm.s32 $0xA240;
	v9 =	vmul.f32 v9, v1;
	v13 =	vadd.f32 v15, v13;
	v15 =	vmul.f32 v8, v0;
	v10 =	vld [tilespmem:s19+$0x0]  }
0x2c5: {  	s18 =	simm.s32 $0xE240;
	v8 =	vld [tilespmem:s21+$0x10];
	[tilespmem:s15+$0x30] =	vst v6;
	v6 =	vadd.f32 v18, v17;
	v17 =	vmul.f32 v11, v2;
	v18 =	vmul.f32 v12, v3  }
0x2c6: {  	v9 =	vadd.f32 v9, v15;
	v12 =	vmul.f32 v12, v1;
	[tilespmem:s18+$0x30] =	vst v13;
	v13 =	vmul.f32 v11, v0;
	v11 =	vld [tilespmem:s19+$0x10]  }
0x2c7: {  	v19 =	vmul.f32 v16, v3;
	[tilespmem:s15+$0xFFFFFFD0] =	vst v6;
	v17 =	vadd.f32 v18, v17;
	v18 =	vmul.f32 v14, v2;
	v6 =	vld [tilespmem:s21+$0x20]  }
0x2c8: {  	v15 =	vmul.f32 v16, v1;
	v14 =	vmul.f32 v14, v0;
	[tilespmem:s18+$0xFFFFFFD0] =	vst v9;
	v13 =	vadd.f32 v12, v13;
	v9 =	vld [tilespmem:s19+$0x20]  }
0x2c9: {  	s31 =	simm.s32 $0x22C0;
	s22 =	simm.s32 $0x0;
	v12 =	vld [tilespmem:s21+$0xFFFFFFC0];
	s21 =	simm.s32 $0xE240;
	[tilespmem:s15+$0xFFFFFFE0] =	vst v17;
	v16 =	vadd.f32 v19, v18;
	v17 =	vmul.f32 v7, v2;
	v18 =	vmul.f32 v10, v3  }
.LBB2_12:
0x2ca: {  	v19 =	vld [tilespmem:s31+$0x30];
	[tilespmem:s18+$0xFFFFFFE0] =	vst v13;
	v13 =	vadd.f32 v15, v14;
	v7 =	vmul.f32 v7, v0;
	v10 =	vmul.f32 v10, v1;
	s19 =	sadd.s32 $0x80, s19  }
0x2cb: {  	v14 =	vld [tilespmem:s19+$0x30];
	[tilespmem:s15+$0xFFFFFFF0] =	vst v16;
	v15 =	vadd.f32 v18, v17;
	v16 =	vmul.f32 v8, v2;
	v17 =	vmul.f32 v11, v3  }
0x2cc: {  	s22 =	sadd.s32 $0x8, s22;
	v8 =	vmul.f32 v8, v0;
	v18 =	vld [tilespmem:s19+$0xFFFFFFC0];
	[tilespmem:s18+$0xFFFFFFF0] =	vst v13;
	v7 =	vadd.f32 v10, v7;
	v10 =	vmul.f32 v11, v1  }
0x2cd: {  	p6 =	slt.u32 s22, $0x1F8;
	v11 =	vld [tilespmem:s31+$0xFFFFFFD0];
	[tilespmem:s15+$0x0] =	vst v15;
	v13 =	vadd.f32 v17, v16;
	v15 =	vmul.f32 v6, v2;
	v16 =	vmul.f32 v9, v3  }
0x2ce: {  	v17 =	vld [tilespmem:s19+$0xFFFFFFD0];
	v20 =	vmul.f32 v12, v2;
	v12 =	vmul.f32 v12, v0;
	[tilespmem:s18+$0x0] =	vst v7;
	v7 =	vadd.f32 v10, v8  }
0x2cf: {  	v6 =	vmul.f32 v6, v0;
	v9 =	vmul.f32 v9, v1;
	v21 =	vld [tilespmem:s31+$0xFFFFFFE0];
	[tilespmem:s15+$0x10] =	vst v13;
	v8 =	vadd.f32 v16, v15  }
0x2d0: {  	v10 =	vmul.f32 v19, v2;
	v13 =	vld [tilespmem:s19+$0xFFFFFFE0];
	v15 =	vmul.f32 v14, v3;
	v16 =	vadd.f32 v5, v20;
	[tilespmem:s18+$0x10] =	vst v7  }
0x2d1: {  	v19 =	vmul.f32 v19, v0;
	v14 =	vmul.f32 v14, v1;
	v12 =	vadd.f32 v4, v12;
	v20 =	vld [tilespmem:s31+$0xFFFFFFF0];
	[tilespmem:s15+$0x20] =	vst v8  }
0x2d2: {  	v5 =	vmul.f32 v18, v3;
	v4 =	vmul.f32 v18, v1;
	v18 =	vld [tilespmem:s19+$0xFFFFFFF0];
	v8 =	vadd.f32 v15, v10;
	[tilespmem:s15+$0xFFFFFFC0] =	vst v16  }
0x2d3: {  	v15 =	vmul.f32 v11, v2;
	v14 =	vadd.f32 v14, v19;
	s15 =	sadd.s32 $0x80, s15;
	v16 =	vmul.f32 v17, v3;
	v7 =	vld [tilespmem:s31+$0x0];
	[tilespmem:s18+$0xFFFFFFC0] =	vst v12  }
0x2d4: {  	v6 =	vadd.f32 v9, v6;
	v11 =	vmul.f32 v11, v0;
	v12 =	vmul.f32 v17, v1;
	s18 =	sadd.s32 $0x80, s18;
	v10 =	vld [tilespmem:s19+$0x0];
	[tilespmem:s15+$0x30] =	vst v8  }
.Ltmp5:
0x2d5: {  	v9 =	vadd.f32 v16, v15;
	v15 =	vmul.f32 v21, v2;
	v16 =	vmul.f32 v13, v3;
	v8 =	vld [tilespmem:s31+$0x10];
	[tilespmem:s18+$0x30] =	vst v14;
	(pc) =	sbr.rel @p6 .LBB2_12-.Ltmp5, $4  }
0x2d6: {  	v12 =	vadd.f32 v12, v11;
	v14 =	vmul.f32 v21, v0;
	v13 =	vmul.f32 v13, v1;
	v11 =	vld [tilespmem:s19+$0x10];
	[tilespmem:s21+$0x20] =	vst v6;
	s21 =	smov.u32 s18  }
0x2d7: {  	v17 =	vmul.f32 v20, v2;
	[tilespmem:s15+$0xFFFFFFD0] =	vst v9;
	v16 =	vadd.f32 v16, v15;
	v19 =	vmul.f32 v18, v3;
	v6 =	vld [tilespmem:s31+$0x20]  }
0x2d8: {  	v13 =	vadd.f32 v13, v14;
	v14 =	vmul.f32 v20, v0;
	v15 =	vmul.f32 v18, v1;
	[tilespmem:s18+$0xFFFFFFD0] =	vst v12;
	v9 =	vld [tilespmem:s19+$0x20]  }
0x2d9: {  	v12 =	vld [tilespmem:s31+$0xFFFFFFC0];
	[tilespmem:s15+$0xFFFFFFE0] =	vst v16;
	v16 =	vadd.f32 v19, v17;
	v17 =	vmul.f32 v7, v2;
	v18 =	vmul.f32 v10, v3;
	s31 =	sadd.s32 $0x80, s31  }
0x2da: {  	[tilespmem:s18+$0xFFFFFFE0] =	vst v13;
	v13 =	vadd.f32 v15, v14;
	v7 =	vmul.f32 v7, v0;
	v10 =	vmul.f32 v10, v1  }
0x2db: {  	v15 =	vmul.f32 v8, v2;
	[tilespmem:s15+$0xFFFFFFF0] =	vst v16;
	v14 =	vadd.f32 v18, v17;
	v16 =	vmul.f32 v11, v3  }
0x2dc: {  	v8 =	vmul.f32 v8, v0;
	[tilespmem:s18+$0xFFFFFFF0] =	vst v13;
	v7 =	vadd.f32 v10, v7;
	v10 =	vmul.f32 v11, v1  }
0x2dd: {  	v13 =	vmul.f32 v6, v2;
	[tilespmem:s15+$0x0] =	vst v14;
	v11 =	vadd.f32 v16, v15;
	v14 =	vmul.f32 v9, v3  }
0x2de: {  	v15 =	vmul.f32 v12, v2;
	[tilespmem:s18+$0x0] =	vst v7;
	v7 =	vadd.f32 v10, v8  }
0x2df: {  	v8 =	vmul.f32 v12, v0;
	[tilespmem:s15+$0x10] =	vst v11;
	v10 =	vadd.f32 v14, v13  }
0x2e0: {  	v6 =	vmul.f32 v6, v0;
	v9 =	vmul.f32 v9, v1;
	v5 =	vadd.f32 v5, v15;
	[tilespmem:s18+$0x10] =	vst v7  }
0x2e1: {  	v4 =	vadd.f32 v4, v8;
	[tilespmem:s15+$0x20] =	vst v10  }
0x2e2: {  	[tilespmem:s15+$0xFFFFFFC0] =	vst v5;
	v5 =	vadd.f32 v9, v6  }
0x2e3: {  	[tilespmem:s18+$0xFFFFFFC0] =	vst v4  }
0x2e4: {  	[tilespmem:s21+$0x20] =	vst v5  }
0x2e5: {  	s15 =	rddreg [dreg:$0x1c]  }
0x2e6: {  	s19 =	simm.s32 $0xA200;
	s21 =	rddreg [dreg:$0x1e]  }
0x2e7: {  	[hbm4b:s15+s1] =	stream.linear.scatter [tilespmem:s19], [sflag:$0x4], $0x2000, $0x38;
	[tilespmem:$0x18200] =	vst v63  }
0x2e8: {  	s22 =	simm.s32 $0xE200;
	s18 =	sld [smem:$0x7A9]  }
0x2e9: {  	[hbm4b:s21+s1] =	stream.linear.scatter [tilespmem:s22], [sflag:$0x4], $0x2000, $0x38;
	[tilespmem:$0x18200] =	vst v63  }
0x2ea: {  	s31 =	simm.s32 $0x2200;
	s19 =	sld [smem:$0x7AA]  }
0x2eb: {  	[tilespmem:s31], [sflag:$0x2] =	stream.linear.gather [hbm4b:s18+s1], $0x2000, $0x38;
	[tilespmem:$0x18200] =	vst v63  }
0x2ec: {  	s15 =	simm.s32 @!p1 $0x7;
	s21 =	simm.s32 $0x6200  }
0x2ed: {  	[tilespmem:s21], [sflag:$0x2] =	stream.linear.gather [hbm4b:s19+s1], $0x2000, $0x38;
	[tilespmem:$0x18200] =	vst v63  }
0x2ee: {  	_ =	swait.ge @!p1 [sflag:s15], $0x2000  }
0x2ef: {  	s22 =	sld [smem:$0x7E6]  }
0x2f0: {  	s18 =	simm.s32 @!p1 $0x80;
	s19 =	simm.s32 @!p1 $0x10;
	[sflag:s15] =	ssyncset.done @!p1 $0x0  }
0x2f1: {  	s21 =	simm.s32 @!p1 $0x1C05;
	[sflag:s15] =	ssyncadd.s32 @!p1 $0xFFFFE000;
	s15 =	simm.s32 @!p1 $0x1  }
0x2f2: {  	[spmem:s5@s18], [sflag:s21] =	dma.strided @!p1 [hbm:s22@s19], $0x2000, s15, $0x10   }
0x2f3: {  	s21 =	simm.s32 @!p1 $0x6  }
0x2f4: {  	_ =	swait.ge @!p1 [sflag:s21], $0x2000  }
0x2f5: {  	s22 =	sld [smem:$0x7E7]  }
0x2f6: {  	[sflag:s21] =	ssyncset.done @!p1 $0x0  }
0x2f7: {  	[sflag:s21] =	ssyncadd.s32 @!p1 $0xFFFFE000;
	s21 =	simm.s32 @!p1 $0x1C08  }
0x2f8: {  	[hbm:s22@s19], [sflag:s21] =	dma.strided @!p1 [spmem:s26@s18], $0x2000, s15, $0x10   }
0x2f9: {  	s15 =	simm.s32 @p2 $0x7  }
0x2fa: {  	_ =	swait.ge @p2 [sflag:s15], $0x2000  }
0x2fb: {  	s21 =	sld [smem:$0x7E8]  }
0x2fc: {  	s18 =	simm.s32 @p2 $0x80;
	[sflag:s15] =	ssyncset.done @p2 $0x0  }
0x2fd: {  	s19 =	simm.s32 @p2 $0x10;
	[sflag:s15] =	ssyncadd.s32 @p2 $0xFFFFE000;
	s15 =	simm.s32 @p2 $0x1  }
0x2fe: {  	[spmem:s6@s18], [sflag:s9] =	dma.strided @p2 [hbm:s21@s19], $0x2000, s15, $0x10   }
0x2ff: {  	s9 =	simm.s32 @p2 $0x6  }
0x300: {  	_ =	swait.ge @p2 [sflag:s9], $0x2000  }
0x301: {  	[sflag:s9] =	ssyncset.done @p2 $0x0  }
0x302: {  	[sflag:s9] =	ssyncadd.s32 @p2 $0xFFFFE000;
	s9 =	sld [smem:$0x7E9];
	_ =	sdelay $0x2  }
0x303: {  	[hbm:s9@s19], [sflag:s12] =	dma.strided @p2 [spmem:s28@s18], $0x2000, s15, $0x10   }
0x304: {  	s9 =	simm.s32 @p0 $0x7  }
0x305: {  	_ =	swait.ge @p0 [sflag:s9], $0x2000  }
0x306: {  	s19 =	sld [smem:$0x7EA]  }
0x307: {  	s15 =	simm.s32 @p0 $0x80;
	[sflag:s9] =	ssyncset.done @p0 $0x0  }
0x308: {  	s18 =	simm.s32 @p0 $0x10;
	[sflag:s9] =	ssyncadd.s32 @p0 $0xFFFFE000;
	s9 =	simm.s32 @p0 $0x1  }
0x309: {  	[spmem:s0@s15], [sflag:s10] =	dma.strided @p0 [hbm:s19@s18], $0x2000, s9, $0x10   }
0x30a: {  	s10 =	simm.s32 @p0 $0x6  }
0x30b: {  	_ =	swait.ge @p0 [sflag:s10], $0x2000  }
0x30c: {  	[sflag:s10] =	ssyncset.done @p0 $0x0  }
0x30d: {  	[sflag:s10] =	ssyncadd.s32 @p0 $0xFFFFE000;
	s10 =	sld [smem:$0x7EB];
	_ =	sdelay $0x2  }
0x30e: {  	[hbm:s10@s18], [sflag:s14] =	dma.strided @p0 [spmem:s29@s15], $0x2000, s9, $0x10   }
0x30f: {  	s9 =	simm.s32 @p3 $0x7  }
0x310: {  	_ =	swait.ge @p3 [sflag:s9], $0x2000  }
0x311: {  	s18 =	sld [smem:$0x7EC]  }
0x312: {  	s10 =	simm.s32 @p3 $0x80;
	[sflag:s9] =	ssyncset.done @p3 $0x0  }
0x313: {  	s15 =	simm.s32 @p3 $0x10;
	[sflag:s9] =	ssyncadd.s32 @p3 $0xFFFFE000;
	s9 =	simm.s32 @p3 $0x1  }
0x314: {  	[spmem:s11@s10], [sflag:s13] =	dma.strided @p3 [hbm:s18@s15], $0x2000, s9, $0x10   }
0x315: {  	s13 =	simm.s32 @p3 $0x6  }
0x316: {  	_ =	swait.ge @p3 [sflag:s13], $0x2000  }
0x317: {  	[sflag:s13] =	ssyncset.done @p3 $0x0  }
0x318: {  	[sflag:s13] =	ssyncadd.s32 @p3 $0xFFFFE000;
	s13 =	sld [smem:$0x7ED];
	_ =	sdelay $0x2  }
0x319: {  	[hbm:s13@s15], [sflag:s16] =	dma.strided @p3 [spmem:s30@s10], $0x2000, s9, $0x10   }
0x31a: {  	_ =	swait.ge [sflag:s23], $0x2000  }
0x31b: {  	[sflag:s23] =	ssyncset.done $0x0  }
0x31c: {  	[sflag:s23] =	ssyncadd.s32 $0xFFFFE000  }
0x31d: {  	_ =	swait.ge [sflag:s23], $0x2000  }
0x31e: {  	[sflag:s23] =	ssyncset.done $0x0  }
0x31f: {  	[sflag:s23] =	ssyncadd.s32 $0xFFFFE000  }
0x320: {  	_ =	swait.ge [sflag:s17], $0x2000  }
0x321: {  	[sflag:s17] =	ssyncset.done $0x0  }
0x322: {  	[sflag:s17] =	ssyncadd.s32 $0xFFFFE000  }
0x323: {  	_ =	swait.ge [sflag:s17], $0x2000  }
0x324: {  	[sflag:s17] =	ssyncset.done $0x0  }
0x325: {  	s22 =	simm.s32 $0x240;
	[sflag:s17] =	ssyncadd.s32 $0xFFFFE000  }
0x326: {  	s13 =	simm.s32 $0x4240;
	v4 =	vld [tilespmem:s22+$0x30]  }
0x327: {  	v5 =	vld [tilespmem:s13+$0x30]  }
0x328: {  	v6 =	vld [tilespmem:s13+$0xFFFFFFC0]  }
0x329: {  	v8 =	vld [tilespmem:s22+$0xFFFFFFD0]  }
0x32a: {  	v9 =	vld [tilespmem:s13+$0xFFFFFFD0]  }
0x32b: {  	v11 =	vld [tilespmem:s22+$0xFFFFFFE0]  }
0x32c: {  	v12 =	vld [tilespmem:s13+$0xFFFFFFE0];
	v7 =	vmul.f32 v4, v2;
	v10 =	vmul.f32 v5, v3  }
0x32d: {  	v14 =	vld [tilespmem:s22+$0xFFFFFFF0];
	v13 =	vmul.f32 v4, v0;
	v15 =	vmul.f32 v5, v1  }
0x32e: {  	v16 =	vld [tilespmem:s13+$0xFFFFFFF0];
	v5 =	vmul.f32 v6, v3;
	v4 =	vmul.f32 v6, v1  }
0x32f: {  	v17 =	vmul.f32 v8, v2;
	v18 =	vmul.f32 v9, v3;
	v6 =	vadd.f32 v10, v7;
	v7 =	vld [tilespmem:s22+$0x0]  }
0x330: {  	s9 =	simm.s32 $0x8240;
	v9 =	vmul.f32 v9, v1;
	v13 =	vadd.f32 v15, v13;
	v15 =	vmul.f32 v8, v0;
	v10 =	vld [tilespmem:s13+$0x0]  }
0x331: {  	s10 =	simm.s32 $0xC240;
	v8 =	vld [tilespmem:s22+$0x10];
	[tilespmem:s9+$0x30] =	vst v6;
	v6 =	vadd.f32 v18, v17;
	v17 =	vmul.f32 v11, v2;
	v18 =	vmul.f32 v12, v3  }
0x332: {  	v9 =	vadd.f32 v9, v15;
	v12 =	vmul.f32 v12, v1;
	[tilespmem:s10+$0x30] =	vst v13;
	v13 =	vmul.f32 v11, v0;
	v11 =	vld [tilespmem:s13+$0x10]  }
0x333: {  	v19 =	vmul.f32 v16, v3;
	[tilespmem:s9+$0xFFFFFFD0] =	vst v6;
	v17 =	vadd.f32 v18, v17;
	v18 =	vmul.f32 v14, v2;
	v6 =	vld [tilespmem:s22+$0x20]  }
0x334: {  	v15 =	vmul.f32 v16, v1;
	v14 =	vmul.f32 v14, v0;
	[tilespmem:s10+$0xFFFFFFD0] =	vst v9;
	v13 =	vadd.f32 v12, v13;
	v9 =	vld [tilespmem:s13+$0x20]  }
0x335: {  	s19 =	simm.s32 $0x2C0;
	s18 =	simm.s32 $0x0;
	s15 =	simm.s32 $0xC240;
	v12 =	vld [tilespmem:s22+$0xFFFFFFC0];
	[tilespmem:s9+$0xFFFFFFE0] =	vst v17;
	v16 =	vadd.f32 v19, v18;
	v17 =	vmul.f32 v7, v2;
	v18 =	vmul.f32 v10, v3  }
.LBB2_14:
0x336: {  	v19 =	vld [tilespmem:s19+$0x30];
	[tilespmem:s10+$0xFFFFFFE0] =	vst v13;
	v13 =	vadd.f32 v15, v14;
	v7 =	vmul.f32 v7, v0;
	v10 =	vmul.f32 v10, v1;
	s13 =	sadd.s32 $0x80, s13  }
0x337: {  	v14 =	vld [tilespmem:s13+$0x30];
	[tilespmem:s9+$0xFFFFFFF0] =	vst v16;
	v15 =	vadd.f32 v18, v17;
	v16 =	vmul.f32 v8, v2;
	v17 =	vmul.f32 v11, v3  }
0x338: {  	s18 =	sadd.s32 $0x8, s18;
	v8 =	vmul.f32 v8, v0;
	v18 =	vld [tilespmem:s13+$0xFFFFFFC0];
	[tilespmem:s10+$0xFFFFFFF0] =	vst v13;
	v7 =	vadd.f32 v10, v7;
	v10 =	vmul.f32 v11, v1  }
0x339: {  	p6 =	slt.u32 s18, $0x1F8;
	v11 =	vld [tilespmem:s19+$0xFFFFFFD0];
	[tilespmem:s9+$0x0] =	vst v15;
	v13 =	vadd.f32 v17, v16;
	v15 =	vmul.f32 v6, v2;
	v16 =	vmul.f32 v9, v3  }
0x33a: {  	v17 =	vld [tilespmem:s13+$0xFFFFFFD0];
	v20 =	vmul.f32 v12, v2;
	v12 =	vmul.f32 v12, v0;
	[tilespmem:s10+$0x0] =	vst v7;
	v7 =	vadd.f32 v10, v8  }
0x33b: {  	v6 =	vmul.f32 v6, v0;
	v9 =	vmul.f32 v9, v1;
	v21 =	vld [tilespmem:s19+$0xFFFFFFE0];
	[tilespmem:s9+$0x10] =	vst v13;
	v8 =	vadd.f32 v16, v15  }
0x33c: {  	v10 =	vmul.f32 v19, v2;
	v13 =	vld [tilespmem:s13+$0xFFFFFFE0];
	v15 =	vmul.f32 v14, v3;
	v16 =	vadd.f32 v5, v20;
	[tilespmem:s10+$0x10] =	vst v7  }
0x33d: {  	v19 =	vmul.f32 v19, v0;
	v14 =	vmul.f32 v14, v1;
	v12 =	vadd.f32 v4, v12;
	v20 =	vld [tilespmem:s19+$0xFFFFFFF0];
	[tilespmem:s9+$0x20] =	vst v8  }
0x33e: {  	v5 =	vmul.f32 v18, v3;
	v4 =	vmul.f32 v18, v1;
	v18 =	vld [tilespmem:s13+$0xFFFFFFF0];
	v8 =	vadd.f32 v15, v10;
	[tilespmem:s9+$0xFFFFFFC0] =	vst v16  }
0x33f: {  	v15 =	vmul.f32 v11, v2;
	v14 =	vadd.f32 v14, v19;
	s9 =	sadd.s32 $0x80, s9;
	v16 =	vmul.f32 v17, v3;
	v7 =	vld [tilespmem:s19+$0x0];
	[tilespmem:s10+$0xFFFFFFC0] =	vst v12  }
0x340: {  	v6 =	vadd.f32 v9, v6;
	v11 =	vmul.f32 v11, v0;
	v12 =	vmul.f32 v17, v1;
	s10 =	sadd.s32 $0x80, s10;
	v10 =	vld [tilespmem:s13+$0x0];
	[tilespmem:s9+$0x30] =	vst v8  }
.Ltmp6:
0x341: {  	v9 =	vadd.f32 v16, v15;
	v15 =	vmul.f32 v21, v2;
	v16 =	vmul.f32 v13, v3;
	v8 =	vld [tilespmem:s19+$0x10];
	[tilespmem:s10+$0x30] =	vst v14;
	(pc) =	sbr.rel @p6 .LBB2_14-.Ltmp6, $4  }
0x342: {  	v12 =	vadd.f32 v12, v11;
	v14 =	vmul.f32 v21, v0;
	v13 =	vmul.f32 v13, v1;
	v11 =	vld [tilespmem:s13+$0x10];
	[tilespmem:s15+$0x20] =	vst v6;
	s15 =	smov.u32 s10  }
0x343: {  	v17 =	vmul.f32 v20, v2;
	[tilespmem:s9+$0xFFFFFFD0] =	vst v9;
	v16 =	vadd.f32 v16, v15;
	v19 =	vmul.f32 v18, v3;
	v6 =	vld [tilespmem:s19+$0x20]  }
0x344: {  	v13 =	vadd.f32 v13, v14;
	v14 =	vmul.f32 v20, v0;
	v15 =	vmul.f32 v18, v1;
	[tilespmem:s10+$0xFFFFFFD0] =	vst v12;
	v9 =	vld [tilespmem:s13+$0x20]  }
0x345: {  	v12 =	vld [tilespmem:s19+$0xFFFFFFC0];
	[tilespmem:s9+$0xFFFFFFE0] =	vst v16;
	v16 =	vadd.f32 v19, v17;
	v17 =	vmul.f32 v7, v2;
	v18 =	vmul.f32 v10, v3;
	s19 =	sadd.s32 $0x80, s19  }
0x346: {  	[tilespmem:s10+$0xFFFFFFE0] =	vst v13;
	v13 =	vadd.f32 v15, v14;
	v7 =	vmul.f32 v7, v0;
	v10 =	vmul.f32 v10, v1  }
0x347: {  	v15 =	vmul.f32 v8, v2;
	[tilespmem:s9+$0xFFFFFFF0] =	vst v16;
	v14 =	vadd.f32 v18, v17;
	v16 =	vmul.f32 v11, v3  }
0x348: {  	v8 =	vmul.f32 v8, v0;
	[tilespmem:s10+$0xFFFFFFF0] =	vst v13;
	v7 =	vadd.f32 v10, v7;
	v10 =	vmul.f32 v11, v1  }
0x349: {  	v13 =	vmul.f32 v6, v2;
	[tilespmem:s9+$0x0] =	vst v14;
	v11 =	vadd.f32 v16, v15;
	v14 =	vmul.f32 v9, v3  }
0x34a: {  	v15 =	vmul.f32 v12, v2;
	[tilespmem:s10+$0x0] =	vst v7;
	v7 =	vadd.f32 v10, v8  }
0x34b: {  	v8 =	vmul.f32 v12, v0;
	[tilespmem:s9+$0x10] =	vst v11;
	v10 =	vadd.f32 v14, v13  }
0x34c: {  	v6 =	vmul.f32 v6, v0;
	v9 =	vmul.f32 v9, v1;
	v5 =	vadd.f32 v5, v15;
	[tilespmem:s10+$0x10] =	vst v7  }
0x34d: {  	v4 =	vadd.f32 v4, v8;
	[tilespmem:s9+$0x20] =	vst v10  }
0x34e: {  	[tilespmem:s9+$0xFFFFFFC0] =	vst v5;
	v5 =	vadd.f32 v9, v6  }
0x34f: {  	[tilespmem:s10+$0xFFFFFFC0] =	vst v4  }
0x350: {  	[tilespmem:s15+$0x20] =	vst v5  }
0x351: {  	s9 =	sld [smem:$0x7AB];
	_ =	sdelay $0x1  }
0x352: {  	s18 =	simm.s32 $0x8200;
	s19 =	sld [smem:$0x7AC]  }
0x353: {  	[hbm4b:s9+s1] =	stream.linear.scatter [tilespmem:s18], [sflag:$0x3], $0x2000, $0x38;
	[tilespmem:$0x18200] =	vst v63  }
0x354: {  	s21 =	simm.s32 $0xC200;
	s9 =	simm.s32 @!p1 $0x8  }
0x355: {  	[hbm4b:s19+s1] =	stream.linear.scatter [tilespmem:s21], [sflag:$0x3], $0x2000, $0x38;
	[tilespmem:$0x18200] =	vst v63  }
0x356: {  	_ =	swait.ge @!p1 [sflag:s9], $0x2000  }
0x357: {  	s18 =	sld [smem:$0x7EE]  }
0x358: {  	s13 =	simm.s32 @!p1 $0x10;
	s10 =	simm.s32 @!p1 $0x80;
	[sflag:s9] =	ssyncset.done @!p1 $0x0  }
0x359: {  	s15 =	simm.s32 @!p1 $0x1C06;
	[sflag:s9] =	ssyncadd.s32 @!p1 $0xFFFFE000;
	s9 =	simm.s32 @!p1 $0x1  }
0x35a: {  	[spmem:s26@s10], [sflag:s15] =	dma.strided @!p1 [hbm:s18@s13], $0x2000, s9, $0x10   }
0x35b: {  	s15 =	simm.s32 @!p1 $0x5  }
0x35c: {  	_ =	swait.ge @!p1 [sflag:s15], $0x2000  }
0x35d: {  	s18 =	sld [smem:$0x7EF]  }
0x35e: {  	[sflag:s15] =	ssyncset.done @!p1 $0x0  }
0x35f: {  	[sflag:s15] =	ssyncadd.s32 @!p1 $0xFFFFE000;
	s15 =	simm.s32 @!p1 $0x1C07  }
0x360: {  	[hbm:s18@s13], [sflag:s15] =	dma.strided @!p1 [spmem:s5@s10], $0x2000, s9, $0x10   }
0x361: {  	s5 =	simm.s32 @p2 $0x8  }
0x362: {  	_ =	swait.ge @p2 [sflag:s5], $0x2000  }
0x363: {  	s13 =	sld [smem:$0x7F0]  }
0x364: {  	s15 =	sld [smem:$0x7A6]  }
0x365: {  	s9 =	simm.s32 @p2 $0x80;
	[sflag:s5] =	ssyncset.done @p2 $0x0  }
0x366: {  	s10 =	simm.s32 @p2 $0x10;
	[sflag:s5] =	ssyncadd.s32 @p2 $0xFFFFE000;
	s5 =	simm.s32 @p2 $0x1  }
0x367: {  	[spmem:s28@s9], [sflag:s15] =	dma.strided @p2 [hbm:s13@s10], $0x2000, s5, $0x10   }
0x368: {  	s13 =	simm.s32 @p2 $0x5  }
0x369: {  	_ =	swait.ge @p2 [sflag:s13], $0x2000  }
0x36a: {  	[sflag:s13] =	ssyncset.done @p2 $0x0  }
0x36b: {  	[sflag:s13] =	ssyncadd.s32 @p2 $0xFFFFE000;
	s13 =	sld [smem:$0x7F1];
	_ =	sdelay $0x2  }
0x36c: {  	[hbm:s13@s10], [sflag:s7] =	dma.strided @p2 [spmem:s6@s9], $0x2000, s5, $0x10   }
0x36d: {  	s5 =	simm.s32 @p0 $0x8  }
0x36e: {  	_ =	swait.ge @p0 [sflag:s5], $0x2000  }
0x36f: {  	s9 =	sld [smem:$0x7F2]  }
0x370: {  	s6 =	simm.s32 @p0 $0x80;
	[sflag:s5] =	ssyncset.done @p0 $0x0  }
0x371: {  	s7 =	simm.s32 @p0 $0x10;
	[sflag:s5] =	ssyncadd.s32 @p0 $0xFFFFE000;
	s5 =	simm.s32 @p0 $0x1  }
0x372: {  	[spmem:s29@s6], [sflag:s3] =	dma.strided @p0 [hbm:s9@s7], $0x2000, s5, $0x10   }
0x373: {  	s3 =	simm.s32 @p0 $0x5  }
0x374: {  	_ =	swait.ge @p0 [sflag:s3], $0x2000  }
0x375: {  	[sflag:s3] =	ssyncset.done @p0 $0x0  }
0x376: {  	[sflag:s3] =	ssyncadd.s32 @p0 $0xFFFFE000;
	s3 =	sld [smem:$0x7F3];
	_ =	sdelay $0x2  }
0x377: {  	[hbm:s3@s7], [sflag:s8] =	dma.strided @p0 [spmem:s0@s6], $0x2000, s5, $0x10   }
0x378: {  	s0 =	simm.s32 @p3 $0x8  }
0x379: {  	_ =	swait.ge @p3 [sflag:s0], $0x2000  }
0x37a: {  	s6 =	sld [smem:$0x7F4]  }
0x37b: {  	s3 =	simm.s32 @p3 $0x80;
	[sflag:s0] =	ssyncset.done @p3 $0x0  }
0x37c: {  	s5 =	simm.s32 @p3 $0x10;
	[sflag:s0] =	ssyncadd.s32 @p3 $0xFFFFE000;
	s0 =	simm.s32 @p3 $0x1  }
0x37d: {  	[spmem:s30@s3], [sflag:s4] =	dma.strided @p3 [hbm:s6@s5], $0x2000, s0, $0x10   }
0x37e: {  	s4 =	simm.s32 @p3 $0x5  }
0x37f: {  	_ =	swait.ge @p3 [sflag:s4], $0x2000  }
0x380: {  	[sflag:s4] =	ssyncset.done @p3 $0x0  }
0x381: {  	[sflag:s4] =	ssyncadd.s32 @p3 $0xFFFFE000;
	s4 =	sld [smem:$0x7F5];
	_ =	sdelay $0x2  }
0x382: {  	[hbm:s4@s5], [sflag:s2] =	dma.strided @p3 [spmem:s11@s3], $0x2000, s0, $0x10   }
0x383: {  	_ =	swait.ge [sflag:s24], $0x2000  }
0x384: {  	[sflag:s24] =	ssyncset.done $0x0  }
0x385: {  	[sflag:s24] =	ssyncadd.s32 $0xFFFFE000  }
0x386: {  	_ =	swait.ge [sflag:s24], $0x2000  }
0x387: {  	[sflag:s24] =	ssyncset.done $0x0  }
0x388: {  	[sflag:s24] =	ssyncadd.s32 $0xFFFFE000  }
0x389: {  	_ =	swait.ge [sflag:s20], $0x2000  }
0x38a: {  	[sflag:s20] =	ssyncset.done $0x0  }
0x38b: {  	[sflag:s20] =	ssyncadd.s32 $0xFFFFE000  }
0x38c: {  	_ =	swait.ge [sflag:s20], $0x2000  }
0x38d: {  	[sflag:s20] =	ssyncset.done $0x0  }
0x38e: {  	s22 =	simm.s32 $0x2240;
	[sflag:s20] =	ssyncadd.s32 $0xFFFFE000  }
0x38f: {  	s3 =	simm.s32 $0x6240;
	v4 =	vld [tilespmem:s22+$0x30]  }
0x390: {  	v5 =	vld [tilespmem:s3+$0x30]  }
0x391: {  	v6 =	vld [tilespmem:s3+$0xFFFFFFC0]  }
0x392: {  	v8 =	vld [tilespmem:s22+$0xFFFFFFD0]  }
0x393: {  	v9 =	vld [tilespmem:s3+$0xFFFFFFD0]  }
0x394: {  	v11 =	vld [tilespmem:s22+$0xFFFFFFE0]  }
0x395: {  	v12 =	vld [tilespmem:s3+$0xFFFFFFE0];
	v7 =	vmul.f32 v4, v2;
	v10 =	vmul.f32 v5, v3  }
0x396: {  	v14 =	vld [tilespmem:s22+$0xFFFFFFF0];
	v13 =	vmul.f32 v4, v0;
	v15 =	vmul.f32 v5, v1  }
0x397: {  	v16 =	vld [tilespmem:s3+$0xFFFFFFF0];
	v5 =	vmul.f32 v6, v3;
	v4 =	vmul.f32 v6, v1  }
0x398: {  	v17 =	vmul.f32 v8, v2;
	v18 =	vmul.f32 v9, v3;
	v6 =	vadd.f32 v10, v7;
	v7 =	vld [tilespmem:s22+$0x0]  }
0x399: {  	s0 =	simm.s32 $0xA240;
	v9 =	vmul.f32 v9, v1;
	v13 =	vadd.f32 v15, v13;
	v15 =	vmul.f32 v8, v0;
	v10 =	vld [tilespmem:s3+$0x0]  }
0x39a: {  	s2 =	simm.s32 $0xE240;
	v8 =	vld [tilespmem:s22+$0x10];
	[tilespmem:s0+$0x30] =	vst v6;
	v6 =	vadd.f32 v18, v17;
	v17 =	vmul.f32 v11, v2;
	v18 =	vmul.f32 v12, v3  }
0x39b: {  	v9 =	vadd.f32 v9, v15;
	v12 =	vmul.f32 v12, v1;
	[tilespmem:s2+$0x30] =	vst v13;
	v13 =	vmul.f32 v11, v0;
	v11 =	vld [tilespmem:s3+$0x10]  }
0x39c: {  	v19 =	vmul.f32 v16, v3;
	[tilespmem:s0+$0xFFFFFFD0] =	vst v6;
	v17 =	vadd.f32 v18, v17;
	v18 =	vmul.f32 v14, v2;
	v6 =	vld [tilespmem:s22+$0x20]  }
0x39d: {  	v15 =	vmul.f32 v16, v1;
	v14 =	vmul.f32 v14, v0;
	[tilespmem:s2+$0xFFFFFFD0] =	vst v9;
	v13 =	vadd.f32 v12, v13;
	v9 =	vld [tilespmem:s3+$0x20]  }
0x39e: {  	s6 =	simm.s32 $0x22C0;
	s5 =	simm.s32 $0x0;
	s4 =	simm.s32 $0xE240;
	v12 =	vld [tilespmem:s22+$0xFFFFFFC0];
	[tilespmem:s0+$0xFFFFFFE0] =	vst v17;
	v16 =	vadd.f32 v19, v18;
	v17 =	vmul.f32 v7, v2;
	v18 =	vmul.f32 v10, v3  }
.LBB2_16:
0x39f: {  	v19 =	vld [tilespmem:s6+$0x30];
	[tilespmem:s2+$0xFFFFFFE0] =	vst v13;
	v13 =	vadd.f32 v15, v14;
	v7 =	vmul.f32 v7, v0;
	v10 =	vmul.f32 v10, v1;
	s3 =	sadd.s32 $0x80, s3  }
0x3a0: {  	v14 =	vld [tilespmem:s3+$0x30];
	[tilespmem:s0+$0xFFFFFFF0] =	vst v16;
	v15 =	vadd.f32 v18, v17;
	v16 =	vmul.f32 v8, v2;
	v17 =	vmul.f32 v11, v3  }
0x3a1: {  	s5 =	sadd.s32 $0x8, s5;
	v8 =	vmul.f32 v8, v0;
	v18 =	vld [tilespmem:s3+$0xFFFFFFC0];
	[tilespmem:s2+$0xFFFFFFF0] =	vst v13;
	v7 =	vadd.f32 v10, v7;
	v10 =	vmul.f32 v11, v1  }
0x3a2: {  	p6 =	slt.u32 s5, $0x1F8;
	v11 =	vld [tilespmem:s6+$0xFFFFFFD0];
	[tilespmem:s0+$0x0] =	vst v15;
	v13 =	vadd.f32 v17, v16;
	v15 =	vmul.f32 v6, v2;
	v16 =	vmul.f32 v9, v3  }
0x3a3: {  	v17 =	vld [tilespmem:s3+$0xFFFFFFD0];
	v20 =	vmul.f32 v12, v2;
	v12 =	vmul.f32 v12, v0;
	[tilespmem:s2+$0x0] =	vst v7;
	v7 =	vadd.f32 v10, v8  }
0x3a4: {  	v6 =	vmul.f32 v6, v0;
	v9 =	vmul.f32 v9, v1;
	v21 =	vld [tilespmem:s6+$0xFFFFFFE0];
	[tilespmem:s0+$0x10] =	vst v13;
	v8 =	vadd.f32 v16, v15  }
0x3a5: {  	v10 =	vmul.f32 v19, v2;
	v13 =	vld [tilespmem:s3+$0xFFFFFFE0];
	v15 =	vmul.f32 v14, v3;
	v16 =	vadd.f32 v5, v20;
	[tilespmem:s2+$0x10] =	vst v7  }
0x3a6: {  	v19 =	vmul.f32 v19, v0;
	v14 =	vmul.f32 v14, v1;
	v12 =	vadd.f32 v4, v12;
	v20 =	vld [tilespmem:s6+$0xFFFFFFF0];
	[tilespmem:s0+$0x20] =	vst v8  }
0x3a7: {  	v5 =	vmul.f32 v18, v3;
	v4 =	vmul.f32 v18, v1;
	v18 =	vld [tilespmem:s3+$0xFFFFFFF0];
	v8 =	vadd.f32 v15, v10;
	[tilespmem:s0+$0xFFFFFFC0] =	vst v16  }
0x3a8: {  	v15 =	vmul.f32 v11, v2;
	v14 =	vadd.f32 v14, v19;
	s0 =	sadd.s32 $0x80, s0;
	v16 =	vmul.f32 v17, v3;
	v7 =	vld [tilespmem:s6+$0x0];
	[tilespmem:s2+$0xFFFFFFC0] =	vst v12  }
0x3a9: {  	v6 =	vadd.f32 v9, v6;
	v11 =	vmul.f32 v11, v0;
	v12 =	vmul.f32 v17, v1;
	s2 =	sadd.s32 $0x80, s2;
	v10 =	vld [tilespmem:s3+$0x0];
	[tilespmem:s0+$0x30] =	vst v8  }
.Ltmp7:
0x3aa: {  	v9 =	vadd.f32 v16, v15;
	v15 =	vmul.f32 v21, v2;
	v16 =	vmul.f32 v13, v3;
	v8 =	vld [tilespmem:s6+$0x10];
	[tilespmem:s2+$0x30] =	vst v14;
	(pc) =	sbr.rel @p6 .LBB2_16-.Ltmp7, $4  }
0x3ab: {  	v12 =	vadd.f32 v12, v11;
	v14 =	vmul.f32 v21, v0;
	v13 =	vmul.f32 v13, v1;
	v11 =	vld [tilespmem:s3+$0x10];
	[tilespmem:s4+$0x20] =	vst v6;
	s4 =	smov.u32 s2  }
0x3ac: {  	v17 =	vmul.f32 v20, v2;
	[tilespmem:s0+$0xFFFFFFD0] =	vst v9;
	v16 =	vadd.f32 v16, v15;
	v19 =	vmul.f32 v18, v3;
	v6 =	vld [tilespmem:s6+$0x20]  }
0x3ad: {  	v13 =	vadd.f32 v13, v14;
	v14 =	vmul.f32 v20, v0;
	v15 =	vmul.f32 v18, v1;
	[tilespmem:s2+$0xFFFFFFD0] =	vst v12;
	v9 =	vld [tilespmem:s3+$0x20]  }
0x3ae: {  	v12 =	vld [tilespmem:s6+$0xFFFFFFC0];
	[tilespmem:s0+$0xFFFFFFE0] =	vst v16;
	v16 =	vadd.f32 v19, v17;
	v17 =	vmul.f32 v7, v2;
	v18 =	vmul.f32 v10, v3;
	s6 =	sadd.s32 $0x80, s6  }
0x3af: {  	[tilespmem:s2+$0xFFFFFFE0] =	vst v13;
	v50 =	vadd.f32 v15, v14;
	v7 =	vmul.f32 v7, v0;
	v10 =	vmul.f32 v10, v1  }
0x3b0: {  	v52 =	vmul.f32 v8, v2;
	[tilespmem:s0+$0xFFFFFFF0] =	vst v16;
	v51 =	vadd.f32 v18, v17;
	v53 =	vmul.f32 v11, v3  }
0x3b1: {  	v54 =	vmul.f32 v8, v0;
	v55 =	vmul.f32 v11, v1;
	[tilespmem:s2+$0xFFFFFFF0] =	vst v50;
	v7 =	vadd.f32 v10, v7  }
0x3b2: {  	v57 =	vmul.f32 v6, v2;
	[tilespmem:s0+$0x0] =	vst v51;
	v56 =	vadd.f32 v53, v52;
	v58 =	vmul.f32 v9, v3  }
0x3b3: {  	v60 =	vadd.f32 v55, v54;
	v59 =	vmul.f32 v12, v2;
	[tilespmem:s2+$0x0] =	vst v7  }
0x3b4: {  	v62 =	vmul.f32 v6, v0;
	v63 =	vmul.f32 v9, v1;
	[tilespmem:s0+$0x10] =	vst v56;
	v3 =	vadd.f32 v58, v57  }
0x3b5: {  	v61 =	vmul.f32 v12, v0;
	v2 =	vadd.f32 v5, v59;
	[tilespmem:s2+$0x10] =	vst v60  }
0x3b6: {  	v0 =	vadd.f32 v63, v62;
	[tilespmem:s0+$0x20] =	vst v3  }
0x3b7: {  	v4 =	vadd.f32 v4, v61;
	[tilespmem:s0+$0xFFFFFFC0] =	vst v2  }
0x3b8: {  	[tilespmem:s4+$0x20] =	vst v0  }
0x3b9: {  	[tilespmem:s2+$0xFFFFFFC0] =	vst v4  }
0x3ba: {  	s0 =	sld [smem:$0x7AD];
	_ =	sdelay $0x1  }
0x3bb: {  	s19 =	simm.s32 $0xA200;
	s21 =	sld [smem:$0x7AE]  }
0x3bc: {  	[hbm4b:s0+s1] =	stream.linear.scatter [tilespmem:s19], [sflag:$0x4], $0x2000, $0x38;
	[tilespmem:$0x18200] =	vst v63  }
0x3bd: {  	s22 =	simm.s32 $0xE200;
	s0 =	simm.s32 @!p1 $0x7  }
0x3be: {  	[hbm4b:s21+s1] =	stream.linear.scatter [tilespmem:s22], [sflag:$0x4], $0x2000, $0x38;
	[tilespmem:$0x18200] =	vst v63  }
0x3bf: {  	_ =	swait.ge @!p1 [sflag:s0], $0x2000  }
0x3c0: {  	[sflag:s0] =	ssyncset.done @!p1 $0x0  }
0x3c1: {  	[sflag:s0] =	ssyncadd.s32 @!p1 $0xFFFFE000;
	s0 =	simm.s32 @!p1 $0x6  }
0x3c2: {  	_ =	swait.ge @!p1 [sflag:s0], $0x2000  }
0x3c3: {  	s5 =	sld [smem:$0x7F6]  }
0x3c4: {  	s3 =	simm.s32 @!p1 $0x80;
	s4 =	simm.s32 @!p1 $0x1C08;
	[sflag:s0] =	ssyncset.done @!p1 $0x0  }
0x3c5: {  	s2 =	simm.s32 @!p1 $0x10;
	[sflag:s0] =	ssyncadd.s32 @!p1 $0xFFFFE000;
	s0 =	simm.s32 @!p1 $0x1  }
0x3c6: {  	[hbm:s5@s2], [sflag:s4] =	dma.strided @!p1 [spmem:s26@s3], $0x2000, s0, $0x10   }
0x3c7: {  	s0 =	simm.s32 @p2 $0x7  }
0x3c8: {  	_ =	swait.ge @p2 [sflag:s0], $0x2000  }
0x3c9: {  	[sflag:s0] =	ssyncset.done @p2 $0x0  }
0x3ca: {  	[sflag:s0] =	ssyncadd.s32 @p2 $0xFFFFE000;
	s0 =	simm.s32 @p2 $0x6  }
0x3cb: {  	_ =	swait.ge @p2 [sflag:s0], $0x2000  }
0x3cc: {  	s4 =	sld [smem:$0x7F7]  }
0x3cd: {  	s2 =	simm.s32 @p2 $0x10;
	[sflag:s0] =	ssyncset.done @p2 $0x0  }
0x3ce: {  	s3 =	simm.s32 @p2 $0x80;
	[sflag:s0] =	ssyncadd.s32 @p2 $0xFFFFE000;
	s0 =	simm.s32 @p2 $0x1  }
0x3cf: {  	[hbm:s4@s2], [sflag:s12] =	dma.strided @p2 [spmem:s28@s3], $0x2000, s0, $0x10   }
0x3d0: {  	s0 =	simm.s32 @p0 $0x7  }
0x3d1: {  	_ =	swait.ge @p0 [sflag:s0], $0x2000  }
0x3d2: {  	[sflag:s0] =	ssyncset.done @p0 $0x0  }
0x3d3: {  	[sflag:s0] =	ssyncadd.s32 @p0 $0xFFFFE000;
	s0 =	simm.s32 @p0 $0x6  }
0x3d4: {  	_ =	swait.ge @p0 [sflag:s0], $0x2000  }
0x3d5: {  	s4 =	sld [smem:$0x7F8]  }
0x3d6: {  	s2 =	simm.s32 @p0 $0x10;
	[sflag:s0] =	ssyncset.done @p0 $0x0  }
0x3d7: {  	s3 =	simm.s32 @p0 $0x80;
	[sflag:s0] =	ssyncadd.s32 @p0 $0xFFFFE000;
	s0 =	simm.s32 @p0 $0x1  }
0x3d8: {  	[hbm:s4@s2], [sflag:s14] =	dma.strided @p0 [spmem:s29@s3], $0x2000, s0, $0x10   }
0x3d9: {  	s0 =	simm.s32 @p3 $0x7  }
0x3da: {  	_ =	swait.ge @p3 [sflag:s0], $0x2000  }
0x3db: {  	[sflag:s0] =	ssyncset.done @p3 $0x0  }
0x3dc: {  	[sflag:s0] =	ssyncadd.s32 @p3 $0xFFFFE000;
	s0 =	simm.s32 @p3 $0x6  }
0x3dd: {  	_ =	swait.ge @p3 [sflag:s0], $0x2000  }
0x3de: {  	s4 =	sld [smem:$0x7F9]  }
0x3df: {  	s2 =	simm.s32 @p3 $0x10;
	[sflag:s0] =	ssyncset.done @p3 $0x0  }
0x3e0: {  	s3 =	simm.s32 @p3 $0x80;
	[sflag:s0] =	ssyncadd.s32 @p3 $0xFFFFE000;
	s0 =	simm.s32 @p3 $0x1  }
0x3e1: {  	[hbm:s4@s2], [sflag:s16] =	dma.strided @p3 [spmem:s30@s3], $0x2000, s0, $0x10   }
0x3e2: {  	_ =	swait.ge [sflag:s23], $0x2000  }
0x3e3: {  	[sflag:s23] =	ssyncset.done $0x0  }
0x3e4: {  	[sflag:s23] =	ssyncadd.s32 $0xFFFFE000  }
0x3e5: {  	_ =	swait.ge [sflag:s23], $0x2000  }
0x3e6: {  	[sflag:s23] =	ssyncset.done $0x0  }
0x3e7: {  	[sflag:s23] =	ssyncadd.s32 $0xFFFFE000  }
0x3e8: {  	_ =	swait.ge [sflag:s24], $0x2000  }
0x3e9: {  	[sflag:s24] =	ssyncset.done $0x0  }
0x3ea: {  	[sflag:s24] =	ssyncadd.s32 $0xFFFFE000  }
0x3eb: {  	_ =	swait.ge [sflag:s24], $0x2000  }
0x3ec: {  	[sflag:s24] =	ssyncset.done $0x0  }
0x3ed: {  	s0 =	simm.s32 @!p1 $0x8;
	[sflag:s24] =	ssyncadd.s32 $0xFFFFE000  }
0x3ee: {  	_ =	swait.ge @!p1 [sflag:s0], $0x2000  }
0x3ef: {  	[sflag:s0] =	ssyncset.done @!p1 $0x0  }
0x3f0: {  	[sflag:s0] =	ssyncadd.s32 @!p1 $0xFFFFE000;
	s0 =	simm.s32 @p2 $0x8  }
0x3f1: {  	_ =	swait.ge @p2 [sflag:s0], $0x2000  }
0x3f2: {  	[sflag:s0] =	ssyncset.done @p2 $0x0  }
0x3f3: {  	[sflag:s0] =	ssyncadd.s32 @p2 $0xFFFFE000;
	s0 =	simm.s32 @p0 $0x8  }
0x3f4: {  	_ =	swait.ge @p0 [sflag:s0], $0x2000  }
0x3f5: {  	[sflag:s0] =	ssyncset.done @p0 $0x0  }
0x3f6: {  	[sflag:s0] =	ssyncadd.s32 @p0 $0xFFFFE000;
	s0 =	simm.s32 @p3 $0x8  }
0x3f7: {  	_ =	swait.ge @p3 [sflag:s0], $0x2000  }
0x3f8: {  	s30 =	sld [smem:$0x7B0];
	_ =	sdelay $0x1  }
0x3f9: {  	s25 =	sadd.s32 $0x1, s25  }
0x3fa: {  	p0 =	sne.s32 s25, s30  }
.Ltmp8:
0x3fb: {  	_ = 	snop;
	(pc) =	sbr.rel @p0 .LBB2_1-.Ltmp8, $4  }
0x3fc: {  	s15 =	sld [smem:$0x7FB]  }
0x3fd: {  	[sflag:s0] =	ssyncset.done @p3 $0x0;
	s14 =	sld [smem:$0x7FC]  }
0x3fe: {  	s9 =	sld [smem:$0x7FD];
	[sflag:s0] =	ssyncadd.s32 @p3 $0xFFFFE000  }
0x3ff: {  	s8 =	rddreg [dreg:$0x3]  }
0x400: {  	_ =	sfence.sel $0x180000  }
0x401: {  	[bflag:$0x0] =	sbarrier.arrive $0xFFFF  }
0x402: {  	_ =	strace $0x90000047  }
0x403: {  	[bflag:$0x2] =	sbarrier.arrive $0xFFFF  }
0x404: {  	s0 =	rddreg [dreg:$0x4]  }
0x405: {  	s0 =	sadd.s32 @!p1 $0x100000, s0  }
0x406: {  	[sflag:s0] =	ssyncadd.tile.s32 @!p1 $0x1;
	_ =	shalt  }
.Lfunc_end2:
_tile_overlayer_lowered:
.L_overlay_start_2:
0x407: {  	(tag) =	ssettag $0x2  }
0x408: {  	s0 =	rddreg [dreg:$0x0];
	s2 =	stileid.u32  }
0x409: {  	s1 =	rddreg [dreg:$0x1];
	p0 =	sne.s32 s2, $0x0  }
0x40a: {  	s3 =	rddreg [dreg:$0x2];
	[bflag:$0x3] =	sbarrier.arrive $0xFFFF;
	s2 =	simm.s32 @!p0 $0x1C09  }
0x40b: {  	[timem:s3], [sflag:s2] =	dma.local @!p0 [hbm:s0], s1  }
0x40c: {  	s0 =	simm.s32 @!p0 $0x9  }
0x40d: {  	_ =	swait.ge @!p0 [sflag:s0], s1  }
0x40e: {  	s1 =	ssub.s32 @!p0 $0x0, s1;
	[sflag:s0] =	ssyncset.done @!p0 $0x0  }
0x40f: {  	[sflag:s0] =	ssyncadd.s32 @!p0 s1  }
0x410: {  	[bflag:$0x3] =	sbarrier.arrive $0xFFFF  }
0x411: {  	_ =	shalt  }

</sc_bundles>
